<compile_context>
chip_gen: v7x
topology: tpu7x:2x2x1
jax: 0.10.2.dev20260603
libtpu: 0.0.44.dev20260713+nightly
codegen_flags: <defaults>
</compile_context>

<pallas_src>
import dataclasses

import jax
import jax.numpy as jnp
import numpy as np
from jax import lax
from jax.experimental import pallas as pl
from jax.experimental.pallas import tpu as pltpu
from jax.experimental.pallas import tpu_sc as plsc

_NPOINT = 512
_NSAMPLE = 32
_B = 8
_N = 16384
_CH = 64
_R2 = np.float32(0.2) * np.float32(0.2)
_FPS_CHUNK = 1024


def _fps_body(xp_in, xpl_ref, ypl_ref, zpl_ref,
              ox_ref, oy_ref, oz_ref, dist_ref):
    B, N = xp_in.shape[1], xp_in.shape[2]
    nck = N // _FPS_CHUNK
    slices = [pl.ds(k * _FPS_CHUNK, _FPS_CHUNK) for k in range(nck)]

    xpl_ref[...] = xp_in[0]
    ypl_ref[...] = xp_in[1]
    zpl_ref[...] = xp_in[2]
    cols_k = [
        jax.lax.broadcasted_iota(jnp.int32, (B, _FPS_CHUNK), 1)
        + k * _FPS_CHUNK for k in range(nck)
    ]

    lx = xpl_ref[:, 0:1]
    ly = ypl_ref[:, 0:1]
    lz = zpl_ref[:, 0:1]
    slots = jax.lax.broadcasted_iota(jnp.int32, (B, _NPOINT), 1)
    ox = jnp.where(slots == 0, lx, 0.0)
    oy = jnp.where(slots == 0, ly, 0.0)
    oz = jnp.where(slots == 0, lz, 0.0)

    dist_ref[...] = jnp.full((B, N), 1e38, dtype=jnp.float32)

    def _tree(vals, op):
        while len(vals) > 1:
            nxt = [op(vals[j], vals[j + 1]) for j in range(0, len(vals) - 1, 2)]
            if len(vals) % 2:
                nxt.append(vals[-1])
            vals = nxt
        return vals[0]

    def step(i, carry):
        lx, ly, lz, ox, oy, oz = carry
        mks, cands, sxs, sys_, szs = [], [], [], [], []
        for k in range(nck):
            sl = slices[k]
            xk = xpl_ref[:, sl]
            yk = ypl_ref[:, sl]
            zk = zpl_ref[:, sl]
            dx = xk - lx
            dy = yk - ly
            dz = zk - lz
            d2 = dx * dx + dy * dy + dz * dz
            d = jnp.minimum(dist_ref[:, sl], d2)
            dist_ref[:, sl] = d
            mk = jnp.max(d, axis=1, keepdims=True)
            mask = d == mk
            candk = jnp.min(jnp.where(mask, cols_k[k], N),
                            axis=1, keepdims=True)
            oh = cols_k[k] == candk
            zero = jnp.zeros((B, _FPS_CHUNK), jnp.float32)
            sxs.append(jnp.sum(jnp.where(oh, xk, zero), axis=1,
                               keepdims=True))
            sys_.append(jnp.sum(jnp.where(oh, yk, zero), axis=1,
                                keepdims=True))
            szs.append(jnp.sum(jnp.where(oh, zk, zero), axis=1,
                               keepdims=True))
            mks.append(mk)
            cands.append(candk)
        m = _tree(mks, jnp.maximum)
        idx = _tree([jnp.where(mks[k] == m, cands[k], N) for k in range(nck)],
                    jnp.minimum)
        nlx = _tree([jnp.where(cands[k] == idx, sxs[k], 0.0)
                     for k in range(nck)], jnp.add)
        nly = _tree([jnp.where(cands[k] == idx, sys_[k], 0.0)
                     for k in range(nck)], jnp.add)
        nlz = _tree([jnp.where(cands[k] == idx, szs[k], 0.0)
                     for k in range(nck)], jnp.add)
        here = slots == i
        ox = jnp.where(here, nlx, ox)
        oy = jnp.where(here, nly, oy)
        oz = jnp.where(here, nlz, oz)
        return nlx, nly, nlz, ox, oy, oz

    _, _, _, ox, oy, oz = jax.lax.fori_loop(
        1, _NPOINT, step, (lx, ly, lz, ox, oy, oz))
    ox_ref[...] = ox
    oy_ref[...] = oy
    oz_ref[...] = oz


def _fps(planes):
    B, N = planes.shape[1], planes.shape[2]
    return pl.pallas_call(
        _fps_body,
        out_shape=[jax.ShapeDtypeStruct((B, N), jnp.float32)] * 3
        + [jax.ShapeDtypeStruct((B, _NPOINT), jnp.float32)] * 3,
        scratch_shapes=[pltpu.VMEM((B, N), jnp.float32)],
    )(planes)


def _sc_body(xp_hbm, yp_hbm, zp_hbm, cx_hbm, cy_hbm, cz_hbm, pts_hbm,
             oxyz_hbm, opts_hbm,
             xpv, ypv, zpv, cxv, cyv, czv,
             idxb0, idxb1, gxv0, gxv1, rows0, rows1,
             g0, g1, o0, o1, x0, x1):
    wid = lax.axis_index("s") * 2 + lax.axis_index("c")
    b = wid // 4
    c0 = (wid % 4) * 128
    idxb = (idxb0, idxb1)
    gxv = (gxv0, gxv1)
    rows = (rows0, rows1)
    gsem = (g0, g1)
    osem = (o0, o1)
    xsem = (x0, x1)

    pltpu.sync_copy(xp_hbm.at[b], xpv)
    pltpu.sync_copy(yp_hbm.at[b], ypv)
    pltpu.sync_copy(zp_hbm.at[b], zpv)
    pltpu.sync_copy(cx_hbm.at[b, pl.ds(c0, 128)], cxv)
    pltpu.sync_copy(cy_hbm.at[b, pl.ds(c0, 128)], cyv)
    pltpu.sync_copy(cz_hbm.at[b, pl.ds(c0, 128)], czv)

    lanes = lax.iota(jnp.int32, 16)
    zeros16 = lanes * 0
    n_chunks = _N // 256

    def ball_query(cl, p):
        clv = jnp.full((16,), cl, dtype=jnp.int32)
        cx = plsc.load_gather(cxv, [clv])
        cy = plsc.load_gather(cyv, [clv])
        cz = plsc.load_gather(czv, [clv])

        def cond(st):
            ci, cnt = st
            return (cnt < _NSAMPLE) & (ci < n_chunks)

        def body(st):
            ci, cnt = st
            ms = []
            for k in range(16):
                base = ci * 256 + k * 16
                dx = xpv[pl.ds(base, 16)] - cx
                dy = ypv[pl.ds(base, 16)] - cy
                dz = zpv[pl.ds(base, 16)] - cz
                d2 = dx * dx + dy * dy + dz * dz
                ms.append(d2 < _R2)
            off = jnp.full((16,), cnt, dtype=jnp.int32)
            for k in range(16):
                m = ms[k]
                cs = plsc.cumsum(m.astype(jnp.int32))
                pos = off + cs - 1
                wm = m & (pos < _NSAMPLE)
                plsc.store_scatter(idxb[p], [pos],
                                   ci * 256 + k * 16 + lanes, mask=wm)
                off = off + plsc.all_reduce_population_count(m)
            return ci + 1, off[0]

        _, cnt = lax.while_loop(cond, body, (jnp.int32(0), jnp.int32(0)))

        cnt_v = jnp.full((16,), cnt, dtype=jnp.int32)
        first = plsc.load_gather(idxb[p], [zeros16])
        padv = jnp.where(cnt_v > 0, first, 0)
        for k in range(2):
            cur = idxb[p][pl.ds(k * 16, 16)]
            lane_ids = lanes + k * 16
            idxb[p][pl.ds(k * 16, 16)] = jnp.where(lane_ids < cnt_v, cur, padv)

        for k in range(2):
            ivec = idxb[p][pl.ds(k * 16, 16)]
            srow = lanes + k * 16
            gx = plsc.load_gather(xpv, [ivec]) - cx
            gy = plsc.load_gather(ypv, [ivec]) - cy
            gz = plsc.load_gather(zpv, [ivec]) - cz
            plsc.store_scatter(gxv[p], [srow, zeros16], gx)
            plsc.store_scatter(gxv[p], [srow, zeros16 + 1], gy)
            plsc.store_scatter(gxv[p], [srow, zeros16 + 2], gz)
        pltpu.async_copy(pts_hbm.at[b].at[idxb[p]], rows[p], gsem[p])

    @pl.loop(0, 128, step=2)
    def _pair(cl):
        for p in range(2):
            c = cl + p

            @pl.when(c >= 2)
            def _():
                pltpu.make_async_copy(
                    gxv[p], oxyz_hbm.at[b, c], xsem[p]).wait()
                pltpu.make_async_copy(
                    rows[p], opts_hbm.at[b, c], osem[p]).wait()

            ball_query(c, p)
            pltpu.async_copy(gxv[p], oxyz_hbm.at[b, c0 + c], xsem[p])

            q = 1 - p
            cprev = c - 1

            @pl.when(c >= 1)
            def _():
                pltpu.make_async_copy(
                    pts_hbm.at[b].at[idxb[q]], rows[q], gsem[q]).wait()
                pltpu.async_copy(rows[q], opts_hbm.at[b, c0 + cprev], osem[q])

    pltpu.make_async_copy(pts_hbm.at[b].at[idxb[1]], rows[1], gsem[1]).wait()
    pltpu.async_copy(rows[1], opts_hbm.at[b, c0 + 127], osem[1])
    for p in range(2):
        pltpu.make_async_copy(gxv[p], oxyz_hbm.at[b, 0], xsem[p]).wait()
        pltpu.make_async_copy(rows[p], opts_hbm.at[b, 0], osem[p]).wait()


def _sc_group(xp, yp, zp, cx, cy, cz, points):
    B = xp.shape[0]
    mesh = plsc.VectorSubcoreMesh(core_axis_name="c", subcore_axis_name="s")
    cp = pltpu.CompilerParams()
    fields = pltpu.CompilerParams.__dataclass_fields__
    if "needs_layout_passes" in fields:
        cp = dataclasses.replace(cp, needs_layout_passes=False)
    if "use_tc_tiling_on_sc" in fields:
        cp = dataclasses.replace(cp, use_tc_tiling_on_sc=False)
    f = pl.kernel(
        _sc_body,
        out_type=[
            jax.ShapeDtypeStruct((B, _NPOINT, _NSAMPLE, 3), jnp.float32),
            jax.ShapeDtypeStruct((B, _NPOINT, _NSAMPLE, _CH), jnp.float32),
        ],
        mesh=mesh,
        scratch_types=[
            pltpu.VMEM((_N,), jnp.float32),
            pltpu.VMEM((_N,), jnp.float32),
            pltpu.VMEM((_N,), jnp.float32),
            pltpu.VMEM((128,), jnp.float32),
            pltpu.VMEM((128,), jnp.float32),
            pltpu.VMEM((128,), jnp.float32),
            pltpu.VMEM((_NSAMPLE,), jnp.int32),
            pltpu.VMEM((_NSAMPLE,), jnp.int32),
            pltpu.VMEM((_NSAMPLE, 3), jnp.float32),
            pltpu.VMEM((_NSAMPLE, 3), jnp.float32),
            pltpu.VMEM((_NSAMPLE, _CH), jnp.float32),
            pltpu.VMEM((_NSAMPLE, _CH), jnp.float32),
            pltpu.SemaphoreType.DMA,
            pltpu.SemaphoreType.DMA,
            pltpu.SemaphoreType.DMA,
            pltpu.SemaphoreType.DMA,
            pltpu.SemaphoreType.DMA,
            pltpu.SemaphoreType.DMA,
        ],
        compiler_params=cp,
    )
    return f(xp, yp, zp, cx, cy, cz, points)


def kernel(xyz, points):
    planes = jnp.transpose(xyz, (2, 0, 1))
    xpl, ypl, zpl, ox, oy, oz = _fps(planes)
    new_xyz = jnp.stack([ox, oy, oz], axis=-1)
    gxyz, opts = _sc_group(xpl, ypl, zpl, ox, oy, oz, points)
    new_points = jnp.concatenate([gxyz, opts], axis=-1)
    return (new_xyz, new_points)

# --- scband reference (transcript-rebuilt; emitter-appended) ---
"""Pipeline reference for scband-sample-and-group-61486751810144 (READ-ONLY COPY).

The authoritative reference and input builder live on the scoring server;
editing this copy changes nothing except your own understanding.
"""

import jax, jax.numpy as jnp
import numpy as np

NPOINT = 512
RADIUS = 0.2
NSAMPLE = 32


def fps(xyz, npoint):
    # Faithful port of the iterative furthest point sampling in the torch code:
    # output[0] = xyz[:, 0]; repeatedly pick the point with max distance-to-set.
    B, N, _ = xyz.shape
    first = xyz[:, 0, :]
    dist0 = jnp.full((B, N), 1e38, dtype=xyz.dtype)

    def step(carry, _):
        dist, last = carry
        d2 = jnp.sum((xyz - last[:, None, :]) ** 2, axis=-1)
        dist = jnp.minimum(dist, d2)
        idx = jnp.argmax(dist, axis=1)
        nxt = jnp.take_along_axis(xyz, idx[:, None, None], axis=1)[:, 0, :]
        return (dist, nxt), nxt

    (_, _), rest = jax.lax.scan(step, (dist0, first), None, length=npoint - 1)
    out = jnp.concatenate([first[None], rest], axis=0)  # (npoint, B, 3)
    return jnp.transpose(out, (1, 0, 2))  # (B, npoint, 3)


def ball_query(radius, nsample, xyz, new_xyz):
    # For each center, gather the first `nsample` point indices (in original order)
    # whose squared distance < radius^2. Pad with the first found index; 0 if none.
    B, N, _ = xyz.shape
    d2 = jnp.sum((new_xyz[:, :, None, :] - xyz[:, None, :, :]) ** 2, axis=-1)  # (B, npoint, N)
    within = d2 < (radius * radius)
    cand = jnp.where(within, jnp.arange(N, dtype=jnp.int32), jnp.int32(N))
    # smallest `nsample` indices == largest of the negated values
    top_neg, _ = jax.lax.top_k(-cand, nsample)
    sel = -top_neg  # (B, npoint, nsample), ascending valid indices then sentinel N
    first = sel[..., :1]
    has_any = first < N
    idx = jnp.where(sel < N, sel, jnp.where(has_any, first, 0))
    idx = jnp.where(has_any, idx, 0)
    return idx.astype(jnp.int32)


def group_points(points, idx):
    B, npoint, nsample = idx.shape
    C = points.shape[-1]
    flat = idx.reshape(B, npoint * nsample)
    g = jnp.take_along_axis(points, flat[..., None], axis=1)
    return g.reshape(B, npoint, nsample, C)


def setup_inputs(seed: int = 0) -> dict:
    key = jax.random.key(seed)
    k1, k2 = jax.random.split(key)
    xyz = jax.random.uniform(k1, (8, 16384, 3), dtype=jnp.float32)
    points = jax.random.normal(k2, (8, 16384, 64), dtype=jnp.float32)
    return {"xyz": xyz, "points": points}


def reference(xyz, points):
    new_xyz = fps(xyz, NPOINT)
    idx = ball_query(RADIUS, NSAMPLE, xyz, new_xyz)
    grouped_xyz = group_points(xyz, idx) - new_xyz[:, :, None, :]
    grouped_points = group_points(points, idx)
    new_points = jnp.concatenate([grouped_xyz, grouped_points], axis=-1)  # use_xyz=True
    return (new_xyz, new_points)

if __name__ == "__main__":
    import jax
    _d = setup_inputs()
    print(jax.jit(kernel)(*tuple(_d.values())))

</pallas_src>

<mosaic_0001>
#map = affine_map<(d0, d1) -> (0, 0)>
#map1 = affine_map<(d0, d1) -> (0, 0, 0)>
#map2 = affine_map<(d0, d1) -> (0, 0, 0, 0)>
module attributes {stable_mosaic.version = 14 : i64} {
  func.func @_sc_body(%arg0: i32, %arg1: i32, %arg2: memref<8x16384xf32, #tpu.memory_space<hbm>>, %arg3: memref<8x16384xf32, #tpu.memory_space<hbm>>, %arg4: memref<8x16384xf32, #tpu.memory_space<hbm>>, %arg5: memref<8x512xf32, #tpu.memory_space<hbm>>, %arg6: memref<8x512xf32, #tpu.memory_space<hbm>>, %arg7: memref<8x512xf32, #tpu.memory_space<hbm>>, %arg8: memref<8x16384x64xf32, #tpu.memory_space<hbm>>, %arg9: memref<8x512x32x3xf32, #tpu.memory_space<hbm>>, %arg10: memref<8x512x32x64xf32, #tpu.memory_space<hbm>>, %arg11: memref<16384xf32, #tpu.memory_space<vmem>>, %arg12: memref<16384xf32, #tpu.memory_space<vmem>>, %arg13: memref<16384xf32, #tpu.memory_space<vmem>>, %arg14: memref<128xf32, #tpu.memory_space<vmem>>, %arg15: memref<128xf32, #tpu.memory_space<vmem>>, %arg16: memref<128xf32, #tpu.memory_space<vmem>>, %arg17: memref<32xi32, #tpu.memory_space<vmem>>, %arg18: memref<32xi32, #tpu.memory_space<vmem>>, %arg19: memref<32x3xf32, #tpu.memory_space<vmem>>, %arg20: memref<32x3xf32, #tpu.memory_space<vmem>>, %arg21: memref<32x64xf32, #tpu.memory_space<vmem>>, %arg22: memref<32x64xf32, #tpu.memory_space<vmem>>, %arg23: memref<!tpu.dma_semaphore, #tpu.memory_space<semaphore_mem>>, %arg24: memref<!tpu.dma_semaphore, #tpu.memory_space<semaphore_mem>>, %arg25: memref<!tpu.dma_semaphore, #tpu.memory_space<semaphore_mem>>, %arg26: memref<!tpu.dma_semaphore, #tpu.memory_space<semaphore_mem>>, %arg27: memref<!tpu.dma_semaphore, #tpu.memory_space<semaphore_mem>>, %arg28: memref<!tpu.dma_semaphore, #tpu.memory_space<semaphore_mem>>) attributes {dimension_semantics = [#tpu.dimension_semantics<core_parallel>, #tpu.dimension_semantics<subcore_parallel>], iteration_bounds = array<i64: 2, 16>, scalar_prefetch = 0 : i64, scratch_operands = 18 : i64, tpu.core_type = #tpu.core_type<sc_vector_subcore>, window_params = [{transform_indices = #map}, {transform_indices = #map}, {transform_indices = #map}, {transform_indices = #map}, {transform_indices = #map}, {transform_indices = #map}, {transform_indices = #map1}, {transform_indices = #map2}, {transform_indices = #map2}]} {
    %mul3A = arith.constant 2 : i32
    %mul3A_0 = arith.muli %arg1, %mul3A : i32
    %add3A = arith.addi %mul3A_0, %arg0 : i32
    %jit3A = arith.constant 4 : i32
    %div3A = arith.divsi %add3A, %jit3A : i32
    %sign3A = arith.constant 0 : i32
    %sign3A_1 = arith.cmpi sgt, %add3A, %sign3A : i32
    %sign3A_2 = arith.extui %sign3A_1 : i1 to i32
    %sign3A_3 = arith.constant 0 : i32
    %sign3A_4 = arith.cmpi slt, %add3A, %sign3A_3 : i32
    %sign3A_5 = arith.extui %sign3A_4 : i1 to i32
    %sign3A_6 = arith.subi %sign3A_2, %sign3A_5 : i32
    %sign3A_7 = arith.constant 0 : i32
    %sign3A_8 = arith.cmpi sgt, %jit3A, %sign3A_7 : i32
    %sign3A_9 = arith.extui %sign3A_8 : i1 to i32
    %sign3A_10 = arith.constant 0 : i32
    %sign3A_11 = arith.cmpi slt, %jit3A, %sign3A_10 : i32
    %sign3A_12 = arith.extui %sign3A_11 : i1 to i32
    %sign3A_13 = arith.subi %sign3A_9, %sign3A_12 : i32
    %ne3A = arith.cmpi ne, %sign3A_6, %sign3A_13 : i32
    %rem3A = arith.remsi %add3A, %jit3A : i32
    %ne3A_14 = arith.constant 0 : i32
    %ne3A_15 = arith.cmpi ne, %rem3A, %ne3A_14 : i32
    %and3A = arith.andi %ne3A, %ne3A_15 : i1
    %sub3A = arith.constant 1 : i32
    %sub3A_16 = arith.subi %div3A, %sub3A : i32
    %select_n3A = arith.select %and3A, %sub3A_16, %div3A : i32
    %jit3A_17 = arith.constant 4 : i32
    %eq3A = arith.constant 0 : i32
    %eq3A_18 = arith.cmpi eq, %jit3A_17, %eq3A : i32
    %jit3A_19 = arith.constant 1 : i32
    %select_n3A_20 = arith.select %eq3A_18, %jit3A_19, %jit3A_17 : i32
    %rem3A_21 = arith.remsi %add3A, %select_n3A_20 : i32
    %ne3A_22 = arith.constant 0 : i32
    %ne3A_23 = arith.cmpi ne, %rem3A_21, %ne3A_22 : i32
    %lt3A = arith.constant 0 : i32
    %lt3A_24 = arith.cmpi slt, %rem3A_21, %lt3A : i32
    %lt3A_25 = arith.constant 0 : i32
    %lt3A_26 = arith.cmpi slt, %select_n3A_20, %lt3A_25 : i32
    %ne3A_27 = arith.xori %lt3A_24, %lt3A_26 : i1
    %and3A_28 = arith.andi %ne3A_27, %ne3A_23 : i1
    %add3A_29 = arith.addi %rem3A_21, %select_n3A_20 : i32
    %select_n3A_30 = arith.select %and3A_28, %add3A_29, %rem3A_21 : i32
    %mul3A_31 = arith.constant 128 : i32
    %mul3A_32 = arith.muli %select_n3A_30, %mul3A_31 : i32
    "tpu.region"() ({
      %run_scoped3A = tpu.sem_alloc : memref<!tpu.dma_semaphore, #tpu.memory_space<semaphore_mem>>
      %dma_start3A_91 = arith.constant 0 : i32
      %dma_start3A_92 = tpu.memref_slice %arg2[%select_n3A, %dma_start3A_91] : memref<8x16384xf32, #tpu.memory_space<hbm>> -> memref<1x16384xf32, #tpu.memory_space<hbm>>
      %dma_start3A_93 = tpu.memref_squeeze %dma_start3A_92 : memref<1x16384xf32, #tpu.memory_space<hbm>> -> memref<16384xf32, #tpu.memory_space<hbm>>
      %dma_start3A_94 = arith.constant 0 : i32
      %dma_start3A_95 = tpu.memref_slice %arg2[%select_n3A, %dma_start3A_94] : memref<8x16384xf32, #tpu.memory_space<hbm>> -> memref<1x16384xf32, #tpu.memory_space<hbm>>
      %dma_start3A_96 = tpu.memref_squeeze %dma_start3A_95 : memref<1x16384xf32, #tpu.memory_space<hbm>> -> memref<16384xf32, #tpu.memory_space<hbm>>
      tpu.enqueue_dma source(%dma_start3A_96 : memref<16384xf32, #tpu.memory_space<hbm>>) target(%arg11 : memref<16384xf32, #tpu.memory_space<vmem>>) target_semaphore(%run_scoped3A : memref<!tpu.dma_semaphore, #tpu.memory_space<semaphore_mem>>)
      %dma_wait3A_97 = arith.constant 0 : i32
      %dma_wait3A_98 = tpu.memref_slice %arg2[%select_n3A, %dma_wait3A_97] : memref<8x16384xf32, #tpu.memory_space<hbm>> -> memref<1x16384xf32, #tpu.memory_space<hbm>>
      %dma_wait3A_99 = tpu.memref_squeeze %dma_wait3A_98 : memref<1x16384xf32, #tpu.memory_space<hbm>> -> memref<16384xf32, #tpu.memory_space<hbm>>
      %dma_wait3A_100 = arith.constant 0 : i32
      %dma_wait3A_101 = tpu.memref_slice %arg2[%select_n3A, %dma_wait3A_100] : memref<8x16384xf32, #tpu.memory_space<hbm>> -> memref<1x16384xf32, #tpu.memory_space<hbm>>
      %dma_wait3A_102 = tpu.memref_squeeze %dma_wait3A_101 : memref<1x16384xf32, #tpu.memory_space<hbm>> -> memref<16384xf32, #tpu.memory_space<hbm>>
      tpu.wait_dma2 semaphore(%run_scoped3A : memref<!tpu.dma_semaphore, #tpu.memory_space<semaphore_mem>>) src(%dma_wait3A_102 : memref<16384xf32, #tpu.memory_space<hbm>>) dst(%arg11 : memref<16384xf32, #tpu.memory_space<vmem>>)
      tpu.yield
    }) : () -> ()
    "tpu.region"() ({
      %run_scoped3A = tpu.sem_alloc : memref<!tpu.dma_semaphore, #tpu.memory_space<semaphore_mem>>
      %dma_start3A_91 = arith.constant 0 : i32
      %dma_start3A_92 = tpu.memref_slice %arg3[%select_n3A, %dma_start3A_91] : memref<8x16384xf32, #tpu.memory_space<hbm>> -> memref<1x16384xf32, #tpu.memory_space<hbm>>
      %dma_start3A_93 = tpu.memref_squeeze %dma_start3A_92 : memref<1x16384xf32, #tpu.memory_space<hbm>> -> memref<16384xf32, #tpu.memory_space<hbm>>
      %dma_start3A_94 = arith.constant 0 : i32
      %dma_start3A_95 = tpu.memref_slice %arg3[%select_n3A, %dma_start3A_94] : memref<8x16384xf32, #tpu.memory_space<hbm>> -> memref<1x16384xf32, #tpu.memory_space<hbm>>
      %dma_start3A_96 = tpu.memref_squeeze %dma_start3A_95 : memref<1x16384xf32, #tpu.memory_space<hbm>> -> memref<16384xf32, #tpu.memory_space<hbm>>
      tpu.enqueue_dma source(%dma_start3A_96 : memref<16384xf32, #tpu.memory_space<hbm>>) target(%arg12 : memref<16384xf32, #tpu.memory_space<vmem>>) target_semaphore(%run_scoped3A : memref<!tpu.dma_semaphore, #tpu.memory_space<semaphore_mem>>)
      %dma_wait3A_97 = arith.constant 0 : i32
      %dma_wait3A_98 = tpu.memref_slice %arg3[%select_n3A, %dma_wait3A_97] : memref<8x16384xf32, #tpu.memory_space<hbm>> -> memref<1x16384xf32, #tpu.memory_space<hbm>>
      %dma_wait3A_99 = tpu.memref_squeeze %dma_wait3A_98 : memref<1x16384xf32, #tpu.memory_space<hbm>> -> memref<16384xf32, #tpu.memory_space<hbm>>
      %dma_wait3A_100 = arith.constant 0 : i32
      %dma_wait3A_101 = tpu.memref_slice %arg3[%select_n3A, %dma_wait3A_100] : memref<8x16384xf32, #tpu.memory_space<hbm>> -> memref<1x16384xf32, #tpu.memory_space<hbm>>
      %dma_wait3A_102 = tpu.memref_squeeze %dma_wait3A_101 : memref<1x16384xf32, #tpu.memory_space<hbm>> -> memref<16384xf32, #tpu.memory_space<hbm>>
      tpu.wait_dma2 semaphore(%run_scoped3A : memref<!tpu.dma_semaphore, #tpu.memory_space<semaphore_mem>>) src(%dma_wait3A_102 : memref<16384xf32, #tpu.memory_space<hbm>>) dst(%arg12 : memref<16384xf32, #tpu.memory_space<vmem>>)
      tpu.yield
    }) : () -> ()
    "tpu.region"() ({
      %run_scoped3A = tpu.sem_alloc : memref<!tpu.dma_semaphore, #tpu.memory_space<semaphore_mem>>
      %dma_start3A_91 = arith.constant 0 : i32
      %dma_start3A_92 = tpu.memref_slice %arg4[%select_n3A, %dma_start3A_91] : memref<8x16384xf32, #tpu.memory_space<hbm>> -> memref<1x16384xf32, #tpu.memory_space<hbm>>
      %dma_start3A_93 = tpu.memref_squeeze %dma_start3A_92 : memref<1x16384xf32, #tpu.memory_space<hbm>> -> memref<16384xf32, #tpu.memory_space<hbm>>
      %dma_start3A_94 = arith.constant 0 : i32
      %dma_start3A_95 = tpu.memref_slice %arg4[%select_n3A, %dma_start3A_94] : memref<8x16384xf32, #tpu.memory_space<hbm>> -> memref<1x16384xf32, #tpu.memory_space<hbm>>
      %dma_start3A_96 = tpu.memref_squeeze %dma_start3A_95 : memref<1x16384xf32, #tpu.memory_space<hbm>> -> memref<16384xf32, #tpu.memory_space<hbm>>
      tpu.enqueue_dma source(%dma_start3A_96 : memref<16384xf32, #tpu.memory_space<hbm>>) target(%arg13 : memref<16384xf32, #tpu.memory_space<vmem>>) target_semaphore(%run_scoped3A : memref<!tpu.dma_semaphore, #tpu.memory_space<semaphore_mem>>)
      %dma_wait3A_97 = arith.constant 0 : i32
      %dma_wait3A_98 = tpu.memref_slice %arg4[%select_n3A, %dma_wait3A_97] : memref<8x16384xf32, #tpu.memory_space<hbm>> -> memref<1x16384xf32, #tpu.memory_space<hbm>>
      %dma_wait3A_99 = tpu.memref_squeeze %dma_wait3A_98 : memref<1x16384xf32, #tpu.memory_space<hbm>> -> memref<16384xf32, #tpu.memory_space<hbm>>
      %dma_wait3A_100 = arith.constant 0 : i32
      %dma_wait3A_101 = tpu.memref_slice %arg4[%select_n3A, %dma_wait3A_100] : memref<8x16384xf32, #tpu.memory_space<hbm>> -> memref<1x16384xf32, #tpu.memory_space<hbm>>
      %dma_wait3A_102 = tpu.memref_squeeze %dma_wait3A_101 : memref<1x16384xf32, #tpu.memory_space<hbm>> -> memref<16384xf32, #tpu.memory_space<hbm>>
      tpu.wait_dma2 semaphore(%run_scoped3A : memref<!tpu.dma_semaphore, #tpu.memory_space<semaphore_mem>>) src(%dma_wait3A_102 : memref<16384xf32, #tpu.memory_space<hbm>>) dst(%arg13 : memref<16384xf32, #tpu.memory_space<vmem>>)
      tpu.yield
    }) : () -> ()
    "tpu.region"() ({
      %run_scoped3A = tpu.sem_alloc : memref<!tpu.dma_semaphore, #tpu.memory_space<semaphore_mem>>
      %dma_start3A_91 = tpu.memref_slice %arg5[%select_n3A, %mul3A_32] : memref<8x512xf32, #tpu.memory_space<hbm>> -> memref<1x128xf32, #tpu.memory_space<hbm>>
      %dma_start3A_92 = tpu.memref_squeeze %dma_start3A_91 : memref<1x128xf32, #tpu.memory_space<hbm>> -> memref<128xf32, #tpu.memory_space<hbm>>
      %dma_start3A_93 = tpu.memref_slice %arg5[%select_n3A, %mul3A_32] : memref<8x512xf32, #tpu.memory_space<hbm>> -> memref<1x128xf32, #tpu.memory_space<hbm>>
      %dma_start3A_94 = tpu.memref_squeeze %dma_start3A_93 : memref<1x128xf32, #tpu.memory_space<hbm>> -> memref<128xf32, #tpu.memory_space<hbm>>
      tpu.enqueue_dma source(%dma_start3A_94 : memref<128xf32, #tpu.memory_space<hbm>>) target(%arg14 : memref<128xf32, #tpu.memory_space<vmem>>) target_semaphore(%run_scoped3A : memref<!tpu.dma_semaphore, #tpu.memory_space<semaphore_mem>>)
      %dma_wait3A_95 = tpu.memref_slice %arg5[%select_n3A, %mul3A_32] : memref<8x512xf32, #tpu.memory_space<hbm>> -> memref<1x128xf32, #tpu.memory_space<hbm>>
      %dma_wait3A_96 = tpu.memref_squeeze %dma_wait3A_95 : memref<1x128xf32, #tpu.memory_space<hbm>> -> memref<128xf32, #tpu.memory_space<hbm>>
      %dma_wait3A_97 = tpu.memref_slice %arg5[%select_n3A, %mul3A_32] : memref<8x512xf32, #tpu.memory_space<hbm>> -> memref<1x128xf32, #tpu.memory_space<hbm>>
      %dma_wait3A_98 = tpu.memref_squeeze %dma_wait3A_97 : memref<1x128xf32, #tpu.memory_space<hbm>> -> memref<128xf32, #tpu.memory_space<hbm>>
      tpu.wait_dma2 semaphore(%run_scoped3A : memref<!tpu.dma_semaphore, #tpu.memory_space<semaphore_mem>>) src(%dma_wait3A_98 : memref<128xf32, #tpu.memory_space<hbm>>) dst(%arg14 : memref<128xf32, #tpu.memory_space<vmem>>)
      tpu.yield
    }) : () -> ()
    "tpu.region"() ({
      %run_scoped3A = tpu.sem_alloc : memref<!tpu.dma_semaphore, #tpu.memory_space<semaphore_mem>>
      %dma_start3A_91 = tpu.memref_slice %arg6[%select_n3A, %mul3A_32] : memref<8x512xf32, #tpu.memory_space<hbm>> -> memref<1x128xf32, #tpu.memory_space<hbm>>
      %dma_start3A_92 = tpu.memref_squeeze %dma_start3A_91 : memref<1x128xf32, #tpu.memory_space<hbm>> -> memref<128xf32, #tpu.memory_space<hbm>>
      %dma_start3A_93 = tpu.memref_slice %arg6[%select_n3A, %mul3A_32] : memref<8x512xf32, #tpu.memory_space<hbm>> -> memref<1x128xf32, #tpu.memory_space<hbm>>
      %dma_start3A_94 = tpu.memref_squeeze %dma_start3A_93 : memref<1x128xf32, #tpu.memory_space<hbm>> -> memref<128xf32, #tpu.memory_space<hbm>>
      tpu.enqueue_dma source(%dma_start3A_94 : memref<128xf32, #tpu.memory_space<hbm>>) target(%arg15 : memref<128xf32, #tpu.memory_space<vmem>>) target_semaphore(%run_scoped3A : memref<!tpu.dma_semaphore, #tpu.memory_space<semaphore_mem>>)
      %dma_wait3A_95 = tpu.memref_slice %arg6[%select_n3A, %mul3A_32] : memref<8x512xf32, #tpu.memory_space<hbm>> -> memref<1x128xf32, #tpu.memory_space<hbm>>
      %dma_wait3A_96 = tpu.memref_squeeze %dma_wait3A_95 : memref<1x128xf32, #tpu.memory_space<hbm>> -> memref<128xf32, #tpu.memory_space<hbm>>
      %dma_wait3A_97 = tpu.memref_slice %arg6[%select_n3A, %mul3A_32] : memref<8x512xf32, #tpu.memory_space<hbm>> -> memref<1x128xf32, #tpu.memory_space<hbm>>
      %dma_wait3A_98 = tpu.memref_squeeze %dma_wait3A_97 : memref<1x128xf32, #tpu.memory_space<hbm>> -> memref<128xf32, #tpu.memory_space<hbm>>
      tpu.wait_dma2 semaphore(%run_scoped3A : memref<!tpu.dma_semaphore, #tpu.memory_space<semaphore_mem>>) src(%dma_wait3A_98 : memref<128xf32, #tpu.memory_space<hbm>>) dst(%arg15 : memref<128xf32, #tpu.memory_space<vmem>>)
      tpu.yield
    }) : () -> ()
    "tpu.region"() ({
      %run_scoped3A = tpu.sem_alloc : memref<!tpu.dma_semaphore, #tpu.memory_space<semaphore_mem>>
      %dma_start3A_91 = tpu.memref_slice %arg7[%select_n3A, %mul3A_32] : memref<8x512xf32, #tpu.memory_space<hbm>> -> memref<1x128xf32, #tpu.memory_space<hbm>>
      %dma_start3A_92 = tpu.memref_squeeze %dma_start3A_91 : memref<1x128xf32, #tpu.memory_space<hbm>> -> memref<128xf32, #tpu.memory_space<hbm>>
      %dma_start3A_93 = tpu.memref_slice %arg7[%select_n3A, %mul3A_32] : memref<8x512xf32, #tpu.memory_space<hbm>> -> memref<1x128xf32, #tpu.memory_space<hbm>>
      %dma_start3A_94 = tpu.memref_squeeze %dma_start3A_93 : memref<1x128xf32, #tpu.memory_space<hbm>> -> memref<128xf32, #tpu.memory_space<hbm>>
      tpu.enqueue_dma source(%dma_start3A_94 : memref<128xf32, #tpu.memory_space<hbm>>) target(%arg16 : memref<128xf32, #tpu.memory_space<vmem>>) target_semaphore(%run_scoped3A : memref<!tpu.dma_semaphore, #tpu.memory_space<semaphore_mem>>)
      %dma_wait3A_95 = tpu.memref_slice %arg7[%select_n3A, %mul3A_32] : memref<8x512xf32, #tpu.memory_space<hbm>> -> memref<1x128xf32, #tpu.memory_space<hbm>>
      %dma_wait3A_96 = tpu.memref_squeeze %dma_wait3A_95 : memref<1x128xf32, #tpu.memory_space<hbm>> -> memref<128xf32, #tpu.memory_space<hbm>>
      %dma_wait3A_97 = tpu.memref_slice %arg7[%select_n3A, %mul3A_32] : memref<8x512xf32, #tpu.memory_space<hbm>> -> memref<1x128xf32, #tpu.memory_space<hbm>>
      %dma_wait3A_98 = tpu.memref_squeeze %dma_wait3A_97 : memref<1x128xf32, #tpu.memory_space<hbm>> -> memref<128xf32, #tpu.memory_space<hbm>>
      tpu.wait_dma2 semaphore(%run_scoped3A : memref<!tpu.dma_semaphore, #tpu.memory_space<semaphore_mem>>) src(%dma_wait3A_98 : memref<128xf32, #tpu.memory_space<hbm>>) dst(%arg16 : memref<128xf32, #tpu.memory_space<vmem>>)
      tpu.yield
    }) : () -> ()
    %iota3A = tpu.iota {dimensions = array<i32: 0>} : vector<16xi32>
    %mul3A_33 = arith.constant 0 : i32
    %mul3A_34 = vector.broadcast %mul3A_33 : i32 to vector<16xi32>
    %mul3A_35 = arith.muli %iota3A, %mul3A_34 : vector<16xi32>
    %scan3A = arith.constant 0 : i32
    %scan3A_36 = arith.constant 64 : i32
    %scan3A_37 = arith.addi %scan3A, %scan3A_36 : i32
    %scan3A_38 = arith.constant 1 : i32
    scf.for %scan3A_91 = %scan3A to %scan3A_37 step %scan3A_38  : i32 {
      %mul3A_92 = arith.constant 2 : i32
      %mul3A_93 = arith.muli %scan3A_91, %mul3A_92 : i32
      %add3A_94 = arith.constant 0 : i32
      %add3A_95 = arith.addi %add3A_94, %mul3A_93 : i32
      %add3A_96 = arith.constant 0 : i32
      %add3A_97 = arith.addi %add3A_95, %add3A_96 : i32
      %ge3A = arith.constant 2 : i32
      %ge3A_98 = arith.cmpi sge, %add3A_97, %ge3A : i32
      %convert_element_type3A = arith.extui %ge3A_98 : i1 to i32
      %cond3A = arith.constant 0 : i32
      %cond3A_99 = arith.cmpi ne, %convert_element_type3A, %cond3A : i32
      scf.if %cond3A_99 {
        %dma_wait3A_281 = arith.constant 0 : i32
        %dma_wait3A_282 = arith.constant 0 : i32
        %dma_wait3A_283 = tpu.memref_slice %arg9[%select_n3A, %add3A_97, %dma_wait3A_281, %dma_wait3A_282] : memref<8x512x32x3xf32, #tpu.memory_space<hbm>> -> memref<1x1x32x3xf32, #tpu.memory_space<hbm>>
        %dma_wait3A_284 = tpu.memref_squeeze %dma_wait3A_283 : memref<1x1x32x3xf32, #tpu.memory_space<hbm>> -> memref<32x3xf32, #tpu.memory_space<hbm>>
        %dma_wait3A_285 = arith.constant 0 : i32
        %dma_wait3A_286 = arith.constant 0 : i32
        %dma_wait3A_287 = tpu.memref_slice %arg9[%select_n3A, %add3A_97, %dma_wait3A_285, %dma_wait3A_286] : memref<8x512x32x3xf32, #tpu.memory_space<hbm>> -> memref<1x1x32x3xf32, #tpu.memory_space<hbm>>
        %dma_wait3A_288 = tpu.memref_squeeze %dma_wait3A_287 : memref<1x1x32x3xf32, #tpu.memory_space<hbm>> -> memref<32x3xf32, #tpu.memory_space<hbm>>
        tpu.wait_dma2 semaphore(%arg27 : memref<!tpu.dma_semaphore, #tpu.memory_space<semaphore_mem>>) src(%arg19 : memref<32x3xf32, #tpu.memory_space<vmem>>) dst(%dma_wait3A_288 : memref<32x3xf32, #tpu.memory_space<hbm>>)
        %dma_wait3A_289 = arith.constant 0 : i32
        %dma_wait3A_290 = arith.constant 0 : i32
        %dma_wait3A_291 = tpu.memref_slice %arg10[%select_n3A, %add3A_97, %dma_wait3A_289, %dma_wait3A_290] : memref<8x512x32x64xf32, #tpu.memory_space<hbm>> -> memref<1x1x32x64xf32, #tpu.memory_space<hbm>>
        %dma_wait3A_292 = tpu.memref_squeeze %dma_wait3A_291 : memref<1x1x32x64xf32, #tpu.memory_space<hbm>> -> memref<32x64xf32, #tpu.memory_space<hbm>>
        %dma_wait3A_293 = arith.constant 0 : i32
        %dma_wait3A_294 = arith.constant 0 : i32
        %dma_wait3A_295 = tpu.memref_slice %arg10[%select_n3A, %add3A_97, %dma_wait3A_293, %dma_wait3A_294] : memref<8x512x32x64xf32, #tpu.memory_space<hbm>> -> memref<1x1x32x64xf32, #tpu.memory_space<hbm>>
        %dma_wait3A_296 = tpu.memref_squeeze %dma_wait3A_295 : memref<1x1x32x64xf32, #tpu.memory_space<hbm>> -> memref<32x64xf32, #tpu.memory_space<hbm>>
        tpu.wait_dma2 semaphore(%arg25 : memref<!tpu.dma_semaphore, #tpu.memory_space<semaphore_mem>>) src(%arg21 : memref<32x64xf32, #tpu.memory_space<vmem>>) dst(%dma_wait3A_296 : memref<32x64xf32, #tpu.memory_space<hbm>>)
      } else {
      }
      %broadcast_in_dim3A = vector.broadcast %add3A_97 : i32 to vector<16xi32>
      %gather3A = tpu.vector_load_idx %arg14[%broadcast_in_dim3A] : memref<128xf32, #tpu.memory_space<vmem>>[vector<16xi32>], vector<16xf32>,
      %gather3A_100 = tpu.vector_load_idx %arg15[%broadcast_in_dim3A] : memref<128xf32, #tpu.memory_space<vmem>>[vector<16xi32>], vector<16xf32>,
      %gather3A_101 = tpu.vector_load_idx %arg16[%broadcast_in_dim3A] : memref<128xf32, #tpu.memory_space<vmem>>[vector<16xi32>], vector<16xf32>,
      %while3A = arith.constant 0 : i32
      %while3A_102 = arith.constant 0 : i32
      %while3A_103:2 = scf.while (%while3A_281 = %while3A, %while3A_282 = %while3A_102) : (i32, i32) -> (i32, i32) {
        %lt3A_283 = arith.constant 32 : i32
        %lt3A_284 = arith.cmpi slt, %while3A_282, %lt3A_283 : i32
        %lt3A_285 = arith.constant 64 : i32
        %lt3A_286 = arith.cmpi slt, %while3A_281, %lt3A_285 : i32
        %and3A_287 = arith.andi %lt3A_284, %lt3A_286 : i1
        scf.condition(%and3A_287) %while3A_281, %while3A_282 : i32, i32
      } do {
      ^bb0(%while3A_281: i32, %while3A_282: i32):
        %mul3A_283 = arith.constant 256 : i32
        %mul3A_284 = arith.muli %while3A_281, %mul3A_283 : i32
        %add3A_285 = arith.constant 0 : i32
        %add3A_286 = arith.addi %mul3A_284, %add3A_285 : i32
        %get3A_287 = arith.index_cast %add3A_286 : i32 to index
        %get3A_288 = tpu.vector_load %arg11[%get3A_287] {strides = array<i32>} : memref<16384xf32, #tpu.memory_space<vmem>>, vector<16xf32>,
        %sub3A_289 = arith.subf %get3A_288, %gather3A : vector<16xf32>
        %get3A_290 = arith.index_cast %add3A_286 : i32 to index
        %get3A_291 = tpu.vector_load %arg12[%get3A_290] {strides = array<i32>} : memref<16384xf32, #tpu.memory_space<vmem>>, vector<16xf32>,
        %sub3A_292 = arith.subf %get3A_291, %gather3A_100 : vector<16xf32>
        %get3A_293 = arith.index_cast %add3A_286 : i32 to index
        %get3A_294 = tpu.vector_load %arg13[%get3A_293] {strides = array<i32>} : memref<16384xf32, #tpu.memory_space<vmem>>, vector<16xf32>,
        %sub3A_295 = arith.subf %get3A_294, %gather3A_101 : vector<16xf32>
        %mul3A_296 = arith.mulf %sub3A_289, %sub3A_289 : vector<16xf32>
        %mul3A_297 = arith.mulf %sub3A_292, %sub3A_292 : vector<16xf32>
        %add3A_298 = arith.addf %mul3A_296, %mul3A_297 : vector<16xf32>
        %mul3A_299 = arith.mulf %sub3A_295, %sub3A_295 : vector<16xf32>
        %add3A_300 = arith.addf %add3A_298, %mul3A_299 : vector<16xf32>
        %lt3A_301 = arith.constant 0.0400000028 : f32
        %lt3A_302 = vector.broadcast %lt3A_301 : f32 to vector<16xf32>
        %lt3A_303 = arith.cmpf olt, %add3A_300, %lt3A_302 : vector<16xf32>
        %mul3A_304 = arith.constant 256 : i32
        %mul3A_305 = arith.muli %while3A_281, %mul3A_304 : i32
        %add3A_306 = arith.constant 16 : i32
        %add3A_307 = arith.addi %mul3A_305, %add3A_306 : i32
        %get3A_308 = arith.index_cast %add3A_307 : i32 to index
        %get3A_309 = tpu.vector_load %arg11[%get3A_308] {strides = array<i32>} : memref<16384xf32, #tpu.memory_space<vmem>>, vector<16xf32>,
        %sub3A_310 = arith.subf %get3A_309, %gather3A : vector<16xf32>
        %get3A_311 = arith.index_cast %add3A_307 : i32 to index
        %get3A_312 = tpu.vector_load %arg12[%get3A_311] {strides = array<i32>} : memref<16384xf32, #tpu.memory_space<vmem>>, vector<16xf32>,
        %sub3A_313 = arith.subf %get3A_312, %gather3A_100 : vector<16xf32>
        %get3A_314 = arith.index_cast %add3A_307 : i32 to index
        %get3A_315 = tpu.vector_load %arg13[%get3A_314] {strides = array<i32>} : memref<16384xf32, #tpu.memory_space<vmem>>, vector<16xf32>,
        %sub3A_316 = arith.subf %get3A_315, %gather3A_101 : vector<16xf32>
        %mul3A_317 = arith.mulf %sub3A_310, %sub3A_310 : vector<16xf32>
        %mul3A_318 = arith.mulf %sub3A_313, %sub3A_313 : vector<16xf32>
        %add3A_319 = arith.addf %mul3A_317, %mul3A_318 : vector<16xf32>
        %mul3A_320 = arith.mulf %sub3A_316, %sub3A_316 : vector<16xf32>
        %add3A_321 = arith.addf %add3A_319, %mul3A_320 : vector<16xf32>
        %lt3A_322 = arith.constant 0.0400000028 : f32
        %lt3A_323 = vector.broadcast %lt3A_322 : f32 to vector<16xf32>
        %lt3A_324 = arith.cmpf olt, %add3A_321, %lt3A_323 : vector<16xf32>
        %mul3A_325 = arith.constant 256 : i32
        %mul3A_326 = arith.muli %while3A_281, %mul3A_325 : i32
        %add3A_327 = arith.constant 32 : i32
        %add3A_328 = arith.addi %mul3A_326, %add3A_327 : i32
        %get3A_329 = arith.index_cast %add3A_328 : i32 to index
        %get3A_330 = tpu.vector_load %arg11[%get3A_329] {strides = array<i32>} : memref<16384xf32, #tpu.memory_space<vmem>>, vector<16xf32>,
        %sub3A_331 = arith.subf %get3A_330, %gather3A : vector<16xf32>
        %get3A_332 = arith.index_cast %add3A_328 : i32 to index
        %get3A_333 = tpu.vector_load %arg12[%get3A_332] {strides = array<i32>} : memref<16384xf32, #tpu.memory_space<vmem>>, vector<16xf32>,
        %sub3A_334 = arith.subf %get3A_333, %gather3A_100 : vector<16xf32>
        %get3A_335 = arith.index_cast %add3A_328 : i32 to index
        %get3A_336 = tpu.vector_load %arg13[%get3A_335] {strides = array<i32>} : memref<16384xf32, #tpu.memory_space<vmem>>, vector<16xf32>,
        %sub3A_337 = arith.subf %get3A_336, %gather3A_101 : vector<16xf32>
        %mul3A_338 = arith.mulf %sub3A_331, %sub3A_331 : vector<16xf32>
        %mul3A_339 = arith.mulf %sub3A_334, %sub3A_334 : vector<16xf32>
        %add3A_340 = arith.addf %mul3A_338, %mul3A_339 : vector<16xf32>
        %mul3A_341 = arith.mulf %sub3A_337, %sub3A_337 : vector<16xf32>
        %add3A_342 = arith.addf %add3A_340, %mul3A_341 : vector<16xf32>
        %lt3A_343 = arith.constant 0.0400000028 : f32
        %lt3A_344 = vector.broadcast %lt3A_343 : f32 to vector<16xf32>
        %lt3A_345 = arith.cmpf olt, %add3A_342, %lt3A_344 : vector<16xf32>
        %mul3A_346 = arith.constant 256 : i32
        %mul3A_347 = arith.muli %while3A_281, %mul3A_346 : i32
        %add3A_348 = arith.constant 48 : i32
        %add3A_349 = arith.addi %mul3A_347, %add3A_348 : i32
        %get3A_350 = arith.index_cast %add3A_349 : i32 to index
        %get3A_351 = tpu.vector_load %arg11[%get3A_350] {strides = array<i32>} : memref<16384xf32, #tpu.memory_space<vmem>>, vector<16xf32>,
        %sub3A_352 = arith.subf %get3A_351, %gather3A : vector<16xf32>
        %get3A_353 = arith.index_cast %add3A_349 : i32 to index
        %get3A_354 = tpu.vector_load %arg12[%get3A_353] {strides = array<i32>} : memref<16384xf32, #tpu.memory_space<vmem>>, vector<16xf32>,
        %sub3A_355 = arith.subf %get3A_354, %gather3A_100 : vector<16xf32>
        %get3A_356 = arith.index_cast %add3A_349 : i32 to index
        %get3A_357 = tpu.vector_load %arg13[%get3A_356] {strides = array<i32>} : memref<16384xf32, #tpu.memory_space<vmem>>, vector<16xf32>,
        %sub3A_358 = arith.subf %get3A_357, %gather3A_101 : vector<16xf32>
        %mul3A_359 = arith.mulf %sub3A_352, %sub3A_352 : vector<16xf32>
        %mul3A_360 = arith.mulf %sub3A_355, %sub3A_355 : vector<16xf32>
        %add3A_361 = arith.addf %mul3A_359, %mul3A_360 : vector<16xf32>
        %mul3A_362 = arith.mulf %sub3A_358, %sub3A_358 : vector<16xf32>
        %add3A_363 = arith.addf %add3A_361, %mul3A_362 : vector<16xf32>
        %lt3A_364 = arith.constant 0.0400000028 : f32
        %lt3A_365 = vector.broadcast %lt3A_364 : f32 to vector<16xf32>
        %lt3A_366 = arith.cmpf olt, %add3A_363, %lt3A_365 : vector<16xf32>
        %mul3A_367 = arith.constant 256 : i32
        %mul3A_368 = arith.muli %while3A_281, %mul3A_367 : i32
        %add3A_369 = arith.constant 64 : i32
        %add3A_370 = arith.addi %mul3A_368, %add3A_369 : i32
        %get3A_371 = arith.index_cast %add3A_370 : i32 to index
        %get3A_372 = tpu.vector_load %arg11[%get3A_371] {strides = array<i32>} : memref<16384xf32, #tpu.memory_space<vmem>>, vector<16xf32>,
        %sub3A_373 = arith.subf %get3A_372, %gather3A : vector<16xf32>
        %get3A_374 = arith.index_cast %add3A_370 : i32 to index
        %get3A_375 = tpu.vector_load %arg12[%get3A_374] {strides = array<i32>} : memref<16384xf32, #tpu.memory_space<vmem>>, vector<16xf32>,
        %sub3A_376 = arith.subf %get3A_375, %gather3A_100 : vector<16xf32>
        %get3A_377 = arith.index_cast %add3A_370 : i32 to index
        %get3A_378 = tpu.vector_load %arg13[%get3A_377] {strides = array<i32>} : memref<16384xf32, #tpu.memory_space<vmem>>, vector<16xf32>,
        %sub3A_379 = arith.subf %get3A_378, %gather3A_101 : vector<16xf32>
        %mul3A_380 = arith.mulf %sub3A_373, %sub3A_373 : vector<16xf32>
        %mul3A_381 = arith.mulf %sub3A_376, %sub3A_376 : vector<16xf32>
        %add3A_382 = arith.addf %mul3A_380, %mul3A_381 : vector<16xf32>
        %mul3A_383 = arith.mulf %sub3A_379, %sub3A_379 : vector<16xf32>
        %add3A_384 = arith.addf %add3A_382, %mul3A_383 : vector<16xf32>
        %lt3A_385 = arith.constant 0.0400000028 : f32
        %lt3A_386 = vector.broadcast %lt3A_385 : f32 to vector<16xf32>
        %lt3A_387 = arith.cmpf olt, %add3A_384, %lt3A_386 : vector<16xf32>
        %mul3A_388 = arith.constant 256 : i32
        %mul3A_389 = arith.muli %while3A_281, %mul3A_388 : i32
        %add3A_390 = arith.constant 80 : i32
        %add3A_391 = arith.addi %mul3A_389, %add3A_390 : i32
        %get3A_392 = arith.index_cast %add3A_391 : i32 to index
        %get3A_393 = tpu.vector_load %arg11[%get3A_392] {strides = array<i32>} : memref<16384xf32, #tpu.memory_space<vmem>>, vector<16xf32>,
        %sub3A_394 = arith.subf %get3A_393, %gather3A : vector<16xf32>
        %get3A_395 = arith.index_cast %add3A_391 : i32 to index
        %get3A_396 = tpu.vector_load %arg12[%get3A_395] {strides = array<i32>} : memref<16384xf32, #tpu.memory_space<vmem>>, vector<16xf32>,
        %sub3A_397 = arith.subf %get3A_396, %gather3A_100 : vector<16xf32>
        %get3A_398 = arith.index_cast %add3A_391 : i32 to index
        %get3A_399 = tpu.vector_load %arg13[%get3A_398] {strides = array<i32>} : memref<16384xf32, #tpu.memory_space<vmem>>, vector<16xf32>,
        %sub3A_400 = arith.subf %get3A_399, %gather3A_101 : vector<16xf32>
        %mul3A_401 = arith.mulf %sub3A_394, %sub3A_394 : vector<16xf32>
        %mul3A_402 = arith.mulf %sub3A_397, %sub3A_397 : vector<16xf32>
        %add3A_403 = arith.addf %mul3A_401, %mul3A_402 : vector<16xf32>
        %mul3A_404 = arith.mulf %sub3A_400, %sub3A_400 : vector<16xf32>
        %add3A_405 = arith.addf %add3A_403, %mul3A_404 : vector<16xf32>
        %lt3A_406 = arith.constant 0.0400000028 : f32
        %lt3A_407 = vector.broadcast %lt3A_406 : f32 to vector<16xf32>
        %lt3A_408 = arith.cmpf olt, %add3A_405, %lt3A_407 : vector<16xf32>
        %mul3A_409 = arith.constant 256 : i32
        %mul3A_410 = arith.muli %while3A_281, %mul3A_409 : i32
        %add3A_411 = arith.constant 96 : i32
        %add3A_412 = arith.addi %mul3A_410, %add3A_411 : i32
        %get3A_413 = arith.index_cast %add3A_412 : i32 to index
        %get3A_414 = tpu.vector_load %arg11[%get3A_413] {strides = array<i32>} : memref<16384xf32, #tpu.memory_space<vmem>>, vector<16xf32>,
        %sub3A_415 = arith.subf %get3A_414, %gather3A : vector<16xf32>
        %get3A_416 = arith.index_cast %add3A_412 : i32 to index
        %get3A_417 = tpu.vector_load %arg12[%get3A_416] {strides = array<i32>} : memref<16384xf32, #tpu.memory_space<vmem>>, vector<16xf32>,
        %sub3A_418 = arith.subf %get3A_417, %gather3A_100 : vector<16xf32>
        %get3A_419 = arith.index_cast %add3A_412 : i32 to index
        %get3A_420 = tpu.vector_load %arg13[%get3A_419] {strides = array<i32>} : memref<16384xf32, #tpu.memory_space<vmem>>, vector<16xf32>,
        %sub3A_421 = arith.subf %get3A_420, %gather3A_101 : vector<16xf32>
        %mul3A_422 = arith.mulf %sub3A_415, %sub3A_415 : vector<16xf32>
        %mul3A_423 = arith.mulf %sub3A_418, %sub3A_418 : vector<16xf32>
        %add3A_424 = arith.addf %mul3A_422, %mul3A_423 : vector<16xf32>
        %mul3A_425 = arith.mulf %sub3A_421, %sub3A_421 : vector<16xf32>
        %add3A_426 = arith.addf %add3A_424, %mul3A_425 : vector<16xf32>
        %lt3A_427 = arith.constant 0.0400000028 : f32
        %lt3A_428 = vector.broadcast %lt3A_427 : f32 to vector<16xf32>
        %lt3A_429 = arith.cmpf olt, %add3A_426, %lt3A_428 : vector<16xf32>
        %mul3A_430 = arith.constant 256 : i32
        %mul3A_431 = arith.muli %while3A_281, %mul3A_430 : i32
        %add3A_432 = arith.constant 112 : i32
        %add3A_433 = arith.addi %mul3A_431, %add3A_432 : i32
        %get3A_434 = arith.index_cast %add3A_433 : i32 to index
        %get3A_435 = tpu.vector_load %arg11[%get3A_434] {strides = array<i32>} : memref<16384xf32, #tpu.memory_space<vmem>>, vector<16xf32>,
        %sub3A_436 = arith.subf %get3A_435, %gather3A : vector<16xf32>
        %get3A_437 = arith.index_cast %add3A_433 : i32 to index
        %get3A_438 = tpu.vector_load %arg12[%get3A_437] {strides = array<i32>} : memref<16384xf32, #tpu.memory_space<vmem>>, vector<16xf32>,
        %sub3A_439 = arith.subf %get3A_438, %gather3A_100 : vector<16xf32>
        %get3A_440 = arith.index_cast %add3A_433 : i32 to index
        %get3A_441 = tpu.vector_load %arg13[%get3A_440] {strides = array<i32>} : memref<16384xf32, #tpu.memory_space<vmem>>, vector<16xf32>,
        %sub3A_442 = arith.subf %get3A_441, %gather3A_101 : vector<16xf32>
        %mul3A_443 = arith.mulf %sub3A_436, %sub3A_436 : vector<16xf32>
        %mul3A_444 = arith.mulf %sub3A_439, %sub3A_439 : vector<16xf32>
        %add3A_445 = arith.addf %mul3A_443, %mul3A_444 : vector<16xf32>
        %mul3A_446 = arith.mulf %sub3A_442, %sub3A_442 : vector<16xf32>
        %add3A_447 = arith.addf %add3A_445, %mul3A_446 : vector<16xf32>
        %lt3A_448 = arith.constant 0.0400000028 : f32
        %lt3A_449 = vector.broadcast %lt3A_448 : f32 to vector<16xf32>
        %lt3A_450 = arith.cmpf olt, %add3A_447, %lt3A_449 : vector<16xf32>
        %mul3A_451 = arith.constant 256 : i32
        %mul3A_452 = arith.muli %while3A_281, %mul3A_451 : i32
        %add3A_453 = arith.constant 128 : i32
        %add3A_454 = arith.addi %mul3A_452, %add3A_453 : i32
        %get3A_455 = arith.index_cast %add3A_454 : i32 to index
        %get3A_456 = tpu.vector_load %arg11[%get3A_455] {strides = array<i32>} : memref<16384xf32, #tpu.memory_space<vmem>>, vector<16xf32>,
        %sub3A_457 = arith.subf %get3A_456, %gather3A : vector<16xf32>
        %get3A_458 = arith.index_cast %add3A_454 : i32 to index
        %get3A_459 = tpu.vector_load %arg12[%get3A_458] {strides = array<i32>} : memref<16384xf32, #tpu.memory_space<vmem>>, vector<16xf32>,
        %sub3A_460 = arith.subf %get3A_459, %gather3A_100 : vector<16xf32>
        %get3A_461 = arith.index_cast %add3A_454 : i32 to index
        %get3A_462 = tpu.vector_load %arg13[%get3A_461] {strides = array<i32>} : memref<16384xf32, #tpu.memory_space<vmem>>, vector<16xf32>,
        %sub3A_463 = arith.subf %get3A_462, %gather3A_101 : vector<16xf32>
        %mul3A_464 = arith.mulf %sub3A_457, %sub3A_457 : vector<16xf32>
        %mul3A_465 = arith.mulf %sub3A_460, %sub3A_460 : vector<16xf32>
        %add3A_466 = arith.addf %mul3A_464, %mul3A_465 : vector<16xf32>
        %mul3A_467 = arith.mulf %sub3A_463, %sub3A_463 : vector<16xf32>
        %add3A_468 = arith.addf %add3A_466, %mul3A_467 : vector<16xf32>
        %lt3A_469 = arith.constant 0.0400000028 : f32
        %lt3A_470 = vector.broadcast %lt3A_469 : f32 to vector<16xf32>
        %lt3A_471 = arith.cmpf olt, %add3A_468, %lt3A_470 : vector<16xf32>
        %mul3A_472 = arith.constant 256 : i32
        %mul3A_473 = arith.muli %while3A_281, %mul3A_472 : i32
        %add3A_474 = arith.constant 144 : i32
        %add3A_475 = arith.addi %mul3A_473, %add3A_474 : i32
        %get3A_476 = arith.index_cast %add3A_475 : i32 to index
        %get3A_477 = tpu.vector_load %arg11[%get3A_476] {strides = array<i32>} : memref<16384xf32, #tpu.memory_space<vmem>>, vector<16xf32>,
        %sub3A_478 = arith.subf %get3A_477, %gather3A : vector<16xf32>
        %get3A_479 = arith.index_cast %add3A_475 : i32 to index
        %get3A_480 = tpu.vector_load %arg12[%get3A_479] {strides = array<i32>} : memref<16384xf32, #tpu.memory_space<vmem>>, vector<16xf32>,
        %sub3A_481 = arith.subf %get3A_480, %gather3A_100 : vector<16xf32>
        %get3A_482 = arith.index_cast %add3A_475 : i32 to index
        %get3A_483 = tpu.vector_load %arg13[%get3A_482] {strides = array<i32>} : memref<16384xf32, #tpu.memory_space<vmem>>, vector<16xf32>,
        %sub3A_484 = arith.subf %get3A_483, %gather3A_101 : vector<16xf32>
        %mul3A_485 = arith.mulf %sub3A_478, %sub3A_478 : vector<16xf32>
        %mul3A_486 = arith.mulf %sub3A_481, %sub3A_481 : vector<16xf32>
        %add3A_487 = arith.addf %mul3A_485, %mul3A_486 : vector<16xf32>
        %mul3A_488 = arith.mulf %sub3A_484, %sub3A_484 : vector<16xf32>
        %add3A_489 = arith.addf %add3A_487, %mul3A_488 : vector<16xf32>
        %lt3A_490 = arith.constant 0.0400000028 : f32
        %lt3A_491 = vector.broadcast %lt3A_490 : f32 to vector<16xf32>
        %lt3A_492 = arith.cmpf olt, %add3A_489, %lt3A_491 : vector<16xf32>
        %mul3A_493 = arith.constant 256 : i32
        %mul3A_494 = arith.muli %while3A_281, %mul3A_493 : i32
        %add3A_495 = arith.constant 160 : i32
        %add3A_496 = arith.addi %mul3A_494, %add3A_495 : i32
        %get3A_497 = arith.index_cast %add3A_496 : i32 to index
        %get3A_498 = tpu.vector_load %arg11[%get3A_497] {strides = array<i32>} : memref<16384xf32, #tpu.memory_space<vmem>>, vector<16xf32>,
        %sub3A_499 = arith.subf %get3A_498, %gather3A : vector<16xf32>
        %get3A_500 = arith.index_cast %add3A_496 : i32 to index
        %get3A_501 = tpu.vector_load %arg12[%get3A_500] {strides = array<i32>} : memref<16384xf32, #tpu.memory_space<vmem>>, vector<16xf32>,
        %sub3A_502 = arith.subf %get3A_501, %gather3A_100 : vector<16xf32>
        %get3A_503 = arith.index_cast %add3A_496 : i32 to index
        %get3A_504 = tpu.vector_load %arg13[%get3A_503] {strides = array<i32>} : memref<16384xf32, #tpu.memory_space<vmem>>, vector<16xf32>,
        %sub3A_505 = arith.subf %get3A_504, %gather3A_101 : vector<16xf32>
        %mul3A_506 = arith.mulf %sub3A_499, %sub3A_499 : vector<16xf32>
        %mul3A_507 = arith.mulf %sub3A_502, %sub3A_502 : vector<16xf32>
        %add3A_508 = arith.addf %mul3A_506, %mul3A_507 : vector<16xf32>
        %mul3A_509 = arith.mulf %sub3A_505, %sub3A_505 : vector<16xf32>
        %add3A_510 = arith.addf %add3A_508, %mul3A_509 : vector<16xf32>
        %lt3A_511 = arith.constant 0.0400000028 : f32
        %lt3A_512 = vector.broadcast %lt3A_511 : f32 to vector<16xf32>
        %lt3A_513 = arith.cmpf olt, %add3A_510, %lt3A_512 : vector<16xf32>
        %mul3A_514 = arith.constant 256 : i32
        %mul3A_515 = arith.muli %while3A_281, %mul3A_514 : i32
        %add3A_516 = arith.constant 176 : i32
        %add3A_517 = arith.addi %mul3A_515, %add3A_516 : i32
        %get3A_518 = arith.index_cast %add3A_517 : i32 to index
        %get3A_519 = tpu.vector_load %arg11[%get3A_518] {strides = array<i32>} : memref<16384xf32, #tpu.memory_space<vmem>>, vector<16xf32>,
        %sub3A_520 = arith.subf %get3A_519, %gather3A : vector<16xf32>
        %get3A_521 = arith.index_cast %add3A_517 : i32 to index
        %get3A_522 = tpu.vector_load %arg12[%get3A_521] {strides = array<i32>} : memref<16384xf32, #tpu.memory_space<vmem>>, vector<16xf32>,
        %sub3A_523 = arith.subf %get3A_522, %gather3A_100 : vector<16xf32>
        %get3A_524 = arith.index_cast %add3A_517 : i32 to index
        %get3A_525 = tpu.vector_load %arg13[%get3A_524] {strides = array<i32>} : memref<16384xf32, #tpu.memory_space<vmem>>, vector<16xf32>,
        %sub3A_526 = arith.subf %get3A_525, %gather3A_101 : vector<16xf32>
        %mul3A_527 = arith.mulf %sub3A_520, %sub3A_520 : vector<16xf32>
        %mul3A_528 = arith.mulf %sub3A_523, %sub3A_523 : vector<16xf32>
        %add3A_529 = arith.addf %mul3A_527, %mul3A_528 : vector<16xf32>
        %mul3A_530 = arith.mulf %sub3A_526, %sub3A_526 : vector<16xf32>
        %add3A_531 = arith.addf %add3A_529, %mul3A_530 : vector<16xf32>
        %lt3A_532 = arith.constant 0.0400000028 : f32
        %lt3A_533 = vector.broadcast %lt3A_532 : f32 to vector<16xf32>
        %lt3A_534 = arith.cmpf olt, %add3A_531, %lt3A_533 : vector<16xf32>
        %mul3A_535 = arith.constant 256 : i32
        %mul3A_536 = arith.muli %while3A_281, %mul3A_535 : i32
        %add3A_537 = arith.constant 192 : i32
        %add3A_538 = arith.addi %mul3A_536, %add3A_537 : i32
        %get3A_539 = arith.index_cast %add3A_538 : i32 to index
        %get3A_540 = tpu.vector_load %arg11[%get3A_539] {strides = array<i32>} : memref<16384xf32, #tpu.memory_space<vmem>>, vector<16xf32>,
        %sub3A_541 = arith.subf %get3A_540, %gather3A : vector<16xf32>
        %get3A_542 = arith.index_cast %add3A_538 : i32 to index
        %get3A_543 = tpu.vector_load %arg12[%get3A_542] {strides = array<i32>} : memref<16384xf32, #tpu.memory_space<vmem>>, vector<16xf32>,
        %sub3A_544 = arith.subf %get3A_543, %gather3A_100 : vector<16xf32>
        %get3A_545 = arith.index_cast %add3A_538 : i32 to index
        %get3A_546 = tpu.vector_load %arg13[%get3A_545] {strides = array<i32>} : memref<16384xf32, #tpu.memory_space<vmem>>, vector<16xf32>,
        %sub3A_547 = arith.subf %get3A_546, %gather3A_101 : vector<16xf32>
        %mul3A_548 = arith.mulf %sub3A_541, %sub3A_541 : vector<16xf32>
        %mul3A_549 = arith.mulf %sub3A_544, %sub3A_544 : vector<16xf32>
        %add3A_550 = arith.addf %mul3A_548, %mul3A_549 : vector<16xf32>
        %mul3A_551 = arith.mulf %sub3A_547, %sub3A_547 : vector<16xf32>
        %add3A_552 = arith.addf %add3A_550, %mul3A_551 : vector<16xf32>
        %lt3A_553 = arith.constant 0.0400000028 : f32
        %lt3A_554 = vector.broadcast %lt3A_553 : f32 to vector<16xf32>
        %lt3A_555 = arith.cmpf olt, %add3A_552, %lt3A_554 : vector<16xf32>
        %mul3A_556 = arith.constant 256 : i32
        %mul3A_557 = arith.muli %while3A_281, %mul3A_556 : i32
        %add3A_558 = arith.constant 208 : i32
        %add3A_559 = arith.addi %mul3A_557, %add3A_558 : i32
        %get3A_560 = arith.index_cast %add3A_559 : i32 to index
        %get3A_561 = tpu.vector_load %arg11[%get3A_560] {strides = array<i32>} : memref<16384xf32, #tpu.memory_space<vmem>>, vector<16xf32>,
        %sub3A_562 = arith.subf %get3A_561, %gather3A : vector<16xf32>
        %get3A_563 = arith.index_cast %add3A_559 : i32 to index
        %get3A_564 = tpu.vector_load %arg12[%get3A_563] {strides = array<i32>} : memref<16384xf32, #tpu.memory_space<vmem>>, vector<16xf32>,
        %sub3A_565 = arith.subf %get3A_564, %gather3A_100 : vector<16xf32>
        %get3A_566 = arith.index_cast %add3A_559 : i32 to index
        %get3A_567 = tpu.vector_load %arg13[%get3A_566] {strides = array<i32>} : memref<16384xf32, #tpu.memory_space<vmem>>, vector<16xf32>,
        %sub3A_568 = arith.subf %get3A_567, %gather3A_101 : vector<16xf32>
        %mul3A_569 = arith.mulf %sub3A_562, %sub3A_562 : vector<16xf32>
        %mul3A_570 = arith.mulf %sub3A_565, %sub3A_565 : vector<16xf32>
        %add3A_571 = arith.addf %mul3A_569, %mul3A_570 : vector<16xf32>
        %mul3A_572 = arith.mulf %sub3A_568, %sub3A_568 : vector<16xf32>
        %add3A_573 = arith.addf %add3A_571, %mul3A_572 : vector<16xf32>
        %lt3A_574 = arith.constant 0.0400000028 : f32
        %lt3A_575 = vector.broadcast %lt3A_574 : f32 to vector<16xf32>
        %lt3A_576 = arith.cmpf olt, %add3A_573, %lt3A_575 : vector<16xf32>
        %mul3A_577 = arith.constant 256 : i32
        %mul3A_578 = arith.muli %while3A_281, %mul3A_577 : i32
        %add3A_579 = arith.constant 224 : i32
        %add3A_580 = arith.addi %mul3A_578, %add3A_579 : i32
        %get3A_581 = arith.index_cast %add3A_580 : i32 to index
        %get3A_582 = tpu.vector_load %arg11[%get3A_581] {strides = array<i32>} : memref<16384xf32, #tpu.memory_space<vmem>>, vector<16xf32>,
        %sub3A_583 = arith.subf %get3A_582, %gather3A : vector<16xf32>
        %get3A_584 = arith.index_cast %add3A_580 : i32 to index
        %get3A_585 = tpu.vector_load %arg12[%get3A_584] {strides = array<i32>} : memref<16384xf32, #tpu.memory_space<vmem>>, vector<16xf32>,
        %sub3A_586 = arith.subf %get3A_585, %gather3A_100 : vector<16xf32>
        %get3A_587 = arith.index_cast %add3A_580 : i32 to index
        %get3A_588 = tpu.vector_load %arg13[%get3A_587] {strides = array<i32>} : memref<16384xf32, #tpu.memory_space<vmem>>, vector<16xf32>,
        %sub3A_589 = arith.subf %get3A_588, %gather3A_101 : vector<16xf32>
        %mul3A_590 = arith.mulf %sub3A_583, %sub3A_583 : vector<16xf32>
        %mul3A_591 = arith.mulf %sub3A_586, %sub3A_586 : vector<16xf32>
        %add3A_592 = arith.addf %mul3A_590, %mul3A_591 : vector<16xf32>
        %mul3A_593 = arith.mulf %sub3A_589, %sub3A_589 : vector<16xf32>
        %add3A_594 = arith.addf %add3A_592, %mul3A_593 : vector<16xf32>
        %lt3A_595 = arith.constant 0.0400000028 : f32
        %lt3A_596 = vector.broadcast %lt3A_595 : f32 to vector<16xf32>
        %lt3A_597 = arith.cmpf olt, %add3A_594, %lt3A_596 : vector<16xf32>
        %mul3A_598 = arith.constant 256 : i32
        %mul3A_599 = arith.muli %while3A_281, %mul3A_598 : i32
        %add3A_600 = arith.constant 240 : i32
        %add3A_601 = arith.addi %mul3A_599, %add3A_600 : i32
        %get3A_602 = arith.index_cast %add3A_601 : i32 to index
        %get3A_603 = tpu.vector_load %arg11[%get3A_602] {strides = array<i32>} : memref<16384xf32, #tpu.memory_space<vmem>>, vector<16xf32>,
        %sub3A_604 = arith.subf %get3A_603, %gather3A : vector<16xf32>
        %get3A_605 = arith.index_cast %add3A_601 : i32 to index
        %get3A_606 = tpu.vector_load %arg12[%get3A_605] {strides = array<i32>} : memref<16384xf32, #tpu.memory_space<vmem>>, vector<16xf32>,
        %sub3A_607 = arith.subf %get3A_606, %gather3A_100 : vector<16xf32>
        %get3A_608 = arith.index_cast %add3A_601 : i32 to index
        %get3A_609 = tpu.vector_load %arg13[%get3A_608] {strides = array<i32>} : memref<16384xf32, #tpu.memory_space<vmem>>, vector<16xf32>,
        %sub3A_610 = arith.subf %get3A_609, %gather3A_101 : vector<16xf32>
        %mul3A_611 = arith.mulf %sub3A_604, %sub3A_604 : vector<16xf32>
        %mul3A_612 = arith.mulf %sub3A_607, %sub3A_607 : vector<16xf32>
        %add3A_613 = arith.addf %mul3A_611, %mul3A_612 : vector<16xf32>
        %mul3A_614 = arith.mulf %sub3A_610, %sub3A_610 : vector<16xf32>
        %add3A_615 = arith.addf %add3A_613, %mul3A_614 : vector<16xf32>
        %lt3A_616 = arith.constant 0.0400000028 : f32
        %lt3A_617 = vector.broadcast %lt3A_616 : f32 to vector<16xf32>
        %lt3A_618 = arith.cmpf olt, %add3A_615, %lt3A_617 : vector<16xf32>
        %broadcast_in_dim3A_619 = vector.broadcast %while3A_282 : i32 to vector<16xi32>
        %convert_element_type3A_620 = arith.extui %lt3A_303 : vector<16xi1> to vector<16xi32>
        %broadcast_in_dim3A_621 = arith.constant true
        %broadcast_in_dim3A_622 = vector.broadcast %broadcast_in_dim3A_621 : i1 to vector<16xi1>
        %masked_cumsum3A = tpu.scan <sum>, %convert_element_type3A_620 masked %broadcast_in_dim3A_622 : vector<16xi32>, vector<16xi1> -> vector<16xi32>
        %add3A_623 = arith.addi %broadcast_in_dim3A_619, %masked_cumsum3A : vector<16xi32>
        %sub3A_624 = arith.constant 1 : i32
        %sub3A_625 = vector.broadcast %sub3A_624 : i32 to vector<16xi32>
        %sub3A_626 = arith.subi %add3A_623, %sub3A_625 : vector<16xi32>
        %lt3A_627 = arith.constant 32 : i32
        %lt3A_628 = vector.broadcast %lt3A_627 : i32 to vector<16xi32>
        %lt3A_629 = arith.cmpi slt, %sub3A_626, %lt3A_628 : vector<16xi32>
        %and3A_630 = arith.andi %lt3A_303, %lt3A_629 : vector<16xi1>
        %mul3A_631 = arith.constant 256 : i32
        %mul3A_632 = arith.muli %while3A_281, %mul3A_631 : i32
        %add3A_633 = arith.constant 0 : i32
        %add3A_634 = arith.addi %mul3A_632, %add3A_633 : i32
        %add3A_635 = vector.broadcast %add3A_634 : i32 to vector<16xi32>
        %add3A_636 = arith.addi %add3A_635, %iota3A : vector<16xi32>
        tpu.vector_store_idx %arg17[%sub3A_626], %add3A_636 masked %and3A_630 : memref<32xi32, #tpu.memory_space<vmem>>[vector<16xi32>], vector<16xi32>, vector<16xi1>
        %all_reduce_population_count3A = tpu.all_reduce %lt3A_303 {dim = 0 : i64, kind = #tpu.reduction_kind<sum>} : vector<16xi1> -> vector<16xi32>
        %add3A_637 = arith.addi %broadcast_in_dim3A_619, %all_reduce_population_count3A : vector<16xi32>
        %convert_element_type3A_638 = arith.extui %lt3A_324 : vector<16xi1> to vector<16xi32>
        %broadcast_in_dim3A_639 = arith.constant true
        %broadcast_in_dim3A_640 = vector.broadcast %broadcast_in_dim3A_639 : i1 to vector<16xi1>
        %masked_cumsum3A_641 = tpu.scan <sum>, %convert_element_type3A_638 masked %broadcast_in_dim3A_640 : vector<16xi32>, vector<16xi1> -> vector<16xi32>
        %add3A_642 = arith.addi %add3A_637, %masked_cumsum3A_641 : vector<16xi32>
        %sub3A_643 = arith.constant 1 : i32
        %sub3A_644 = vector.broadcast %sub3A_643 : i32 to vector<16xi32>
        %sub3A_645 = arith.subi %add3A_642, %sub3A_644 : vector<16xi32>
        %lt3A_646 = arith.constant 32 : i32
        %lt3A_647 = vector.broadcast %lt3A_646 : i32 to vector<16xi32>
        %lt3A_648 = arith.cmpi slt, %sub3A_645, %lt3A_647 : vector<16xi32>
        %and3A_649 = arith.andi %lt3A_324, %lt3A_648 : vector<16xi1>
        %mul3A_650 = arith.constant 256 : i32
        %mul3A_651 = arith.muli %while3A_281, %mul3A_650 : i32
        %add3A_652 = arith.constant 16 : i32
        %add3A_653 = arith.addi %mul3A_651, %add3A_652 : i32
        %add3A_654 = vector.broadcast %add3A_653 : i32 to vector<16xi32>
        %add3A_655 = arith.addi %add3A_654, %iota3A : vector<16xi32>
        tpu.vector_store_idx %arg17[%sub3A_645], %add3A_655 masked %and3A_649 : memref<32xi32, #tpu.memory_space<vmem>>[vector<16xi32>], vector<16xi32>, vector<16xi1>
        %all_reduce_population_count3A_656 = tpu.all_reduce %lt3A_324 {dim = 0 : i64, kind = #tpu.reduction_kind<sum>} : vector<16xi1> -> vector<16xi32>
        %add3A_657 = arith.addi %add3A_637, %all_reduce_population_count3A_656 : vector<16xi32>
        %convert_element_type3A_658 = arith.extui %lt3A_345 : vector<16xi1> to vector<16xi32>
        %broadcast_in_dim3A_659 = arith.constant true
        %broadcast_in_dim3A_660 = vector.broadcast %broadcast_in_dim3A_659 : i1 to vector<16xi1>
        %masked_cumsum3A_661 = tpu.scan <sum>, %convert_element_type3A_658 masked %broadcast_in_dim3A_660 : vector<16xi32>, vector<16xi1> -> vector<16xi32>
        %add3A_662 = arith.addi %add3A_657, %masked_cumsum3A_661 : vector<16xi32>
        %sub3A_663 = arith.constant 1 : i32
        %sub3A_664 = vector.broadcast %sub3A_663 : i32 to vector<16xi32>
        %sub3A_665 = arith.subi %add3A_662, %sub3A_664 : vector<16xi32>
        %lt3A_666 = arith.constant 32 : i32
        %lt3A_667 = vector.broadcast %lt3A_666 : i32 to vector<16xi32>
        %lt3A_668 = arith.cmpi slt, %sub3A_665, %lt3A_667 : vector<16xi32>
        %and3A_669 = arith.andi %lt3A_345, %lt3A_668 : vector<16xi1>
        %mul3A_670 = arith.constant 256 : i32
        %mul3A_671 = arith.muli %while3A_281, %mul3A_670 : i32
        %add3A_672 = arith.constant 32 : i32
        %add3A_673 = arith.addi %mul3A_671, %add3A_672 : i32
        %add3A_674 = vector.broadcast %add3A_673 : i32 to vector<16xi32>
        %add3A_675 = arith.addi %add3A_674, %iota3A : vector<16xi32>
        tpu.vector_store_idx %arg17[%sub3A_665], %add3A_675 masked %and3A_669 : memref<32xi32, #tpu.memory_space<vmem>>[vector<16xi32>], vector<16xi32>, vector<16xi1>
        %all_reduce_population_count3A_676 = tpu.all_reduce %lt3A_345 {dim = 0 : i64, kind = #tpu.reduction_kind<sum>} : vector<16xi1> -> vector<16xi32>
        %add3A_677 = arith.addi %add3A_657, %all_reduce_population_count3A_676 : vector<16xi32>
        %convert_element_type3A_678 = arith.extui %lt3A_366 : vector<16xi1> to vector<16xi32>
        %broadcast_in_dim3A_679 = arith.constant true
        %broadcast_in_dim3A_680 = vector.broadcast %broadcast_in_dim3A_679 : i1 to vector<16xi1>
        %masked_cumsum3A_681 = tpu.scan <sum>, %convert_element_type3A_678 masked %broadcast_in_dim3A_680 : vector<16xi32>, vector<16xi1> -> vector<16xi32>
        %add3A_682 = arith.addi %add3A_677, %masked_cumsum3A_681 : vector<16xi32>
        %sub3A_683 = arith.constant 1 : i32
        %sub3A_684 = vector.broadcast %sub3A_683 : i32 to vector<16xi32>
        %sub3A_685 = arith.subi %add3A_682, %sub3A_684 : vector<16xi32>
        %lt3A_686 = arith.constant 32 : i32
        %lt3A_687 = vector.broadcast %lt3A_686 : i32 to vector<16xi32>
        %lt3A_688 = arith.cmpi slt, %sub3A_685, %lt3A_687 : vector<16xi32>
        %and3A_689 = arith.andi %lt3A_366, %lt3A_688 : vector<16xi1>
        %mul3A_690 = arith.constant 256 : i32
        %mul3A_691 = arith.muli %while3A_281, %mul3A_690 : i32
        %add3A_692 = arith.constant 48 : i32
        %add3A_693 = arith.addi %mul3A_691, %add3A_692 : i32
        %add3A_694 = vector.broadcast %add3A_693 : i32 to vector<16xi32>
        %add3A_695 = arith.addi %add3A_694, %iota3A : vector<16xi32>
        tpu.vector_store_idx %arg17[%sub3A_685], %add3A_695 masked %and3A_689 : memref<32xi32, #tpu.memory_space<vmem>>[vector<16xi32>], vector<16xi32>, vector<16xi1>
        %all_reduce_population_count3A_696 = tpu.all_reduce %lt3A_366 {dim = 0 : i64, kind = #tpu.reduction_kind<sum>} : vector<16xi1> -> vector<16xi32>
        %add3A_697 = arith.addi %add3A_677, %all_reduce_population_count3A_696 : vector<16xi32>
        %convert_element_type3A_698 = arith.extui %lt3A_387 : vector<16xi1> to vector<16xi32>
        %broadcast_in_dim3A_699 = arith.constant true
        %broadcast_in_dim3A_700 = vector.broadcast %broadcast_in_dim3A_699 : i1 to vector<16xi1>
        %masked_cumsum3A_701 = tpu.scan <sum>, %convert_element_type3A_698 masked %broadcast_in_dim3A_700 : vector<16xi32>, vector<16xi1> -> vector<16xi32>
        %add3A_702 = arith.addi %add3A_697, %masked_cumsum3A_701 : vector<16xi32>
        %sub3A_703 = arith.constant 1 : i32
        %sub3A_704 = vector.broadcast %sub3A_703 : i32 to vector<16xi32>
        %sub3A_705 = arith.subi %add3A_702, %sub3A_704 : vector<16xi32>
        %lt3A_706 = arith.constant 32 : i32
        %lt3A_707 = vector.broadcast %lt3A_706 : i32 to vector<16xi32>
        %lt3A_708 = arith.cmpi slt, %sub3A_705, %lt3A_707 : vector<16xi32>
        %and3A_709 = arith.andi %lt3A_387, %lt3A_708 : vector<16xi1>
        %mul3A_710 = arith.constant 256 : i32
        %mul3A_711 = arith.muli %while3A_281, %mul3A_710 : i32
        %add3A_712 = arith.constant 64 : i32
        %add3A_713 = arith.addi %mul3A_711, %add3A_712 : i32
        %add3A_714 = vector.broadcast %add3A_713 : i32 to vector<16xi32>
        %add3A_715 = arith.addi %add3A_714, %iota3A : vector<16xi32>
        tpu.vector_store_idx %arg17[%sub3A_705], %add3A_715 masked %and3A_709 : memref<32xi32, #tpu.memory_space<vmem>>[vector<16xi32>], vector<16xi32>, vector<16xi1>
        %all_reduce_population_count3A_716 = tpu.all_reduce %lt3A_387 {dim = 0 : i64, kind = #tpu.reduction_kind<sum>} : vector<16xi1> -> vector<16xi32>
        %add3A_717 = arith.addi %add3A_697, %all_reduce_population_count3A_716 : vector<16xi32>
        %convert_element_type3A_718 = arith.extui %lt3A_408 : vector<16xi1> to vector<16xi32>
        %broadcast_in_dim3A_719 = arith.constant true
        %broadcast_in_dim3A_720 = vector.broadcast %broadcast_in_dim3A_719 : i1 to vector<16xi1>
        %masked_cumsum3A_721 = tpu.scan <sum>, %convert_element_type3A_718 masked %broadcast_in_dim3A_720 : vector<16xi32>, vector<16xi1> -> vector<16xi32>
        %add3A_722 = arith.addi %add3A_717, %masked_cumsum3A_721 : vector<16xi32>
        %sub3A_723 = arith.constant 1 : i32
        %sub3A_724 = vector.broadcast %sub3A_723 : i32 to vector<16xi32>
        %sub3A_725 = arith.subi %add3A_722, %sub3A_724 : vector<16xi32>
        %lt3A_726 = arith.constant 32 : i32
        %lt3A_727 = vector.broadcast %lt3A_726 : i32 to vector<16xi32>
        %lt3A_728 = arith.cmpi slt, %sub3A_725, %lt3A_727 : vector<16xi32>
        %and3A_729 = arith.andi %lt3A_408, %lt3A_728 : vector<16xi1>
        %mul3A_730 = arith.constant 256 : i32
        %mul3A_731 = arith.muli %while3A_281, %mul3A_730 : i32
        %add3A_732 = arith.constant 80 : i32
        %add3A_733 = arith.addi %mul3A_731, %add3A_732 : i32
        %add3A_734 = vector.broadcast %add3A_733 : i32 to vector<16xi32>
        %add3A_735 = arith.addi %add3A_734, %iota3A : vector<16xi32>
        tpu.vector_store_idx %arg17[%sub3A_725], %add3A_735 masked %and3A_729 : memref<32xi32, #tpu.memory_space<vmem>>[vector<16xi32>], vector<16xi32>, vector<16xi1>
        %all_reduce_population_count3A_736 = tpu.all_reduce %lt3A_408 {dim = 0 : i64, kind = #tpu.reduction_kind<sum>} : vector<16xi1> -> vector<16xi32>
        %add3A_737 = arith.addi %add3A_717, %all_reduce_population_count3A_736 : vector<16xi32>
        %convert_element_type3A_738 = arith.extui %lt3A_429 : vector<16xi1> to vector<16xi32>
        %broadcast_in_dim3A_739 = arith.constant true
        %broadcast_in_dim3A_740 = vector.broadcast %broadcast_in_dim3A_739 : i1 to vector<16xi1>
        %masked_cumsum3A_741 = tpu.scan <sum>, %convert_element_type3A_738 masked %broadcast_in_dim3A_740 : vector<16xi32>, vector<16xi1> -> vector<16xi32>
        %add3A_742 = arith.addi %add3A_737, %masked_cumsum3A_741 : vector<16xi32>
        %sub3A_743 = arith.constant 1 : i32
        %sub3A_744 = vector.broadcast %sub3A_743 : i32 to vector<16xi32>
        %sub3A_745 = arith.subi %add3A_742, %sub3A_744 : vector<16xi32>
        %lt3A_746 = arith.constant 32 : i32
        %lt3A_747 = vector.broadcast %lt3A_746 : i32 to vector<16xi32>
        %lt3A_748 = arith.cmpi slt, %sub3A_745, %lt3A_747 : vector<16xi32>
        %and3A_749 = arith.andi %lt3A_429, %lt3A_748 : vector<16xi1>
        %mul3A_750 = arith.constant 256 : i32
        %mul3A_751 = arith.muli %while3A_281, %mul3A_750 : i32
        %add3A_752 = arith.constant 96 : i32
        %add3A_753 = arith.addi %mul3A_751, %add3A_752 : i32
        %add3A_754 = vector.broadcast %add3A_753 : i32 to vector<16xi32>
        %add3A_755 = arith.addi %add3A_754, %iota3A : vector<16xi32>
        tpu.vector_store_idx %arg17[%sub3A_745], %add3A_755 masked %and3A_749 : memref<32xi32, #tpu.memory_space<vmem>>[vector<16xi32>], vector<16xi32>, vector<16xi1>
        %all_reduce_population_count3A_756 = tpu.all_reduce %lt3A_429 {dim = 0 : i64, kind = #tpu.reduction_kind<sum>} : vector<16xi1> -> vector<16xi32>
        %add3A_757 = arith.addi %add3A_737, %all_reduce_population_count3A_756 : vector<16xi32>
        %convert_element_type3A_758 = arith.extui %lt3A_450 : vector<16xi1> to vector<16xi32>
        %broadcast_in_dim3A_759 = arith.constant true
        %broadcast_in_dim3A_760 = vector.broadcast %broadcast_in_dim3A_759 : i1 to vector<16xi1>
        %masked_cumsum3A_761 = tpu.scan <sum>, %convert_element_type3A_758 masked %broadcast_in_dim3A_760 : vector<16xi32>, vector<16xi1> -> vector<16xi32>
        %add3A_762 = arith.addi %add3A_757, %masked_cumsum3A_761 : vector<16xi32>
        %sub3A_763 = arith.constant 1 : i32
        %sub3A_764 = vector.broadcast %sub3A_763 : i32 to vector<16xi32>
        %sub3A_765 = arith.subi %add3A_762, %sub3A_764 : vector<16xi32>
        %lt3A_766 = arith.constant 32 : i32
        %lt3A_767 = vector.broadcast %lt3A_766 : i32 to vector<16xi32>
        %lt3A_768 = arith.cmpi slt, %sub3A_765, %lt3A_767 : vector<16xi32>
        %and3A_769 = arith.andi %lt3A_450, %lt3A_768 : vector<16xi1>
        %mul3A_770 = arith.constant 256 : i32
        %mul3A_771 = arith.muli %while3A_281, %mul3A_770 : i32
        %add3A_772 = arith.constant 112 : i32
        %add3A_773 = arith.addi %mul3A_771, %add3A_772 : i32
        %add3A_774 = vector.broadcast %add3A_773 : i32 to vector<16xi32>
        %add3A_775 = arith.addi %add3A_774, %iota3A : vector<16xi32>
        tpu.vector_store_idx %arg17[%sub3A_765], %add3A_775 masked %and3A_769 : memref<32xi32, #tpu.memory_space<vmem>>[vector<16xi32>], vector<16xi32>, vector<16xi1>
        %all_reduce_population_count3A_776 = tpu.all_reduce %lt3A_450 {dim = 0 : i64, kind = #tpu.reduction_kind<sum>} : vector<16xi1> -> vector<16xi32>
        %add3A_777 = arith.addi %add3A_757, %all_reduce_population_count3A_776 : vector<16xi32>
        %convert_element_type3A_778 = arith.extui %lt3A_471 : vector<16xi1> to vector<16xi32>
        %broadcast_in_dim3A_779 = arith.constant true
        %broadcast_in_dim3A_780 = vector.broadcast %broadcast_in_dim3A_779 : i1 to vector<16xi1>
        %masked_cumsum3A_781 = tpu.scan <sum>, %convert_element_type3A_778 masked %broadcast_in_dim3A_780 : vector<16xi32>, vector<16xi1> -> vector<16xi32>
        %add3A_782 = arith.addi %add3A_777, %masked_cumsum3A_781 : vector<16xi32>
        %sub3A_783 = arith.constant 1 : i32
        %sub3A_784 = vector.broadcast %sub3A_783 : i32 to vector<16xi32>
        %sub3A_785 = arith.subi %add3A_782, %sub3A_784 : vector<16xi32>
        %lt3A_786 = arith.constant 32 : i32
        %lt3A_787 = vector.broadcast %lt3A_786 : i32 to vector<16xi32>
        %lt3A_788 = arith.cmpi slt, %sub3A_785, %lt3A_787 : vector<16xi32>
        %and3A_789 = arith.andi %lt3A_471, %lt3A_788 : vector<16xi1>
        %mul3A_790 = arith.constant 256 : i32
        %mul3A_791 = arith.muli %while3A_281, %mul3A_790 : i32
        %add3A_792 = arith.constant 128 : i32
        %add3A_793 = arith.addi %mul3A_791, %add3A_792 : i32
        %add3A_794 = vector.broadcast %add3A_793 : i32 to vector<16xi32>
        %add3A_795 = arith.addi %add3A_794, %iota3A : vector<16xi32>
        tpu.vector_store_idx %arg17[%sub3A_785], %add3A_795 masked %and3A_789 : memref<32xi32, #tpu.memory_space<vmem>>[vector<16xi32>], vector<16xi32>, vector<16xi1>
        %all_reduce_population_count3A_796 = tpu.all_reduce %lt3A_471 {dim = 0 : i64, kind = #tpu.reduction_kind<sum>} : vector<16xi1> -> vector<16xi32>
        %add3A_797 = arith.addi %add3A_777, %all_reduce_population_count3A_796 : vector<16xi32>
        %convert_element_type3A_798 = arith.extui %lt3A_492 : vector<16xi1> to vector<16xi32>
        %broadcast_in_dim3A_799 = arith.constant true
        %broadcast_in_dim3A_800 = vector.broadcast %broadcast_in_dim3A_799 : i1 to vector<16xi1>
        %masked_cumsum3A_801 = tpu.scan <sum>, %convert_element_type3A_798 masked %broadcast_in_dim3A_800 : vector<16xi32>, vector<16xi1> -> vector<16xi32>
        %add3A_802 = arith.addi %add3A_797, %masked_cumsum3A_801 : vector<16xi32>
        %sub3A_803 = arith.constant 1 : i32
        %sub3A_804 = vector.broadcast %sub3A_803 : i32 to vector<16xi32>
        %sub3A_805 = arith.subi %add3A_802, %sub3A_804 : vector<16xi32>
        %lt3A_806 = arith.constant 32 : i32
        %lt3A_807 = vector.broadcast %lt3A_806 : i32 to vector<16xi32>
        %lt3A_808 = arith.cmpi slt, %sub3A_805, %lt3A_807 : vector<16xi32>
        %and3A_809 = arith.andi %lt3A_492, %lt3A_808 : vector<16xi1>
        %mul3A_810 = arith.constant 256 : i32
        %mul3A_811 = arith.muli %while3A_281, %mul3A_810 : i32
        %add3A_812 = arith.constant 144 : i32
        %add3A_813 = arith.addi %mul3A_811, %add3A_812 : i32
        %add3A_814 = vector.broadcast %add3A_813 : i32 to vector<16xi32>
        %add3A_815 = arith.addi %add3A_814, %iota3A : vector<16xi32>
        tpu.vector_store_idx %arg17[%sub3A_805], %add3A_815 masked %and3A_809 : memref<32xi32, #tpu.memory_space<vmem>>[vector<16xi32>], vector<16xi32>, vector<16xi1>
        %all_reduce_population_count3A_816 = tpu.all_reduce %lt3A_492 {dim = 0 : i64, kind = #tpu.reduction_kind<sum>} : vector<16xi1> -> vector<16xi32>
        %add3A_817 = arith.addi %add3A_797, %all_reduce_population_count3A_816 : vector<16xi32>
        %convert_element_type3A_818 = arith.extui %lt3A_513 : vector<16xi1> to vector<16xi32>
        %broadcast_in_dim3A_819 = arith.constant true
        %broadcast_in_dim3A_820 = vector.broadcast %broadcast_in_dim3A_819 : i1 to vector<16xi1>
        %masked_cumsum3A_821 = tpu.scan <sum>, %convert_element_type3A_818 masked %broadcast_in_dim3A_820 : vector<16xi32>, vector<16xi1> -> vector<16xi32>
        %add3A_822 = arith.addi %add3A_817, %masked_cumsum3A_821 : vector<16xi32>
        %sub3A_823 = arith.constant 1 : i32
        %sub3A_824 = vector.broadcast %sub3A_823 : i32 to vector<16xi32>
        %sub3A_825 = arith.subi %add3A_822, %sub3A_824 : vector<16xi32>
        %lt3A_826 = arith.constant 32 : i32
        %lt3A_827 = vector.broadcast %lt3A_826 : i32 to vector<16xi32>
        %lt3A_828 = arith.cmpi slt, %sub3A_825, %lt3A_827 : vector<16xi32>
        %and3A_829 = arith.andi %lt3A_513, %lt3A_828 : vector<16xi1>
        %mul3A_830 = arith.constant 256 : i32
        %mul3A_831 = arith.muli %while3A_281, %mul3A_830 : i32
        %add3A_832 = arith.constant 160 : i32
        %add3A_833 = arith.addi %mul3A_831, %add3A_832 : i32
        %add3A_834 = vector.broadcast %add3A_833 : i32 to vector<16xi32>
        %add3A_835 = arith.addi %add3A_834, %iota3A : vector<16xi32>
        tpu.vector_store_idx %arg17[%sub3A_825], %add3A_835 masked %and3A_829 : memref<32xi32, #tpu.memory_space<vmem>>[vector<16xi32>], vector<16xi32>, vector<16xi1>
        %all_reduce_population_count3A_836 = tpu.all_reduce %lt3A_513 {dim = 0 : i64, kind = #tpu.reduction_kind<sum>} : vector<16xi1> -> vector<16xi32>
        %add3A_837 = arith.addi %add3A_817, %all_reduce_population_count3A_836 : vector<16xi32>
        %convert_element_type3A_838 = arith.extui %lt3A_534 : vector<16xi1> to vector<16xi32>
        %broadcast_in_dim3A_839 = arith.constant true
        %broadcast_in_dim3A_840 = vector.broadcast %broadcast_in_dim3A_839 : i1 to vector<16xi1>
        %masked_cumsum3A_841 = tpu.scan <sum>, %convert_element_type3A_838 masked %broadcast_in_dim3A_840 : vector<16xi32>, vector<16xi1> -> vector<16xi32>
        %add3A_842 = arith.addi %add3A_837, %masked_cumsum3A_841 : vector<16xi32>
        %sub3A_843 = arith.constant 1 : i32
        %sub3A_844 = vector.broadcast %sub3A_843 : i32 to vector<16xi32>
        %sub3A_845 = arith.subi %add3A_842, %sub3A_844 : vector<16xi32>
        %lt3A_846 = arith.constant 32 : i32
        %lt3A_847 = vector.broadcast %lt3A_846 : i32 to vector<16xi32>
        %lt3A_848 = arith.cmpi slt, %sub3A_845, %lt3A_847 : vector<16xi32>
        %and3A_849 = arith.andi %lt3A_534, %lt3A_848 : vector<16xi1>
        %mul3A_850 = arith.constant 256 : i32
        %mul3A_851 = arith.muli %while3A_281, %mul3A_850 : i32
        %add3A_852 = arith.constant 176 : i32
        %add3A_853 = arith.addi %mul3A_851, %add3A_852 : i32
        %add3A_854 = vector.broadcast %add3A_853 : i32 to vector<16xi32>
        %add3A_855 = arith.addi %add3A_854, %iota3A : vector<16xi32>
        tpu.vector_store_idx %arg17[%sub3A_845], %add3A_855 masked %and3A_849 : memref<32xi32, #tpu.memory_space<vmem>>[vector<16xi32>], vector<16xi32>, vector<16xi1>
        %all_reduce_population_count3A_856 = tpu.all_reduce %lt3A_534 {dim = 0 : i64, kind = #tpu.reduction_kind<sum>} : vector<16xi1> -> vector<16xi32>
        %add3A_857 = arith.addi %add3A_837, %all_reduce_population_count3A_856 : vector<16xi32>
        %convert_element_type3A_858 = arith.extui %lt3A_555 : vector<16xi1> to vector<16xi32>
        %broadcast_in_dim3A_859 = arith.constant true
        %broadcast_in_dim3A_860 = vector.broadcast %broadcast_in_dim3A_859 : i1 to vector<16xi1>
        %masked_cumsum3A_861 = tpu.scan <sum>, %convert_element_type3A_858 masked %broadcast_in_dim3A_860 : vector<16xi32>, vector<16xi1> -> vector<16xi32>
        %add3A_862 = arith.addi %add3A_857, %masked_cumsum3A_861 : vector<16xi32>
        %sub3A_863 = arith.constant 1 : i32
        %sub3A_864 = vector.broadcast %sub3A_863 : i32 to vector<16xi32>
        %sub3A_865 = arith.subi %add3A_862, %sub3A_864 : vector<16xi32>
        %lt3A_866 = arith.constant 32 : i32
        %lt3A_867 = vector.broadcast %lt3A_866 : i32 to vector<16xi32>
        %lt3A_868 = arith.cmpi slt, %sub3A_865, %lt3A_867 : vector<16xi32>
        %and3A_869 = arith.andi %lt3A_555, %lt3A_868 : vector<16xi1>
        %mul3A_870 = arith.constant 256 : i32
        %mul3A_871 = arith.muli %while3A_281, %mul3A_870 : i32
        %add3A_872 = arith.constant 192 : i32
        %add3A_873 = arith.addi %mul3A_871, %add3A_872 : i32
        %add3A_874 = vector.broadcast %add3A_873 : i32 to vector<16xi32>
        %add3A_875 = arith.addi %add3A_874, %iota3A : vector<16xi32>
        tpu.vector_store_idx %arg17[%sub3A_865], %add3A_875 masked %and3A_869 : memref<32xi32, #tpu.memory_space<vmem>>[vector<16xi32>], vector<16xi32>, vector<16xi1>
        %all_reduce_population_count3A_876 = tpu.all_reduce %lt3A_555 {dim = 0 : i64, kind = #tpu.reduction_kind<sum>} : vector<16xi1> -> vector<16xi32>
        %add3A_877 = arith.addi %add3A_857, %all_reduce_population_count3A_876 : vector<16xi32>
        %convert_element_type3A_878 = arith.extui %lt3A_576 : vector<16xi1> to vector<16xi32>
        %broadcast_in_dim3A_879 = arith.constant true
        %broadcast_in_dim3A_880 = vector.broadcast %broadcast_in_dim3A_879 : i1 to vector<16xi1>
        %masked_cumsum3A_881 = tpu.scan <sum>, %convert_element_type3A_878 masked %broadcast_in_dim3A_880 : vector<16xi32>, vector<16xi1> -> vector<16xi32>
        %add3A_882 = arith.addi %add3A_877, %masked_cumsum3A_881 : vector<16xi32>
        %sub3A_883 = arith.constant 1 : i32
        %sub3A_884 = vector.broadcast %sub3A_883 : i32 to vector<16xi32>
        %sub3A_885 = arith.subi %add3A_882, %sub3A_884 : vector<16xi32>
        %lt3A_886 = arith.constant 32 : i32
        %lt3A_887 = vector.broadcast %lt3A_886 : i32 to vector<16xi32>
        %lt3A_888 = arith.cmpi slt, %sub3A_885, %lt3A_887 : vector<16xi32>
        %and3A_889 = arith.andi %lt3A_576, %lt3A_888 : vector<16xi1>
        %mul3A_890 = arith.constant 256 : i32
        %mul3A_891 = arith.muli %while3A_281, %mul3A_890 : i32
        %add3A_892 = arith.constant 208 : i32
        %add3A_893 = arith.addi %mul3A_891, %add3A_892 : i32
        %add3A_894 = vector.broadcast %add3A_893 : i32 to vector<16xi32>
        %add3A_895 = arith.addi %add3A_894, %iota3A : vector<16xi32>
        tpu.vector_store_idx %arg17[%sub3A_885], %add3A_895 masked %and3A_889 : memref<32xi32, #tpu.memory_space<vmem>>[vector<16xi32>], vector<16xi32>, vector<16xi1>
        %all_reduce_population_count3A_896 = tpu.all_reduce %lt3A_576 {dim = 0 : i64, kind = #tpu.reduction_kind<sum>} : vector<16xi1> -> vector<16xi32>
        %add3A_897 = arith.addi %add3A_877, %all_reduce_population_count3A_896 : vector<16xi32>
        %convert_element_type3A_898 = arith.extui %lt3A_597 : vector<16xi1> to vector<16xi32>
        %broadcast_in_dim3A_899 = arith.constant true
        %broadcast_in_dim3A_900 = vector.broadcast %broadcast_in_dim3A_899 : i1 to vector<16xi1>
        %masked_cumsum3A_901 = tpu.scan <sum>, %convert_element_type3A_898 masked %broadcast_in_dim3A_900 : vector<16xi32>, vector<16xi1> -> vector<16xi32>
        %add3A_902 = arith.addi %add3A_897, %masked_cumsum3A_901 : vector<16xi32>
        %sub3A_903 = arith.constant 1 : i32
        %sub3A_904 = vector.broadcast %sub3A_903 : i32 to vector<16xi32>
        %sub3A_905 = arith.subi %add3A_902, %sub3A_904 : vector<16xi32>
        %lt3A_906 = arith.constant 32 : i32
        %lt3A_907 = vector.broadcast %lt3A_906 : i32 to vector<16xi32>
        %lt3A_908 = arith.cmpi slt, %sub3A_905, %lt3A_907 : vector<16xi32>
        %and3A_909 = arith.andi %lt3A_597, %lt3A_908 : vector<16xi1>
        %mul3A_910 = arith.constant 256 : i32
        %mul3A_911 = arith.muli %while3A_281, %mul3A_910 : i32
        %add3A_912 = arith.constant 224 : i32
        %add3A_913 = arith.addi %mul3A_911, %add3A_912 : i32
        %add3A_914 = vector.broadcast %add3A_913 : i32 to vector<16xi32>
        %add3A_915 = arith.addi %add3A_914, %iota3A : vector<16xi32>
        tpu.vector_store_idx %arg17[%sub3A_905], %add3A_915 masked %and3A_909 : memref<32xi32, #tpu.memory_space<vmem>>[vector<16xi32>], vector<16xi32>, vector<16xi1>
        %all_reduce_population_count3A_916 = tpu.all_reduce %lt3A_597 {dim = 0 : i64, kind = #tpu.reduction_kind<sum>} : vector<16xi1> -> vector<16xi32>
        %add3A_917 = arith.addi %add3A_897, %all_reduce_population_count3A_916 : vector<16xi32>
        %convert_element_type3A_918 = arith.extui %lt3A_618 : vector<16xi1> to vector<16xi32>
        %broadcast_in_dim3A_919 = arith.constant true
        %broadcast_in_dim3A_920 = vector.broadcast %broadcast_in_dim3A_919 : i1 to vector<16xi1>
        %masked_cumsum3A_921 = tpu.scan <sum>, %convert_element_type3A_918 masked %broadcast_in_dim3A_920 : vector<16xi32>, vector<16xi1> -> vector<16xi32>
        %add3A_922 = arith.addi %add3A_917, %masked_cumsum3A_921 : vector<16xi32>
        %sub3A_923 = arith.constant 1 : i32
        %sub3A_924 = vector.broadcast %sub3A_923 : i32 to vector<16xi32>
        %sub3A_925 = arith.subi %add3A_922, %sub3A_924 : vector<16xi32>
        %lt3A_926 = arith.constant 32 : i32
        %lt3A_927 = vector.broadcast %lt3A_926 : i32 to vector<16xi32>
        %lt3A_928 = arith.cmpi slt, %sub3A_925, %lt3A_927 : vector<16xi32>
        %and3A_929 = arith.andi %lt3A_618, %lt3A_928 : vector<16xi1>
        %mul3A_930 = arith.constant 256 : i32
        %mul3A_931 = arith.muli %while3A_281, %mul3A_930 : i32
        %add3A_932 = arith.constant 240 : i32
        %add3A_933 = arith.addi %mul3A_931, %add3A_932 : i32
        %add3A_934 = vector.broadcast %add3A_933 : i32 to vector<16xi32>
        %add3A_935 = arith.addi %add3A_934, %iota3A : vector<16xi32>
        tpu.vector_store_idx %arg17[%sub3A_925], %add3A_935 masked %and3A_929 : memref<32xi32, #tpu.memory_space<vmem>>[vector<16xi32>], vector<16xi32>, vector<16xi1>
        %all_reduce_population_count3A_936 = tpu.all_reduce %lt3A_618 {dim = 0 : i64, kind = #tpu.reduction_kind<sum>} : vector<16xi1> -> vector<16xi32>
        %add3A_937 = arith.addi %add3A_917, %all_reduce_population_count3A_936 : vector<16xi32>
        %add3A_938 = arith.constant 1 : i32
        %add3A_939 = arith.addi %while3A_281, %add3A_938 : i32
        %slice3A = vector.extract_strided_slice %add3A_937 {offsets = [0], sizes = [1], strides = [1]} : vector<16xi32> to vector<1xi32>
        %squeeze3A = vector.extract %slice3A[0] : i32 from vector<1xi32>
        scf.yield %add3A_939, %squeeze3A : i32, i32
      }
      %broadcast_in_dim3A_104 = vector.broadcast %while3A_103#1 : i32 to vector<16xi32>
      %gather3A_105 = tpu.vector_load_idx %arg17[%mul3A_35] : memref<32xi32, #tpu.memory_space<vmem>>[vector<16xi32>], vector<16xi32>,
      %gt3A = arith.constant 0 : i32
      %gt3A_106 = vector.broadcast %gt3A : i32 to vector<16xi32>
      %gt3A_107 = arith.cmpi sgt, %broadcast_in_dim3A_104, %gt3A_106 : vector<16xi32>
      %jit3A_108 = arith.constant 0 : i32
      %broadcast_in_dim3A_109 = vector.broadcast %jit3A_108 : i32 to vector<16xi32>
      %select_n3A_110 = arith.select %gt3A_107, %gather3A_105, %broadcast_in_dim3A_109 : vector<16xi1>, vector<16xi32>
      %get3A = arith.constant 0 : index
      %get3A_111 = tpu.vector_load %arg17[%get3A] {strides = array<i32>} : memref<32xi32, #tpu.memory_space<vmem>>, vector<16xi32>,
      %add3A_112 = arith.constant 0 : i32
      %add3A_113 = vector.broadcast %add3A_112 : i32 to vector<16xi32>
      %add3A_114 = arith.addi %iota3A, %add3A_113 : vector<16xi32>
      %lt3A_115 = arith.cmpi slt, %add3A_114, %broadcast_in_dim3A_104 : vector<16xi32>
      %select_n3A_116 = arith.select %lt3A_115, %get3A_111, %select_n3A_110 : vector<16xi1>, vector<16xi32>
      %swap3A = arith.constant 0 : index
      %swap3A_117 = tpu.vector_load %arg17[%swap3A] {strides = array<i32>} : memref<32xi32, #tpu.memory_space<vmem>>, vector<16xi32>,
      tpu.vector_store %arg17[%swap3A], %select_n3A_116 {strides = array<i32>} : memref<32xi32, #tpu.memory_space<vmem>>, vector<16xi32>,
      %get3A_118 = arith.constant 16 : index
      %get3A_119 = tpu.vector_load %arg17[%get3A_118] {strides = array<i32>} : memref<32xi32, #tpu.memory_space<vmem>>, vector<16xi32>,
      %add3A_120 = arith.constant 16 : i32
      %add3A_121 = vector.broadcast %add3A_120 : i32 to vector<16xi32>
      %add3A_122 = arith.addi %iota3A, %add3A_121 : vector<16xi32>
      %lt3A_123 = arith.cmpi slt, %add3A_122, %broadcast_in_dim3A_104 : vector<16xi32>
      %select_n3A_124 = arith.select %lt3A_123, %get3A_119, %select_n3A_110 : vector<16xi1>, vector<16xi32>
      %swap3A_125 = arith.constant 16 : index
      %swap3A_126 = tpu.vector_load %arg17[%swap3A_125] {strides = array<i32>} : memref<32xi32, #tpu.memory_space<vmem>>, vector<16xi32>,
      tpu.vector_store %arg17[%swap3A_125], %select_n3A_124 {strides = array<i32>} : memref<32xi32, #tpu.memory_space<vmem>>, vector<16xi32>,
      %get3A_127 = arith.constant 0 : index
      %get3A_128 = tpu.vector_load %arg17[%get3A_127] {strides = array<i32>} : memref<32xi32, #tpu.memory_space<vmem>>, vector<16xi32>,
      %add3A_129 = arith.constant 0 : i32
      %add3A_130 = vector.broadcast %add3A_129 : i32 to vector<16xi32>
      %add3A_131 = arith.addi %iota3A, %add3A_130 : vector<16xi32>
      %gather3A_132 = tpu.vector_load_idx %arg11[%get3A_128] : memref<16384xf32, #tpu.memory_space<vmem>>[vector<16xi32>], vector<16xf32>,
      %sub3A_133 = arith.subf %gather3A_132, %gather3A : vector<16xf32>
      %gather3A_134 = tpu.vector_load_idx %arg12[%get3A_128] : memref<16384xf32, #tpu.memory_space<vmem>>[vector<16xi32>], vector<16xf32>,
      %sub3A_135 = arith.subf %gather3A_134, %gather3A_100 : vector<16xf32>
      %gather3A_136 = tpu.vector_load_idx %arg13[%get3A_128] : memref<16384xf32, #tpu.memory_space<vmem>>[vector<16xi32>], vector<16xf32>,
      %sub3A_137 = arith.subf %gather3A_136, %gather3A_101 : vector<16xf32>
      tpu.vector_store_idx %arg19[%add3A_131, %mul3A_35], %sub3A_133 : memref<32x3xf32, #tpu.memory_space<vmem>>[vector<16xi32>, vector<16xi32>], vector<16xf32>,
      %add3A_138 = arith.constant 1 : i32
      %add3A_139 = vector.broadcast %add3A_138 : i32 to vector<16xi32>
      %add3A_140 = arith.addi %mul3A_35, %add3A_139 : vector<16xi32>
      tpu.vector_store_idx %arg19[%add3A_131, %add3A_140], %sub3A_135 : memref<32x3xf32, #tpu.memory_space<vmem>>[vector<16xi32>, vector<16xi32>], vector<16xf32>,
      %add3A_141 = arith.constant 2 : i32
      %add3A_142 = vector.broadcast %add3A_141 : i32 to vector<16xi32>
      %add3A_143 = arith.addi %mul3A_35, %add3A_142 : vector<16xi32>
      tpu.vector_store_idx %arg19[%add3A_131, %add3A_143], %sub3A_137 : memref<32x3xf32, #tpu.memory_space<vmem>>[vector<16xi32>, vector<16xi32>], vector<16xf32>,
      %get3A_144 = arith.constant 16 : index
      %get3A_145 = tpu.vector_load %arg17[%get3A_144] {strides = array<i32>} : memref<32xi32, #tpu.memory_space<vmem>>, vector<16xi32>,
      %add3A_146 = arith.constant 16 : i32
      %add3A_147 = vector.broadcast %add3A_146 : i32 to vector<16xi32>
      %add3A_148 = arith.addi %iota3A, %add3A_147 : vector<16xi32>
      %gather3A_149 = tpu.vector_load_idx %arg11[%get3A_145] : memref<16384xf32, #tpu.memory_space<vmem>>[vector<16xi32>], vector<16xf32>,
      %sub3A_150 = arith.subf %gather3A_149, %gather3A : vector<16xf32>
      %gather3A_151 = tpu.vector_load_idx %arg12[%get3A_145] : memref<16384xf32, #tpu.memory_space<vmem>>[vector<16xi32>], vector<16xf32>,
      %sub3A_152 = arith.subf %gather3A_151, %gather3A_100 : vector<16xf32>
      %gather3A_153 = tpu.vector_load_idx %arg13[%get3A_145] : memref<16384xf32, #tpu.memory_space<vmem>>[vector<16xi32>], vector<16xf32>,
      %sub3A_154 = arith.subf %gather3A_153, %gather3A_101 : vector<16xf32>
      tpu.vector_store_idx %arg19[%add3A_148, %mul3A_35], %sub3A_150 : memref<32x3xf32, #tpu.memory_space<vmem>>[vector<16xi32>, vector<16xi32>], vector<16xf32>,
      %add3A_155 = arith.constant 1 : i32
      %add3A_156 = vector.broadcast %add3A_155 : i32 to vector<16xi32>
      %add3A_157 = arith.addi %mul3A_35, %add3A_156 : vector<16xi32>
      tpu.vector_store_idx %arg19[%add3A_148, %add3A_157], %sub3A_152 : memref<32x3xf32, #tpu.memory_space<vmem>>[vector<16xi32>, vector<16xi32>], vector<16xf32>,
      %add3A_158 = arith.constant 2 : i32
      %add3A_159 = vector.broadcast %add3A_158 : i32 to vector<16xi32>
      %add3A_160 = arith.addi %mul3A_35, %add3A_159 : vector<16xi32>
      tpu.vector_store_idx %arg19[%add3A_148, %add3A_160], %sub3A_154 : memref<32x3xf32, #tpu.memory_space<vmem>>[vector<16xi32>, vector<16xi32>], vector<16xf32>,
      %dma_start3A_161 = arith.constant 0 : i32
      %dma_start3A_162 = arith.constant 0 : i32
      %dma_start3A_163 = tpu.memref_slice %arg8[%select_n3A, %dma_start3A_161, %dma_start3A_162] : memref<8x16384x64xf32, #tpu.memory_space<hbm>> -> memref<1x16384x64xf32, #tpu.memory_space<hbm>>
      %dma_start3A_164 = tpu.memref_squeeze %dma_start3A_163 : memref<1x16384x64xf32, #tpu.memory_space<hbm>> -> memref<16384x64xf32, #tpu.memory_space<hbm>>
      %dma_start3A_165 = arith.constant 0 : i32
      %dma_start3A_166 = arith.constant 0 : i32
      %dma_start3A_167 = tpu.memref_slice %dma_start3A_164[%dma_start3A_165, %dma_start3A_166] : memref<16384x64xf32, #tpu.memory_space<hbm>> -> memref<16384x64xf32, #tpu.memory_space<hbm>>
      tpu.enqueue_indirect_dma source(%dma_start3A_167 : memref<16384x64xf32, #tpu.memory_space<hbm>>) target(%arg21 : memref<32x64xf32, #tpu.memory_space<vmem>>) offsets(%arg17 : memref<32xi32, #tpu.memory_space<vmem>>) semaphore(%arg23 : memref<!tpu.dma_semaphore, #tpu.memory_space<semaphore_mem>>)
      %add3A_168 = arith.addi %mul3A_32, %add3A_97 : i32
      %dma_start3A_169 = arith.constant 0 : i32
      %dma_start3A_170 = arith.constant 0 : i32
      %dma_start3A_171 = tpu.memref_slice %arg9[%select_n3A, %add3A_168, %dma_start3A_169, %dma_start3A_170] : memref<8x512x32x3xf32, #tpu.memory_space<hbm>> -> memref<1x1x32x3xf32, #tpu.memory_space<hbm>>
      %dma_start3A_172 = tpu.memref_squeeze %dma_start3A_171 : memref<1x1x32x3xf32, #tpu.memory_space<hbm>> -> memref<32x3xf32, #tpu.memory_space<hbm>>
      %dma_start3A_173 = arith.constant 0 : i32
      %dma_start3A_174 = arith.constant 0 : i32
      %dma_start3A_175 = tpu.memref_slice %arg9[%select_n3A, %add3A_168, %dma_start3A_173, %dma_start3A_174] : memref<8x512x32x3xf32, #tpu.memory_space<hbm>> -> memref<1x1x32x3xf32, #tpu.memory_space<hbm>>
      %dma_start3A_176 = tpu.memref_squeeze %dma_start3A_175 : memref<1x1x32x3xf32, #tpu.memory_space<hbm>> -> memref<32x3xf32, #tpu.memory_space<hbm>>
      tpu.enqueue_dma source(%arg19 : memref<32x3xf32, #tpu.memory_space<vmem>>) target(%dma_start3A_176 : memref<32x3xf32, #tpu.memory_space<hbm>>) target_semaphore(%arg27 : memref<!tpu.dma_semaphore, #tpu.memory_space<semaphore_mem>>)
      %sub3A_177 = arith.constant 1 : i32
      %sub3A_178 = arith.subi %add3A_97, %sub3A_177 : i32
      %ge3A_179 = arith.constant 1 : i32
      %ge3A_180 = arith.cmpi sge, %add3A_97, %ge3A_179 : i32
      %convert_element_type3A_181 = arith.extui %ge3A_180 : i1 to i32
      %cond3A_182 = arith.constant 0 : i32
      %cond3A_183 = arith.cmpi ne, %convert_element_type3A_181, %cond3A_182 : i32
      scf.if %cond3A_183 {
        %dma_wait3A_281 = arith.constant 0 : i32
        %dma_wait3A_282 = arith.constant 0 : i32
        %dma_wait3A_283 = tpu.memref_slice %arg8[%select_n3A, %dma_wait3A_281, %dma_wait3A_282] : memref<8x16384x64xf32, #tpu.memory_space<hbm>> -> memref<1x16384x64xf32, #tpu.memory_space<hbm>>
        %dma_wait3A_284 = tpu.memref_squeeze %dma_wait3A_283 : memref<1x16384x64xf32, #tpu.memory_space<hbm>> -> memref<16384x64xf32, #tpu.memory_space<hbm>>
        %dma_wait3A_285 = arith.constant 0 : i32
        %dma_wait3A_286 = arith.constant 0 : i32
        %dma_wait3A_287 = tpu.memref_slice %dma_wait3A_284[%dma_wait3A_285, %dma_wait3A_286] : memref<16384x64xf32, #tpu.memory_space<hbm>> -> memref<16384x64xf32, #tpu.memory_space<hbm>>
        tpu.wait_indirect_dma semaphore(%arg24 : memref<!tpu.dma_semaphore, #tpu.memory_space<semaphore_mem>>) src(%dma_wait3A_287 : memref<16384x64xf32, #tpu.memory_space<hbm>>) dst(%arg22 : memref<32x64xf32, #tpu.memory_space<vmem>>)
        %add3A_288 = arith.addi %mul3A_32, %sub3A_178 : i32
        %dma_start3A_289 = arith.constant 0 : i32
        %dma_start3A_290 = arith.constant 0 : i32
        %dma_start3A_291 = tpu.memref_slice %arg10[%select_n3A, %add3A_288, %dma_start3A_289, %dma_start3A_290] : memref<8x512x32x64xf32, #tpu.memory_space<hbm>> -> memref<1x1x32x64xf32, #tpu.memory_space<hbm>>
        %dma_start3A_292 = tpu.memref_squeeze %dma_start3A_291 : memref<1x1x32x64xf32, #tpu.memory_space<hbm>> -> memref<32x64xf32, #tpu.memory_space<hbm>>
        %dma_start3A_293 = arith.constant 0 : i32
        %dma_start3A_294 = arith.constant 0 : i32
        %dma_start3A_295 = tpu.memref_slice %arg10[%select_n3A, %add3A_288, %dma_start3A_293, %dma_start3A_294] : memref<8x512x32x64xf32, #tpu.memory_space<hbm>> -> memref<1x1x32x64xf32, #tpu.memory_space<hbm>>
        %dma_start3A_296 = tpu.memref_squeeze %dma_start3A_295 : memref<1x1x32x64xf32, #tpu.memory_space<hbm>> -> memref<32x64xf32, #tpu.memory_space<hbm>>
        tpu.enqueue_dma source(%arg22 : memref<32x64xf32, #tpu.memory_space<vmem>>) target(%dma_start3A_296 : memref<32x64xf32, #tpu.memory_space<hbm>>) target_semaphore(%arg26 : memref<!tpu.dma_semaphore, #tpu.memory_space<semaphore_mem>>)
      } else {
      }
      %add3A_184 = arith.constant 1 : i32
      %add3A_185 = arith.addi %add3A_95, %add3A_184 : i32
      %ge3A_186 = arith.constant 2 : i32
      %ge3A_187 = arith.cmpi sge, %add3A_185, %ge3A_186 : i32
      %convert_element_type3A_188 = arith.extui %ge3A_187 : i1 to i32
      %cond3A_189 = arith.constant 0 : i32
      %cond3A_190 = arith.cmpi ne, %convert_element_type3A_188, %cond3A_189 : i32
      scf.if %cond3A_190 {
        %dma_wait3A_281 = arith.constant 0 : i32
        %dma_wait3A_282 = arith.constant 0 : i32
        %dma_wait3A_283 = tpu.memref_slice %arg9[%select_n3A, %add3A_185, %dma_wait3A_281, %dma_wait3A_282] : memref<8x512x32x3xf32, #tpu.memory_space<hbm>> -> memref<1x1x32x3xf32, #tpu.memory_space<hbm>>
        %dma_wait3A_284 = tpu.memref_squeeze %dma_wait3A_283 : memref<1x1x32x3xf32, #tpu.memory_space<hbm>> -> memref<32x3xf32, #tpu.memory_space<hbm>>
        %dma_wait3A_285 = arith.constant 0 : i32
        %dma_wait3A_286 = arith.constant 0 : i32
        %dma_wait3A_287 = tpu.memref_slice %arg9[%select_n3A, %add3A_185, %dma_wait3A_285, %dma_wait3A_286] : memref<8x512x32x3xf32, #tpu.memory_space<hbm>> -> memref<1x1x32x3xf32, #tpu.memory_space<hbm>>
        %dma_wait3A_288 = tpu.memref_squeeze %dma_wait3A_287 : memref<1x1x32x3xf32, #tpu.memory_space<hbm>> -> memref<32x3xf32, #tpu.memory_space<hbm>>
        tpu.wait_dma2 semaphore(%arg28 : memref<!tpu.dma_semaphore, #tpu.memory_space<semaphore_mem>>) src(%arg20 : memref<32x3xf32, #tpu.memory_space<vmem>>) dst(%dma_wait3A_288 : memref<32x3xf32, #tpu.memory_space<hbm>>)
        %dma_wait3A_289 = arith.constant 0 : i32
        %dma_wait3A_290 = arith.constant 0 : i32
        %dma_wait3A_291 = tpu.memref_slice %arg10[%select_n3A, %add3A_185, %dma_wait3A_289, %dma_wait3A_290] : memref<8x512x32x64xf32, #tpu.memory_space<hbm>> -> memref<1x1x32x64xf32, #tpu.memory_space<hbm>>
        %dma_wait3A_292 = tpu.memref_squeeze %dma_wait3A_291 : memref<1x1x32x64xf32, #tpu.memory_space<hbm>> -> memref<32x64xf32, #tpu.memory_space<hbm>>
        %dma_wait3A_293 = arith.constant 0 : i32
        %dma_wait3A_294 = arith.constant 0 : i32
        %dma_wait3A_295 = tpu.memref_slice %arg10[%select_n3A, %add3A_185, %dma_wait3A_293, %dma_wait3A_294] : memref<8x512x32x64xf32, #tpu.memory_space<hbm>> -> memref<1x1x32x64xf32, #tpu.memory_space<hbm>>
        %dma_wait3A_296 = tpu.memref_squeeze %dma_wait3A_295 : memref<1x1x32x64xf32, #tpu.memory_space<hbm>> -> memref<32x64xf32, #tpu.memory_space<hbm>>
        tpu.wait_dma2 semaphore(%arg26 : memref<!tpu.dma_semaphore, #tpu.memory_space<semaphore_mem>>) src(%arg22 : memref<32x64xf32, #tpu.memory_space<vmem>>) dst(%dma_wait3A_296 : memref<32x64xf32, #tpu.memory_space<hbm>>)
      } else {
      }
      %broadcast_in_dim3A_191 = vector.broadcast %add3A_185 : i32 to vector<16xi32>
      %gather3A_192 = tpu.vector_load_idx %arg14[%broadcast_in_dim3A_191] : memref<128xf32, #tpu.memory_space<vmem>>[vector<16xi32>], vector<16xf32>,
      %gather3A_193 = tpu.vector_load_idx %arg15[%broadcast_in_dim3A_191] : memref<128xf32, #tpu.memory_space<vmem>>[vector<16xi32>], vector<16xf32>,
      %gather3A_194 = tpu.vector_load_idx %arg16[%broadcast_in_dim3A_191] : memref<128xf32, #tpu.memory_space<vmem>>[vector<16xi32>], vector<16xf32>,
      %while3A_195 = arith.constant 0 : i32
      %while3A_196 = arith.constant 0 : i32
      %while3A_197:2 = scf.while (%while3A_281 = %while3A_195, %while3A_282 = %while3A_196) : (i32, i32) -> (i32, i32) {
        %lt3A_283 = arith.constant 32 : i32
        %lt3A_284 = arith.cmpi slt, %while3A_282, %lt3A_283 : i32
        %lt3A_285 = arith.constant 64 : i32
        %lt3A_286 = arith.cmpi slt, %while3A_281, %lt3A_285 : i32
        %and3A_287 = arith.andi %lt3A_284, %lt3A_286 : i1
        scf.condition(%and3A_287) %while3A_281, %while3A_282 : i32, i32
      } do {
      ^bb0(%while3A_281: i32, %while3A_282: i32):
        %mul3A_283 = arith.constant 256 : i32
        %mul3A_284 = arith.muli %while3A_281, %mul3A_283 : i32
        %add3A_285 = arith.constant 0 : i32
        %add3A_286 = arith.addi %mul3A_284, %add3A_285 : i32
        %get3A_287 = arith.index_cast %add3A_286 : i32 to index
        %get3A_288 = tpu.vector_load %arg11[%get3A_287] {strides = array<i32>} : memref<16384xf32, #tpu.memory_space<vmem>>, vector<16xf32>,
        %sub3A_289 = arith.subf %get3A_288, %gather3A_192 : vector<16xf32>
        %get3A_290 = arith.index_cast %add3A_286 : i32 to index
        %get3A_291 = tpu.vector_load %arg12[%get3A_290] {strides = array<i32>} : memref<16384xf32, #tpu.memory_space<vmem>>, vector<16xf32>,
        %sub3A_292 = arith.subf %get3A_291, %gather3A_193 : vector<16xf32>
        %get3A_293 = arith.index_cast %add3A_286 : i32 to index
        %get3A_294 = tpu.vector_load %arg13[%get3A_293] {strides = array<i32>} : memref<16384xf32, #tpu.memory_space<vmem>>, vector<16xf32>,
        %sub3A_295 = arith.subf %get3A_294, %gather3A_194 : vector<16xf32>
        %mul3A_296 = arith.mulf %sub3A_289, %sub3A_289 : vector<16xf32>
        %mul3A_297 = arith.mulf %sub3A_292, %sub3A_292 : vector<16xf32>
        %add3A_298 = arith.addf %mul3A_296, %mul3A_297 : vector<16xf32>
        %mul3A_299 = arith.mulf %sub3A_295, %sub3A_295 : vector<16xf32>
        %add3A_300 = arith.addf %add3A_298, %mul3A_299 : vector<16xf32>
        %lt3A_301 = arith.constant 0.0400000028 : f32
        %lt3A_302 = vector.broadcast %lt3A_301 : f32 to vector<16xf32>
        %lt3A_303 = arith.cmpf olt, %add3A_300, %lt3A_302 : vector<16xf32>
        %mul3A_304 = arith.constant 256 : i32
        %mul3A_305 = arith.muli %while3A_281, %mul3A_304 : i32
        %add3A_306 = arith.constant 16 : i32
        %add3A_307 = arith.addi %mul3A_305, %add3A_306 : i32
        %get3A_308 = arith.index_cast %add3A_307 : i32 to index
        %get3A_309 = tpu.vector_load %arg11[%get3A_308] {strides = array<i32>} : memref<16384xf32, #tpu.memory_space<vmem>>, vector<16xf32>,
        %sub3A_310 = arith.subf %get3A_309, %gather3A_192 : vector<16xf32>
        %get3A_311 = arith.index_cast %add3A_307 : i32 to index
        %get3A_312 = tpu.vector_load %arg12[%get3A_311] {strides = array<i32>} : memref<16384xf32, #tpu.memory_space<vmem>>, vector<16xf32>,
        %sub3A_313 = arith.subf %get3A_312, %gather3A_193 : vector<16xf32>
        %get3A_314 = arith.index_cast %add3A_307 : i32 to index
        %get3A_315 = tpu.vector_load %arg13[%get3A_314] {strides = array<i32>} : memref<16384xf32, #tpu.memory_space<vmem>>, vector<16xf32>,
        %sub3A_316 = arith.subf %get3A_315, %gather3A_194 : vector<16xf32>
        %mul3A_317 = arith.mulf %sub3A_310, %sub3A_310 : vector<16xf32>
        %mul3A_318 = arith.mulf %sub3A_313, %sub3A_313 : vector<16xf32>
        %add3A_319 = arith.addf %mul3A_317, %mul3A_318 : vector<16xf32>
        %mul3A_320 = arith.mulf %sub3A_316, %sub3A_316 : vector<16xf32>
        %add3A_321 = arith.addf %add3A_319, %mul3A_320 : vector<16xf32>
        %lt3A_322 = arith.constant 0.0400000028 : f32
        %lt3A_323 = vector.broadcast %lt3A_322 : f32 to vector<16xf32>
        %lt3A_324 = arith.cmpf olt, %add3A_321, %lt3A_323 : vector<16xf32>
        %mul3A_325 = arith.constant 256 : i32
        %mul3A_326 = arith.muli %while3A_281, %mul3A_325 : i32
        %add3A_327 = arith.constant 32 : i32
        %add3A_328 = arith.addi %mul3A_326, %add3A_327 : i32
        %get3A_329 = arith.index_cast %add3A_328 : i32 to index
        %get3A_330 = tpu.vector_load %arg11[%get3A_329] {strides = array<i32>} : memref<16384xf32, #tpu.memory_space<vmem>>, vector<16xf32>,
        %sub3A_331 = arith.subf %get3A_330, %gather3A_192 : vector<16xf32>
        %get3A_332 = arith.index_cast %add3A_328 : i32 to index
        %get3A_333 = tpu.vector_load %arg12[%get3A_332] {strides = array<i32>} : memref<16384xf32, #tpu.memory_space<vmem>>, vector<16xf32>,
        %sub3A_334 = arith.subf %get3A_333, %gather3A_193 : vector<16xf32>
        %get3A_335 = arith.index_cast %add3A_328 : i32 to index
        %get3A_336 = tpu.vector_load %arg13[%get3A_335] {strides = array<i32>} : memref<16384xf32, #tpu.memory_space<vmem>>, vector<16xf32>,
        %sub3A_337 = arith.subf %get3A_336, %gather3A_194 : vector<16xf32>
        %mul3A_338 = arith.mulf %sub3A_331, %sub3A_331 : vector<16xf32>
        %mul3A_339 = arith.mulf %sub3A_334, %sub3A_334 : vector<16xf32>
        %add3A_340 = arith.addf %mul3A_338, %mul3A_339 : vector<16xf32>
        %mul3A_341 = arith.mulf %sub3A_337, %sub3A_337 : vector<16xf32>
        %add3A_342 = arith.addf %add3A_340, %mul3A_341 : vector<16xf32>
        %lt3A_343 = arith.constant 0.0400000028 : f32
        %lt3A_344 = vector.broadcast %lt3A_343 : f32 to vector<16xf32>
        %lt3A_345 = arith.cmpf olt, %add3A_342, %lt3A_344 : vector<16xf32>
        %mul3A_346 = arith.constant 256 : i32
        %mul3A_347 = arith.muli %while3A_281, %mul3A_346 : i32
        %add3A_348 = arith.constant 48 : i32
        %add3A_349 = arith.addi %mul3A_347, %add3A_348 : i32
        %get3A_350 = arith.index_cast %add3A_349 : i32 to index
        %get3A_351 = tpu.vector_load %arg11[%get3A_350] {strides = array<i32>} : memref<16384xf32, #tpu.memory_space<vmem>>, vector<16xf32>,
        %sub3A_352 = arith.subf %get3A_351, %gather3A_192 : vector<16xf32>
        %get3A_353 = arith.index_cast %add3A_349 : i32 to index
        %get3A_354 = tpu.vector_load %arg12[%get3A_353] {strides = array<i32>} : memref<16384xf32, #tpu.memory_space<vmem>>, vector<16xf32>,
        %sub3A_355 = arith.subf %get3A_354, %gather3A_193 : vector<16xf32>
        %get3A_356 = arith.index_cast %add3A_349 : i32 to index
        %get3A_357 = tpu.vector_load %arg13[%get3A_356] {strides = array<i32>} : memref<16384xf32, #tpu.memory_space<vmem>>, vector<16xf32>,
        %sub3A_358 = arith.subf %get3A_357, %gather3A_194 : vector<16xf32>
        %mul3A_359 = arith.mulf %sub3A_352, %sub3A_352 : vector<16xf32>
        %mul3A_360 = arith.mulf %sub3A_355, %sub3A_355 : vector<16xf32>
        %add3A_361 = arith.addf %mul3A_359, %mul3A_360 : vector<16xf32>
        %mul3A_362 = arith.mulf %sub3A_358, %sub3A_358 : vector<16xf32>
        %add3A_363 = arith.addf %add3A_361, %mul3A_362 : vector<16xf32>
        %lt3A_364 = arith.constant 0.0400000028 : f32
        %lt3A_365 = vector.broadcast %lt3A_364 : f32 to vector<16xf32>
        %lt3A_366 = arith.cmpf olt, %add3A_363, %lt3A_365 : vector<16xf32>
        %mul3A_367 = arith.constant 256 : i32
        %mul3A_368 = arith.muli %while3A_281, %mul3A_367 : i32
        %add3A_369 = arith.constant 64 : i32
        %add3A_370 = arith.addi %mul3A_368, %add3A_369 : i32
        %get3A_371 = arith.index_cast %add3A_370 : i32 to index
        %get3A_372 = tpu.vector_load %arg11[%get3A_371] {strides = array<i32>} : memref<16384xf32, #tpu.memory_space<vmem>>, vector<16xf32>,
        %sub3A_373 = arith.subf %get3A_372, %gather3A_192 : vector<16xf32>
        %get3A_374 = arith.index_cast %add3A_370 : i32 to index
        %get3A_375 = tpu.vector_load %arg12[%get3A_374] {strides = array<i32>} : memref<16384xf32, #tpu.memory_space<vmem>>, vector<16xf32>,
        %sub3A_376 = arith.subf %get3A_375, %gather3A_193 : vector<16xf32>
        %get3A_377 = arith.index_cast %add3A_370 : i32 to index
        %get3A_378 = tpu.vector_load %arg13[%get3A_377] {strides = array<i32>} : memref<16384xf32, #tpu.memory_space<vmem>>, vector<16xf32>,
        %sub3A_379 = arith.subf %get3A_378, %gather3A_194 : vector<16xf32>
        %mul3A_380 = arith.mulf %sub3A_373, %sub3A_373 : vector<16xf32>
        %mul3A_381 = arith.mulf %sub3A_376, %sub3A_376 : vector<16xf32>
        %add3A_382 = arith.addf %mul3A_380, %mul3A_381 : vector<16xf32>
        %mul3A_383 = arith.mulf %sub3A_379, %sub3A_379 : vector<16xf32>
        %add3A_384 = arith.addf %add3A_382, %mul3A_383 : vector<16xf32>
        %lt3A_385 = arith.constant 0.0400000028 : f32
        %lt3A_386 = vector.broadcast %lt3A_385 : f32 to vector<16xf32>
        %lt3A_387 = arith.cmpf olt, %add3A_384, %lt3A_386 : vector<16xf32>
        %mul3A_388 = arith.constant 256 : i32
        %mul3A_389 = arith.muli %while3A_281, %mul3A_388 : i32
        %add3A_390 = arith.constant 80 : i32
        %add3A_391 = arith.addi %mul3A_389, %add3A_390 : i32
        %get3A_392 = arith.index_cast %add3A_391 : i32 to index
        %get3A_393 = tpu.vector_load %arg11[%get3A_392] {strides = array<i32>} : memref<16384xf32, #tpu.memory_space<vmem>>, vector<16xf32>,
        %sub3A_394 = arith.subf %get3A_393, %gather3A_192 : vector<16xf32>
        %get3A_395 = arith.index_cast %add3A_391 : i32 to index
        %get3A_396 = tpu.vector_load %arg12[%get3A_395] {strides = array<i32>} : memref<16384xf32, #tpu.memory_space<vmem>>, vector<16xf32>,
        %sub3A_397 = arith.subf %get3A_396, %gather3A_193 : vector<16xf32>
        %get3A_398 = arith.index_cast %add3A_391 : i32 to index
        %get3A_399 = tpu.vector_load %arg13[%get3A_398] {strides = array<i32>} : memref<16384xf32, #tpu.memory_space<vmem>>, vector<16xf32>,
        %sub3A_400 = arith.subf %get3A_399, %gather3A_194 : vector<16xf32>
        %mul3A_401 = arith.mulf %sub3A_394, %sub3A_394 : vector<16xf32>
        %mul3A_402 = arith.mulf %sub3A_397, %sub3A_397 : vector<16xf32>
        %add3A_403 = arith.addf %mul3A_401, %mul3A_402 : vector<16xf32>
        %mul3A_404 = arith.mulf %sub3A_400, %sub3A_400 : vector<16xf32>
        %add3A_405 = arith.addf %add3A_403, %mul3A_404 : vector<16xf32>
        %lt3A_406 = arith.constant 0.0400000028 : f32
        %lt3A_407 = vector.broadcast %lt3A_406 : f32 to vector<16xf32>
        %lt3A_408 = arith.cmpf olt, %add3A_405, %lt3A_407 : vector<16xf32>
        %mul3A_409 = arith.constant 256 : i32
        %mul3A_410 = arith.muli %while3A_281, %mul3A_409 : i32
        %add3A_411 = arith.constant 96 : i32
        %add3A_412 = arith.addi %mul3A_410, %add3A_411 : i32
        %get3A_413 = arith.index_cast %add3A_412 : i32 to index
        %get3A_414 = tpu.vector_load %arg11[%get3A_413] {strides = array<i32>} : memref<16384xf32, #tpu.memory_space<vmem>>, vector<16xf32>,
        %sub3A_415 = arith.subf %get3A_414, %gather3A_192 : vector<16xf32>
        %get3A_416 = arith.index_cast %add3A_412 : i32 to index
        %get3A_417 = tpu.vector_load %arg12[%get3A_416] {strides = array<i32>} : memref<16384xf32, #tpu.memory_space<vmem>>, vector<16xf32>,
        %sub3A_418 = arith.subf %get3A_417, %gather3A_193 : vector<16xf32>
        %get3A_419 = arith.index_cast %add3A_412 : i32 to index
        %get3A_420 = tpu.vector_load %arg13[%get3A_419] {strides = array<i32>} : memref<16384xf32, #tpu.memory_space<vmem>>, vector<16xf32>,
        %sub3A_421 = arith.subf %get3A_420, %gather3A_194 : vector<16xf32>
        %mul3A_422 = arith.mulf %sub3A_415, %sub3A_415 : vector<16xf32>
        %mul3A_423 = arith.mulf %sub3A_418, %sub3A_418 : vector<16xf32>
        %add3A_424 = arith.addf %mul3A_422, %mul3A_423 : vector<16xf32>
        %mul3A_425 = arith.mulf %sub3A_421, %sub3A_421 : vector<16xf32>
        %add3A_426 = arith.addf %add3A_424, %mul3A_425 : vector<16xf32>
        %lt3A_427 = arith.constant 0.0400000028 : f32
        %lt3A_428 = vector.broadcast %lt3A_427 : f32 to vector<16xf32>
        %lt3A_429 = arith.cmpf olt, %add3A_426, %lt3A_428 : vector<16xf32>
        %mul3A_430 = arith.constant 256 : i32
        %mul3A_431 = arith.muli %while3A_281, %mul3A_430 : i32
        %add3A_432 = arith.constant 112 : i32
        %add3A_433 = arith.addi %mul3A_431, %add3A_432 : i32
        %get3A_434 = arith.index_cast %add3A_433 : i32 to index
        %get3A_435 = tpu.vector_load %arg11[%get3A_434] {strides = array<i32>} : memref<16384xf32, #tpu.memory_space<vmem>>, vector<16xf32>,
        %sub3A_436 = arith.subf %get3A_435, %gather3A_192 : vector<16xf32>
        %get3A_437 = arith.index_cast %add3A_433 : i32 to index
        %get3A_438 = tpu.vector_load %arg12[%get3A_437] {strides = array<i32>} : memref<16384xf32, #tpu.memory_space<vmem>>, vector<16xf32>,
        %sub3A_439 = arith.subf %get3A_438, %gather3A_193 : vector<16xf32>
        %get3A_440 = arith.index_cast %add3A_433 : i32 to index
        %get3A_441 = tpu.vector_load %arg13[%get3A_440] {strides = array<i32>} : memref<16384xf32, #tpu.memory_space<vmem>>, vector<16xf32>,
        %sub3A_442 = arith.subf %get3A_441, %gather3A_194 : vector<16xf32>
        %mul3A_443 = arith.mulf %sub3A_436, %sub3A_436 : vector<16xf32>
        %mul3A_444 = arith.mulf %sub3A_439, %sub3A_439 : vector<16xf32>
        %add3A_445 = arith.addf %mul3A_443, %mul3A_444 : vector<16xf32>
        %mul3A_446 = arith.mulf %sub3A_442, %sub3A_442 : vector<16xf32>
        %add3A_447 = arith.addf %add3A_445, %mul3A_446 : vector<16xf32>
        %lt3A_448 = arith.constant 0.0400000028 : f32
        %lt3A_449 = vector.broadcast %lt3A_448 : f32 to vector<16xf32>
        %lt3A_450 = arith.cmpf olt, %add3A_447, %lt3A_449 : vector<16xf32>
        %mul3A_451 = arith.constant 256 : i32
        %mul3A_452 = arith.muli %while3A_281, %mul3A_451 : i32
        %add3A_453 = arith.constant 128 : i32
        %add3A_454 = arith.addi %mul3A_452, %add3A_453 : i32
        %get3A_455 = arith.index_cast %add3A_454 : i32 to index
        %get3A_456 = tpu.vector_load %arg11[%get3A_455] {strides = array<i32>} : memref<16384xf32, #tpu.memory_space<vmem>>, vector<16xf32>,
        %sub3A_457 = arith.subf %get3A_456, %gather3A_192 : vector<16xf32>
        %get3A_458 = arith.index_cast %add3A_454 : i32 to index
        %get3A_459 = tpu.vector_load %arg12[%get3A_458] {strides = array<i32>} : memref<16384xf32, #tpu.memory_space<vmem>>, vector<16xf32>,
        %sub3A_460 = arith.subf %get3A_459, %gather3A_193 : vector<16xf32>
        %get3A_461 = arith.index_cast %add3A_454 : i32 to index
        %get3A_462 = tpu.vector_load %arg13[%get3A_461] {strides = array<i32>} : memref<16384xf32, #tpu.memory_space<vmem>>, vector<16xf32>,
        %sub3A_463 = arith.subf %get3A_462, %gather3A_194 : vector<16xf32>
        %mul3A_464 = arith.mulf %sub3A_457, %sub3A_457 : vector<16xf32>
        %mul3A_465 = arith.mulf %sub3A_460, %sub3A_460 : vector<16xf32>
        %add3A_466 = arith.addf %mul3A_464, %mul3A_465 : vector<16xf32>
        %mul3A_467 = arith.mulf %sub3A_463, %sub3A_463 : vector<16xf32>
        %add3A_468 = arith.addf %add3A_466, %mul3A_467 : vector<16xf32>
        %lt3A_469 = arith.constant 0.0400000028 : f32
        %lt3A_470 = vector.broadcast %lt3A_469 : f32 to vector<16xf32>
        %lt3A_471 = arith.cmpf olt, %add3A_468, %lt3A_470 : vector<16xf32>
        %mul3A_472 = arith.constant 256 : i32
        %mul3A_473 = arith.muli %while3A_281, %mul3A_472 : i32
        %add3A_474 = arith.constant 144 : i32
        %add3A_475 = arith.addi %mul3A_473, %add3A_474 : i32
        %get3A_476 = arith.index_cast %add3A_475 : i32 to index
        %get3A_477 = tpu.vector_load %arg11[%get3A_476] {strides = array<i32>} : memref<16384xf32, #tpu.memory_space<vmem>>, vector<16xf32>,
        %sub3A_478 = arith.subf %get3A_477, %gather3A_192 : vector<16xf32>
        %get3A_479 = arith.index_cast %add3A_475 : i32 to index
        %get3A_480 = tpu.vector_load %arg12[%get3A_479] {strides = array<i32>} : memref<16384xf32, #tpu.memory_space<vmem>>, vector<16xf32>,
        %sub3A_481 = arith.subf %get3A_480, %gather3A_193 : vector<16xf32>
        %get3A_482 = arith.index_cast %add3A_475 : i32 to index
        %get3A_483 = tpu.vector_load %arg13[%get3A_482] {strides = array<i32>} : memref<16384xf32, #tpu.memory_space<vmem>>, vector<16xf32>,
        %sub3A_484 = arith.subf %get3A_483, %gather3A_194 : vector<16xf32>
        %mul3A_485 = arith.mulf %sub3A_478, %sub3A_478 : vector<16xf32>
        %mul3A_486 = arith.mulf %sub3A_481, %sub3A_481 : vector<16xf32>
        %add3A_487 = arith.addf %mul3A_485, %mul3A_486 : vector<16xf32>
        %mul3A_488 = arith.mulf %sub3A_484, %sub3A_484 : vector<16xf32>
        %add3A_489 = arith.addf %add3A_487, %mul3A_488 : vector<16xf32>
        %lt3A_490 = arith.constant 0.0400000028 : f32
        %lt3A_491 = vector.broadcast %lt3A_490 : f32 to vector<16xf32>
        %lt3A_492 = arith.cmpf olt, %add3A_489, %lt3A_491 : vector<16xf32>
        %mul3A_493 = arith.constant 256 : i32
        %mul3A_494 = arith.muli %while3A_281, %mul3A_493 : i32
        %add3A_495 = arith.constant 160 : i32
        %add3A_496 = arith.addi %mul3A_494, %add3A_495 : i32
        %get3A_497 = arith.index_cast %add3A_496 : i32 to index
        %get3A_498 = tpu.vector_load %arg11[%get3A_497] {strides = array<i32>} : memref<16384xf32, #tpu.memory_space<vmem>>, vector<16xf32>,
        %sub3A_499 = arith.subf %get3A_498, %gather3A_192 : vector<16xf32>
        %get3A_500 = arith.index_cast %add3A_496 : i32 to index
        %get3A_501 = tpu.vector_load %arg12[%get3A_500] {strides = array<i32>} : memref<16384xf32, #tpu.memory_space<vmem>>, vector<16xf32>,
        %sub3A_502 = arith.subf %get3A_501, %gather3A_193 : vector<16xf32>
        %get3A_503 = arith.index_cast %add3A_496 : i32 to index
        %get3A_504 = tpu.vector_load %arg13[%get3A_503] {strides = array<i32>} : memref<16384xf32, #tpu.memory_space<vmem>>, vector<16xf32>,
        %sub3A_505 = arith.subf %get3A_504, %gather3A_194 : vector<16xf32>
        %mul3A_506 = arith.mulf %sub3A_499, %sub3A_499 : vector<16xf32>
        %mul3A_507 = arith.mulf %sub3A_502, %sub3A_502 : vector<16xf32>
        %add3A_508 = arith.addf %mul3A_506, %mul3A_507 : vector<16xf32>
        %mul3A_509 = arith.mulf %sub3A_505, %sub3A_505 : vector<16xf32>
        %add3A_510 = arith.addf %add3A_508, %mul3A_509 : vector<16xf32>
        %lt3A_511 = arith.constant 0.0400000028 : f32
        %lt3A_512 = vector.broadcast %lt3A_511 : f32 to vector<16xf32>
        %lt3A_513 = arith.cmpf olt, %add3A_510, %lt3A_512 : vector<16xf32>
        %mul3A_514 = arith.constant 256 : i32
        %mul3A_515 = arith.muli %while3A_281, %mul3A_514 : i32
        %add3A_516 = arith.constant 176 : i32
        %add3A_517 = arith.addi %mul3A_515, %add3A_516 : i32
        %get3A_518 = arith.index_cast %add3A_517 : i32 to index
        %get3A_519 = tpu.vector_load %arg11[%get3A_518] {strides = array<i32>} : memref<16384xf32, #tpu.memory_space<vmem>>, vector<16xf32>,
        %sub3A_520 = arith.subf %get3A_519, %gather3A_192 : vector<16xf32>
        %get3A_521 = arith.index_cast %add3A_517 : i32 to index
        %get3A_522 = tpu.vector_load %arg12[%get3A_521] {strides = array<i32>} : memref<16384xf32, #tpu.memory_space<vmem>>, vector<16xf32>,
        %sub3A_523 = arith.subf %get3A_522, %gather3A_193 : vector<16xf32>
        %get3A_524 = arith.index_cast %add3A_517 : i32 to index
        %get3A_525 = tpu.vector_load %arg13[%get3A_524] {strides = array<i32>} : memref<16384xf32, #tpu.memory_space<vmem>>, vector<16xf32>,
        %sub3A_526 = arith.subf %get3A_525, %gather3A_194 : vector<16xf32>
        %mul3A_527 = arith.mulf %sub3A_520, %sub3A_520 : vector<16xf32>
        %mul3A_528 = arith.mulf %sub3A_523, %sub3A_523 : vector<16xf32>
        %add3A_529 = arith.addf %mul3A_527, %mul3A_528 : vector<16xf32>
        %mul3A_530 = arith.mulf %sub3A_526, %sub3A_526 : vector<16xf32>
        %add3A_531 = arith.addf %add3A_529, %mul3A_530 : vector<16xf32>
        %lt3A_532 = arith.constant 0.0400000028 : f32
        %lt3A_533 = vector.broadcast %lt3A_532 : f32 to vector<16xf32>
        %lt3A_534 = arith.cmpf olt, %add3A_531, %lt3A_533 : vector<16xf32>
        %mul3A_535 = arith.constant 256 : i32
        %mul3A_536 = arith.muli %while3A_281, %mul3A_535 : i32
        %add3A_537 = arith.constant 192 : i32
        %add3A_538 = arith.addi %mul3A_536, %add3A_537 : i32
        %get3A_539 = arith.index_cast %add3A_538 : i32 to index
        %get3A_540 = tpu.vector_load %arg11[%get3A_539] {strides = array<i32>} : memref<16384xf32, #tpu.memory_space<vmem>>, vector<16xf32>,
        %sub3A_541 = arith.subf %get3A_540, %gather3A_192 : vector<16xf32>
        %get3A_542 = arith.index_cast %add3A_538 : i32 to index
        %get3A_543 = tpu.vector_load %arg12[%get3A_542] {strides = array<i32>} : memref<16384xf32, #tpu.memory_space<vmem>>, vector<16xf32>,
        %sub3A_544 = arith.subf %get3A_543, %gather3A_193 : vector<16xf32>
        %get3A_545 = arith.index_cast %add3A_538 : i32 to index
        %get3A_546 = tpu.vector_load %arg13[%get3A_545] {strides = array<i32>} : memref<16384xf32, #tpu.memory_space<vmem>>, vector<16xf32>,
        %sub3A_547 = arith.subf %get3A_546, %gather3A_194 : vector<16xf32>
        %mul3A_548 = arith.mulf %sub3A_541, %sub3A_541 : vector<16xf32>
        %mul3A_549 = arith.mulf %sub3A_544, %sub3A_544 : vector<16xf32>
        %add3A_550 = arith.addf %mul3A_548, %mul3A_549 : vector<16xf32>
        %mul3A_551 = arith.mulf %sub3A_547, %sub3A_547 : vector<16xf32>
        %add3A_552 = arith.addf %add3A_550, %mul3A_551 : vector<16xf32>
        %lt3A_553 = arith.constant 0.0400000028 : f32
        %lt3A_554 = vector.broadcast %lt3A_553 : f32 to vector<16xf32>
        %lt3A_555 = arith.cmpf olt, %add3A_552, %lt3A_554 : vector<16xf32>
        %mul3A_556 = arith.constant 256 : i32
        %mul3A_557 = arith.muli %while3A_281, %mul3A_556 : i32
        %add3A_558 = arith.constant 208 : i32
        %add3A_559 = arith.addi %mul3A_557, %add3A_558 : i32
        %get3A_560 = arith.index_cast %add3A_559 : i32 to index
        %get3A_561 = tpu.vector_load %arg11[%get3A_560] {strides = array<i32>} : memref<16384xf32, #tpu.memory_space<vmem>>, vector<16xf32>,
        %sub3A_562 = arith.subf %get3A_561, %gather3A_192 : vector<16xf32>
        %get3A_563 = arith.index_cast %add3A_559 : i32 to index
        %get3A_564 = tpu.vector_load %arg12[%get3A_563] {strides = array<i32>} : memref<16384xf32, #tpu.memory_space<vmem>>, vector<16xf32>,
        %sub3A_565 = arith.subf %get3A_564, %gather3A_193 : vector<16xf32>
        %get3A_566 = arith.index_cast %add3A_559 : i32 to index
        %get3A_567 = tpu.vector_load %arg13[%get3A_566] {strides = array<i32>} : memref<16384xf32, #tpu.memory_space<vmem>>, vector<16xf32>,
        %sub3A_568 = arith.subf %get3A_567, %gather3A_194 : vector<16xf32>
        %mul3A_569 = arith.mulf %sub3A_562, %sub3A_562 : vector<16xf32>
        %mul3A_570 = arith.mulf %sub3A_565, %sub3A_565 : vector<16xf32>
        %add3A_571 = arith.addf %mul3A_569, %mul3A_570 : vector<16xf32>
        %mul3A_572 = arith.mulf %sub3A_568, %sub3A_568 : vector<16xf32>
        %add3A_573 = arith.addf %add3A_571, %mul3A_572 : vector<16xf32>
        %lt3A_574 = arith.constant 0.0400000028 : f32
        %lt3A_575 = vector.broadcast %lt3A_574 : f32 to vector<16xf32>
        %lt3A_576 = arith.cmpf olt, %add3A_573, %lt3A_575 : vector<16xf32>
        %mul3A_577 = arith.constant 256 : i32
        %mul3A_578 = arith.muli %while3A_281, %mul3A_577 : i32
        %add3A_579 = arith.constant 224 : i32
        %add3A_580 = arith.addi %mul3A_578, %add3A_579 : i32
        %get3A_581 = arith.index_cast %add3A_580 : i32 to index
        %get3A_582 = tpu.vector_load %arg11[%get3A_581] {strides = array<i32>} : memref<16384xf32, #tpu.memory_space<vmem>>, vector<16xf32>,
        %sub3A_583 = arith.subf %get3A_582, %gather3A_192 : vector<16xf32>
        %get3A_584 = arith.index_cast %add3A_580 : i32 to index
        %get3A_585 = tpu.vector_load %arg12[%get3A_584] {strides = array<i32>} : memref<16384xf32, #tpu.memory_space<vmem>>, vector<16xf32>,
        %sub3A_586 = arith.subf %get3A_585, %gather3A_193 : vector<16xf32>
        %get3A_587 = arith.index_cast %add3A_580 : i32 to index
        %get3A_588 = tpu.vector_load %arg13[%get3A_587] {strides = array<i32>} : memref<16384xf32, #tpu.memory_space<vmem>>, vector<16xf32>,
        %sub3A_589 = arith.subf %get3A_588, %gather3A_194 : vector<16xf32>
        %mul3A_590 = arith.mulf %sub3A_583, %sub3A_583 : vector<16xf32>
        %mul3A_591 = arith.mulf %sub3A_586, %sub3A_586 : vector<16xf32>
        %add3A_592 = arith.addf %mul3A_590, %mul3A_591 : vector<16xf32>
        %mul3A_593 = arith.mulf %sub3A_589, %sub3A_589 : vector<16xf32>
        %add3A_594 = arith.addf %add3A_592, %mul3A_593 : vector<16xf32>
        %lt3A_595 = arith.constant 0.0400000028 : f32
        %lt3A_596 = vector.broadcast %lt3A_595 : f32 to vector<16xf32>
        %lt3A_597 = arith.cmpf olt, %add3A_594, %lt3A_596 : vector<16xf32>
        %mul3A_598 = arith.constant 256 : i32
        %mul3A_599 = arith.muli %while3A_281, %mul3A_598 : i32
        %add3A_600 = arith.constant 240 : i32
        %add3A_601 = arith.addi %mul3A_599, %add3A_600 : i32
        %get3A_602 = arith.index_cast %add3A_601 : i32 to index
        %get3A_603 = tpu.vector_load %arg11[%get3A_602] {strides = array<i32>} : memref<16384xf32, #tpu.memory_space<vmem>>, vector<16xf32>,
        %sub3A_604 = arith.subf %get3A_603, %gather3A_192 : vector<16xf32>
        %get3A_605 = arith.index_cast %add3A_601 : i32 to index
        %get3A_606 = tpu.vector_load %arg12[%get3A_605] {strides = array<i32>} : memref<16384xf32, #tpu.memory_space<vmem>>, vector<16xf32>,
        %sub3A_607 = arith.subf %get3A_606, %gather3A_193 : vector<16xf32>
        %get3A_608 = arith.index_cast %add3A_601 : i32 to index
        %get3A_609 = tpu.vector_load %arg13[%get3A_608] {strides = array<i32>} : memref<16384xf32, #tpu.memory_space<vmem>>, vector<16xf32>,
        %sub3A_610 = arith.subf %get3A_609, %gather3A_194 : vector<16xf32>
        %mul3A_611 = arith.mulf %sub3A_604, %sub3A_604 : vector<16xf32>
        %mul3A_612 = arith.mulf %sub3A_607, %sub3A_607 : vector<16xf32>
        %add3A_613 = arith.addf %mul3A_611, %mul3A_612 : vector<16xf32>
        %mul3A_614 = arith.mulf %sub3A_610, %sub3A_610 : vector<16xf32>
        %add3A_615 = arith.addf %add3A_613, %mul3A_614 : vector<16xf32>
        %lt3A_616 = arith.constant 0.0400000028 : f32
        %lt3A_617 = vector.broadcast %lt3A_616 : f32 to vector<16xf32>
        %lt3A_618 = arith.cmpf olt, %add3A_615, %lt3A_617 : vector<16xf32>
        %broadcast_in_dim3A_619 = vector.broadcast %while3A_282 : i32 to vector<16xi32>
        %convert_element_type3A_620 = arith.extui %lt3A_303 : vector<16xi1> to vector<16xi32>
        %broadcast_in_dim3A_621 = arith.constant true
        %broadcast_in_dim3A_622 = vector.broadcast %broadcast_in_dim3A_621 : i1 to vector<16xi1>
        %masked_cumsum3A = tpu.scan <sum>, %convert_element_type3A_620 masked %broadcast_in_dim3A_622 : vector<16xi32>, vector<16xi1> -> vector<16xi32>
        %add3A_623 = arith.addi %broadcast_in_dim3A_619, %masked_cumsum3A : vector<16xi32>
        %sub3A_624 = arith.constant 1 : i32
        %sub3A_625 = vector.broadcast %sub3A_624 : i32 to vector<16xi32>
        %sub3A_626 = arith.subi %add3A_623, %sub3A_625 : vector<16xi32>
        %lt3A_627 = arith.constant 32 : i32
        %lt3A_628 = vector.broadcast %lt3A_627 : i32 to vector<16xi32>
        %lt3A_629 = arith.cmpi slt, %sub3A_626, %lt3A_628 : vector<16xi32>
        %and3A_630 = arith.andi %lt3A_303, %lt3A_629 : vector<16xi1>
        %mul3A_631 = arith.constant 256 : i32
        %mul3A_632 = arith.muli %while3A_281, %mul3A_631 : i32
        %add3A_633 = arith.constant 0 : i32
        %add3A_634 = arith.addi %mul3A_632, %add3A_633 : i32
        %add3A_635 = vector.broadcast %add3A_634 : i32 to vector<16xi32>
        %add3A_636 = arith.addi %add3A_635, %iota3A : vector<16xi32>
        tpu.vector_store_idx %arg18[%sub3A_626], %add3A_636 masked %and3A_630 : memref<32xi32, #tpu.memory_space<vmem>>[vector<16xi32>], vector<16xi32>, vector<16xi1>
        %all_reduce_population_count3A = tpu.all_reduce %lt3A_303 {dim = 0 : i64, kind = #tpu.reduction_kind<sum>} : vector<16xi1> -> vector<16xi32>
        %add3A_637 = arith.addi %broadcast_in_dim3A_619, %all_reduce_population_count3A : vector<16xi32>
        %convert_element_type3A_638 = arith.extui %lt3A_324 : vector<16xi1> to vector<16xi32>
        %broadcast_in_dim3A_639 = arith.constant true
        %broadcast_in_dim3A_640 = vector.broadcast %broadcast_in_dim3A_639 : i1 to vector<16xi1>
        %masked_cumsum3A_641 = tpu.scan <sum>, %convert_element_type3A_638 masked %broadcast_in_dim3A_640 : vector<16xi32>, vector<16xi1> -> vector<16xi32>
        %add3A_642 = arith.addi %add3A_637, %masked_cumsum3A_641 : vector<16xi32>
        %sub3A_643 = arith.constant 1 : i32
        %sub3A_644 = vector.broadcast %sub3A_643 : i32 to vector<16xi32>
        %sub3A_645 = arith.subi %add3A_642, %sub3A_644 : vector<16xi32>
        %lt3A_646 = arith.constant 32 : i32
        %lt3A_647 = vector.broadcast %lt3A_646 : i32 to vector<16xi32>
        %lt3A_648 = arith.cmpi slt, %sub3A_645, %lt3A_647 : vector<16xi32>
        %and3A_649 = arith.andi %lt3A_324, %lt3A_648 : vector<16xi1>
        %mul3A_650 = arith.constant 256 : i32
        %mul3A_651 = arith.muli %while3A_281, %mul3A_650 : i32
        %add3A_652 = arith.constant 16 : i32
        %add3A_653 = arith.addi %mul3A_651, %add3A_652 : i32
        %add3A_654 = vector.broadcast %add3A_653 : i32 to vector<16xi32>
        %add3A_655 = arith.addi %add3A_654, %iota3A : vector<16xi32>
        tpu.vector_store_idx %arg18[%sub3A_645], %add3A_655 masked %and3A_649 : memref<32xi32, #tpu.memory_space<vmem>>[vector<16xi32>], vector<16xi32>, vector<16xi1>
        %all_reduce_population_count3A_656 = tpu.all_reduce %lt3A_324 {dim = 0 : i64, kind = #tpu.reduction_kind<sum>} : vector<16xi1> -> vector<16xi32>
        %add3A_657 = arith.addi %add3A_637, %all_reduce_population_count3A_656 : vector<16xi32>
        %convert_element_type3A_658 = arith.extui %lt3A_345 : vector<16xi1> to vector<16xi32>
        %broadcast_in_dim3A_659 = arith.constant true
        %broadcast_in_dim3A_660 = vector.broadcast %broadcast_in_dim3A_659 : i1 to vector<16xi1>
        %masked_cumsum3A_661 = tpu.scan <sum>, %convert_element_type3A_658 masked %broadcast_in_dim3A_660 : vector<16xi32>, vector<16xi1> -> vector<16xi32>
        %add3A_662 = arith.addi %add3A_657, %masked_cumsum3A_661 : vector<16xi32>
        %sub3A_663 = arith.constant 1 : i32
        %sub3A_664 = vector.broadcast %sub3A_663 : i32 to vector<16xi32>
        %sub3A_665 = arith.subi %add3A_662, %sub3A_664 : vector<16xi32>
        %lt3A_666 = arith.constant 32 : i32
        %lt3A_667 = vector.broadcast %lt3A_666 : i32 to vector<16xi32>
        %lt3A_668 = arith.cmpi slt, %sub3A_665, %lt3A_667 : vector<16xi32>
        %and3A_669 = arith.andi %lt3A_345, %lt3A_668 : vector<16xi1>
        %mul3A_670 = arith.constant 256 : i32
        %mul3A_671 = arith.muli %while3A_281, %mul3A_670 : i32
        %add3A_672 = arith.constant 32 : i32
        %add3A_673 = arith.addi %mul3A_671, %add3A_672 : i32
        %add3A_674 = vector.broadcast %add3A_673 : i32 to vector<16xi32>
        %add3A_675 = arith.addi %add3A_674, %iota3A : vector<16xi32>
        tpu.vector_store_idx %arg18[%sub3A_665], %add3A_675 masked %and3A_669 : memref<32xi32, #tpu.memory_space<vmem>>[vector<16xi32>], vector<16xi32>, vector<16xi1>
        %all_reduce_population_count3A_676 = tpu.all_reduce %lt3A_345 {dim = 0 : i64, kind = #tpu.reduction_kind<sum>} : vector<16xi1> -> vector<16xi32>
        %add3A_677 = arith.addi %add3A_657, %all_reduce_population_count3A_676 : vector<16xi32>
        %convert_element_type3A_678 = arith.extui %lt3A_366 : vector<16xi1> to vector<16xi32>
        %broadcast_in_dim3A_679 = arith.constant true
        %broadcast_in_dim3A_680 = vector.broadcast %broadcast_in_dim3A_679 : i1 to vector<16xi1>
        %masked_cumsum3A_681 = tpu.scan <sum>, %convert_element_type3A_678 masked %broadcast_in_dim3A_680 : vector<16xi32>, vector<16xi1> -> vector<16xi32>
        %add3A_682 = arith.addi %add3A_677, %masked_cumsum3A_681 : vector<16xi32>
        %sub3A_683 = arith.constant 1 : i32
        %sub3A_684 = vector.broadcast %sub3A_683 : i32 to vector<16xi32>
        %sub3A_685 = arith.subi %add3A_682, %sub3A_684 : vector<16xi32>
        %lt3A_686 = arith.constant 32 : i32
        %lt3A_687 = vector.broadcast %lt3A_686 : i32 to vector<16xi32>
        %lt3A_688 = arith.cmpi slt, %sub3A_685, %lt3A_687 : vector<16xi32>
        %and3A_689 = arith.andi %lt3A_366, %lt3A_688 : vector<16xi1>
        %mul3A_690 = arith.constant 256 : i32
        %mul3A_691 = arith.muli %while3A_281, %mul3A_690 : i32
        %add3A_692 = arith.constant 48 : i32
        %add3A_693 = arith.addi %mul3A_691, %add3A_692 : i32
        %add3A_694 = vector.broadcast %add3A_693 : i32 to vector<16xi32>
        %add3A_695 = arith.addi %add3A_694, %iota3A : vector<16xi32>
        tpu.vector_store_idx %arg18[%sub3A_685], %add3A_695 masked %and3A_689 : memref<32xi32, #tpu.memory_space<vmem>>[vector<16xi32>], vector<16xi32>, vector<16xi1>
        %all_reduce_population_count3A_696 = tpu.all_reduce %lt3A_366 {dim = 0 : i64, kind = #tpu.reduction_kind<sum>} : vector<16xi1> -> vector<16xi32>
        %add3A_697 = arith.addi %add3A_677, %all_reduce_population_count3A_696 : vector<16xi32>
        %convert_element_type3A_698 = arith.extui %lt3A_387 : vector<16xi1> to vector<16xi32>
        %broadcast_in_dim3A_699 = arith.constant true
        %broadcast_in_dim3A_700 = vector.broadcast %broadcast_in_dim3A_699 : i1 to vector<16xi1>
        %masked_cumsum3A_701 = tpu.scan <sum>, %convert_element_type3A_698 masked %broadcast_in_dim3A_700 : vector<16xi32>, vector<16xi1> -> vector<16xi32>
        %add3A_702 = arith.addi %add3A_697, %masked_cumsum3A_701 : vector<16xi32>
        %sub3A_703 = arith.constant 1 : i32
        %sub3A_704 = vector.broadcast %sub3A_703 : i32 to vector<16xi32>
        %sub3A_705 = arith.subi %add3A_702, %sub3A_704 : vector<16xi32>
        %lt3A_706 = arith.constant 32 : i32
        %lt3A_707 = vector.broadcast %lt3A_706 : i32 to vector<16xi32>
        %lt3A_708 = arith.cmpi slt, %sub3A_705, %lt3A_707 : vector<16xi32>
        %and3A_709 = arith.andi %lt3A_387, %lt3A_708 : vector<16xi1>
        %mul3A_710 = arith.constant 256 : i32
        %mul3A_711 = arith.muli %while3A_281, %mul3A_710 : i32
        %add3A_712 = arith.constant 64 : i32
        %add3A_713 = arith.addi %mul3A_711, %add3A_712 : i32
        %add3A_714 = vector.broadcast %add3A_713 : i32 to vector<16xi32>
        %add3A_715 = arith.addi %add3A_714, %iota3A : vector<16xi32>
        tpu.vector_store_idx %arg18[%sub3A_705], %add3A_715 masked %and3A_709 : memref<32xi32, #tpu.memory_space<vmem>>[vector<16xi32>], vector<16xi32>, vector<16xi1>
        %all_reduce_population_count3A_716 = tpu.all_reduce %lt3A_387 {dim = 0 : i64, kind = #tpu.reduction_kind<sum>} : vector<16xi1> -> vector<16xi32>
        %add3A_717 = arith.addi %add3A_697, %all_reduce_population_count3A_716 : vector<16xi32>
        %convert_element_type3A_718 = arith.extui %lt3A_408 : vector<16xi1> to vector<16xi32>
        %broadcast_in_dim3A_719 = arith.constant true
        %broadcast_in_dim3A_720 = vector.broadcast %broadcast_in_dim3A_719 : i1 to vector<16xi1>
        %masked_cumsum3A_721 = tpu.scan <sum>, %convert_element_type3A_718 masked %broadcast_in_dim3A_720 : vector<16xi32>, vector<16xi1> -> vector<16xi32>
        %add3A_722 = arith.addi %add3A_717, %masked_cumsum3A_721 : vector<16xi32>
        %sub3A_723 = arith.constant 1 : i32
        %sub3A_724 = vector.broadcast %sub3A_723 : i32 to vector<16xi32>
        %sub3A_725 = arith.subi %add3A_722, %sub3A_724 : vector<16xi32>
        %lt3A_726 = arith.constant 32 : i32
        %lt3A_727 = vector.broadcast %lt3A_726 : i32 to vector<16xi32>
        %lt3A_728 = arith.cmpi slt, %sub3A_725, %lt3A_727 : vector<16xi32>
        %and3A_729 = arith.andi %lt3A_408, %lt3A_728 : vector<16xi1>
        %mul3A_730 = arith.constant 256 : i32
        %mul3A_731 = arith.muli %while3A_281, %mul3A_730 : i32
        %add3A_732 = arith.constant 80 : i32
        %add3A_733 = arith.addi %mul3A_731, %add3A_732 : i32
        %add3A_734 = vector.broadcast %add3A_733 : i32 to vector<16xi32>
        %add3A_735 = arith.addi %add3A_734, %iota3A : vector<16xi32>
        tpu.vector_store_idx %arg18[%sub3A_725], %add3A_735 masked %and3A_729 : memref<32xi32, #tpu.memory_space<vmem>>[vector<16xi32>], vector<16xi32>, vector<16xi1>
        %all_reduce_population_count3A_736 = tpu.all_reduce %lt3A_408 {dim = 0 : i64, kind = #tpu.reduction_kind<sum>} : vector<16xi1> -> vector<16xi32>
        %add3A_737 = arith.addi %add3A_717, %all_reduce_population_count3A_736 : vector<16xi32>
        %convert_element_type3A_738 = arith.extui %lt3A_429 : vector<16xi1> to vector<16xi32>
        %broadcast_in_dim3A_739 = arith.constant true
        %broadcast_in_dim3A_740 = vector.broadcast %broadcast_in_dim3A_739 : i1 to vector<16xi1>
        %masked_cumsum3A_741 = tpu.scan <sum>, %convert_element_type3A_738 masked %broadcast_in_dim3A_740 : vector<16xi32>, vector<16xi1> -> vector<16xi32>
        %add3A_742 = arith.addi %add3A_737, %masked_cumsum3A_741 : vector<16xi32>
        %sub3A_743 = arith.constant 1 : i32
        %sub3A_744 = vector.broadcast %sub3A_743 : i32 to vector<16xi32>
        %sub3A_745 = arith.subi %add3A_742, %sub3A_744 : vector<16xi32>
        %lt3A_746 = arith.constant 32 : i32
        %lt3A_747 = vector.broadcast %lt3A_746 : i32 to vector<16xi32>
        %lt3A_748 = arith.cmpi slt, %sub3A_745, %lt3A_747 : vector<16xi32>
        %and3A_749 = arith.andi %lt3A_429, %lt3A_748 : vector<16xi1>
        %mul3A_750 = arith.constant 256 : i32
        %mul3A_751 = arith.muli %while3A_281, %mul3A_750 : i32
        %add3A_752 = arith.constant 96 : i32
        %add3A_753 = arith.addi %mul3A_751, %add3A_752 : i32
        %add3A_754 = vector.broadcast %add3A_753 : i32 to vector<16xi32>
        %add3A_755 = arith.addi %add3A_754, %iota3A : vector<16xi32>
        tpu.vector_store_idx %arg18[%sub3A_745], %add3A_755 masked %and3A_749 : memref<32xi32, #tpu.memory_space<vmem>>[vector<16xi32>], vector<16xi32>, vector<16xi1>
        %all_reduce_population_count3A_756 = tpu.all_reduce %lt3A_429 {dim = 0 : i64, kind = #tpu.reduction_kind<sum>} : vector<16xi1> -> vector<16xi32>
        %add3A_757 = arith.addi %add3A_737, %all_reduce_population_count3A_756 : vector<16xi32>
        %convert_element_type3A_758 = arith.extui %lt3A_450 : vector<16xi1> to vector<16xi32>
        %broadcast_in_dim3A_759 = arith.constant true
        %broadcast_in_dim3A_760 = vector.broadcast %broadcast_in_dim3A_759 : i1 to vector<16xi1>
        %masked_cumsum3A_761 = tpu.scan <sum>, %convert_element_type3A_758 masked %broadcast_in_dim3A_760 : vector<16xi32>, vector<16xi1> -> vector<16xi32>
        %add3A_762 = arith.addi %add3A_757, %masked_cumsum3A_761 : vector<16xi32>
        %sub3A_763 = arith.constant 1 : i32
        %sub3A_764 = vector.broadcast %sub3A_763 : i32 to vector<16xi32>
        %sub3A_765 = arith.subi %add3A_762, %sub3A_764 : vector<16xi32>
        %lt3A_766 = arith.constant 32 : i32
        %lt3A_767 = vector.broadcast %lt3A_766 : i32 to vector<16xi32>
        %lt3A_768 = arith.cmpi slt, %sub3A_765, %lt3A_767 : vector<16xi32>
        %and3A_769 = arith.andi %lt3A_450, %lt3A_768 : vector<16xi1>
        %mul3A_770 = arith.constant 256 : i32
        %mul3A_771 = arith.muli %while3A_281, %mul3A_770 : i32
        %add3A_772 = arith.constant 112 : i32
        %add3A_773 = arith.addi %mul3A_771, %add3A_772 : i32
        %add3A_774 = vector.broadcast %add3A_773 : i32 to vector<16xi32>
        %add3A_775 = arith.addi %add3A_774, %iota3A : vector<16xi32>
        tpu.vector_store_idx %arg18[%sub3A_765], %add3A_775 masked %and3A_769 : memref<32xi32, #tpu.memory_space<vmem>>[vector<16xi32>], vector<16xi32>, vector<16xi1>
        %all_reduce_population_count3A_776 = tpu.all_reduce %lt3A_450 {dim = 0 : i64, kind = #tpu.reduction_kind<sum>} : vector<16xi1> -> vector<16xi32>
        %add3A_777 = arith.addi %add3A_757, %all_reduce_population_count3A_776 : vector<16xi32>
        %convert_element_type3A_778 = arith.extui %lt3A_471 : vector<16xi1> to vector<16xi32>
        %broadcast_in_dim3A_779 = arith.constant true
        %broadcast_in_dim3A_780 = vector.broadcast %broadcast_in_dim3A_779 : i1 to vector<16xi1>
        %masked_cumsum3A_781 = tpu.scan <sum>, %convert_element_type3A_778 masked %broadcast_in_dim3A_780 : vector<16xi32>, vector<16xi1> -> vector<16xi32>
        %add3A_782 = arith.addi %add3A_777, %masked_cumsum3A_781 : vector<16xi32>
        %sub3A_783 = arith.constant 1 : i32
        %sub3A_784 = vector.broadcast %sub3A_783 : i32 to vector<16xi32>
        %sub3A_785 = arith.subi %add3A_782, %sub3A_784 : vector<16xi32>
        %lt3A_786 = arith.constant 32 : i32
        %lt3A_787 = vector.broadcast %lt3A_786 : i32 to vector<16xi32>
        %lt3A_788 = arith.cmpi slt, %sub3A_785, %lt3A_787 : vector<16xi32>
        %and3A_789 = arith.andi %lt3A_471, %lt3A_788 : vector<16xi1>
        %mul3A_790 = arith.constant 256 : i32
        %mul3A_791 = arith.muli %while3A_281, %mul3A_790 : i32
        %add3A_792 = arith.constant 128 : i32
        %add3A_793 = arith.addi %mul3A_791, %add3A_792 : i32
        %add3A_794 = vector.broadcast %add3A_793 : i32 to vector<16xi32>
        %add3A_795 = arith.addi %add3A_794, %iota3A : vector<16xi32>
        tpu.vector_store_idx %arg18[%sub3A_785], %add3A_795 masked %and3A_789 : memref<32xi32, #tpu.memory_space<vmem>>[vector<16xi32>], vector<16xi32>, vector<16xi1>
        %all_reduce_population_count3A_796 = tpu.all_reduce %lt3A_471 {dim = 0 : i64, kind = #tpu.reduction_kind<sum>} : vector<16xi1> -> vector<16xi32>
        %add3A_797 = arith.addi %add3A_777, %all_reduce_population_count3A_796 : vector<16xi32>
        %convert_element_type3A_798 = arith.extui %lt3A_492 : vector<16xi1> to vector<16xi32>
        %broadcast_in_dim3A_799 = arith.constant true
        %broadcast_in_dim3A_800 = vector.broadcast %broadcast_in_dim3A_799 : i1 to vector<16xi1>
        %masked_cumsum3A_801 = tpu.scan <sum>, %convert_element_type3A_798 masked %broadcast_in_dim3A_800 : vector<16xi32>, vector<16xi1> -> vector<16xi32>
        %add3A_802 = arith.addi %add3A_797, %masked_cumsum3A_801 : vector<16xi32>
        %sub3A_803 = arith.constant 1 : i32
        %sub3A_804 = vector.broadcast %sub3A_803 : i32 to vector<16xi32>
        %sub3A_805 = arith.subi %add3A_802, %sub3A_804 : vector<16xi32>
        %lt3A_806 = arith.constant 32 : i32
        %lt3A_807 = vector.broadcast %lt3A_806 : i32 to vector<16xi32>
        %lt3A_808 = arith.cmpi slt, %sub3A_805, %lt3A_807 : vector<16xi32>
        %and3A_809 = arith.andi %lt3A_492, %lt3A_808 : vector<16xi1>
        %mul3A_810 = arith.constant 256 : i32
        %mul3A_811 = arith.muli %while3A_281, %mul3A_810 : i32
        %add3A_812 = arith.constant 144 : i32
        %add3A_813 = arith.addi %mul3A_811, %add3A_812 : i32
        %add3A_814 = vector.broadcast %add3A_813 : i32 to vector<16xi32>
        %add3A_815 = arith.addi %add3A_814, %iota3A : vector<16xi32>
        tpu.vector_store_idx %arg18[%sub3A_805], %add3A_815 masked %and3A_809 : memref<32xi32, #tpu.memory_space<vmem>>[vector<16xi32>], vector<16xi32>, vector<16xi1>
        %all_reduce_population_count3A_816 = tpu.all_reduce %lt3A_492 {dim = 0 : i64, kind = #tpu.reduction_kind<sum>} : vector<16xi1> -> vector<16xi32>
        %add3A_817 = arith.addi %add3A_797, %all_reduce_population_count3A_816 : vector<16xi32>
        %convert_element_type3A_818 = arith.extui %lt3A_513 : vector<16xi1> to vector<16xi32>
        %broadcast_in_dim3A_819 = arith.constant true
        %broadcast_in_dim3A_820 = vector.broadcast %broadcast_in_dim3A_819 : i1 to vector<16xi1>
        %masked_cumsum3A_821 = tpu.scan <sum>, %convert_element_type3A_818 masked %broadcast_in_dim3A_820 : vector<16xi32>, vector<16xi1> -> vector<16xi32>
        %add3A_822 = arith.addi %add3A_817, %masked_cumsum3A_821 : vector<16xi32>
        %sub3A_823 = arith.constant 1 : i32
        %sub3A_824 = vector.broadcast %sub3A_823 : i32 to vector<16xi32>
        %sub3A_825 = arith.subi %add3A_822, %sub3A_824 : vector<16xi32>
        %lt3A_826 = arith.constant 32 : i32
        %lt3A_827 = vector.broadcast %lt3A_826 : i32 to vector<16xi32>
        %lt3A_828 = arith.cmpi slt, %sub3A_825, %lt3A_827 : vector<16xi32>
        %and3A_829 = arith.andi %lt3A_513, %lt3A_828 : vector<16xi1>
        %mul3A_830 = arith.constant 256 : i32
        %mul3A_831 = arith.muli %while3A_281, %mul3A_830 : i32
        %add3A_832 = arith.constant 160 : i32
        %add3A_833 = arith.addi %mul3A_831, %add3A_832 : i32
        %add3A_834 = vector.broadcast %add3A_833 : i32 to vector<16xi32>
        %add3A_835 = arith.addi %add3A_834, %iota3A : vector<16xi32>
        tpu.vector_store_idx %arg18[%sub3A_825], %add3A_835 masked %and3A_829 : memref<32xi32, #tpu.memory_space<vmem>>[vector<16xi32>], vector<16xi32>, vector<16xi1>
        %all_reduce_population_count3A_836 = tpu.all_reduce %lt3A_513 {dim = 0 : i64, kind = #tpu.reduction_kind<sum>} : vector<16xi1> -> vector<16xi32>
        %add3A_837 = arith.addi %add3A_817, %all_reduce_population_count3A_836 : vector<16xi32>
        %convert_element_type3A_838 = arith.extui %lt3A_534 : vector<16xi1> to vector<16xi32>
        %broadcast_in_dim3A_839 = arith.constant true
        %broadcast_in_dim3A_840 = vector.broadcast %broadcast_in_dim3A_839 : i1 to vector<16xi1>
        %masked_cumsum3A_841 = tpu.scan <sum>, %convert_element_type3A_838 masked %broadcast_in_dim3A_840 : vector<16xi32>, vector<16xi1> -> vector<16xi32>
        %add3A_842 = arith.addi %add3A_837, %masked_cumsum3A_841 : vector<16xi32>
        %sub3A_843 = arith.constant 1 : i32
        %sub3A_844 = vector.broadcast %sub3A_843 : i32 to vector<16xi32>
        %sub3A_845 = arith.subi %add3A_842, %sub3A_844 : vector<16xi32>
        %lt3A_846 = arith.constant 32 : i32
        %lt3A_847 = vector.broadcast %lt3A_846 : i32 to vector<16xi32>
        %lt3A_848 = arith.cmpi slt, %sub3A_845, %lt3A_847 : vector<16xi32>
        %and3A_849 = arith.andi %lt3A_534, %lt3A_848 : vector<16xi1>
        %mul3A_850 = arith.constant 256 : i32
        %mul3A_851 = arith.muli %while3A_281, %mul3A_850 : i32
        %add3A_852 = arith.constant 176 : i32
        %add3A_853 = arith.addi %mul3A_851, %add3A_852 : i32
        %add3A_854 = vector.broadcast %add3A_853 : i32 to vector<16xi32>
        %add3A_855 = arith.addi %add3A_854, %iota3A : vector<16xi32>
        tpu.vector_store_idx %arg18[%sub3A_845], %add3A_855 masked %and3A_849 : memref<32xi32, #tpu.memory_space<vmem>>[vector<16xi32>], vector<16xi32>, vector<16xi1>
        %all_reduce_population_count3A_856 = tpu.all_reduce %lt3A_534 {dim = 0 : i64, kind = #tpu.reduction_kind<sum>} : vector<16xi1> -> vector<16xi32>
        %add3A_857 = arith.addi %add3A_837, %all_reduce_population_count3A_856 : vector<16xi32>
        %convert_element_type3A_858 = arith.extui %lt3A_555 : vector<16xi1> to vector<16xi32>
        %broadcast_in_dim3A_859 = arith.constant true
        %broadcast_in_dim3A_860 = vector.broadcast %broadcast_in_dim3A_859 : i1 to vector<16xi1>
        %masked_cumsum3A_861 = tpu.scan <sum>, %convert_element_type3A_858 masked %broadcast_in_dim3A_860 : vector<16xi32>, vector<16xi1> -> vector<16xi32>
        %add3A_862 = arith.addi %add3A_857, %masked_cumsum3A_861 : vector<16xi32>
        %sub3A_863 = arith.constant 1 : i32
        %sub3A_864 = vector.broadcast %sub3A_863 : i32 to vector<16xi32>
        %sub3A_865 = arith.subi %add3A_862, %sub3A_864 : vector<16xi32>
        %lt3A_866 = arith.constant 32 : i32
        %lt3A_867 = vector.broadcast %lt3A_866 : i32 to vector<16xi32>
        %lt3A_868 = arith.cmpi slt, %sub3A_865, %lt3A_867 : vector<16xi32>
        %and3A_869 = arith.andi %lt3A_555, %lt3A_868 : vector<16xi1>
        %mul3A_870 = arith.constant 256 : i32
        %mul3A_871 = arith.muli %while3A_281, %mul3A_870 : i32
        %add3A_872 = arith.constant 192 : i32
        %add3A_873 = arith.addi %mul3A_871, %add3A_872 : i32
        %add3A_874 = vector.broadcast %add3A_873 : i32 to vector<16xi32>
        %add3A_875 = arith.addi %add3A_874, %iota3A : vector<16xi32>
        tpu.vector_store_idx %arg18[%sub3A_865], %add3A_875 masked %and3A_869 : memref<32xi32, #tpu.memory_space<vmem>>[vector<16xi32>], vector<16xi32>, vector<16xi1>
        %all_reduce_population_count3A_876 = tpu.all_reduce %lt3A_555 {dim = 0 : i64, kind = #tpu.reduction_kind<sum>} : vector<16xi1> -> vector<16xi32>
        %add3A_877 = arith.addi %add3A_857, %all_reduce_population_count3A_876 : vector<16xi32>
        %convert_element_type3A_878 = arith.extui %lt3A_576 : vector<16xi1> to vector<16xi32>
        %broadcast_in_dim3A_879 = arith.constant true
        %broadcast_in_dim3A_880 = vector.broadcast %broadcast_in_dim3A_879 : i1 to vector<16xi1>
        %masked_cumsum3A_881 = tpu.scan <sum>, %convert_element_type3A_878 masked %broadcast_in_dim3A_880 : vector<16xi32>, vector<16xi1> -> vector<16xi32>
        %add3A_882 = arith.addi %add3A_877, %masked_cumsum3A_881 : vector<16xi32>
        %sub3A_883 = arith.constant 1 : i32
        %sub3A_884 = vector.broadcast %sub3A_883 : i32 to vector<16xi32>
        %sub3A_885 = arith.subi %add3A_882, %sub3A_884 : vector<16xi32>
        %lt3A_886 = arith.constant 32 : i32
        %lt3A_887 = vector.broadcast %lt3A_886 : i32 to vector<16xi32>
        %lt3A_888 = arith.cmpi slt, %sub3A_885, %lt3A_887 : vector<16xi32>
        %and3A_889 = arith.andi %lt3A_576, %lt3A_888 : vector<16xi1>
        %mul3A_890 = arith.constant 256 : i32
        %mul3A_891 = arith.muli %while3A_281, %mul3A_890 : i32
        %add3A_892 = arith.constant 208 : i32
        %add3A_893 = arith.addi %mul3A_891, %add3A_892 : i32
        %add3A_894 = vector.broadcast %add3A_893 : i32 to vector<16xi32>
        %add3A_895 = arith.addi %add3A_894, %iota3A : vector<16xi32>
        tpu.vector_store_idx %arg18[%sub3A_885], %add3A_895 masked %and3A_889 : memref<32xi32, #tpu.memory_space<vmem>>[vector<16xi32>], vector<16xi32>, vector<16xi1>
        %all_reduce_population_count3A_896 = tpu.all_reduce %lt3A_576 {dim = 0 : i64, kind = #tpu.reduction_kind<sum>} : vector<16xi1> -> vector<16xi32>
        %add3A_897 = arith.addi %add3A_877, %all_reduce_population_count3A_896 : vector<16xi32>
        %convert_element_type3A_898 = arith.extui %lt3A_597 : vector<16xi1> to vector<16xi32>
        %broadcast_in_dim3A_899 = arith.constant true
        %broadcast_in_dim3A_900 = vector.broadcast %broadcast_in_dim3A_899 : i1 to vector<16xi1>
        %masked_cumsum3A_901 = tpu.scan <sum>, %convert_element_type3A_898 masked %broadcast_in_dim3A_900 : vector<16xi32>, vector<16xi1> -> vector<16xi32>
        %add3A_902 = arith.addi %add3A_897, %masked_cumsum3A_901 : vector<16xi32>
        %sub3A_903 = arith.constant 1 : i32
        %sub3A_904 = vector.broadcast %sub3A_903 : i32 to vector<16xi32>
        %sub3A_905 = arith.subi %add3A_902, %sub3A_904 : vector<16xi32>
        %lt3A_906 = arith.constant 32 : i32
        %lt3A_907 = vector.broadcast %lt3A_906 : i32 to vector<16xi32>
        %lt3A_908 = arith.cmpi slt, %sub3A_905, %lt3A_907 : vector<16xi32>
        %and3A_909 = arith.andi %lt3A_597, %lt3A_908 : vector<16xi1>
        %mul3A_910 = arith.constant 256 : i32
        %mul3A_911 = arith.muli %while3A_281, %mul3A_910 : i32
        %add3A_912 = arith.constant 224 : i32
        %add3A_913 = arith.addi %mul3A_911, %add3A_912 : i32
        %add3A_914 = vector.broadcast %add3A_913 : i32 to vector<16xi32>
        %add3A_915 = arith.addi %add3A_914, %iota3A : vector<16xi32>
        tpu.vector_store_idx %arg18[%sub3A_905], %add3A_915 masked %and3A_909 : memref<32xi32, #tpu.memory_space<vmem>>[vector<16xi32>], vector<16xi32>, vector<16xi1>
        %all_reduce_population_count3A_916 = tpu.all_reduce %lt3A_597 {dim = 0 : i64, kind = #tpu.reduction_kind<sum>} : vector<16xi1> -> vector<16xi32>
        %add3A_917 = arith.addi %add3A_897, %all_reduce_population_count3A_916 : vector<16xi32>
        %convert_element_type3A_918 = arith.extui %lt3A_618 : vector<16xi1> to vector<16xi32>
        %broadcast_in_dim3A_919 = arith.constant true
        %broadcast_in_dim3A_920 = vector.broadcast %broadcast_in_dim3A_919 : i1 to vector<16xi1>
        %masked_cumsum3A_921 = tpu.scan <sum>, %convert_element_type3A_918 masked %broadcast_in_dim3A_920 : vector<16xi32>, vector<16xi1> -> vector<16xi32>
        %add3A_922 = arith.addi %add3A_917, %masked_cumsum3A_921 : vector<16xi32>
        %sub3A_923 = arith.constant 1 : i32
        %sub3A_924 = vector.broadcast %sub3A_923 : i32 to vector<16xi32>
        %sub3A_925 = arith.subi %add3A_922, %sub3A_924 : vector<16xi32>
        %lt3A_926 = arith.constant 32 : i32
        %lt3A_927 = vector.broadcast %lt3A_926 : i32 to vector<16xi32>
        %lt3A_928 = arith.cmpi slt, %sub3A_925, %lt3A_927 : vector<16xi32>
        %and3A_929 = arith.andi %lt3A_618, %lt3A_928 : vector<16xi1>
        %mul3A_930 = arith.constant 256 : i32
        %mul3A_931 = arith.muli %while3A_281, %mul3A_930 : i32
        %add3A_932 = arith.constant 240 : i32
        %add3A_933 = arith.addi %mul3A_931, %add3A_932 : i32
        %add3A_934 = vector.broadcast %add3A_933 : i32 to vector<16xi32>
        %add3A_935 = arith.addi %add3A_934, %iota3A : vector<16xi32>
        tpu.vector_store_idx %arg18[%sub3A_925], %add3A_935 masked %and3A_929 : memref<32xi32, #tpu.memory_space<vmem>>[vector<16xi32>], vector<16xi32>, vector<16xi1>
        %all_reduce_population_count3A_936 = tpu.all_reduce %lt3A_618 {dim = 0 : i64, kind = #tpu.reduction_kind<sum>} : vector<16xi1> -> vector<16xi32>
        %add3A_937 = arith.addi %add3A_917, %all_reduce_population_count3A_936 : vector<16xi32>
        %add3A_938 = arith.constant 1 : i32
        %add3A_939 = arith.addi %while3A_281, %add3A_938 : i32
        %slice3A = vector.extract_strided_slice %add3A_937 {offsets = [0], sizes = [1], strides = [1]} : vector<16xi32> to vector<1xi32>
        %squeeze3A = vector.extract %slice3A[0] : i32 from vector<1xi32>
        scf.yield %add3A_939, %squeeze3A : i32, i32
      }
      %broadcast_in_dim3A_198 = vector.broadcast %while3A_197#1 : i32 to vector<16xi32>
      %gather3A_199 = tpu.vector_load_idx %arg18[%mul3A_35] : memref<32xi32, #tpu.memory_space<vmem>>[vector<16xi32>], vector<16xi32>,
      %gt3A_200 = arith.constant 0 : i32
      %gt3A_201 = vector.broadcast %gt3A_200 : i32 to vector<16xi32>
      %gt3A_202 = arith.cmpi sgt, %broadcast_in_dim3A_198, %gt3A_201 : vector<16xi32>
      %jit3A_203 = arith.constant 0 : i32
      %broadcast_in_dim3A_204 = vector.broadcast %jit3A_203 : i32 to vector<16xi32>
      %select_n3A_205 = arith.select %gt3A_202, %gather3A_199, %broadcast_in_dim3A_204 : vector<16xi1>, vector<16xi32>
      %get3A_206 = arith.constant 0 : index
      %get3A_207 = tpu.vector_load %arg18[%get3A_206] {strides = array<i32>} : memref<32xi32, #tpu.memory_space<vmem>>, vector<16xi32>,
      %add3A_208 = arith.constant 0 : i32
      %add3A_209 = vector.broadcast %add3A_208 : i32 to vector<16xi32>
      %add3A_210 = arith.addi %iota3A, %add3A_209 : vector<16xi32>
      %lt3A_211 = arith.cmpi slt, %add3A_210, %broadcast_in_dim3A_198 : vector<16xi32>
      %select_n3A_212 = arith.select %lt3A_211, %get3A_207, %select_n3A_205 : vector<16xi1>, vector<16xi32>
      %swap3A_213 = arith.constant 0 : index
      %swap3A_214 = tpu.vector_load %arg18[%swap3A_213] {strides = array<i32>} : memref<32xi32, #tpu.memory_space<vmem>>, vector<16xi32>,
      tpu.vector_store %arg18[%swap3A_213], %select_n3A_212 {strides = array<i32>} : memref<32xi32, #tpu.memory_space<vmem>>, vector<16xi32>,
      %get3A_215 = arith.constant 16 : index
      %get3A_216 = tpu.vector_load %arg18[%get3A_215] {strides = array<i32>} : memref<32xi32, #tpu.memory_space<vmem>>, vector<16xi32>,
      %add3A_217 = arith.constant 16 : i32
      %add3A_218 = vector.broadcast %add3A_217 : i32 to vector<16xi32>
      %add3A_219 = arith.addi %iota3A, %add3A_218 : vector<16xi32>
      %lt3A_220 = arith.cmpi slt, %add3A_219, %broadcast_in_dim3A_198 : vector<16xi32>
      %select_n3A_221 = arith.select %lt3A_220, %get3A_216, %select_n3A_205 : vector<16xi1>, vector<16xi32>
      %swap3A_222 = arith.constant 16 : index
      %swap3A_223 = tpu.vector_load %arg18[%swap3A_222] {strides = array<i32>} : memref<32xi32, #tpu.memory_space<vmem>>, vector<16xi32>,
      tpu.vector_store %arg18[%swap3A_222], %select_n3A_221 {strides = array<i32>} : memref<32xi32, #tpu.memory_space<vmem>>, vector<16xi32>,
      %get3A_224 = arith.constant 0 : index
      %get3A_225 = tpu.vector_load %arg18[%get3A_224] {strides = array<i32>} : memref<32xi32, #tpu.memory_space<vmem>>, vector<16xi32>,
      %add3A_226 = arith.constant 0 : i32
      %add3A_227 = vector.broadcast %add3A_226 : i32 to vector<16xi32>
      %add3A_228 = arith.addi %iota3A, %add3A_227 : vector<16xi32>
      %gather3A_229 = tpu.vector_load_idx %arg11[%get3A_225] : memref<16384xf32, #tpu.memory_space<vmem>>[vector<16xi32>], vector<16xf32>,
      %sub3A_230 = arith.subf %gather3A_229, %gather3A_192 : vector<16xf32>
      %gather3A_231 = tpu.vector_load_idx %arg12[%get3A_225] : memref<16384xf32, #tpu.memory_space<vmem>>[vector<16xi32>], vector<16xf32>,
      %sub3A_232 = arith.subf %gather3A_231, %gather3A_193 : vector<16xf32>
      %gather3A_233 = tpu.vector_load_idx %arg13[%get3A_225] : memref<16384xf32, #tpu.memory_space<vmem>>[vector<16xi32>], vector<16xf32>,
      %sub3A_234 = arith.subf %gather3A_233, %gather3A_194 : vector<16xf32>
      tpu.vector_store_idx %arg20[%add3A_228, %mul3A_35], %sub3A_230 : memref<32x3xf32, #tpu.memory_space<vmem>>[vector<16xi32>, vector<16xi32>], vector<16xf32>,
      %add3A_235 = arith.constant 1 : i32
      %add3A_236 = vector.broadcast %add3A_235 : i32 to vector<16xi32>
      %add3A_237 = arith.addi %mul3A_35, %add3A_236 : vector<16xi32>
      tpu.vector_store_idx %arg20[%add3A_228, %add3A_237], %sub3A_232 : memref<32x3xf32, #tpu.memory_space<vmem>>[vector<16xi32>, vector<16xi32>], vector<16xf32>,
      %add3A_238 = arith.constant 2 : i32
      %add3A_239 = vector.broadcast %add3A_238 : i32 to vector<16xi32>
      %add3A_240 = arith.addi %mul3A_35, %add3A_239 : vector<16xi32>
      tpu.vector_store_idx %arg20[%add3A_228, %add3A_240], %sub3A_234 : memref<32x3xf32, #tpu.memory_space<vmem>>[vector<16xi32>, vector<16xi32>], vector<16xf32>,
      %get3A_241 = arith.constant 16 : index
      %get3A_242 = tpu.vector_load %arg18[%get3A_241] {strides = array<i32>} : memref<32xi32, #tpu.memory_space<vmem>>, vector<16xi32>,
      %add3A_243 = arith.constant 16 : i32
      %add3A_244 = vector.broadcast %add3A_243 : i32 to vector<16xi32>
      %add3A_245 = arith.addi %iota3A, %add3A_244 : vector<16xi32>
      %gather3A_246 = tpu.vector_load_idx %arg11[%get3A_242] : memref<16384xf32, #tpu.memory_space<vmem>>[vector<16xi32>], vector<16xf32>,
      %sub3A_247 = arith.subf %gather3A_246, %gather3A_192 : vector<16xf32>
      %gather3A_248 = tpu.vector_load_idx %arg12[%get3A_242] : memref<16384xf32, #tpu.memory_space<vmem>>[vector<16xi32>], vector<16xf32>,
      %sub3A_249 = arith.subf %gather3A_248, %gather3A_193 : vector<16xf32>
      %gather3A_250 = tpu.vector_load_idx %arg13[%get3A_242] : memref<16384xf32, #tpu.memory_space<vmem>>[vector<16xi32>], vector<16xf32>,
      %sub3A_251 = arith.subf %gather3A_250, %gather3A_194 : vector<16xf32>
      tpu.vector_store_idx %arg20[%add3A_245, %mul3A_35], %sub3A_247 : memref<32x3xf32, #tpu.memory_space<vmem>>[vector<16xi32>, vector<16xi32>], vector<16xf32>,
      %add3A_252 = arith.constant 1 : i32
      %add3A_253 = vector.broadcast %add3A_252 : i32 to vector<16xi32>
      %add3A_254 = arith.addi %mul3A_35, %add3A_253 : vector<16xi32>
      tpu.vector_store_idx %arg20[%add3A_245, %add3A_254], %sub3A_249 : memref<32x3xf32, #tpu.memory_space<vmem>>[vector<16xi32>, vector<16xi32>], vector<16xf32>,
      %add3A_255 = arith.constant 2 : i32
      %add3A_256 = vector.broadcast %add3A_255 : i32 to vector<16xi32>
      %add3A_257 = arith.addi %mul3A_35, %add3A_256 : vector<16xi32>
      tpu.vector_store_idx %arg20[%add3A_245, %add3A_257], %sub3A_251 : memref<32x3xf32, #tpu.memory_space<vmem>>[vector<16xi32>, vector<16xi32>], vector<16xf32>,
      %dma_start3A_258 = arith.constant 0 : i32
      %dma_start3A_259 = arith.constant 0 : i32
      %dma_start3A_260 = tpu.memref_slice %arg8[%select_n3A, %dma_start3A_258, %dma_start3A_259] : memref<8x16384x64xf32, #tpu.memory_space<hbm>> -> memref<1x16384x64xf32, #tpu.memory_space<hbm>>
      %dma_start3A_261 = tpu.memref_squeeze %dma_start3A_260 : memref<1x16384x64xf32, #tpu.memory_space<hbm>> -> memref<16384x64xf32, #tpu.memory_space<hbm>>
      %dma_start3A_262 = arith.constant 0 : i32
      %dma_start3A_263 = arith.constant 0 : i32
      %dma_start3A_264 = tpu.memref_slice %dma_start3A_261[%dma_start3A_262, %dma_start3A_263] : memref<16384x64xf32, #tpu.memory_space<hbm>> -> memref<16384x64xf32, #tpu.memory_space<hbm>>
      tpu.enqueue_indirect_dma source(%dma_start3A_264 : memref<16384x64xf32, #tpu.memory_space<hbm>>) target(%arg22 : memref<32x64xf32, #tpu.memory_space<vmem>>) offsets(%arg18 : memref<32xi32, #tpu.memory_space<vmem>>) semaphore(%arg24 : memref<!tpu.dma_semaphore, #tpu.memory_space<semaphore_mem>>)
      %add3A_265 = arith.addi %mul3A_32, %add3A_185 : i32
      %dma_start3A_266 = arith.constant 0 : i32
      %dma_start3A_267 = arith.constant 0 : i32
      %dma_start3A_268 = tpu.memref_slice %arg9[%select_n3A, %add3A_265, %dma_start3A_266, %dma_start3A_267] : memref<8x512x32x3xf32, #tpu.memory_space<hbm>> -> memref<1x1x32x3xf32, #tpu.memory_space<hbm>>
      %dma_start3A_269 = tpu.memref_squeeze %dma_start3A_268 : memref<1x1x32x3xf32, #tpu.memory_space<hbm>> -> memref<32x3xf32, #tpu.memory_space<hbm>>
      %dma_start3A_270 = arith.constant 0 : i32
      %dma_start3A_271 = arith.constant 0 : i32
      %dma_start3A_272 = tpu.memref_slice %arg9[%select_n3A, %add3A_265, %dma_start3A_270, %dma_start3A_271] : memref<8x512x32x3xf32, #tpu.memory_space<hbm>> -> memref<1x1x32x3xf32, #tpu.memory_space<hbm>>
      %dma_start3A_273 = tpu.memref_squeeze %dma_start3A_272 : memref<1x1x32x3xf32, #tpu.memory_space<hbm>> -> memref<32x3xf32, #tpu.memory_space<hbm>>
      tpu.enqueue_dma source(%arg20 : memref<32x3xf32, #tpu.memory_space<vmem>>) target(%dma_start3A_273 : memref<32x3xf32, #tpu.memory_space<hbm>>) target_semaphore(%arg28 : memref<!tpu.dma_semaphore, #tpu.memory_space<semaphore_mem>>)
      %sub3A_274 = arith.constant 1 : i32
      %sub3A_275 = arith.subi %add3A_185, %sub3A_274 : i32
      %ge3A_276 = arith.constant 1 : i32
      %ge3A_277 = arith.cmpi sge, %add3A_185, %ge3A_276 : i32
      %convert_element_type3A_278 = arith.extui %ge3A_277 : i1 to i32
      %cond3A_279 = arith.constant 0 : i32
      %cond3A_280 = arith.cmpi ne, %convert_element_type3A_278, %cond3A_279 : i32
      scf.if %cond3A_280 {
        %dma_wait3A_281 = arith.constant 0 : i32
        %dma_wait3A_282 = arith.constant 0 : i32
        %dma_wait3A_283 = tpu.memref_slice %arg8[%select_n3A, %dma_wait3A_281, %dma_wait3A_282] : memref<8x16384x64xf32, #tpu.memory_space<hbm>> -> memref<1x16384x64xf32, #tpu.memory_space<hbm>>
        %dma_wait3A_284 = tpu.memref_squeeze %dma_wait3A_283 : memref<1x16384x64xf32, #tpu.memory_space<hbm>> -> memref<16384x64xf32, #tpu.memory_space<hbm>>
        %dma_wait3A_285 = arith.constant 0 : i32
        %dma_wait3A_286 = arith.constant 0 : i32
        %dma_wait3A_287 = tpu.memref_slice %dma_wait3A_284[%dma_wait3A_285, %dma_wait3A_286] : memref<16384x64xf32, #tpu.memory_space<hbm>> -> memref<16384x64xf32, #tpu.memory_space<hbm>>
        tpu.wait_indirect_dma semaphore(%arg23 : memref<!tpu.dma_semaphore, #tpu.memory_space<semaphore_mem>>) src(%dma_wait3A_287 : memref<16384x64xf32, #tpu.memory_space<hbm>>) dst(%arg21 : memref<32x64xf32, #tpu.memory_space<vmem>>)
        %add3A_288 = arith.addi %mul3A_32, %sub3A_275 : i32
        %dma_start3A_289 = arith.constant 0 : i32
        %dma_start3A_290 = arith.constant 0 : i32
        %dma_start3A_291 = tpu.memref_slice %arg10[%select_n3A, %add3A_288, %dma_start3A_289, %dma_start3A_290] : memref<8x512x32x64xf32, #tpu.memory_space<hbm>> -> memref<1x1x32x64xf32, #tpu.memory_space<hbm>>
        %dma_start3A_292 = tpu.memref_squeeze %dma_start3A_291 : memref<1x1x32x64xf32, #tpu.memory_space<hbm>> -> memref<32x64xf32, #tpu.memory_space<hbm>>
        %dma_start3A_293 = arith.constant 0 : i32
        %dma_start3A_294 = arith.constant 0 : i32
        %dma_start3A_295 = tpu.memref_slice %arg10[%select_n3A, %add3A_288, %dma_start3A_293, %dma_start3A_294] : memref<8x512x32x64xf32, #tpu.memory_space<hbm>> -> memref<1x1x32x64xf32, #tpu.memory_space<hbm>>
        %dma_start3A_296 = tpu.memref_squeeze %dma_start3A_295 : memref<1x1x32x64xf32, #tpu.memory_space<hbm>> -> memref<32x64xf32, #tpu.memory_space<hbm>>
        tpu.enqueue_dma source(%arg21 : memref<32x64xf32, #tpu.memory_space<vmem>>) target(%dma_start3A_296 : memref<32x64xf32, #tpu.memory_space<hbm>>) target_semaphore(%arg25 : memref<!tpu.dma_semaphore, #tpu.memory_space<semaphore_mem>>)
      } else {
      }
    }
    %scan3A_39 = arith.constant 64 : i32
    %dma_wait3A = arith.constant 0 : i32
    %dma_wait3A_40 = arith.constant 0 : i32
    %dma_wait3A_41 = tpu.memref_slice %arg8[%select_n3A, %dma_wait3A, %dma_wait3A_40] : memref<8x16384x64xf32, #tpu.memory_space<hbm>> -> memref<1x16384x64xf32, #tpu.memory_space<hbm>>
    %dma_wait3A_42 = tpu.memref_squeeze %dma_wait3A_41 : memref<1x16384x64xf32, #tpu.memory_space<hbm>> -> memref<16384x64xf32, #tpu.memory_space<hbm>>
    %dma_wait3A_43 = arith.constant 0 : i32
    %dma_wait3A_44 = arith.constant 0 : i32
    %dma_wait3A_45 = tpu.memref_slice %dma_wait3A_42[%dma_wait3A_43, %dma_wait3A_44] : memref<16384x64xf32, #tpu.memory_space<hbm>> -> memref<16384x64xf32, #tpu.memory_space<hbm>>
    tpu.wait_indirect_dma semaphore(%arg24 : memref<!tpu.dma_semaphore, #tpu.memory_space<semaphore_mem>>) src(%dma_wait3A_45 : memref<16384x64xf32, #tpu.memory_space<hbm>>) dst(%arg22 : memref<32x64xf32, #tpu.memory_space<vmem>>)
    %add3A_46 = arith.constant 127 : i32
    %add3A_47 = arith.addi %mul3A_32, %add3A_46 : i32
    %dma_start3A = arith.constant 0 : i32
    %dma_start3A_48 = arith.constant 0 : i32
    %dma_start3A_49 = tpu.memref_slice %arg10[%select_n3A, %add3A_47, %dma_start3A, %dma_start3A_48] : memref<8x512x32x64xf32, #tpu.memory_space<hbm>> -> memref<1x1x32x64xf32, #tpu.memory_space<hbm>>
    %dma_start3A_50 = tpu.memref_squeeze %dma_start3A_49 : memref<1x1x32x64xf32, #tpu.memory_space<hbm>> -> memref<32x64xf32, #tpu.memory_space<hbm>>
    %dma_start3A_51 = arith.constant 0 : i32
    %dma_start3A_52 = arith.constant 0 : i32
    %dma_start3A_53 = tpu.memref_slice %arg10[%select_n3A, %add3A_47, %dma_start3A_51, %dma_start3A_52] : memref<8x512x32x64xf32, #tpu.memory_space<hbm>> -> memref<1x1x32x64xf32, #tpu.memory_space<hbm>>
    %dma_start3A_54 = tpu.memref_squeeze %dma_start3A_53 : memref<1x1x32x64xf32, #tpu.memory_space<hbm>> -> memref<32x64xf32, #tpu.memory_space<hbm>>
    tpu.enqueue_dma source(%arg22 : memref<32x64xf32, #tpu.memory_space<vmem>>) target(%dma_start3A_54 : memref<32x64xf32, #tpu.memory_space<hbm>>) target_semaphore(%arg26 : memref<!tpu.dma_semaphore, #tpu.memory_space<semaphore_mem>>)
    %dma_wait3A_55 = arith.constant 0 : i32
    %dma_wait3A_56 = arith.constant 0 : i32
    %dma_wait3A_57 = arith.constant 0 : i32
    %dma_wait3A_58 = tpu.memref_slice %arg9[%select_n3A, %dma_wait3A_55, %dma_wait3A_56, %dma_wait3A_57] : memref<8x512x32x3xf32, #tpu.memory_space<hbm>> -> memref<1x1x32x3xf32, #tpu.memory_space<hbm>>
    %dma_wait3A_59 = tpu.memref_squeeze %dma_wait3A_58 : memref<1x1x32x3xf32, #tpu.memory_space<hbm>> -> memref<32x3xf32, #tpu.memory_space<hbm>>
    %dma_wait3A_60 = arith.constant 0 : i32
    %dma_wait3A_61 = arith.constant 0 : i32
    %dma_wait3A_62 = tpu.memref_slice %arg9[%select_n3A, %dma_wait3A_55, %dma_wait3A_60, %dma_wait3A_61] : memref<8x512x32x3xf32, #tpu.memory_space<hbm>> -> memref<1x1x32x3xf32, #tpu.memory_space<hbm>>
    %dma_wait3A_63 = tpu.memref_squeeze %dma_wait3A_62 : memref<1x1x32x3xf32, #tpu.memory_space<hbm>> -> memref<32x3xf32, #tpu.memory_space<hbm>>
    tpu.wait_dma2 semaphore(%arg27 : memref<!tpu.dma_semaphore, #tpu.memory_space<semaphore_mem>>) src(%arg19 : memref<32x3xf32, #tpu.memory_space<vmem>>) dst(%dma_wait3A_63 : memref<32x3xf32, #tpu.memory_space<hbm>>)
    %dma_wait3A_64 = arith.constant 0 : i32
    %dma_wait3A_65 = arith.constant 0 : i32
    %dma_wait3A_66 = arith.constant 0 : i32
    %dma_wait3A_67 = tpu.memref_slice %arg10[%select_n3A, %dma_wait3A_64, %dma_wait3A_65, %dma_wait3A_66] : memref<8x512x32x64xf32, #tpu.memory_space<hbm>> -> memref<1x1x32x64xf32, #tpu.memory_space<hbm>>
    %dma_wait3A_68 = tpu.memref_squeeze %dma_wait3A_67 : memref<1x1x32x64xf32, #tpu.memory_space<hbm>> -> memref<32x64xf32, #tpu.memory_space<hbm>>
    %dma_wait3A_69 = arith.constant 0 : i32
    %dma_wait3A_70 = arith.constant 0 : i32
    %dma_wait3A_71 = tpu.memref_slice %arg10[%select_n3A, %dma_wait3A_64, %dma_wait3A_69, %dma_wait3A_70] : memref<8x512x32x64xf32, #tpu.memory_space<hbm>> -> memref<1x1x32x64xf32, #tpu.memory_space<hbm>>
    %dma_wait3A_72 = tpu.memref_squeeze %dma_wait3A_71 : memref<1x1x32x64xf32, #tpu.memory_space<hbm>> -> memref<32x64xf32, #tpu.memory_space<hbm>>
    tpu.wait_dma2 semaphore(%arg25 : memref<!tpu.dma_semaphore, #tpu.memory_space<semaphore_mem>>) src(%arg21 : memref<32x64xf32, #tpu.memory_space<vmem>>) dst(%dma_wait3A_72 : memref<32x64xf32, #tpu.memory_space<hbm>>)
    %dma_wait3A_73 = arith.constant 0 : i32
    %dma_wait3A_74 = arith.constant 0 : i32
    %dma_wait3A_75 = arith.constant 0 : i32
    %dma_wait3A_76 = tpu.memref_slice %arg9[%select_n3A, %dma_wait3A_73, %dma_wait3A_74, %dma_wait3A_75] : memref<8x512x32x3xf32, #tpu.memory_space<hbm>> -> memref<1x1x32x3xf32, #tpu.memory_space<hbm>>
    %dma_wait3A_77 = tpu.memref_squeeze %dma_wait3A_76 : memref<1x1x32x3xf32, #tpu.memory_space<hbm>> -> memref<32x3xf32, #tpu.memory_space<hbm>>
    %dma_wait3A_78 = arith.constant 0 : i32
    %dma_wait3A_79 = arith.constant 0 : i32
    %dma_wait3A_80 = tpu.memref_slice %arg9[%select_n3A, %dma_wait3A_73, %dma_wait3A_78, %dma_wait3A_79] : memref<8x512x32x3xf32, #tpu.memory_space<hbm>> -> memref<1x1x32x3xf32, #tpu.memory_space<hbm>>
    %dma_wait3A_81 = tpu.memref_squeeze %dma_wait3A_80 : memref<1x1x32x3xf32, #tpu.memory_space<hbm>> -> memref<32x3xf32, #tpu.memory_space<hbm>>
    tpu.wait_dma2 semaphore(%arg28 : memref<!tpu.dma_semaphore, #tpu.memory_space<semaphore_mem>>) src(%arg20 : memref<32x3xf32, #tpu.memory_space<vmem>>) dst(%dma_wait3A_81 : memref<32x3xf32, #tpu.memory_space<hbm>>)
    %dma_wait3A_82 = arith.constant 0 : i32
    %dma_wait3A_83 = arith.constant 0 : i32
    %dma_wait3A_84 = arith.constant 0 : i32
    %dma_wait3A_85 = tpu.memref_slice %arg10[%select_n3A, %dma_wait3A_82, %dma_wait3A_83, %dma_wait3A_84] : memref<8x512x32x64xf32, #tpu.memory_space<hbm>> -> memref<1x1x32x64xf32, #tpu.memory_space<hbm>>
    %dma_wait3A_86 = tpu.memref_squeeze %dma_wait3A_85 : memref<1x1x32x64xf32, #tpu.memory_space<hbm>> -> memref<32x64xf32, #tpu.memory_space<hbm>>
    %dma_wait3A_87 = arith.constant 0 : i32
    %dma_wait3A_88 = arith.constant 0 : i32
    %dma_wait3A_89 = tpu.memref_slice %arg10[%select_n3A, %dma_wait3A_82, %dma_wait3A_87, %dma_wait3A_88] : memref<8x512x32x64xf32, #tpu.memory_space<hbm>> -> memref<1x1x32x64xf32, #tpu.memory_space<hbm>>
    %dma_wait3A_90 = tpu.memref_squeeze %dma_wait3A_89 : memref<1x1x32x64xf32, #tpu.memory_space<hbm>> -> memref<32x64xf32, #tpu.memory_space<hbm>>
    tpu.wait_dma2 semaphore(%arg26 : memref<!tpu.dma_semaphore, #tpu.memory_space<semaphore_mem>>) src(%arg22 : memref<32x64xf32, #tpu.memory_space<vmem>>) dst(%dma_wait3A_90 : memref<32x64xf32, #tpu.memory_space<hbm>>)
    return
  }
}

module attributes {stable_mosaic.version = 14 : i64} {
  func.func @_fps_body(%arg0: memref<3x8x16384xf32, #tpu.memory_space<vmem>>, %arg1: memref<8x16384xf32, #tpu.memory_space<vmem>>, %arg2: memref<8x16384xf32, #tpu.memory_space<vmem>>, %arg3: memref<8x16384xf32, #tpu.memory_space<vmem>>, %arg4: memref<8x512xf32, #tpu.memory_space<vmem>>, %arg5: memref<8x512xf32, #tpu.memory_space<vmem>>, %arg6: memref<8x512xf32, #tpu.memory_space<vmem>>, %arg7: memref<8x16384xf32, #tpu.memory_space<vmem>>) attributes {dimension_semantics = [], scalar_prefetch = 0 : i64, scratch_operands = 1 : i64, tpu.core_type = #tpu.core_type<tc>} {
    %get3A = arith.constant 0 : index
    %get3A_0 = arith.constant 0 : index
    %get3A_1 = arith.constant 0 : index
    %get3A_2 = vector.load %arg0[%get3A, %get3A_0, %get3A_1] : memref<3x8x16384xf32, #tpu.memory_space<vmem>>, vector<1x8x16384xf32>
    %get3A_3 = vector.shape_cast %get3A_2 : vector<1x8x16384xf32> to vector<8x16384xf32>
    %swap3A = arith.constant 0 : index
    %swap3A_4 = arith.constant 0 : index
    %swap3A_5 = vector.load %arg1[%swap3A, %swap3A_4] : memref<8x16384xf32, #tpu.memory_space<vmem>>, vector<8x16384xf32>
    tpu.vector_store %arg1[%swap3A, %swap3A_4], %get3A_3 {strides = array<i32>} : memref<8x16384xf32, #tpu.memory_space<vmem>>, vector<8x16384xf32>,
    %get3A_6 = arith.constant 1 : index
    %get3A_7 = arith.constant 0 : index
    %get3A_8 = arith.constant 0 : index
    %get3A_9 = vector.load %arg0[%get3A_6, %get3A_7, %get3A_8] : memref<3x8x16384xf32, #tpu.memory_space<vmem>>, vector<1x8x16384xf32>
    %get3A_10 = vector.shape_cast %get3A_9 : vector<1x8x16384xf32> to vector<8x16384xf32>
    %swap3A_11 = arith.constant 0 : index
    %swap3A_12 = arith.constant 0 : index
    %swap3A_13 = vector.load %arg2[%swap3A_11, %swap3A_12] : memref<8x16384xf32, #tpu.memory_space<vmem>>, vector<8x16384xf32>
    tpu.vector_store %arg2[%swap3A_11, %swap3A_12], %get3A_10 {strides = array<i32>} : memref<8x16384xf32, #tpu.memory_space<vmem>>, vector<8x16384xf32>,
    %get3A_14 = arith.constant 2 : index
    %get3A_15 = arith.constant 0 : index
    %get3A_16 = arith.constant 0 : index
    %get3A_17 = vector.load %arg0[%get3A_14, %get3A_15, %get3A_16] : memref<3x8x16384xf32, #tpu.memory_space<vmem>>, vector<1x8x16384xf32>
    %get3A_18 = vector.shape_cast %get3A_17 : vector<1x8x16384xf32> to vector<8x16384xf32>
    %swap3A_19 = arith.constant 0 : index
    %swap3A_20 = arith.constant 0 : index
    %swap3A_21 = vector.load %arg3[%swap3A_19, %swap3A_20] : memref<8x16384xf32, #tpu.memory_space<vmem>>, vector<8x16384xf32>
    tpu.vector_store %arg3[%swap3A_19, %swap3A_20], %get3A_18 {strides = array<i32>} : memref<8x16384xf32, #tpu.memory_space<vmem>>, vector<8x16384xf32>,
    %iota3A = tpu.iota {dimensions = array<i32: 1>} : vector<8x1024xi32>
    %add3A = arith.constant 0 : i32
    %add3A_22 = vector.broadcast %add3A : i32 to vector<8x1024xi32>
    %add3A_23 = arith.addi %iota3A, %add3A_22 : vector<8x1024xi32>
    %iota3A_24 = tpu.iota {dimensions = array<i32: 1>} : vector<8x1024xi32>
    %add3A_25 = arith.constant 1024 : i32
    %add3A_26 = vector.broadcast %add3A_25 : i32 to vector<8x1024xi32>
    %add3A_27 = arith.addi %iota3A_24, %add3A_26 : vector<8x1024xi32>
    %iota3A_28 = tpu.iota {dimensions = array<i32: 1>} : vector<8x1024xi32>
    %add3A_29 = arith.constant 2048 : i32
    %add3A_30 = vector.broadcast %add3A_29 : i32 to vector<8x1024xi32>
    %add3A_31 = arith.addi %iota3A_28, %add3A_30 : vector<8x1024xi32>
    %iota3A_32 = tpu.iota {dimensions = array<i32: 1>} : vector<8x1024xi32>
    %add3A_33 = arith.constant 3072 : i32
    %add3A_34 = vector.broadcast %add3A_33 : i32 to vector<8x1024xi32>
    %add3A_35 = arith.addi %iota3A_32, %add3A_34 : vector<8x1024xi32>
    %iota3A_36 = tpu.iota {dimensions = array<i32: 1>} : vector<8x1024xi32>
    %add3A_37 = arith.constant 4096 : i32
    %add3A_38 = vector.broadcast %add3A_37 : i32 to vector<8x1024xi32>
    %add3A_39 = arith.addi %iota3A_36, %add3A_38 : vector<8x1024xi32>
    %iota3A_40 = tpu.iota {dimensions = array<i32: 1>} : vector<8x1024xi32>
    %add3A_41 = arith.constant 5120 : i32
    %add3A_42 = vector.broadcast %add3A_41 : i32 to vector<8x1024xi32>
    %add3A_43 = arith.addi %iota3A_40, %add3A_42 : vector<8x1024xi32>
    %iota3A_44 = tpu.iota {dimensions = array<i32: 1>} : vector<8x1024xi32>
    %add3A_45 = arith.constant 6144 : i32
    %add3A_46 = vector.broadcast %add3A_45 : i32 to vector<8x1024xi32>
    %add3A_47 = arith.addi %iota3A_44, %add3A_46 : vector<8x1024xi32>
    %iota3A_48 = tpu.iota {dimensions = array<i32: 1>} : vector<8x1024xi32>
    %add3A_49 = arith.constant 7168 : i32
    %add3A_50 = vector.broadcast %add3A_49 : i32 to vector<8x1024xi32>
    %add3A_51 = arith.addi %iota3A_48, %add3A_50 : vector<8x1024xi32>
    %iota3A_52 = tpu.iota {dimensions = array<i32: 1>} : vector<8x1024xi32>
    %add3A_53 = arith.constant 8192 : i32
    %add3A_54 = vector.broadcast %add3A_53 : i32 to vector<8x1024xi32>
    %add3A_55 = arith.addi %iota3A_52, %add3A_54 : vector<8x1024xi32>
    %iota3A_56 = tpu.iota {dimensions = array<i32: 1>} : vector<8x1024xi32>
    %add3A_57 = arith.constant 9216 : i32
    %add3A_58 = vector.broadcast %add3A_57 : i32 to vector<8x1024xi32>
    %add3A_59 = arith.addi %iota3A_56, %add3A_58 : vector<8x1024xi32>
    %iota3A_60 = tpu.iota {dimensions = array<i32: 1>} : vector<8x1024xi32>
    %add3A_61 = arith.constant 10240 : i32
    %add3A_62 = vector.broadcast %add3A_61 : i32 to vector<8x1024xi32>
    %add3A_63 = arith.addi %iota3A_60, %add3A_62 : vector<8x1024xi32>
    %iota3A_64 = tpu.iota {dimensions = array<i32: 1>} : vector<8x1024xi32>
    %add3A_65 = arith.constant 11264 : i32
    %add3A_66 = vector.broadcast %add3A_65 : i32 to vector<8x1024xi32>
    %add3A_67 = arith.addi %iota3A_64, %add3A_66 : vector<8x1024xi32>
    %iota3A_68 = tpu.iota {dimensions = array<i32: 1>} : vector<8x1024xi32>
    %add3A_69 = arith.constant 12288 : i32
    %add3A_70 = vector.broadcast %add3A_69 : i32 to vector<8x1024xi32>
    %add3A_71 = arith.addi %iota3A_68, %add3A_70 : vector<8x1024xi32>
    %iota3A_72 = tpu.iota {dimensions = array<i32: 1>} : vector<8x1024xi32>
    %add3A_73 = arith.constant 13312 : i32
    %add3A_74 = vector.broadcast %add3A_73 : i32 to vector<8x1024xi32>
    %add3A_75 = arith.addi %iota3A_72, %add3A_74 : vector<8x1024xi32>
    %iota3A_76 = tpu.iota {dimensions = array<i32: 1>} : vector<8x1024xi32>
    %add3A_77 = arith.constant 14336 : i32
    %add3A_78 = vector.broadcast %add3A_77 : i32 to vector<8x1024xi32>
    %add3A_79 = arith.addi %iota3A_76, %add3A_78 : vector<8x1024xi32>
    %iota3A_80 = tpu.iota {dimensions = array<i32: 1>} : vector<8x1024xi32>
    %add3A_81 = arith.constant 15360 : i32
    %add3A_82 = vector.broadcast %add3A_81 : i32 to vector<8x1024xi32>
    %add3A_83 = arith.addi %iota3A_80, %add3A_82 : vector<8x1024xi32>
    %get3A_84 = arith.constant 0 : index
    %get3A_85 = arith.constant 0 : index
    %get3A_86 = vector.load %arg1[%get3A_84, %get3A_85] : memref<8x16384xf32, #tpu.memory_space<vmem>>, vector<8x1xf32>
    %get3A_87 = arith.constant 0 : index
    %get3A_88 = arith.constant 0 : index
    %get3A_89 = vector.load %arg2[%get3A_87, %get3A_88] : memref<8x16384xf32, #tpu.memory_space<vmem>>, vector<8x1xf32>
    %get3A_90 = arith.constant 0 : index
    %get3A_91 = arith.constant 0 : index
    %get3A_92 = vector.load %arg3[%get3A_90, %get3A_91] : memref<8x16384xf32, #tpu.memory_space<vmem>>, vector<8x1xf32>
    %iota3A_93 = tpu.iota {dimensions = array<i32: 1>} : vector<8x512xi32>
    %eq3A = arith.constant 0 : i32
    %eq3A_94 = vector.broadcast %eq3A : i32 to vector<8x512xi32>
    %eq3A_95 = arith.cmpi eq, %iota3A_93, %eq3A_94 : vector<8x512xi32>
    %jit3A = arith.constant 0.000000e+00 : f32
    %broadcast_in_dim3A = vector.shape_cast %get3A_86 : vector<8x1xf32> to vector<8x1xf32>
    %broadcast_in_dim3A_96 = vector.broadcast %broadcast_in_dim3A : vector<8x1xf32> to vector<8x512xf32>
    %broadcast_in_dim3A_97 = vector.broadcast %jit3A : f32 to vector<8x512xf32>
    %select_n3A = arith.select %eq3A_95, %broadcast_in_dim3A_96, %broadcast_in_dim3A_97 : vector<8x512xi1>, vector<8x512xf32>
    %eq3A_98 = arith.constant 0 : i32
    %eq3A_99 = vector.broadcast %eq3A_98 : i32 to vector<8x512xi32>
    %eq3A_100 = arith.cmpi eq, %iota3A_93, %eq3A_99 : vector<8x512xi32>
    %jit3A_101 = arith.constant 0.000000e+00 : f32
    %broadcast_in_dim3A_102 = vector.shape_cast %get3A_89 : vector<8x1xf32> to vector<8x1xf32>
    %broadcast_in_dim3A_103 = vector.broadcast %broadcast_in_dim3A_102 : vector<8x1xf32> to vector<8x512xf32>
    %broadcast_in_dim3A_104 = vector.broadcast %jit3A_101 : f32 to vector<8x512xf32>
    %select_n3A_105 = arith.select %eq3A_100, %broadcast_in_dim3A_103, %broadcast_in_dim3A_104 : vector<8x512xi1>, vector<8x512xf32>
    %eq3A_106 = arith.constant 0 : i32
    %eq3A_107 = vector.broadcast %eq3A_106 : i32 to vector<8x512xi32>
    %eq3A_108 = arith.cmpi eq, %iota3A_93, %eq3A_107 : vector<8x512xi32>
    %jit3A_109 = arith.constant 0.000000e+00 : f32
    %broadcast_in_dim3A_110 = vector.shape_cast %get3A_92 : vector<8x1xf32> to vector<8x1xf32>
    %broadcast_in_dim3A_111 = vector.broadcast %broadcast_in_dim3A_110 : vector<8x1xf32> to vector<8x512xf32>
    %broadcast_in_dim3A_112 = vector.broadcast %jit3A_109 : f32 to vector<8x512xf32>
    %select_n3A_113 = arith.select %eq3A_108, %broadcast_in_dim3A_111, %broadcast_in_dim3A_112 : vector<8x512xi1>, vector<8x512xf32>
    %broadcast_in_dim3A_114 = arith.constant 9.99999968E+37 : f32
    %broadcast_in_dim3A_115 = vector.broadcast %broadcast_in_dim3A_114 : f32 to vector<8x16384xf32>
    %swap3A_116 = arith.constant 0 : index
    %swap3A_117 = arith.constant 0 : index
    %swap3A_118 = vector.load %arg7[%swap3A_116, %swap3A_117] : memref<8x16384xf32, #tpu.memory_space<vmem>>, vector<8x16384xf32>
    tpu.vector_store %arg7[%swap3A_116, %swap3A_117], %broadcast_in_dim3A_115 {strides = array<i32>} : memref<8x16384xf32, #tpu.memory_space<vmem>>, vector<8x16384xf32>,
    %scan3A = arith.constant 1 : i32
    %scan3A_119 = arith.constant 511 : i32
    %scan3A_120 = arith.addi %scan3A, %scan3A_119 : i32
    %scan3A_121 = arith.constant 1 : i32
    %scan3A_122:6 = scf.for %scan3A_133 = %scan3A to %scan3A_120 step %scan3A_121 iter_args(%scan3A_134 = %get3A_86, %scan3A_135 = %get3A_89, %scan3A_136 = %get3A_92, %scan3A_137 = %select_n3A, %scan3A_138 = %select_n3A_105, %scan3A_139 = %select_n3A_113) -> (vector<8x1xf32>, vector<8x1xf32>, vector<8x1xf32>, vector<8x512xf32>, vector<8x512xf32>, vector<8x512xf32>)  : i32 {
      %get3A_140 = arith.constant 0 : index
      %get3A_141 = arith.constant 0 : index
      %get3A_142 = vector.load %arg1[%get3A_140, %get3A_141] : memref<8x16384xf32, #tpu.memory_space<vmem>>, vector<8x1024xf32>
      %get3A_143 = arith.constant 0 : index
      %get3A_144 = arith.constant 0 : index
      %get3A_145 = vector.load %arg2[%get3A_143, %get3A_144] : memref<8x16384xf32, #tpu.memory_space<vmem>>, vector<8x1024xf32>
      %get3A_146 = arith.constant 0 : index
      %get3A_147 = arith.constant 0 : index
      %get3A_148 = vector.load %arg3[%get3A_146, %get3A_147] : memref<8x16384xf32, #tpu.memory_space<vmem>>, vector<8x1024xf32>
      %sub3A = vector.broadcast %scan3A_134 : vector<8x1xf32> to vector<8x1024xf32>
      %sub3A_149 = arith.subf %get3A_142, %sub3A : vector<8x1024xf32>
      %sub3A_150 = vector.broadcast %scan3A_135 : vector<8x1xf32> to vector<8x1024xf32>
      %sub3A_151 = arith.subf %get3A_145, %sub3A_150 : vector<8x1024xf32>
      %sub3A_152 = vector.broadcast %scan3A_136 : vector<8x1xf32> to vector<8x1024xf32>
      %sub3A_153 = arith.subf %get3A_148, %sub3A_152 : vector<8x1024xf32>
      %mul3A = arith.mulf %sub3A_149, %sub3A_149 : vector<8x1024xf32>
      %mul3A_154 = arith.mulf %sub3A_151, %sub3A_151 : vector<8x1024xf32>
      %add3A_155 = arith.addf %mul3A, %mul3A_154 : vector<8x1024xf32>
      %mul3A_156 = arith.mulf %sub3A_153, %sub3A_153 : vector<8x1024xf32>
      %add3A_157 = arith.addf %add3A_155, %mul3A_156 : vector<8x1024xf32>
      %get3A_158 = arith.constant 0 : index
      %get3A_159 = arith.constant 0 : index
      %get3A_160 = vector.load %arg7[%get3A_158, %get3A_159] : memref<8x16384xf32, #tpu.memory_space<vmem>>, vector<8x1024xf32>
      %min3A = arith.minimumf %get3A_160, %add3A_157 : vector<8x1024xf32>
      %swap3A_161 = arith.constant 0 : index
      %swap3A_162 = arith.constant 0 : index
      %swap3A_163 = vector.load %arg7[%swap3A_161, %swap3A_162] : memref<8x16384xf32, #tpu.memory_space<vmem>>, vector<8x1024xf32>
      tpu.vector_store %arg7[%swap3A_161, %swap3A_162], %min3A {strides = array<i32>} : memref<8x16384xf32, #tpu.memory_space<vmem>>, vector<8x1024xf32>,
      %reduce_max3A = arith.constant dense<0xFF800000> : vector<8xf32>
      %reduce_max3A_164 = vector.multi_reduction <maximumf>, %min3A, %reduce_max3A [1] : vector<8x1024xf32> to vector<8xf32>
      %broadcast_in_dim3A_165 = vector.shape_cast %reduce_max3A_164 : vector<8xf32> to vector<8x1xf32>
      %eq3A_166 = vector.broadcast %broadcast_in_dim3A_165 : vector<8x1xf32> to vector<8x1024xf32>
      %eq3A_167 = arith.cmpf oeq, %min3A, %eq3A_166 : vector<8x1024xf32>
      %jit3A_168 = arith.constant 16384 : i32
      %broadcast_in_dim3A_169 = vector.broadcast %jit3A_168 : i32 to vector<8x1024xi32>
      %select_n3A_170 = arith.select %eq3A_167, %add3A_23, %broadcast_in_dim3A_169 : vector<8x1024xi1>, vector<8x1024xi32>
      %reduce_min3A = arith.constant dense<2147483647> : vector<8xi32>
      %reduce_min3A_171 = vector.multi_reduction <minsi>, %select_n3A_170, %reduce_min3A [1] : vector<8x1024xi32> to vector<8xi32>
      %broadcast_in_dim3A_172 = vector.shape_cast %reduce_min3A_171 : vector<8xi32> to vector<8x1xi32>
      %eq3A_173 = vector.broadcast %broadcast_in_dim3A_172 : vector<8x1xi32> to vector<8x1024xi32>
      %eq3A_174 = arith.cmpi eq, %add3A_23, %eq3A_173 : vector<8x1024xi32>
      %broadcast_in_dim3A_175 = arith.constant 0.000000e+00 : f32
      %broadcast_in_dim3A_176 = vector.broadcast %broadcast_in_dim3A_175 : f32 to vector<8x1024xf32>
      %select_n3A_177 = arith.select %eq3A_174, %get3A_142, %broadcast_in_dim3A_176 : vector<8x1024xi1>, vector<8x1024xf32>
      %reduce_sum3A = arith.constant dense<0.000000e+00> : vector<8xf32>
      %reduce_sum3A_178 = vector.multi_reduction <add>, %select_n3A_177, %reduce_sum3A [1] : vector<8x1024xf32> to vector<8xf32>
      %broadcast_in_dim3A_179 = vector.shape_cast %reduce_sum3A_178 : vector<8xf32> to vector<8x1xf32>
      %select_n3A_180 = arith.select %eq3A_174, %get3A_145, %broadcast_in_dim3A_176 : vector<8x1024xi1>, vector<8x1024xf32>
      %reduce_sum3A_181 = arith.constant dense<0.000000e+00> : vector<8xf32>
      %reduce_sum3A_182 = vector.multi_reduction <add>, %select_n3A_180, %reduce_sum3A_181 [1] : vector<8x1024xf32> to vector<8xf32>
      %broadcast_in_dim3A_183 = vector.shape_cast %reduce_sum3A_182 : vector<8xf32> to vector<8x1xf32>
      %select_n3A_184 = arith.select %eq3A_174, %get3A_148, %broadcast_in_dim3A_176 : vector<8x1024xi1>, vector<8x1024xf32>
      %reduce_sum3A_185 = arith.constant dense<0.000000e+00> : vector<8xf32>
      %reduce_sum3A_186 = vector.multi_reduction <add>, %select_n3A_184, %reduce_sum3A_185 [1] : vector<8x1024xf32> to vector<8xf32>
      %broadcast_in_dim3A_187 = vector.shape_cast %reduce_sum3A_186 : vector<8xf32> to vector<8x1xf32>
      %get3A_188 = arith.constant 0 : index
      %get3A_189 = arith.constant 1024 : index
      %get3A_190 = vector.load %arg1[%get3A_188, %get3A_189] : memref<8x16384xf32, #tpu.memory_space<vmem>>, vector<8x1024xf32>
      %get3A_191 = arith.constant 0 : index
      %get3A_192 = arith.constant 1024 : index
      %get3A_193 = vector.load %arg2[%get3A_191, %get3A_192] : memref<8x16384xf32, #tpu.memory_space<vmem>>, vector<8x1024xf32>
      %get3A_194 = arith.constant 0 : index
      %get3A_195 = arith.constant 1024 : index
      %get3A_196 = vector.load %arg3[%get3A_194, %get3A_195] : memref<8x16384xf32, #tpu.memory_space<vmem>>, vector<8x1024xf32>
      %sub3A_197 = vector.broadcast %scan3A_134 : vector<8x1xf32> to vector<8x1024xf32>
      %sub3A_198 = arith.subf %get3A_190, %sub3A_197 : vector<8x1024xf32>
      %sub3A_199 = vector.broadcast %scan3A_135 : vector<8x1xf32> to vector<8x1024xf32>
      %sub3A_200 = arith.subf %get3A_193, %sub3A_199 : vector<8x1024xf32>
      %sub3A_201 = vector.broadcast %scan3A_136 : vector<8x1xf32> to vector<8x1024xf32>
      %sub3A_202 = arith.subf %get3A_196, %sub3A_201 : vector<8x1024xf32>
      %mul3A_203 = arith.mulf %sub3A_198, %sub3A_198 : vector<8x1024xf32>
      %mul3A_204 = arith.mulf %sub3A_200, %sub3A_200 : vector<8x1024xf32>
      %add3A_205 = arith.addf %mul3A_203, %mul3A_204 : vector<8x1024xf32>
      %mul3A_206 = arith.mulf %sub3A_202, %sub3A_202 : vector<8x1024xf32>
      %add3A_207 = arith.addf %add3A_205, %mul3A_206 : vector<8x1024xf32>
      %get3A_208 = arith.constant 0 : index
      %get3A_209 = arith.constant 1024 : index
      %get3A_210 = vector.load %arg7[%get3A_208, %get3A_209] : memref<8x16384xf32, #tpu.memory_space<vmem>>, vector<8x1024xf32>
      %min3A_211 = arith.minimumf %get3A_210, %add3A_207 : vector<8x1024xf32>
      %swap3A_212 = arith.constant 0 : index
      %swap3A_213 = arith.constant 1024 : index
      %swap3A_214 = vector.load %arg7[%swap3A_212, %swap3A_213] : memref<8x16384xf32, #tpu.memory_space<vmem>>, vector<8x1024xf32>
      tpu.vector_store %arg7[%swap3A_212, %swap3A_213], %min3A_211 {strides = array<i32>} : memref<8x16384xf32, #tpu.memory_space<vmem>>, vector<8x1024xf32>,
      %reduce_max3A_215 = arith.constant dense<0xFF800000> : vector<8xf32>
      %reduce_max3A_216 = vector.multi_reduction <maximumf>, %min3A_211, %reduce_max3A_215 [1] : vector<8x1024xf32> to vector<8xf32>
      %broadcast_in_dim3A_217 = vector.shape_cast %reduce_max3A_216 : vector<8xf32> to vector<8x1xf32>
      %eq3A_218 = vector.broadcast %broadcast_in_dim3A_217 : vector<8x1xf32> to vector<8x1024xf32>
      %eq3A_219 = arith.cmpf oeq, %min3A_211, %eq3A_218 : vector<8x1024xf32>
      %jit3A_220 = arith.constant 16384 : i32
      %broadcast_in_dim3A_221 = vector.broadcast %jit3A_220 : i32 to vector<8x1024xi32>
      %select_n3A_222 = arith.select %eq3A_219, %add3A_27, %broadcast_in_dim3A_221 : vector<8x1024xi1>, vector<8x1024xi32>
      %reduce_min3A_223 = arith.constant dense<2147483647> : vector<8xi32>
      %reduce_min3A_224 = vector.multi_reduction <minsi>, %select_n3A_222, %reduce_min3A_223 [1] : vector<8x1024xi32> to vector<8xi32>
      %broadcast_in_dim3A_225 = vector.shape_cast %reduce_min3A_224 : vector<8xi32> to vector<8x1xi32>
      %eq3A_226 = vector.broadcast %broadcast_in_dim3A_225 : vector<8x1xi32> to vector<8x1024xi32>
      %eq3A_227 = arith.cmpi eq, %add3A_27, %eq3A_226 : vector<8x1024xi32>
      %broadcast_in_dim3A_228 = arith.constant 0.000000e+00 : f32
      %broadcast_in_dim3A_229 = vector.broadcast %broadcast_in_dim3A_228 : f32 to vector<8x1024xf32>
      %select_n3A_230 = arith.select %eq3A_227, %get3A_190, %broadcast_in_dim3A_229 : vector<8x1024xi1>, vector<8x1024xf32>
      %reduce_sum3A_231 = arith.constant dense<0.000000e+00> : vector<8xf32>
      %reduce_sum3A_232 = vector.multi_reduction <add>, %select_n3A_230, %reduce_sum3A_231 [1] : vector<8x1024xf32> to vector<8xf32>
      %broadcast_in_dim3A_233 = vector.shape_cast %reduce_sum3A_232 : vector<8xf32> to vector<8x1xf32>
      %select_n3A_234 = arith.select %eq3A_227, %get3A_193, %broadcast_in_dim3A_229 : vector<8x1024xi1>, vector<8x1024xf32>
      %reduce_sum3A_235 = arith.constant dense<0.000000e+00> : vector<8xf32>
      %reduce_sum3A_236 = vector.multi_reduction <add>, %select_n3A_234, %reduce_sum3A_235 [1] : vector<8x1024xf32> to vector<8xf32>
      %broadcast_in_dim3A_237 = vector.shape_cast %reduce_sum3A_236 : vector<8xf32> to vector<8x1xf32>
      %select_n3A_238 = arith.select %eq3A_227, %get3A_196, %broadcast_in_dim3A_229 : vector<8x1024xi1>, vector<8x1024xf32>
      %reduce_sum3A_239 = arith.constant dense<0.000000e+00> : vector<8xf32>
      %reduce_sum3A_240 = vector.multi_reduction <add>, %select_n3A_238, %reduce_sum3A_239 [1] : vector<8x1024xf32> to vector<8xf32>
      %broadcast_in_dim3A_241 = vector.shape_cast %reduce_sum3A_240 : vector<8xf32> to vector<8x1xf32>
      %get3A_242 = arith.constant 0 : index
      %get3A_243 = arith.constant 2048 : index
      %get3A_244 = vector.load %arg1[%get3A_242, %get3A_243] : memref<8x16384xf32, #tpu.memory_space<vmem>>, vector<8x1024xf32>
      %get3A_245 = arith.constant 0 : index
      %get3A_246 = arith.constant 2048 : index
      %get3A_247 = vector.load %arg2[%get3A_245, %get3A_246] : memref<8x16384xf32, #tpu.memory_space<vmem>>, vector<8x1024xf32>
      %get3A_248 = arith.constant 0 : index
      %get3A_249 = arith.constant 2048 : index
      %get3A_250 = vector.load %arg3[%get3A_248, %get3A_249] : memref<8x16384xf32, #tpu.memory_space<vmem>>, vector<8x1024xf32>
      %sub3A_251 = vector.broadcast %scan3A_134 : vector<8x1xf32> to vector<8x1024xf32>
      %sub3A_252 = arith.subf %get3A_244, %sub3A_251 : vector<8x1024xf32>
      %sub3A_253 = vector.broadcast %scan3A_135 : vector<8x1xf32> to vector<8x1024xf32>
      %sub3A_254 = arith.subf %get3A_247, %sub3A_253 : vector<8x1024xf32>
      %sub3A_255 = vector.broadcast %scan3A_136 : vector<8x1xf32> to vector<8x1024xf32>
      %sub3A_256 = arith.subf %get3A_250, %sub3A_255 : vector<8x1024xf32>
      %mul3A_257 = arith.mulf %sub3A_252, %sub3A_252 : vector<8x1024xf32>
      %mul3A_258 = arith.mulf %sub3A_254, %sub3A_254 : vector<8x1024xf32>
      %add3A_259 = arith.addf %mul3A_257, %mul3A_258 : vector<8x1024xf32>
      %mul3A_260 = arith.mulf %sub3A_256, %sub3A_256 : vector<8x1024xf32>
      %add3A_261 = arith.addf %add3A_259, %mul3A_260 : vector<8x1024xf32>
      %get3A_262 = arith.constant 0 : index
      %get3A_263 = arith.constant 2048 : index
      %get3A_264 = vector.load %arg7[%get3A_262, %get3A_263] : memref<8x16384xf32, #tpu.memory_space<vmem>>, vector<8x1024xf32>
      %min3A_265 = arith.minimumf %get3A_264, %add3A_261 : vector<8x1024xf32>
      %swap3A_266 = arith.constant 0 : index
      %swap3A_267 = arith.constant 2048 : index
      %swap3A_268 = vector.load %arg7[%swap3A_266, %swap3A_267] : memref<8x16384xf32, #tpu.memory_space<vmem>>, vector<8x1024xf32>
      tpu.vector_store %arg7[%swap3A_266, %swap3A_267], %min3A_265 {strides = array<i32>} : memref<8x16384xf32, #tpu.memory_space<vmem>>, vector<8x1024xf32>,
      %reduce_max3A_269 = arith.constant dense<0xFF800000> : vector<8xf32>
      %reduce_max3A_270 = vector.multi_reduction <maximumf>, %min3A_265, %reduce_max3A_269 [1] : vector<8x1024xf32> to vector<8xf32>
      %broadcast_in_dim3A_271 = vector.shape_cast %reduce_max3A_270 : vector<8xf32> to vector<8x1xf32>
      %eq3A_272 = vector.broadcast %broadcast_in_dim3A_271 : vector<8x1xf32> to vector<8x1024xf32>
      %eq3A_273 = arith.cmpf oeq, %min3A_265, %eq3A_272 : vector<8x1024xf32>
      %jit3A_274 = arith.constant 16384 : i32
      %broadcast_in_dim3A_275 = vector.broadcast %jit3A_274 : i32 to vector<8x1024xi32>
      %select_n3A_276 = arith.select %eq3A_273, %add3A_31, %broadcast_in_dim3A_275 : vector<8x1024xi1>, vector<8x1024xi32>
      %reduce_min3A_277 = arith.constant dense<2147483647> : vector<8xi32>
      %reduce_min3A_278 = vector.multi_reduction <minsi>, %select_n3A_276, %reduce_min3A_277 [1] : vector<8x1024xi32> to vector<8xi32>
      %broadcast_in_dim3A_279 = vector.shape_cast %reduce_min3A_278 : vector<8xi32> to vector<8x1xi32>
      %eq3A_280 = vector.broadcast %broadcast_in_dim3A_279 : vector<8x1xi32> to vector<8x1024xi32>
      %eq3A_281 = arith.cmpi eq, %add3A_31, %eq3A_280 : vector<8x1024xi32>
      %broadcast_in_dim3A_282 = arith.constant 0.000000e+00 : f32
      %broadcast_in_dim3A_283 = vector.broadcast %broadcast_in_dim3A_282 : f32 to vector<8x1024xf32>
      %select_n3A_284 = arith.select %eq3A_281, %get3A_244, %broadcast_in_dim3A_283 : vector<8x1024xi1>, vector<8x1024xf32>
      %reduce_sum3A_285 = arith.constant dense<0.000000e+00> : vector<8xf32>
      %reduce_sum3A_286 = vector.multi_reduction <add>, %select_n3A_284, %reduce_sum3A_285 [1] : vector<8x1024xf32> to vector<8xf32>
      %broadcast_in_dim3A_287 = vector.shape_cast %reduce_sum3A_286 : vector<8xf32> to vector<8x1xf32>
      %select_n3A_288 = arith.select %eq3A_281, %get3A_247, %broadcast_in_dim3A_283 : vector<8x1024xi1>, vector<8x1024xf32>
      %reduce_sum3A_289 = arith.constant dense<0.000000e+00> : vector<8xf32>
      %reduce_sum3A_290 = vector.multi_reduction <add>, %select_n3A_288, %reduce_sum3A_289 [1] : vector<8x1024xf32> to vector<8xf32>
      %broadcast_in_dim3A_291 = vector.shape_cast %reduce_sum3A_290 : vector<8xf32> to vector<8x1xf32>
      %select_n3A_292 = arith.select %eq3A_281, %get3A_250, %broadcast_in_dim3A_283 : vector<8x1024xi1>, vector<8x1024xf32>
      %reduce_sum3A_293 = arith.constant dense<0.000000e+00> : vector<8xf32>
      %reduce_sum3A_294 = vector.multi_reduction <add>, %select_n3A_292, %reduce_sum3A_293 [1] : vector<8x1024xf32> to vector<8xf32>
      %broadcast_in_dim3A_295 = vector.shape_cast %reduce_sum3A_294 : vector<8xf32> to vector<8x1xf32>
      %get3A_296 = arith.constant 0 : index
      %get3A_297 = arith.constant 3072 : index
      %get3A_298 = vector.load %arg1[%get3A_296, %get3A_297] : memref<8x16384xf32, #tpu.memory_space<vmem>>, vector<8x1024xf32>
      %get3A_299 = arith.constant 0 : index
      %get3A_300 = arith.constant 3072 : index
      %get3A_301 = vector.load %arg2[%get3A_299, %get3A_300] : memref<8x16384xf32, #tpu.memory_space<vmem>>, vector<8x1024xf32>
      %get3A_302 = arith.constant 0 : index
      %get3A_303 = arith.constant 3072 : index
      %get3A_304 = vector.load %arg3[%get3A_302, %get3A_303] : memref<8x16384xf32, #tpu.memory_space<vmem>>, vector<8x1024xf32>
      %sub3A_305 = vector.broadcast %scan3A_134 : vector<8x1xf32> to vector<8x1024xf32>
      %sub3A_306 = arith.subf %get3A_298, %sub3A_305 : vector<8x1024xf32>
      %sub3A_307 = vector.broadcast %scan3A_135 : vector<8x1xf32> to vector<8x1024xf32>
      %sub3A_308 = arith.subf %get3A_301, %sub3A_307 : vector<8x1024xf32>
      %sub3A_309 = vector.broadcast %scan3A_136 : vector<8x1xf32> to vector<8x1024xf32>
      %sub3A_310 = arith.subf %get3A_304, %sub3A_309 : vector<8x1024xf32>
      %mul3A_311 = arith.mulf %sub3A_306, %sub3A_306 : vector<8x1024xf32>
      %mul3A_312 = arith.mulf %sub3A_308, %sub3A_308 : vector<8x1024xf32>
      %add3A_313 = arith.addf %mul3A_311, %mul3A_312 : vector<8x1024xf32>
      %mul3A_314 = arith.mulf %sub3A_310, %sub3A_310 : vector<8x1024xf32>
      %add3A_315 = arith.addf %add3A_313, %mul3A_314 : vector<8x1024xf32>
      %get3A_316 = arith.constant 0 : index
      %get3A_317 = arith.constant 3072 : index
      %get3A_318 = vector.load %arg7[%get3A_316, %get3A_317] : memref<8x16384xf32, #tpu.memory_space<vmem>>, vector<8x1024xf32>
      %min3A_319 = arith.minimumf %get3A_318, %add3A_315 : vector<8x1024xf32>
      %swap3A_320 = arith.constant 0 : index
      %swap3A_321 = arith.constant 3072 : index
      %swap3A_322 = vector.load %arg7[%swap3A_320, %swap3A_321] : memref<8x16384xf32, #tpu.memory_space<vmem>>, vector<8x1024xf32>
      tpu.vector_store %arg7[%swap3A_320, %swap3A_321], %min3A_319 {strides = array<i32>} : memref<8x16384xf32, #tpu.memory_space<vmem>>, vector<8x1024xf32>,
      %reduce_max3A_323 = arith.constant dense<0xFF800000> : vector<8xf32>
      %reduce_max3A_324 = vector.multi_reduction <maximumf>, %min3A_319, %reduce_max3A_323 [1] : vector<8x1024xf32> to vector<8xf32>
      %broadcast_in_dim3A_325 = vector.shape_cast %reduce_max3A_324 : vector<8xf32> to vector<8x1xf32>
      %eq3A_326 = vector.broadcast %broadcast_in_dim3A_325 : vector<8x1xf32> to vector<8x1024xf32>
      %eq3A_327 = arith.cmpf oeq, %min3A_319, %eq3A_326 : vector<8x1024xf32>
      %jit3A_328 = arith.constant 16384 : i32
      %broadcast_in_dim3A_329 = vector.broadcast %jit3A_328 : i32 to vector<8x1024xi32>
      %select_n3A_330 = arith.select %eq3A_327, %add3A_35, %broadcast_in_dim3A_329 : vector<8x1024xi1>, vector<8x1024xi32>
      %reduce_min3A_331 = arith.constant dense<2147483647> : vector<8xi32>
      %reduce_min3A_332 = vector.multi_reduction <minsi>, %select_n3A_330, %reduce_min3A_331 [1] : vector<8x1024xi32> to vector<8xi32>
      %broadcast_in_dim3A_333 = vector.shape_cast %reduce_min3A_332 : vector<8xi32> to vector<8x1xi32>
      %eq3A_334 = vector.broadcast %broadcast_in_dim3A_333 : vector<8x1xi32> to vector<8x1024xi32>
      %eq3A_335 = arith.cmpi eq, %add3A_35, %eq3A_334 : vector<8x1024xi32>
      %broadcast_in_dim3A_336 = arith.constant 0.000000e+00 : f32
      %broadcast_in_dim3A_337 = vector.broadcast %broadcast_in_dim3A_336 : f32 to vector<8x1024xf32>
      %select_n3A_338 = arith.select %eq3A_335, %get3A_298, %broadcast_in_dim3A_337 : vector<8x1024xi1>, vector<8x1024xf32>
      %reduce_sum3A_339 = arith.constant dense<0.000000e+00> : vector<8xf32>
      %reduce_sum3A_340 = vector.multi_reduction <add>, %select_n3A_338, %reduce_sum3A_339 [1] : vector<8x1024xf32> to vector<8xf32>
      %broadcast_in_dim3A_341 = vector.shape_cast %reduce_sum3A_340 : vector<8xf32> to vector<8x1xf32>
      %select_n3A_342 = arith.select %eq3A_335, %get3A_301, %broadcast_in_dim3A_337 : vector<8x1024xi1>, vector<8x1024xf32>
      %reduce_sum3A_343 = arith.constant dense<0.000000e+00> : vector<8xf32>
      %reduce_sum3A_344 = vector.multi_reduction <add>, %select_n3A_342, %reduce_sum3A_343 [1] : vector<8x1024xf32> to vector<8xf32>
      %broadcast_in_dim3A_345 = vector.shape_cast %reduce_sum3A_344 : vector<8xf32> to vector<8x1xf32>
      %select_n3A_346 = arith.select %eq3A_335, %get3A_304, %broadcast_in_dim3A_337 : vector<8x1024xi1>, vector<8x1024xf32>
      %reduce_sum3A_347 = arith.constant dense<0.000000e+00> : vector<8xf32>
      %reduce_sum3A_348 = vector.multi_reduction <add>, %select_n3A_346, %reduce_sum3A_347 [1] : vector<8x1024xf32> to vector<8xf32>
      %broadcast_in_dim3A_349 = vector.shape_cast %reduce_sum3A_348 : vector<8xf32> to vector<8x1xf32>
      %get3A_350 = arith.constant 0 : index
      %get3A_351 = arith.constant 4096 : index
      %get3A_352 = vector.load %arg1[%get3A_350, %get3A_351] : memref<8x16384xf32, #tpu.memory_space<vmem>>, vector<8x1024xf32>
      %get3A_353 = arith.constant 0 : index
      %get3A_354 = arith.constant 4096 : index
      %get3A_355 = vector.load %arg2[%get3A_353, %get3A_354] : memref<8x16384xf32, #tpu.memory_space<vmem>>, vector<8x1024xf32>
      %get3A_356 = arith.constant 0 : index
      %get3A_357 = arith.constant 4096 : index
      %get3A_358 = vector.load %arg3[%get3A_356, %get3A_357] : memref<8x16384xf32, #tpu.memory_space<vmem>>, vector<8x1024xf32>
      %sub3A_359 = vector.broadcast %scan3A_134 : vector<8x1xf32> to vector<8x1024xf32>
      %sub3A_360 = arith.subf %get3A_352, %sub3A_359 : vector<8x1024xf32>
      %sub3A_361 = vector.broadcast %scan3A_135 : vector<8x1xf32> to vector<8x1024xf32>
      %sub3A_362 = arith.subf %get3A_355, %sub3A_361 : vector<8x1024xf32>
      %sub3A_363 = vector.broadcast %scan3A_136 : vector<8x1xf32> to vector<8x1024xf32>
      %sub3A_364 = arith.subf %get3A_358, %sub3A_363 : vector<8x1024xf32>
      %mul3A_365 = arith.mulf %sub3A_360, %sub3A_360 : vector<8x1024xf32>
      %mul3A_366 = arith.mulf %sub3A_362, %sub3A_362 : vector<8x1024xf32>
      %add3A_367 = arith.addf %mul3A_365, %mul3A_366 : vector<8x1024xf32>
      %mul3A_368 = arith.mulf %sub3A_364, %sub3A_364 : vector<8x1024xf32>
      %add3A_369 = arith.addf %add3A_367, %mul3A_368 : vector<8x1024xf32>
      %get3A_370 = arith.constant 0 : index
      %get3A_371 = arith.constant 4096 : index
      %get3A_372 = vector.load %arg7[%get3A_370, %get3A_371] : memref<8x16384xf32, #tpu.memory_space<vmem>>, vector<8x1024xf32>
      %min3A_373 = arith.minimumf %get3A_372, %add3A_369 : vector<8x1024xf32>
      %swap3A_374 = arith.constant 0 : index
      %swap3A_375 = arith.constant 4096 : index
      %swap3A_376 = vector.load %arg7[%swap3A_374, %swap3A_375] : memref<8x16384xf32, #tpu.memory_space<vmem>>, vector<8x1024xf32>
      tpu.vector_store %arg7[%swap3A_374, %swap3A_375], %min3A_373 {strides = array<i32>} : memref<8x16384xf32, #tpu.memory_space<vmem>>, vector<8x1024xf32>,
      %reduce_max3A_377 = arith.constant dense<0xFF800000> : vector<8xf32>
      %reduce_max3A_378 = vector.multi_reduction <maximumf>, %min3A_373, %reduce_max3A_377 [1] : vector<8x1024xf32> to vector<8xf32>
      %broadcast_in_dim3A_379 = vector.shape_cast %reduce_max3A_378 : vector<8xf32> to vector<8x1xf32>
      %eq3A_380 = vector.broadcast %broadcast_in_dim3A_379 : vector<8x1xf32> to vector<8x1024xf32>
      %eq3A_381 = arith.cmpf oeq, %min3A_373, %eq3A_380 : vector<8x1024xf32>
      %jit3A_382 = arith.constant 16384 : i32
      %broadcast_in_dim3A_383 = vector.broadcast %jit3A_382 : i32 to vector<8x1024xi32>
      %select_n3A_384 = arith.select %eq3A_381, %add3A_39, %broadcast_in_dim3A_383 : vector<8x1024xi1>, vector<8x1024xi32>
      %reduce_min3A_385 = arith.constant dense<2147483647> : vector<8xi32>
      %reduce_min3A_386 = vector.multi_reduction <minsi>, %select_n3A_384, %reduce_min3A_385 [1] : vector<8x1024xi32> to vector<8xi32>
      %broadcast_in_dim3A_387 = vector.shape_cast %reduce_min3A_386 : vector<8xi32> to vector<8x1xi32>
      %eq3A_388 = vector.broadcast %broadcast_in_dim3A_387 : vector<8x1xi32> to vector<8x1024xi32>
      %eq3A_389 = arith.cmpi eq, %add3A_39, %eq3A_388 : vector<8x1024xi32>
      %broadcast_in_dim3A_390 = arith.constant 0.000000e+00 : f32
      %broadcast_in_dim3A_391 = vector.broadcast %broadcast_in_dim3A_390 : f32 to vector<8x1024xf32>
      %select_n3A_392 = arith.select %eq3A_389, %get3A_352, %broadcast_in_dim3A_391 : vector<8x1024xi1>, vector<8x1024xf32>
      %reduce_sum3A_393 = arith.constant dense<0.000000e+00> : vector<8xf32>
      %reduce_sum3A_394 = vector.multi_reduction <add>, %select_n3A_392, %reduce_sum3A_393 [1] : vector<8x1024xf32> to vector<8xf32>
      %broadcast_in_dim3A_395 = vector.shape_cast %reduce_sum3A_394 : vector<8xf32> to vector<8x1xf32>
      %select_n3A_396 = arith.select %eq3A_389, %get3A_355, %broadcast_in_dim3A_391 : vector<8x1024xi1>, vector<8x1024xf32>
      %reduce_sum3A_397 = arith.constant dense<0.000000e+00> : vector<8xf32>
      %reduce_sum3A_398 = vector.multi_reduction <add>, %select_n3A_396, %reduce_sum3A_397 [1] : vector<8x1024xf32> to vector<8xf32>
      %broadcast_in_dim3A_399 = vector.shape_cast %reduce_sum3A_398 : vector<8xf32> to vector<8x1xf32>
      %select_n3A_400 = arith.select %eq3A_389, %get3A_358, %broadcast_in_dim3A_391 : vector<8x1024xi1>, vector<8x1024xf32>
      %reduce_sum3A_401 = arith.constant dense<0.000000e+00> : vector<8xf32>
      %reduce_sum3A_402 = vector.multi_reduction <add>, %select_n3A_400, %reduce_sum3A_401 [1] : vector<8x1024xf32> to vector<8xf32>
      %broadcast_in_dim3A_403 = vector.shape_cast %reduce_sum3A_402 : vector<8xf32> to vector<8x1xf32>
      %get3A_404 = arith.constant 0 : index
      %get3A_405 = arith.constant 5120 : index
      %get3A_406 = vector.load %arg1[%get3A_404, %get3A_405] : memref<8x16384xf32, #tpu.memory_space<vmem>>, vector<8x1024xf32>
      %get3A_407 = arith.constant 0 : index
      %get3A_408 = arith.constant 5120 : index
      %get3A_409 = vector.load %arg2[%get3A_407, %get3A_408] : memref<8x16384xf32, #tpu.memory_space<vmem>>, vector<8x1024xf32>
      %get3A_410 = arith.constant 0 : index
      %get3A_411 = arith.constant 5120 : index
      %get3A_412 = vector.load %arg3[%get3A_410, %get3A_411] : memref<8x16384xf32, #tpu.memory_space<vmem>>, vector<8x1024xf32>
      %sub3A_413 = vector.broadcast %scan3A_134 : vector<8x1xf32> to vector<8x1024xf32>
      %sub3A_414 = arith.subf %get3A_406, %sub3A_413 : vector<8x1024xf32>
      %sub3A_415 = vector.broadcast %scan3A_135 : vector<8x1xf32> to vector<8x1024xf32>
      %sub3A_416 = arith.subf %get3A_409, %sub3A_415 : vector<8x1024xf32>
      %sub3A_417 = vector.broadcast %scan3A_136 : vector<8x1xf32> to vector<8x1024xf32>
      %sub3A_418 = arith.subf %get3A_412, %sub3A_417 : vector<8x1024xf32>
      %mul3A_419 = arith.mulf %sub3A_414, %sub3A_414 : vector<8x1024xf32>
      %mul3A_420 = arith.mulf %sub3A_416, %sub3A_416 : vector<8x1024xf32>
      %add3A_421 = arith.addf %mul3A_419, %mul3A_420 : vector<8x1024xf32>
      %mul3A_422 = arith.mulf %sub3A_418, %sub3A_418 : vector<8x1024xf32>
      %add3A_423 = arith.addf %add3A_421, %mul3A_422 : vector<8x1024xf32>
      %get3A_424 = arith.constant 0 : index
      %get3A_425 = arith.constant 5120 : index
      %get3A_426 = vector.load %arg7[%get3A_424, %get3A_425] : memref<8x16384xf32, #tpu.memory_space<vmem>>, vector<8x1024xf32>
      %min3A_427 = arith.minimumf %get3A_426, %add3A_423 : vector<8x1024xf32>
      %swap3A_428 = arith.constant 0 : index
      %swap3A_429 = arith.constant 5120 : index
      %swap3A_430 = vector.load %arg7[%swap3A_428, %swap3A_429] : memref<8x16384xf32, #tpu.memory_space<vmem>>, vector<8x1024xf32>
      tpu.vector_store %arg7[%swap3A_428, %swap3A_429], %min3A_427 {strides = array<i32>} : memref<8x16384xf32, #tpu.memory_space<vmem>>, vector<8x1024xf32>,
      %reduce_max3A_431 = arith.constant dense<0xFF800000> : vector<8xf32>
      %reduce_max3A_432 = vector.multi_reduction <maximumf>, %min3A_427, %reduce_max3A_431 [1] : vector<8x1024xf32> to vector<8xf32>
      %broadcast_in_dim3A_433 = vector.shape_cast %reduce_max3A_432 : vector<8xf32> to vector<8x1xf32>
      %eq3A_434 = vector.broadcast %broadcast_in_dim3A_433 : vector<8x1xf32> to vector<8x1024xf32>
      %eq3A_435 = arith.cmpf oeq, %min3A_427, %eq3A_434 : vector<8x1024xf32>
      %jit3A_436 = arith.constant 16384 : i32
      %broadcast_in_dim3A_437 = vector.broadcast %jit3A_436 : i32 to vector<8x1024xi32>
      %select_n3A_438 = arith.select %eq3A_435, %add3A_43, %broadcast_in_dim3A_437 : vector<8x1024xi1>, vector<8x1024xi32>
      %reduce_min3A_439 = arith.constant dense<2147483647> : vector<8xi32>
      %reduce_min3A_440 = vector.multi_reduction <minsi>, %select_n3A_438, %reduce_min3A_439 [1] : vector<8x1024xi32> to vector<8xi32>
      %broadcast_in_dim3A_441 = vector.shape_cast %reduce_min3A_440 : vector<8xi32> to vector<8x1xi32>
      %eq3A_442 = vector.broadcast %broadcast_in_dim3A_441 : vector<8x1xi32> to vector<8x1024xi32>
      %eq3A_443 = arith.cmpi eq, %add3A_43, %eq3A_442 : vector<8x1024xi32>
      %broadcast_in_dim3A_444 = arith.constant 0.000000e+00 : f32
      %broadcast_in_dim3A_445 = vector.broadcast %broadcast_in_dim3A_444 : f32 to vector<8x1024xf32>
      %select_n3A_446 = arith.select %eq3A_443, %get3A_406, %broadcast_in_dim3A_445 : vector<8x1024xi1>, vector<8x1024xf32>
      %reduce_sum3A_447 = arith.constant dense<0.000000e+00> : vector<8xf32>
      %reduce_sum3A_448 = vector.multi_reduction <add>, %select_n3A_446, %reduce_sum3A_447 [1] : vector<8x1024xf32> to vector<8xf32>
      %broadcast_in_dim3A_449 = vector.shape_cast %reduce_sum3A_448 : vector<8xf32> to vector<8x1xf32>
      %select_n3A_450 = arith.select %eq3A_443, %get3A_409, %broadcast_in_dim3A_445 : vector<8x1024xi1>, vector<8x1024xf32>
      %reduce_sum3A_451 = arith.constant dense<0.000000e+00> : vector<8xf32>
      %reduce_sum3A_452 = vector.multi_reduction <add>, %select_n3A_450, %reduce_sum3A_451 [1] : vector<8x1024xf32> to vector<8xf32>
      %broadcast_in_dim3A_453 = vector.shape_cast %reduce_sum3A_452 : vector<8xf32> to vector<8x1xf32>
      %select_n3A_454 = arith.select %eq3A_443, %get3A_412, %broadcast_in_dim3A_445 : vector<8x1024xi1>, vector<8x1024xf32>
      %reduce_sum3A_455 = arith.constant dense<0.000000e+00> : vector<8xf32>
      %reduce_sum3A_456 = vector.multi_reduction <add>, %select_n3A_454, %reduce_sum3A_455 [1] : vector<8x1024xf32> to vector<8xf32>
      %broadcast_in_dim3A_457 = vector.shape_cast %reduce_sum3A_456 : vector<8xf32> to vector<8x1xf32>
      %get3A_458 = arith.constant 0 : index
      %get3A_459 = arith.constant 6144 : index
      %get3A_460 = vector.load %arg1[%get3A_458, %get3A_459] : memref<8x16384xf32, #tpu.memory_space<vmem>>, vector<8x1024xf32>
      %get3A_461 = arith.constant 0 : index
      %get3A_462 = arith.constant 6144 : index
      %get3A_463 = vector.load %arg2[%get3A_461, %get3A_462] : memref<8x16384xf32, #tpu.memory_space<vmem>>, vector<8x1024xf32>
      %get3A_464 = arith.constant 0 : index
      %get3A_465 = arith.constant 6144 : index
      %get3A_466 = vector.load %arg3[%get3A_464, %get3A_465] : memref<8x16384xf32, #tpu.memory_space<vmem>>, vector<8x1024xf32>
      %sub3A_467 = vector.broadcast %scan3A_134 : vector<8x1xf32> to vector<8x1024xf32>
      %sub3A_468 = arith.subf %get3A_460, %sub3A_467 : vector<8x1024xf32>
      %sub3A_469 = vector.broadcast %scan3A_135 : vector<8x1xf32> to vector<8x1024xf32>
      %sub3A_470 = arith.subf %get3A_463, %sub3A_469 : vector<8x1024xf32>
      %sub3A_471 = vector.broadcast %scan3A_136 : vector<8x1xf32> to vector<8x1024xf32>
      %sub3A_472 = arith.subf %get3A_466, %sub3A_471 : vector<8x1024xf32>
      %mul3A_473 = arith.mulf %sub3A_468, %sub3A_468 : vector<8x1024xf32>
      %mul3A_474 = arith.mulf %sub3A_470, %sub3A_470 : vector<8x1024xf32>
      %add3A_475 = arith.addf %mul3A_473, %mul3A_474 : vector<8x1024xf32>
      %mul3A_476 = arith.mulf %sub3A_472, %sub3A_472 : vector<8x1024xf32>
      %add3A_477 = arith.addf %add3A_475, %mul3A_476 : vector<8x1024xf32>
      %get3A_478 = arith.constant 0 : index
      %get3A_479 = arith.constant 6144 : index
      %get3A_480 = vector.load %arg7[%get3A_478, %get3A_479] : memref<8x16384xf32, #tpu.memory_space<vmem>>, vector<8x1024xf32>
      %min3A_481 = arith.minimumf %get3A_480, %add3A_477 : vector<8x1024xf32>
      %swap3A_482 = arith.constant 0 : index
      %swap3A_483 = arith.constant 6144 : index
      %swap3A_484 = vector.load %arg7[%swap3A_482, %swap3A_483] : memref<8x16384xf32, #tpu.memory_space<vmem>>, vector<8x1024xf32>
      tpu.vector_store %arg7[%swap3A_482, %swap3A_483], %min3A_481 {strides = array<i32>} : memref<8x16384xf32, #tpu.memory_space<vmem>>, vector<8x1024xf32>,
      %reduce_max3A_485 = arith.constant dense<0xFF800000> : vector<8xf32>
      %reduce_max3A_486 = vector.multi_reduction <maximumf>, %min3A_481, %reduce_max3A_485 [1] : vector<8x1024xf32> to vector<8xf32>
      %broadcast_in_dim3A_487 = vector.shape_cast %reduce_max3A_486 : vector<8xf32> to vector<8x1xf32>
      %eq3A_488 = vector.broadcast %broadcast_in_dim3A_487 : vector<8x1xf32> to vector<8x1024xf32>
      %eq3A_489 = arith.cmpf oeq, %min3A_481, %eq3A_488 : vector<8x1024xf32>
      %jit3A_490 = arith.constant 16384 : i32
      %broadcast_in_dim3A_491 = vector.broadcast %jit3A_490 : i32 to vector<8x1024xi32>
      %select_n3A_492 = arith.select %eq3A_489, %add3A_47, %broadcast_in_dim3A_491 : vector<8x1024xi1>, vector<8x1024xi32>
      %reduce_min3A_493 = arith.constant dense<2147483647> : vector<8xi32>
      %reduce_min3A_494 = vector.multi_reduction <minsi>, %select_n3A_492, %reduce_min3A_493 [1] : vector<8x1024xi32> to vector<8xi32>
      %broadcast_in_dim3A_495 = vector.shape_cast %reduce_min3A_494 : vector<8xi32> to vector<8x1xi32>
      %eq3A_496 = vector.broadcast %broadcast_in_dim3A_495 : vector<8x1xi32> to vector<8x1024xi32>
      %eq3A_497 = arith.cmpi eq, %add3A_47, %eq3A_496 : vector<8x1024xi32>
      %broadcast_in_dim3A_498 = arith.constant 0.000000e+00 : f32
      %broadcast_in_dim3A_499 = vector.broadcast %broadcast_in_dim3A_498 : f32 to vector<8x1024xf32>
      %select_n3A_500 = arith.select %eq3A_497, %get3A_460, %broadcast_in_dim3A_499 : vector<8x1024xi1>, vector<8x1024xf32>
      %reduce_sum3A_501 = arith.constant dense<0.000000e+00> : vector<8xf32>
      %reduce_sum3A_502 = vector.multi_reduction <add>, %select_n3A_500, %reduce_sum3A_501 [1] : vector<8x1024xf32> to vector<8xf32>
      %broadcast_in_dim3A_503 = vector.shape_cast %reduce_sum3A_502 : vector<8xf32> to vector<8x1xf32>
      %select_n3A_504 = arith.select %eq3A_497, %get3A_463, %broadcast_in_dim3A_499 : vector<8x1024xi1>, vector<8x1024xf32>
      %reduce_sum3A_505 = arith.constant dense<0.000000e+00> : vector<8xf32>
      %reduce_sum3A_506 = vector.multi_reduction <add>, %select_n3A_504, %reduce_sum3A_505 [1] : vector<8x1024xf32> to vector<8xf32>
      %broadcast_in_dim3A_507 = vector.shape_cast %reduce_sum3A_506 : vector<8xf32> to vector<8x1xf32>
      %select_n3A_508 = arith.select %eq3A_497, %get3A_466, %broadcast_in_dim3A_499 : vector<8x1024xi1>, vector<8x1024xf32>
      %reduce_sum3A_509 = arith.constant dense<0.000000e+00> : vector<8xf32>
      %reduce_sum3A_510 = vector.multi_reduction <add>, %select_n3A_508, %reduce_sum3A_509 [1] : vector<8x1024xf32> to vector<8xf32>
      %broadcast_in_dim3A_511 = vector.shape_cast %reduce_sum3A_510 : vector<8xf32> to vector<8x1xf32>
      %get3A_512 = arith.constant 0 : index
      %get3A_513 = arith.constant 7168 : index
      %get3A_514 = vector.load %arg1[%get3A_512, %get3A_513] : memref<8x16384xf32, #tpu.memory_space<vmem>>, vector<8x1024xf32>
      %get3A_515 = arith.constant 0 : index
      %get3A_516 = arith.constant 7168 : index
      %get3A_517 = vector.load %arg2[%get3A_515, %get3A_516] : memref<8x16384xf32, #tpu.memory_space<vmem>>, vector<8x1024xf32>
      %get3A_518 = arith.constant 0 : index
      %get3A_519 = arith.constant 7168 : index
      %get3A_520 = vector.load %arg3[%get3A_518, %get3A_519] : memref<8x16384xf32, #tpu.memory_space<vmem>>, vector<8x1024xf32>
      %sub3A_521 = vector.broadcast %scan3A_134 : vector<8x1xf32> to vector<8x1024xf32>
      %sub3A_522 = arith.subf %get3A_514, %sub3A_521 : vector<8x1024xf32>
      %sub3A_523 = vector.broadcast %scan3A_135 : vector<8x1xf32> to vector<8x1024xf32>
      %sub3A_524 = arith.subf %get3A_517, %sub3A_523 : vector<8x1024xf32>
      %sub3A_525 = vector.broadcast %scan3A_136 : vector<8x1xf32> to vector<8x1024xf32>
      %sub3A_526 = arith.subf %get3A_520, %sub3A_525 : vector<8x1024xf32>
      %mul3A_527 = arith.mulf %sub3A_522, %sub3A_522 : vector<8x1024xf32>
      %mul3A_528 = arith.mulf %sub3A_524, %sub3A_524 : vector<8x1024xf32>
      %add3A_529 = arith.addf %mul3A_527, %mul3A_528 : vector<8x1024xf32>
      %mul3A_530 = arith.mulf %sub3A_526, %sub3A_526 : vector<8x1024xf32>
      %add3A_531 = arith.addf %add3A_529, %mul3A_530 : vector<8x1024xf32>
      %get3A_532 = arith.constant 0 : index
      %get3A_533 = arith.constant 7168 : index
      %get3A_534 = vector.load %arg7[%get3A_532, %get3A_533] : memref<8x16384xf32, #tpu.memory_space<vmem>>, vector<8x1024xf32>
      %min3A_535 = arith.minimumf %get3A_534, %add3A_531 : vector<8x1024xf32>
      %swap3A_536 = arith.constant 0 : index
      %swap3A_537 = arith.constant 7168 : index
      %swap3A_538 = vector.load %arg7[%swap3A_536, %swap3A_537] : memref<8x16384xf32, #tpu.memory_space<vmem>>, vector<8x1024xf32>
      tpu.vector_store %arg7[%swap3A_536, %swap3A_537], %min3A_535 {strides = array<i32>} : memref<8x16384xf32, #tpu.memory_space<vmem>>, vector<8x1024xf32>,
      %reduce_max3A_539 = arith.constant dense<0xFF800000> : vector<8xf32>
      %reduce_max3A_540 = vector.multi_reduction <maximumf>, %min3A_535, %reduce_max3A_539 [1] : vector<8x1024xf32> to vector<8xf32>
      %broadcast_in_dim3A_541 = vector.shape_cast %reduce_max3A_540 : vector<8xf32> to vector<8x1xf32>
      %eq3A_542 = vector.broadcast %broadcast_in_dim3A_541 : vector<8x1xf32> to vector<8x1024xf32>
      %eq3A_543 = arith.cmpf oeq, %min3A_535, %eq3A_542 : vector<8x1024xf32>
      %jit3A_544 = arith.constant 16384 : i32
      %broadcast_in_dim3A_545 = vector.broadcast %jit3A_544 : i32 to vector<8x1024xi32>
      %select_n3A_546 = arith.select %eq3A_543, %add3A_51, %broadcast_in_dim3A_545 : vector<8x1024xi1>, vector<8x1024xi32>
      %reduce_min3A_547 = arith.constant dense<2147483647> : vector<8xi32>
      %reduce_min3A_548 = vector.multi_reduction <minsi>, %select_n3A_546, %reduce_min3A_547 [1] : vector<8x1024xi32> to vector<8xi32>
      %broadcast_in_dim3A_549 = vector.shape_cast %reduce_min3A_548 : vector<8xi32> to vector<8x1xi32>
      %eq3A_550 = vector.broadcast %broadcast_in_dim3A_549 : vector<8x1xi32> to vector<8x1024xi32>
      %eq3A_551 = arith.cmpi eq, %add3A_51, %eq3A_550 : vector<8x1024xi32>
      %broadcast_in_dim3A_552 = arith.constant 0.000000e+00 : f32
      %broadcast_in_dim3A_553 = vector.broadcast %broadcast_in_dim3A_552 : f32 to vector<8x1024xf32>
      %select_n3A_554 = arith.select %eq3A_551, %get3A_514, %broadcast_in_dim3A_553 : vector<8x1024xi1>, vector<8x1024xf32>
      %reduce_sum3A_555 = arith.constant dense<0.000000e+00> : vector<8xf32>
      %reduce_sum3A_556 = vector.multi_reduction <add>, %select_n3A_554, %reduce_sum3A_555 [1] : vector<8x1024xf32> to vector<8xf32>
      %broadcast_in_dim3A_557 = vector.shape_cast %reduce_sum3A_556 : vector<8xf32> to vector<8x1xf32>
      %select_n3A_558 = arith.select %eq3A_551, %get3A_517, %broadcast_in_dim3A_553 : vector<8x1024xi1>, vector<8x1024xf32>
      %reduce_sum3A_559 = arith.constant dense<0.000000e+00> : vector<8xf32>
      %reduce_sum3A_560 = vector.multi_reduction <add>, %select_n3A_558, %reduce_sum3A_559 [1] : vector<8x1024xf32> to vector<8xf32>
      %broadcast_in_dim3A_561 = vector.shape_cast %reduce_sum3A_560 : vector<8xf32> to vector<8x1xf32>
      %select_n3A_562 = arith.select %eq3A_551, %get3A_520, %broadcast_in_dim3A_553 : vector<8x1024xi1>, vector<8x1024xf32>
      %reduce_sum3A_563 = arith.constant dense<0.000000e+00> : vector<8xf32>
      %reduce_sum3A_564 = vector.multi_reduction <add>, %select_n3A_562, %reduce_sum3A_563 [1] : vector<8x1024xf32> to vector<8xf32>
      %broadcast_in_dim3A_565 = vector.shape_cast %reduce_sum3A_564 : vector<8xf32> to vector<8x1xf32>
      %get3A_566 = arith.constant 0 : index
      %get3A_567 = arith.constant 8192 : index
      %get3A_568 = vector.load %arg1[%get3A_566, %get3A_567] : memref<8x16384xf32, #tpu.memory_space<vmem>>, vector<8x1024xf32>
      %get3A_569 = arith.constant 0 : index
      %get3A_570 = arith.constant 8192 : index
      %get3A_571 = vector.load %arg2[%get3A_569, %get3A_570] : memref<8x16384xf32, #tpu.memory_space<vmem>>, vector<8x1024xf32>
      %get3A_572 = arith.constant 0 : index
      %get3A_573 = arith.constant 8192 : index
      %get3A_574 = vector.load %arg3[%get3A_572, %get3A_573] : memref<8x16384xf32, #tpu.memory_space<vmem>>, vector<8x1024xf32>
      %sub3A_575 = vector.broadcast %scan3A_134 : vector<8x1xf32> to vector<8x1024xf32>
      %sub3A_576 = arith.subf %get3A_568, %sub3A_575 : vector<8x1024xf32>
      %sub3A_577 = vector.broadcast %scan3A_135 : vector<8x1xf32> to vector<8x1024xf32>
      %sub3A_578 = arith.subf %get3A_571, %sub3A_577 : vector<8x1024xf32>
      %sub3A_579 = vector.broadcast %scan3A_136 : vector<8x1xf32> to vector<8x1024xf32>
      %sub3A_580 = arith.subf %get3A_574, %sub3A_579 : vector<8x1024xf32>
      %mul3A_581 = arith.mulf %sub3A_576, %sub3A_576 : vector<8x1024xf32>
      %mul3A_582 = arith.mulf %sub3A_578, %sub3A_578 : vector<8x1024xf32>
      %add3A_583 = arith.addf %mul3A_581, %mul3A_582 : vector<8x1024xf32>
      %mul3A_584 = arith.mulf %sub3A_580, %sub3A_580 : vector<8x1024xf32>
      %add3A_585 = arith.addf %add3A_583, %mul3A_584 : vector<8x1024xf32>
      %get3A_586 = arith.constant 0 : index
      %get3A_587 = arith.constant 8192 : index
      %get3A_588 = vector.load %arg7[%get3A_586, %get3A_587] : memref<8x16384xf32, #tpu.memory_space<vmem>>, vector<8x1024xf32>
      %min3A_589 = arith.minimumf %get3A_588, %add3A_585 : vector<8x1024xf32>
      %swap3A_590 = arith.constant 0 : index
      %swap3A_591 = arith.constant 8192 : index
      %swap3A_592 = vector.load %arg7[%swap3A_590, %swap3A_591] : memref<8x16384xf32, #tpu.memory_space<vmem>>, vector<8x1024xf32>
      tpu.vector_store %arg7[%swap3A_590, %swap3A_591], %min3A_589 {strides = array<i32>} : memref<8x16384xf32, #tpu.memory_space<vmem>>, vector<8x1024xf32>,
      %reduce_max3A_593 = arith.constant dense<0xFF800000> : vector<8xf32>
      %reduce_max3A_594 = vector.multi_reduction <maximumf>, %min3A_589, %reduce_max3A_593 [1] : vector<8x1024xf32> to vector<8xf32>
      %broadcast_in_dim3A_595 = vector.shape_cast %reduce_max3A_594 : vector<8xf32> to vector<8x1xf32>
      %eq3A_596 = vector.broadcast %broadcast_in_dim3A_595 : vector<8x1xf32> to vector<8x1024xf32>
      %eq3A_597 = arith.cmpf oeq, %min3A_589, %eq3A_596 : vector<8x1024xf32>
      %jit3A_598 = arith.constant 16384 : i32
      %broadcast_in_dim3A_599 = vector.broadcast %jit3A_598 : i32 to vector<8x1024xi32>
      %select_n3A_600 = arith.select %eq3A_597, %add3A_55, %broadcast_in_dim3A_599 : vector<8x1024xi1>, vector<8x1024xi32>
      %reduce_min3A_601 = arith.constant dense<2147483647> : vector<8xi32>
      %reduce_min3A_602 = vector.multi_reduction <minsi>, %select_n3A_600, %reduce_min3A_601 [1] : vector<8x1024xi32> to vector<8xi32>
      %broadcast_in_dim3A_603 = vector.shape_cast %reduce_min3A_602 : vector<8xi32> to vector<8x1xi32>
      %eq3A_604 = vector.broadcast %broadcast_in_dim3A_603 : vector<8x1xi32> to vector<8x1024xi32>
      %eq3A_605 = arith.cmpi eq, %add3A_55, %eq3A_604 : vector<8x1024xi32>
      %broadcast_in_dim3A_606 = arith.constant 0.000000e+00 : f32
      %broadcast_in_dim3A_607 = vector.broadcast %broadcast_in_dim3A_606 : f32 to vector<8x1024xf32>
      %select_n3A_608 = arith.select %eq3A_605, %get3A_568, %broadcast_in_dim3A_607 : vector<8x1024xi1>, vector<8x1024xf32>
      %reduce_sum3A_609 = arith.constant dense<0.000000e+00> : vector<8xf32>
      %reduce_sum3A_610 = vector.multi_reduction <add>, %select_n3A_608, %reduce_sum3A_609 [1] : vector<8x1024xf32> to vector<8xf32>
      %broadcast_in_dim3A_611 = vector.shape_cast %reduce_sum3A_610 : vector<8xf32> to vector<8x1xf32>
      %select_n3A_612 = arith.select %eq3A_605, %get3A_571, %broadcast_in_dim3A_607 : vector<8x1024xi1>, vector<8x1024xf32>
      %reduce_sum3A_613 = arith.constant dense<0.000000e+00> : vector<8xf32>
      %reduce_sum3A_614 = vector.multi_reduction <add>, %select_n3A_612, %reduce_sum3A_613 [1] : vector<8x1024xf32> to vector<8xf32>
      %broadcast_in_dim3A_615 = vector.shape_cast %reduce_sum3A_614 : vector<8xf32> to vector<8x1xf32>
      %select_n3A_616 = arith.select %eq3A_605, %get3A_574, %broadcast_in_dim3A_607 : vector<8x1024xi1>, vector<8x1024xf32>
      %reduce_sum3A_617 = arith.constant dense<0.000000e+00> : vector<8xf32>
      %reduce_sum3A_618 = vector.multi_reduction <add>, %select_n3A_616, %reduce_sum3A_617 [1] : vector<8x1024xf32> to vector<8xf32>
      %broadcast_in_dim3A_619 = vector.shape_cast %reduce_sum3A_618 : vector<8xf32> to vector<8x1xf32>
      %get3A_620 = arith.constant 0 : index
      %get3A_621 = arith.constant 9216 : index
      %get3A_622 = vector.load %arg1[%get3A_620, %get3A_621] : memref<8x16384xf32, #tpu.memory_space<vmem>>, vector<8x1024xf32>
      %get3A_623 = arith.constant 0 : index
      %get3A_624 = arith.constant 9216 : index
      %get3A_625 = vector.load %arg2[%get3A_623, %get3A_624] : memref<8x16384xf32, #tpu.memory_space<vmem>>, vector<8x1024xf32>
      %get3A_626 = arith.constant 0 : index
      %get3A_627 = arith.constant 9216 : index
      %get3A_628 = vector.load %arg3[%get3A_626, %get3A_627] : memref<8x16384xf32, #tpu.memory_space<vmem>>, vector<8x1024xf32>
      %sub3A_629 = vector.broadcast %scan3A_134 : vector<8x1xf32> to vector<8x1024xf32>
      %sub3A_630 = arith.subf %get3A_622, %sub3A_629 : vector<8x1024xf32>
      %sub3A_631 = vector.broadcast %scan3A_135 : vector<8x1xf32> to vector<8x1024xf32>
      %sub3A_632 = arith.subf %get3A_625, %sub3A_631 : vector<8x1024xf32>
      %sub3A_633 = vector.broadcast %scan3A_136 : vector<8x1xf32> to vector<8x1024xf32>
      %sub3A_634 = arith.subf %get3A_628, %sub3A_633 : vector<8x1024xf32>
      %mul3A_635 = arith.mulf %sub3A_630, %sub3A_630 : vector<8x1024xf32>
      %mul3A_636 = arith.mulf %sub3A_632, %sub3A_632 : vector<8x1024xf32>
      %add3A_637 = arith.addf %mul3A_635, %mul3A_636 : vector<8x1024xf32>
      %mul3A_638 = arith.mulf %sub3A_634, %sub3A_634 : vector<8x1024xf32>
      %add3A_639 = arith.addf %add3A_637, %mul3A_638 : vector<8x1024xf32>
      %get3A_640 = arith.constant 0 : index
      %get3A_641 = arith.constant 9216 : index
      %get3A_642 = vector.load %arg7[%get3A_640, %get3A_641] : memref<8x16384xf32, #tpu.memory_space<vmem>>, vector<8x1024xf32>
      %min3A_643 = arith.minimumf %get3A_642, %add3A_639 : vector<8x1024xf32>
      %swap3A_644 = arith.constant 0 : index
      %swap3A_645 = arith.constant 9216 : index
      %swap3A_646 = vector.load %arg7[%swap3A_644, %swap3A_645] : memref<8x16384xf32, #tpu.memory_space<vmem>>, vector<8x1024xf32>
      tpu.vector_store %arg7[%swap3A_644, %swap3A_645], %min3A_643 {strides = array<i32>} : memref<8x16384xf32, #tpu.memory_space<vmem>>, vector<8x1024xf32>,
      %reduce_max3A_647 = arith.constant dense<0xFF800000> : vector<8xf32>
      %reduce_max3A_648 = vector.multi_reduction <maximumf>, %min3A_643, %reduce_max3A_647 [1] : vector<8x1024xf32> to vector<8xf32>
      %broadcast_in_dim3A_649 = vector.shape_cast %reduce_max3A_648 : vector<8xf32> to vector<8x1xf32>
      %eq3A_650 = vector.broadcast %broadcast_in_dim3A_649 : vector<8x1xf32> to vector<8x1024xf32>
      %eq3A_651 = arith.cmpf oeq, %min3A_643, %eq3A_650 : vector<8x1024xf32>
      %jit3A_652 = arith.constant 16384 : i32
      %broadcast_in_dim3A_653 = vector.broadcast %jit3A_652 : i32 to vector<8x1024xi32>
      %select_n3A_654 = arith.select %eq3A_651, %add3A_59, %broadcast_in_dim3A_653 : vector<8x1024xi1>, vector<8x1024xi32>
      %reduce_min3A_655 = arith.constant dense<2147483647> : vector<8xi32>
      %reduce_min3A_656 = vector.multi_reduction <minsi>, %select_n3A_654, %reduce_min3A_655 [1] : vector<8x1024xi32> to vector<8xi32>
      %broadcast_in_dim3A_657 = vector.shape_cast %reduce_min3A_656 : vector<8xi32> to vector<8x1xi32>
      %eq3A_658 = vector.broadcast %broadcast_in_dim3A_657 : vector<8x1xi32> to vector<8x1024xi32>
      %eq3A_659 = arith.cmpi eq, %add3A_59, %eq3A_658 : vector<8x1024xi32>
      %broadcast_in_dim3A_660 = arith.constant 0.000000e+00 : f32
      %broadcast_in_dim3A_661 = vector.broadcast %broadcast_in_dim3A_660 : f32 to vector<8x1024xf32>
      %select_n3A_662 = arith.select %eq3A_659, %get3A_622, %broadcast_in_dim3A_661 : vector<8x1024xi1>, vector<8x1024xf32>
      %reduce_sum3A_663 = arith.constant dense<0.000000e+00> : vector<8xf32>
      %reduce_sum3A_664 = vector.multi_reduction <add>, %select_n3A_662, %reduce_sum3A_663 [1] : vector<8x1024xf32> to vector<8xf32>
      %broadcast_in_dim3A_665 = vector.shape_cast %reduce_sum3A_664 : vector<8xf32> to vector<8x1xf32>
      %select_n3A_666 = arith.select %eq3A_659, %get3A_625, %broadcast_in_dim3A_661 : vector<8x1024xi1>, vector<8x1024xf32>
      %reduce_sum3A_667 = arith.constant dense<0.000000e+00> : vector<8xf32>
      %reduce_sum3A_668 = vector.multi_reduction <add>, %select_n3A_666, %reduce_sum3A_667 [1] : vector<8x1024xf32> to vector<8xf32>
      %broadcast_in_dim3A_669 = vector.shape_cast %reduce_sum3A_668 : vector<8xf32> to vector<8x1xf32>
      %select_n3A_670 = arith.select %eq3A_659, %get3A_628, %broadcast_in_dim3A_661 : vector<8x1024xi1>, vector<8x1024xf32>
      %reduce_sum3A_671 = arith.constant dense<0.000000e+00> : vector<8xf32>
      %reduce_sum3A_672 = vector.multi_reduction <add>, %select_n3A_670, %reduce_sum3A_671 [1] : vector<8x1024xf32> to vector<8xf32>
      %broadcast_in_dim3A_673 = vector.shape_cast %reduce_sum3A_672 : vector<8xf32> to vector<8x1xf32>
      %get3A_674 = arith.constant 0 : index
      %get3A_675 = arith.constant 10240 : index
      %get3A_676 = vector.load %arg1[%get3A_674, %get3A_675] : memref<8x16384xf32, #tpu.memory_space<vmem>>, vector<8x1024xf32>
      %get3A_677 = arith.constant 0 : index
      %get3A_678 = arith.constant 10240 : index
      %get3A_679 = vector.load %arg2[%get3A_677, %get3A_678] : memref<8x16384xf32, #tpu.memory_space<vmem>>, vector<8x1024xf32>
      %get3A_680 = arith.constant 0 : index
      %get3A_681 = arith.constant 10240 : index
      %get3A_682 = vector.load %arg3[%get3A_680, %get3A_681] : memref<8x16384xf32, #tpu.memory_space<vmem>>, vector<8x1024xf32>
      %sub3A_683 = vector.broadcast %scan3A_134 : vector<8x1xf32> to vector<8x1024xf32>
      %sub3A_684 = arith.subf %get3A_676, %sub3A_683 : vector<8x1024xf32>
      %sub3A_685 = vector.broadcast %scan3A_135 : vector<8x1xf32> to vector<8x1024xf32>
      %sub3A_686 = arith.subf %get3A_679, %sub3A_685 : vector<8x1024xf32>
      %sub3A_687 = vector.broadcast %scan3A_136 : vector<8x1xf32> to vector<8x1024xf32>
      %sub3A_688 = arith.subf %get3A_682, %sub3A_687 : vector<8x1024xf32>
      %mul3A_689 = arith.mulf %sub3A_684, %sub3A_684 : vector<8x1024xf32>
      %mul3A_690 = arith.mulf %sub3A_686, %sub3A_686 : vector<8x1024xf32>
      %add3A_691 = arith.addf %mul3A_689, %mul3A_690 : vector<8x1024xf32>
      %mul3A_692 = arith.mulf %sub3A_688, %sub3A_688 : vector<8x1024xf32>
      %add3A_693 = arith.addf %add3A_691, %mul3A_692 : vector<8x1024xf32>
      %get3A_694 = arith.constant 0 : index
      %get3A_695 = arith.constant 10240 : index
      %get3A_696 = vector.load %arg7[%get3A_694, %get3A_695] : memref<8x16384xf32, #tpu.memory_space<vmem>>, vector<8x1024xf32>
      %min3A_697 = arith.minimumf %get3A_696, %add3A_693 : vector<8x1024xf32>
      %swap3A_698 = arith.constant 0 : index
      %swap3A_699 = arith.constant 10240 : index
      %swap3A_700 = vector.load %arg7[%swap3A_698, %swap3A_699] : memref<8x16384xf32, #tpu.memory_space<vmem>>, vector<8x1024xf32>
      tpu.vector_store %arg7[%swap3A_698, %swap3A_699], %min3A_697 {strides = array<i32>} : memref<8x16384xf32, #tpu.memory_space<vmem>>, vector<8x1024xf32>,
      %reduce_max3A_701 = arith.constant dense<0xFF800000> : vector<8xf32>
      %reduce_max3A_702 = vector.multi_reduction <maximumf>, %min3A_697, %reduce_max3A_701 [1] : vector<8x1024xf32> to vector<8xf32>
      %broadcast_in_dim3A_703 = vector.shape_cast %reduce_max3A_702 : vector<8xf32> to vector<8x1xf32>
      %eq3A_704 = vector.broadcast %broadcast_in_dim3A_703 : vector<8x1xf32> to vector<8x1024xf32>
      %eq3A_705 = arith.cmpf oeq, %min3A_697, %eq3A_704 : vector<8x1024xf32>
      %jit3A_706 = arith.constant 16384 : i32
      %broadcast_in_dim3A_707 = vector.broadcast %jit3A_706 : i32 to vector<8x1024xi32>
      %select_n3A_708 = arith.select %eq3A_705, %add3A_63, %broadcast_in_dim3A_707 : vector<8x1024xi1>, vector<8x1024xi32>
      %reduce_min3A_709 = arith.constant dense<2147483647> : vector<8xi32>
      %reduce_min3A_710 = vector.multi_reduction <minsi>, %select_n3A_708, %reduce_min3A_709 [1] : vector<8x1024xi32> to vector<8xi32>
      %broadcast_in_dim3A_711 = vector.shape_cast %reduce_min3A_710 : vector<8xi32> to vector<8x1xi32>
      %eq3A_712 = vector.broadcast %broadcast_in_dim3A_711 : vector<8x1xi32> to vector<8x1024xi32>
      %eq3A_713 = arith.cmpi eq, %add3A_63, %eq3A_712 : vector<8x1024xi32>
      %broadcast_in_dim3A_714 = arith.constant 0.000000e+00 : f32
      %broadcast_in_dim3A_715 = vector.broadcast %broadcast_in_dim3A_714 : f32 to vector<8x1024xf32>
      %select_n3A_716 = arith.select %eq3A_713, %get3A_676, %broadcast_in_dim3A_715 : vector<8x1024xi1>, vector<8x1024xf32>
      %reduce_sum3A_717 = arith.constant dense<0.000000e+00> : vector<8xf32>
      %reduce_sum3A_718 = vector.multi_reduction <add>, %select_n3A_716, %reduce_sum3A_717 [1] : vector<8x1024xf32> to vector<8xf32>
      %broadcast_in_dim3A_719 = vector.shape_cast %reduce_sum3A_718 : vector<8xf32> to vector<8x1xf32>
      %select_n3A_720 = arith.select %eq3A_713, %get3A_679, %broadcast_in_dim3A_715 : vector<8x1024xi1>, vector<8x1024xf32>
      %reduce_sum3A_721 = arith.constant dense<0.000000e+00> : vector<8xf32>
      %reduce_sum3A_722 = vector.multi_reduction <add>, %select_n3A_720, %reduce_sum3A_721 [1] : vector<8x1024xf32> to vector<8xf32>
      %broadcast_in_dim3A_723 = vector.shape_cast %reduce_sum3A_722 : vector<8xf32> to vector<8x1xf32>
      %select_n3A_724 = arith.select %eq3A_713, %get3A_682, %broadcast_in_dim3A_715 : vector<8x1024xi1>, vector<8x1024xf32>
      %reduce_sum3A_725 = arith.constant dense<0.000000e+00> : vector<8xf32>
      %reduce_sum3A_726 = vector.multi_reduction <add>, %select_n3A_724, %reduce_sum3A_725 [1] : vector<8x1024xf32> to vector<8xf32>
      %broadcast_in_dim3A_727 = vector.shape_cast %reduce_sum3A_726 : vector<8xf32> to vector<8x1xf32>
      %get3A_728 = arith.constant 0 : index
      %get3A_729 = arith.constant 11264 : index
      %get3A_730 = vector.load %arg1[%get3A_728, %get3A_729] : memref<8x16384xf32, #tpu.memory_space<vmem>>, vector<8x1024xf32>
      %get3A_731 = arith.constant 0 : index
      %get3A_732 = arith.constant 11264 : index
      %get3A_733 = vector.load %arg2[%get3A_731, %get3A_732] : memref<8x16384xf32, #tpu.memory_space<vmem>>, vector<8x1024xf32>
      %get3A_734 = arith.constant 0 : index
      %get3A_735 = arith.constant 11264 : index
      %get3A_736 = vector.load %arg3[%get3A_734, %get3A_735] : memref<8x16384xf32, #tpu.memory_space<vmem>>, vector<8x1024xf32>
      %sub3A_737 = vector.broadcast %scan3A_134 : vector<8x1xf32> to vector<8x1024xf32>
      %sub3A_738 = arith.subf %get3A_730, %sub3A_737 : vector<8x1024xf32>
      %sub3A_739 = vector.broadcast %scan3A_135 : vector<8x1xf32> to vector<8x1024xf32>
      %sub3A_740 = arith.subf %get3A_733, %sub3A_739 : vector<8x1024xf32>
      %sub3A_741 = vector.broadcast %scan3A_136 : vector<8x1xf32> to vector<8x1024xf32>
      %sub3A_742 = arith.subf %get3A_736, %sub3A_741 : vector<8x1024xf32>
      %mul3A_743 = arith.mulf %sub3A_738, %sub3A_738 : vector<8x1024xf32>
      %mul3A_744 = arith.mulf %sub3A_740, %sub3A_740 : vector<8x1024xf32>
      %add3A_745 = arith.addf %mul3A_743, %mul3A_744 : vector<8x1024xf32>
      %mul3A_746 = arith.mulf %sub3A_742, %sub3A_742 : vector<8x1024xf32>
      %add3A_747 = arith.addf %add3A_745, %mul3A_746 : vector<8x1024xf32>
      %get3A_748 = arith.constant 0 : index
      %get3A_749 = arith.constant 11264 : index
      %get3A_750 = vector.load %arg7[%get3A_748, %get3A_749] : memref<8x16384xf32, #tpu.memory_space<vmem>>, vector<8x1024xf32>
      %min3A_751 = arith.minimumf %get3A_750, %add3A_747 : vector<8x1024xf32>
      %swap3A_752 = arith.constant 0 : index
      %swap3A_753 = arith.constant 11264 : index
      %swap3A_754 = vector.load %arg7[%swap3A_752, %swap3A_753] : memref<8x16384xf32, #tpu.memory_space<vmem>>, vector<8x1024xf32>
      tpu.vector_store %arg7[%swap3A_752, %swap3A_753], %min3A_751 {strides = array<i32>} : memref<8x16384xf32, #tpu.memory_space<vmem>>, vector<8x1024xf32>,
      %reduce_max3A_755 = arith.constant dense<0xFF800000> : vector<8xf32>
      %reduce_max3A_756 = vector.multi_reduction <maximumf>, %min3A_751, %reduce_max3A_755 [1] : vector<8x1024xf32> to vector<8xf32>
      %broadcast_in_dim3A_757 = vector.shape_cast %reduce_max3A_756 : vector<8xf32> to vector<8x1xf32>
      %eq3A_758 = vector.broadcast %broadcast_in_dim3A_757 : vector<8x1xf32> to vector<8x1024xf32>
      %eq3A_759 = arith.cmpf oeq, %min3A_751, %eq3A_758 : vector<8x1024xf32>
      %jit3A_760 = arith.constant 16384 : i32
      %broadcast_in_dim3A_761 = vector.broadcast %jit3A_760 : i32 to vector<8x1024xi32>
      %select_n3A_762 = arith.select %eq3A_759, %add3A_67, %broadcast_in_dim3A_761 : vector<8x1024xi1>, vector<8x1024xi32>
      %reduce_min3A_763 = arith.constant dense<2147483647> : vector<8xi32>
      %reduce_min3A_764 = vector.multi_reduction <minsi>, %select_n3A_762, %reduce_min3A_763 [1] : vector<8x1024xi32> to vector<8xi32>
      %broadcast_in_dim3A_765 = vector.shape_cast %reduce_min3A_764 : vector<8xi32> to vector<8x1xi32>
      %eq3A_766 = vector.broadcast %broadcast_in_dim3A_765 : vector<8x1xi32> to vector<8x1024xi32>
      %eq3A_767 = arith.cmpi eq, %add3A_67, %eq3A_766 : vector<8x1024xi32>
      %broadcast_in_dim3A_768 = arith.constant 0.000000e+00 : f32
      %broadcast_in_dim3A_769 = vector.broadcast %broadcast_in_dim3A_768 : f32 to vector<8x1024xf32>
      %select_n3A_770 = arith.select %eq3A_767, %get3A_730, %broadcast_in_dim3A_769 : vector<8x1024xi1>, vector<8x1024xf32>
      %reduce_sum3A_771 = arith.constant dense<0.000000e+00> : vector<8xf32>
      %reduce_sum3A_772 = vector.multi_reduction <add>, %select_n3A_770, %reduce_sum3A_771 [1] : vector<8x1024xf32> to vector<8xf32>
      %broadcast_in_dim3A_773 = vector.shape_cast %reduce_sum3A_772 : vector<8xf32> to vector<8x1xf32>
      %select_n3A_774 = arith.select %eq3A_767, %get3A_733, %broadcast_in_dim3A_769 : vector<8x1024xi1>, vector<8x1024xf32>
      %reduce_sum3A_775 = arith.constant dense<0.000000e+00> : vector<8xf32>
      %reduce_sum3A_776 = vector.multi_reduction <add>, %select_n3A_774, %reduce_sum3A_775 [1] : vector<8x1024xf32> to vector<8xf32>
      %broadcast_in_dim3A_777 = vector.shape_cast %reduce_sum3A_776 : vector<8xf32> to vector<8x1xf32>
      %select_n3A_778 = arith.select %eq3A_767, %get3A_736, %broadcast_in_dim3A_769 : vector<8x1024xi1>, vector<8x1024xf32>
      %reduce_sum3A_779 = arith.constant dense<0.000000e+00> : vector<8xf32>
      %reduce_sum3A_780 = vector.multi_reduction <add>, %select_n3A_778, %reduce_sum3A_779 [1] : vector<8x1024xf32> to vector<8xf32>
      %broadcast_in_dim3A_781 = vector.shape_cast %reduce_sum3A_780 : vector<8xf32> to vector<8x1xf32>
      %get3A_782 = arith.constant 0 : index
      %get3A_783 = arith.constant 12288 : index
      %get3A_784 = vector.load %arg1[%get3A_782, %get3A_783] : memref<8x16384xf32, #tpu.memory_space<vmem>>, vector<8x1024xf32>
      %get3A_785 = arith.constant 0 : index
      %get3A_786 = arith.constant 12288 : index
      %get3A_787 = vector.load %arg2[%get3A_785, %get3A_786] : memref<8x16384xf32, #tpu.memory_space<vmem>>, vector<8x1024xf32>
      %get3A_788 = arith.constant 0 : index
      %get3A_789 = arith.constant 12288 : index
      %get3A_790 = vector.load %arg3[%get3A_788, %get3A_789] : memref<8x16384xf32, #tpu.memory_space<vmem>>, vector<8x1024xf32>
      %sub3A_791 = vector.broadcast %scan3A_134 : vector<8x1xf32> to vector<8x1024xf32>
      %sub3A_792 = arith.subf %get3A_784, %sub3A_791 : vector<8x1024xf32>
      %sub3A_793 = vector.broadcast %scan3A_135 : vector<8x1xf32> to vector<8x1024xf32>
      %sub3A_794 = arith.subf %get3A_787, %sub3A_793 : vector<8x1024xf32>
      %sub3A_795 = vector.broadcast %scan3A_136 : vector<8x1xf32> to vector<8x1024xf32>
      %sub3A_796 = arith.subf %get3A_790, %sub3A_795 : vector<8x1024xf32>
      %mul3A_797 = arith.mulf %sub3A_792, %sub3A_792 : vector<8x1024xf32>
      %mul3A_798 = arith.mulf %sub3A_794, %sub3A_794 : vector<8x1024xf32>
      %add3A_799 = arith.addf %mul3A_797, %mul3A_798 : vector<8x1024xf32>
      %mul3A_800 = arith.mulf %sub3A_796, %sub3A_796 : vector<8x1024xf32>
      %add3A_801 = arith.addf %add3A_799, %mul3A_800 : vector<8x1024xf32>
      %get3A_802 = arith.constant 0 : index
      %get3A_803 = arith.constant 12288 : index
      %get3A_804 = vector.load %arg7[%get3A_802, %get3A_803] : memref<8x16384xf32, #tpu.memory_space<vmem>>, vector<8x1024xf32>
      %min3A_805 = arith.minimumf %get3A_804, %add3A_801 : vector<8x1024xf32>
      %swap3A_806 = arith.constant 0 : index
      %swap3A_807 = arith.constant 12288 : index
      %swap3A_808 = vector.load %arg7[%swap3A_806, %swap3A_807] : memref<8x16384xf32, #tpu.memory_space<vmem>>, vector<8x1024xf32>
      tpu.vector_store %arg7[%swap3A_806, %swap3A_807], %min3A_805 {strides = array<i32>} : memref<8x16384xf32, #tpu.memory_space<vmem>>, vector<8x1024xf32>,
      %reduce_max3A_809 = arith.constant dense<0xFF800000> : vector<8xf32>
      %reduce_max3A_810 = vector.multi_reduction <maximumf>, %min3A_805, %reduce_max3A_809 [1] : vector<8x1024xf32> to vector<8xf32>
      %broadcast_in_dim3A_811 = vector.shape_cast %reduce_max3A_810 : vector<8xf32> to vector<8x1xf32>
      %eq3A_812 = vector.broadcast %broadcast_in_dim3A_811 : vector<8x1xf32> to vector<8x1024xf32>
      %eq3A_813 = arith.cmpf oeq, %min3A_805, %eq3A_812 : vector<8x1024xf32>
      %jit3A_814 = arith.constant 16384 : i32
      %broadcast_in_dim3A_815 = vector.broadcast %jit3A_814 : i32 to vector<8x1024xi32>
      %select_n3A_816 = arith.select %eq3A_813, %add3A_71, %broadcast_in_dim3A_815 : vector<8x1024xi1>, vector<8x1024xi32>
      %reduce_min3A_817 = arith.constant dense<2147483647> : vector<8xi32>
      %reduce_min3A_818 = vector.multi_reduction <minsi>, %select_n3A_816, %reduce_min3A_817 [1] : vector<8x1024xi32> to vector<8xi32>
      %broadcast_in_dim3A_819 = vector.shape_cast %reduce_min3A_818 : vector<8xi32> to vector<8x1xi32>
      %eq3A_820 = vector.broadcast %broadcast_in_dim3A_819 : vector<8x1xi32> to vector<8x1024xi32>
      %eq3A_821 = arith.cmpi eq, %add3A_71, %eq3A_820 : vector<8x1024xi32>
      %broadcast_in_dim3A_822 = arith.constant 0.000000e+00 : f32
      %broadcast_in_dim3A_823 = vector.broadcast %broadcast_in_dim3A_822 : f32 to vector<8x1024xf32>
      %select_n3A_824 = arith.select %eq3A_821, %get3A_784, %broadcast_in_dim3A_823 : vector<8x1024xi1>, vector<8x1024xf32>
      %reduce_sum3A_825 = arith.constant dense<0.000000e+00> : vector<8xf32>
      %reduce_sum3A_826 = vector.multi_reduction <add>, %select_n3A_824, %reduce_sum3A_825 [1] : vector<8x1024xf32> to vector<8xf32>
      %broadcast_in_dim3A_827 = vector.shape_cast %reduce_sum3A_826 : vector<8xf32> to vector<8x1xf32>
      %select_n3A_828 = arith.select %eq3A_821, %get3A_787, %broadcast_in_dim3A_823 : vector<8x1024xi1>, vector<8x1024xf32>
      %reduce_sum3A_829 = arith.constant dense<0.000000e+00> : vector<8xf32>
      %reduce_sum3A_830 = vector.multi_reduction <add>, %select_n3A_828, %reduce_sum3A_829 [1] : vector<8x1024xf32> to vector<8xf32>
      %broadcast_in_dim3A_831 = vector.shape_cast %reduce_sum3A_830 : vector<8xf32> to vector<8x1xf32>
      %select_n3A_832 = arith.select %eq3A_821, %get3A_790, %broadcast_in_dim3A_823 : vector<8x1024xi1>, vector<8x1024xf32>
      %reduce_sum3A_833 = arith.constant dense<0.000000e+00> : vector<8xf32>
      %reduce_sum3A_834 = vector.multi_reduction <add>, %select_n3A_832, %reduce_sum3A_833 [1] : vector<8x1024xf32> to vector<8xf32>
      %broadcast_in_dim3A_835 = vector.shape_cast %reduce_sum3A_834 : vector<8xf32> to vector<8x1xf32>
      %get3A_836 = arith.constant 0 : index
      %get3A_837 = arith.constant 13312 : index
      %get3A_838 = vector.load %arg1[%get3A_836, %get3A_837] : memref<8x16384xf32, #tpu.memory_space<vmem>>, vector<8x1024xf32>
      %get3A_839 = arith.constant 0 : index
      %get3A_840 = arith.constant 13312 : index
      %get3A_841 = vector.load %arg2[%get3A_839, %get3A_840] : memref<8x16384xf32, #tpu.memory_space<vmem>>, vector<8x1024xf32>
      %get3A_842 = arith.constant 0 : index
      %get3A_843 = arith.constant 13312 : index
      %get3A_844 = vector.load %arg3[%get3A_842, %get3A_843] : memref<8x16384xf32, #tpu.memory_space<vmem>>, vector<8x1024xf32>
      %sub3A_845 = vector.broadcast %scan3A_134 : vector<8x1xf32> to vector<8x1024xf32>
      %sub3A_846 = arith.subf %get3A_838, %sub3A_845 : vector<8x1024xf32>
      %sub3A_847 = vector.broadcast %scan3A_135 : vector<8x1xf32> to vector<8x1024xf32>
      %sub3A_848 = arith.subf %get3A_841, %sub3A_847 : vector<8x1024xf32>
      %sub3A_849 = vector.broadcast %scan3A_136 : vector<8x1xf32> to vector<8x1024xf32>
      %sub3A_850 = arith.subf %get3A_844, %sub3A_849 : vector<8x1024xf32>
      %mul3A_851 = arith.mulf %sub3A_846, %sub3A_846 : vector<8x1024xf32>
      %mul3A_852 = arith.mulf %sub3A_848, %sub3A_848 : vector<8x1024xf32>
      %add3A_853 = arith.addf %mul3A_851, %mul3A_852 : vector<8x1024xf32>
      %mul3A_854 = arith.mulf %sub3A_850, %sub3A_850 : vector<8x1024xf32>
      %add3A_855 = arith.addf %add3A_853, %mul3A_854 : vector<8x1024xf32>
      %get3A_856 = arith.constant 0 : index
      %get3A_857 = arith.constant 13312 : index
      %get3A_858 = vector.load %arg7[%get3A_856, %get3A_857] : memref<8x16384xf32, #tpu.memory_space<vmem>>, vector<8x1024xf32>
      %min3A_859 = arith.minimumf %get3A_858, %add3A_855 : vector<8x1024xf32>
      %swap3A_860 = arith.constant 0 : index
      %swap3A_861 = arith.constant 13312 : index
      %swap3A_862 = vector.load %arg7[%swap3A_860, %swap3A_861] : memref<8x16384xf32, #tpu.memory_space<vmem>>, vector<8x1024xf32>
      tpu.vector_store %arg7[%swap3A_860, %swap3A_861], %min3A_859 {strides = array<i32>} : memref<8x16384xf32, #tpu.memory_space<vmem>>, vector<8x1024xf32>,
      %reduce_max3A_863 = arith.constant dense<0xFF800000> : vector<8xf32>
      %reduce_max3A_864 = vector.multi_reduction <maximumf>, %min3A_859, %reduce_max3A_863 [1] : vector<8x1024xf32> to vector<8xf32>
      %broadcast_in_dim3A_865 = vector.shape_cast %reduce_max3A_864 : vector<8xf32> to vector<8x1xf32>
      %eq3A_866 = vector.broadcast %broadcast_in_dim3A_865 : vector<8x1xf32> to vector<8x1024xf32>
      %eq3A_867 = arith.cmpf oeq, %min3A_859, %eq3A_866 : vector<8x1024xf32>
      %jit3A_868 = arith.constant 16384 : i32
      %broadcast_in_dim3A_869 = vector.broadcast %jit3A_868 : i32 to vector<8x1024xi32>
      %select_n3A_870 = arith.select %eq3A_867, %add3A_75, %broadcast_in_dim3A_869 : vector<8x1024xi1>, vector<8x1024xi32>
      %reduce_min3A_871 = arith.constant dense<2147483647> : vector<8xi32>
      %reduce_min3A_872 = vector.multi_reduction <minsi>, %select_n3A_870, %reduce_min3A_871 [1] : vector<8x1024xi32> to vector<8xi32>
      %broadcast_in_dim3A_873 = vector.shape_cast %reduce_min3A_872 : vector<8xi32> to vector<8x1xi32>
      %eq3A_874 = vector.broadcast %broadcast_in_dim3A_873 : vector<8x1xi32> to vector<8x1024xi32>
      %eq3A_875 = arith.cmpi eq, %add3A_75, %eq3A_874 : vector<8x1024xi32>
      %broadcast_in_dim3A_876 = arith.constant 0.000000e+00 : f32
      %broadcast_in_dim3A_877 = vector.broadcast %broadcast_in_dim3A_876 : f32 to vector<8x1024xf32>
      %select_n3A_878 = arith.select %eq3A_875, %get3A_838, %broadcast_in_dim3A_877 : vector<8x1024xi1>, vector<8x1024xf32>
      %reduce_sum3A_879 = arith.constant dense<0.000000e+00> : vector<8xf32>
      %reduce_sum3A_880 = vector.multi_reduction <add>, %select_n3A_878, %reduce_sum3A_879 [1] : vector<8x1024xf32> to vector<8xf32>
      %broadcast_in_dim3A_881 = vector.shape_cast %reduce_sum3A_880 : vector<8xf32> to vector<8x1xf32>
      %select_n3A_882 = arith.select %eq3A_875, %get3A_841, %broadcast_in_dim3A_877 : vector<8x1024xi1>, vector<8x1024xf32>
      %reduce_sum3A_883 = arith.constant dense<0.000000e+00> : vector<8xf32>
      %reduce_sum3A_884 = vector.multi_reduction <add>, %select_n3A_882, %reduce_sum3A_883 [1] : vector<8x1024xf32> to vector<8xf32>
      %broadcast_in_dim3A_885 = vector.shape_cast %reduce_sum3A_884 : vector<8xf32> to vector<8x1xf32>
      %select_n3A_886 = arith.select %eq3A_875, %get3A_844, %broadcast_in_dim3A_877 : vector<8x1024xi1>, vector<8x1024xf32>
      %reduce_sum3A_887 = arith.constant dense<0.000000e+00> : vector<8xf32>
      %reduce_sum3A_888 = vector.multi_reduction <add>, %select_n3A_886, %reduce_sum3A_887 [1] : vector<8x1024xf32> to vector<8xf32>
      %broadcast_in_dim3A_889 = vector.shape_cast %reduce_sum3A_888 : vector<8xf32> to vector<8x1xf32>
      %get3A_890 = arith.constant 0 : index
      %get3A_891 = arith.constant 14336 : index
      %get3A_892 = vector.load %arg1[%get3A_890, %get3A_891] : memref<8x16384xf32, #tpu.memory_space<vmem>>, vector<8x1024xf32>
      %get3A_893 = arith.constant 0 : index
      %get3A_894 = arith.constant 14336 : index
      %get3A_895 = vector.load %arg2[%get3A_893, %get3A_894] : memref<8x16384xf32, #tpu.memory_space<vmem>>, vector<8x1024xf32>
      %get3A_896 = arith.constant 0 : index
      %get3A_897 = arith.constant 14336 : index
      %get3A_898 = vector.load %arg3[%get3A_896, %get3A_897] : memref<8x16384xf32, #tpu.memory_space<vmem>>, vector<8x1024xf32>
      %sub3A_899 = vector.broadcast %scan3A_134 : vector<8x1xf32> to vector<8x1024xf32>
      %sub3A_900 = arith.subf %get3A_892, %sub3A_899 : vector<8x1024xf32>
      %sub3A_901 = vector.broadcast %scan3A_135 : vector<8x1xf32> to vector<8x1024xf32>
      %sub3A_902 = arith.subf %get3A_895, %sub3A_901 : vector<8x1024xf32>
      %sub3A_903 = vector.broadcast %scan3A_136 : vector<8x1xf32> to vector<8x1024xf32>
      %sub3A_904 = arith.subf %get3A_898, %sub3A_903 : vector<8x1024xf32>
      %mul3A_905 = arith.mulf %sub3A_900, %sub3A_900 : vector<8x1024xf32>
      %mul3A_906 = arith.mulf %sub3A_902, %sub3A_902 : vector<8x1024xf32>
      %add3A_907 = arith.addf %mul3A_905, %mul3A_906 : vector<8x1024xf32>
      %mul3A_908 = arith.mulf %sub3A_904, %sub3A_904 : vector<8x1024xf32>
      %add3A_909 = arith.addf %add3A_907, %mul3A_908 : vector<8x1024xf32>
      %get3A_910 = arith.constant 0 : index
      %get3A_911 = arith.constant 14336 : index
      %get3A_912 = vector.load %arg7[%get3A_910, %get3A_911] : memref<8x16384xf32, #tpu.memory_space<vmem>>, vector<8x1024xf32>
      %min3A_913 = arith.minimumf %get3A_912, %add3A_909 : vector<8x1024xf32>
      %swap3A_914 = arith.constant 0 : index
      %swap3A_915 = arith.constant 14336 : index
      %swap3A_916 = vector.load %arg7[%swap3A_914, %swap3A_915] : memref<8x16384xf32, #tpu.memory_space<vmem>>, vector<8x1024xf32>
      tpu.vector_store %arg7[%swap3A_914, %swap3A_915], %min3A_913 {strides = array<i32>} : memref<8x16384xf32, #tpu.memory_space<vmem>>, vector<8x1024xf32>,
      %reduce_max3A_917 = arith.constant dense<0xFF800000> : vector<8xf32>
      %reduce_max3A_918 = vector.multi_reduction <maximumf>, %min3A_913, %reduce_max3A_917 [1] : vector<8x1024xf32> to vector<8xf32>
      %broadcast_in_dim3A_919 = vector.shape_cast %reduce_max3A_918 : vector<8xf32> to vector<8x1xf32>
      %eq3A_920 = vector.broadcast %broadcast_in_dim3A_919 : vector<8x1xf32> to vector<8x1024xf32>
      %eq3A_921 = arith.cmpf oeq, %min3A_913, %eq3A_920 : vector<8x1024xf32>
      %jit3A_922 = arith.constant 16384 : i32
      %broadcast_in_dim3A_923 = vector.broadcast %jit3A_922 : i32 to vector<8x1024xi32>
      %select_n3A_924 = arith.select %eq3A_921, %add3A_79, %broadcast_in_dim3A_923 : vector<8x1024xi1>, vector<8x1024xi32>
      %reduce_min3A_925 = arith.constant dense<2147483647> : vector<8xi32>
      %reduce_min3A_926 = vector.multi_reduction <minsi>, %select_n3A_924, %reduce_min3A_925 [1] : vector<8x1024xi32> to vector<8xi32>
      %broadcast_in_dim3A_927 = vector.shape_cast %reduce_min3A_926 : vector<8xi32> to vector<8x1xi32>
      %eq3A_928 = vector.broadcast %broadcast_in_dim3A_927 : vector<8x1xi32> to vector<8x1024xi32>
      %eq3A_929 = arith.cmpi eq, %add3A_79, %eq3A_928 : vector<8x1024xi32>
      %broadcast_in_dim3A_930 = arith.constant 0.000000e+00 : f32
      %broadcast_in_dim3A_931 = vector.broadcast %broadcast_in_dim3A_930 : f32 to vector<8x1024xf32>
      %select_n3A_932 = arith.select %eq3A_929, %get3A_892, %broadcast_in_dim3A_931 : vector<8x1024xi1>, vector<8x1024xf32>
      %reduce_sum3A_933 = arith.constant dense<0.000000e+00> : vector<8xf32>
      %reduce_sum3A_934 = vector.multi_reduction <add>, %select_n3A_932, %reduce_sum3A_933 [1] : vector<8x1024xf32> to vector<8xf32>
      %broadcast_in_dim3A_935 = vector.shape_cast %reduce_sum3A_934 : vector<8xf32> to vector<8x1xf32>
      %select_n3A_936 = arith.select %eq3A_929, %get3A_895, %broadcast_in_dim3A_931 : vector<8x1024xi1>, vector<8x1024xf32>
      %reduce_sum3A_937 = arith.constant dense<0.000000e+00> : vector<8xf32>
      %reduce_sum3A_938 = vector.multi_reduction <add>, %select_n3A_936, %reduce_sum3A_937 [1] : vector<8x1024xf32> to vector<8xf32>
      %broadcast_in_dim3A_939 = vector.shape_cast %reduce_sum3A_938 : vector<8xf32> to vector<8x1xf32>
      %select_n3A_940 = arith.select %eq3A_929, %get3A_898, %broadcast_in_dim3A_931 : vector<8x1024xi1>, vector<8x1024xf32>
      %reduce_sum3A_941 = arith.constant dense<0.000000e+00> : vector<8xf32>
      %reduce_sum3A_942 = vector.multi_reduction <add>, %select_n3A_940, %reduce_sum3A_941 [1] : vector<8x1024xf32> to vector<8xf32>
      %broadcast_in_dim3A_943 = vector.shape_cast %reduce_sum3A_942 : vector<8xf32> to vector<8x1xf32>
      %get3A_944 = arith.constant 0 : index
      %get3A_945 = arith.constant 15360 : index
      %get3A_946 = vector.load %arg1[%get3A_944, %get3A_945] : memref<8x16384xf32, #tpu.memory_space<vmem>>, vector<8x1024xf32>
      %get3A_947 = arith.constant 0 : index
      %get3A_948 = arith.constant 15360 : index
      %get3A_949 = vector.load %arg2[%get3A_947, %get3A_948] : memref<8x16384xf32, #tpu.memory_space<vmem>>, vector<8x1024xf32>
      %get3A_950 = arith.constant 0 : index
      %get3A_951 = arith.constant 15360 : index
      %get3A_952 = vector.load %arg3[%get3A_950, %get3A_951] : memref<8x16384xf32, #tpu.memory_space<vmem>>, vector<8x1024xf32>
      %sub3A_953 = vector.broadcast %scan3A_134 : vector<8x1xf32> to vector<8x1024xf32>
      %sub3A_954 = arith.subf %get3A_946, %sub3A_953 : vector<8x1024xf32>
      %sub3A_955 = vector.broadcast %scan3A_135 : vector<8x1xf32> to vector<8x1024xf32>
      %sub3A_956 = arith.subf %get3A_949, %sub3A_955 : vector<8x1024xf32>
      %sub3A_957 = vector.broadcast %scan3A_136 : vector<8x1xf32> to vector<8x1024xf32>
      %sub3A_958 = arith.subf %get3A_952, %sub3A_957 : vector<8x1024xf32>
      %mul3A_959 = arith.mulf %sub3A_954, %sub3A_954 : vector<8x1024xf32>
      %mul3A_960 = arith.mulf %sub3A_956, %sub3A_956 : vector<8x1024xf32>
      %add3A_961 = arith.addf %mul3A_959, %mul3A_960 : vector<8x1024xf32>
      %mul3A_962 = arith.mulf %sub3A_958, %sub3A_958 : vector<8x1024xf32>
      %add3A_963 = arith.addf %add3A_961, %mul3A_962 : vector<8x1024xf32>
      %get3A_964 = arith.constant 0 : index
      %get3A_965 = arith.constant 15360 : index
      %get3A_966 = vector.load %arg7[%get3A_964, %get3A_965] : memref<8x16384xf32, #tpu.memory_space<vmem>>, vector<8x1024xf32>
      %min3A_967 = arith.minimumf %get3A_966, %add3A_963 : vector<8x1024xf32>
      %swap3A_968 = arith.constant 0 : index
      %swap3A_969 = arith.constant 15360 : index
      %swap3A_970 = vector.load %arg7[%swap3A_968, %swap3A_969] : memref<8x16384xf32, #tpu.memory_space<vmem>>, vector<8x1024xf32>
      tpu.vector_store %arg7[%swap3A_968, %swap3A_969], %min3A_967 {strides = array<i32>} : memref<8x16384xf32, #tpu.memory_space<vmem>>, vector<8x1024xf32>,
      %reduce_max3A_971 = arith.constant dense<0xFF800000> : vector<8xf32>
      %reduce_max3A_972 = vector.multi_reduction <maximumf>, %min3A_967, %reduce_max3A_971 [1] : vector<8x1024xf32> to vector<8xf32>
      %broadcast_in_dim3A_973 = vector.shape_cast %reduce_max3A_972 : vector<8xf32> to vector<8x1xf32>
      %eq3A_974 = vector.broadcast %broadcast_in_dim3A_973 : vector<8x1xf32> to vector<8x1024xf32>
      %eq3A_975 = arith.cmpf oeq, %min3A_967, %eq3A_974 : vector<8x1024xf32>
      %jit3A_976 = arith.constant 16384 : i32
      %broadcast_in_dim3A_977 = vector.broadcast %jit3A_976 : i32 to vector<8x1024xi32>
      %select_n3A_978 = arith.select %eq3A_975, %add3A_83, %broadcast_in_dim3A_977 : vector<8x1024xi1>, vector<8x1024xi32>
      %reduce_min3A_979 = arith.constant dense<2147483647> : vector<8xi32>
      %reduce_min3A_980 = vector.multi_reduction <minsi>, %select_n3A_978, %reduce_min3A_979 [1] : vector<8x1024xi32> to vector<8xi32>
      %broadcast_in_dim3A_981 = vector.shape_cast %reduce_min3A_980 : vector<8xi32> to vector<8x1xi32>
      %eq3A_982 = vector.broadcast %broadcast_in_dim3A_981 : vector<8x1xi32> to vector<8x1024xi32>
      %eq3A_983 = arith.cmpi eq, %add3A_83, %eq3A_982 : vector<8x1024xi32>
      %broadcast_in_dim3A_984 = arith.constant 0.000000e+00 : f32
      %broadcast_in_dim3A_985 = vector.broadcast %broadcast_in_dim3A_984 : f32 to vector<8x1024xf32>
      %select_n3A_986 = arith.select %eq3A_983, %get3A_946, %broadcast_in_dim3A_985 : vector<8x1024xi1>, vector<8x1024xf32>
      %reduce_sum3A_987 = arith.constant dense<0.000000e+00> : vector<8xf32>
      %reduce_sum3A_988 = vector.multi_reduction <add>, %select_n3A_986, %reduce_sum3A_987 [1] : vector<8x1024xf32> to vector<8xf32>
      %broadcast_in_dim3A_989 = vector.shape_cast %reduce_sum3A_988 : vector<8xf32> to vector<8x1xf32>
      %select_n3A_990 = arith.select %eq3A_983, %get3A_949, %broadcast_in_dim3A_985 : vector<8x1024xi1>, vector<8x1024xf32>
      %reduce_sum3A_991 = arith.constant dense<0.000000e+00> : vector<8xf32>
      %reduce_sum3A_992 = vector.multi_reduction <add>, %select_n3A_990, %reduce_sum3A_991 [1] : vector<8x1024xf32> to vector<8xf32>
      %broadcast_in_dim3A_993 = vector.shape_cast %reduce_sum3A_992 : vector<8xf32> to vector<8x1xf32>
      %select_n3A_994 = arith.select %eq3A_983, %get3A_952, %broadcast_in_dim3A_985 : vector<8x1024xi1>, vector<8x1024xf32>
      %reduce_sum3A_995 = arith.constant dense<0.000000e+00> : vector<8xf32>
      %reduce_sum3A_996 = vector.multi_reduction <add>, %select_n3A_994, %reduce_sum3A_995 [1] : vector<8x1024xf32> to vector<8xf32>
      %broadcast_in_dim3A_997 = vector.shape_cast %reduce_sum3A_996 : vector<8xf32> to vector<8x1xf32>
      %max3A = arith.maximumf %broadcast_in_dim3A_165, %broadcast_in_dim3A_217 : vector<8x1xf32>
      %max3A_998 = arith.maximumf %broadcast_in_dim3A_271, %broadcast_in_dim3A_325 : vector<8x1xf32>
      %max3A_999 = arith.maximumf %broadcast_in_dim3A_379, %broadcast_in_dim3A_433 : vector<8x1xf32>
      %max3A_1000 = arith.maximumf %broadcast_in_dim3A_487, %broadcast_in_dim3A_541 : vector<8x1xf32>
      %max3A_1001 = arith.maximumf %broadcast_in_dim3A_595, %broadcast_in_dim3A_649 : vector<8x1xf32>
      %max3A_1002 = arith.maximumf %broadcast_in_dim3A_703, %broadcast_in_dim3A_757 : vector<8x1xf32>
      %max3A_1003 = arith.maximumf %broadcast_in_dim3A_811, %broadcast_in_dim3A_865 : vector<8x1xf32>
      %max3A_1004 = arith.maximumf %broadcast_in_dim3A_919, %broadcast_in_dim3A_973 : vector<8x1xf32>
      %max3A_1005 = arith.maximumf %max3A, %max3A_998 : vector<8x1xf32>
      %max3A_1006 = arith.maximumf %max3A_999, %max3A_1000 : vector<8x1xf32>
      %max3A_1007 = arith.maximumf %max3A_1001, %max3A_1002 : vector<8x1xf32>
      %max3A_1008 = arith.maximumf %max3A_1003, %max3A_1004 : vector<8x1xf32>
      %max3A_1009 = arith.maximumf %max3A_1005, %max3A_1006 : vector<8x1xf32>
      %max3A_1010 = arith.maximumf %max3A_1007, %max3A_1008 : vector<8x1xf32>
      %max3A_1011 = arith.maximumf %max3A_1009, %max3A_1010 : vector<8x1xf32>
      %eq3A_1012 = arith.cmpf oeq, %broadcast_in_dim3A_165, %max3A_1011 : vector<8x1xf32>
      %jit3A_1013 = arith.constant 16384 : i32
      %broadcast_in_dim3A_1014 = vector.broadcast %jit3A_1013 : i32 to vector<8x1xi32>
      %select_n3A_1015 = arith.select %eq3A_1012, %broadcast_in_dim3A_172, %broadcast_in_dim3A_1014 : vector<8x1xi1>, vector<8x1xi32>
      %eq3A_1016 = arith.cmpf oeq, %broadcast_in_dim3A_217, %max3A_1011 : vector<8x1xf32>
      %jit3A_1017 = arith.constant 16384 : i32
      %broadcast_in_dim3A_1018 = vector.broadcast %jit3A_1017 : i32 to vector<8x1xi32>
      %select_n3A_1019 = arith.select %eq3A_1016, %broadcast_in_dim3A_225, %broadcast_in_dim3A_1018 : vector<8x1xi1>, vector<8x1xi32>
      %eq3A_1020 = arith.cmpf oeq, %broadcast_in_dim3A_271, %max3A_1011 : vector<8x1xf32>
      %jit3A_1021 = arith.constant 16384 : i32
      %broadcast_in_dim3A_1022 = vector.broadcast %jit3A_1021 : i32 to vector<8x1xi32>
      %select_n3A_1023 = arith.select %eq3A_1020, %broadcast_in_dim3A_279, %broadcast_in_dim3A_1022 : vector<8x1xi1>, vector<8x1xi32>
      %eq3A_1024 = arith.cmpf oeq, %broadcast_in_dim3A_325, %max3A_1011 : vector<8x1xf32>
      %jit3A_1025 = arith.constant 16384 : i32
      %broadcast_in_dim3A_1026 = vector.broadcast %jit3A_1025 : i32 to vector<8x1xi32>
      %select_n3A_1027 = arith.select %eq3A_1024, %broadcast_in_dim3A_333, %broadcast_in_dim3A_1026 : vector<8x1xi1>, vector<8x1xi32>
      %eq3A_1028 = arith.cmpf oeq, %broadcast_in_dim3A_379, %max3A_1011 : vector<8x1xf32>
      %jit3A_1029 = arith.constant 16384 : i32
      %broadcast_in_dim3A_1030 = vector.broadcast %jit3A_1029 : i32 to vector<8x1xi32>
      %select_n3A_1031 = arith.select %eq3A_1028, %broadcast_in_dim3A_387, %broadcast_in_dim3A_1030 : vector<8x1xi1>, vector<8x1xi32>
      %eq3A_1032 = arith.cmpf oeq, %broadcast_in_dim3A_433, %max3A_1011 : vector<8x1xf32>
      %jit3A_1033 = arith.constant 16384 : i32
      %broadcast_in_dim3A_1034 = vector.broadcast %jit3A_1033 : i32 to vector<8x1xi32>
      %select_n3A_1035 = arith.select %eq3A_1032, %broadcast_in_dim3A_441, %broadcast_in_dim3A_1034 : vector<8x1xi1>, vector<8x1xi32>
      %eq3A_1036 = arith.cmpf oeq, %broadcast_in_dim3A_487, %max3A_1011 : vector<8x1xf32>
      %jit3A_1037 = arith.constant 16384 : i32
      %broadcast_in_dim3A_1038 = vector.broadcast %jit3A_1037 : i32 to vector<8x1xi32>
      %select_n3A_1039 = arith.select %eq3A_1036, %broadcast_in_dim3A_495, %broadcast_in_dim3A_1038 : vector<8x1xi1>, vector<8x1xi32>
      %eq3A_1040 = arith.cmpf oeq, %broadcast_in_dim3A_541, %max3A_1011 : vector<8x1xf32>
      %jit3A_1041 = arith.constant 16384 : i32
      %broadcast_in_dim3A_1042 = vector.broadcast %jit3A_1041 : i32 to vector<8x1xi32>
      %select_n3A_1043 = arith.select %eq3A_1040, %broadcast_in_dim3A_549, %broadcast_in_dim3A_1042 : vector<8x1xi1>, vector<8x1xi32>
      %eq3A_1044 = arith.cmpf oeq, %broadcast_in_dim3A_595, %max3A_1011 : vector<8x1xf32>
      %jit3A_1045 = arith.constant 16384 : i32
      %broadcast_in_dim3A_1046 = vector.broadcast %jit3A_1045 : i32 to vector<8x1xi32>
      %select_n3A_1047 = arith.select %eq3A_1044, %broadcast_in_dim3A_603, %broadcast_in_dim3A_1046 : vector<8x1xi1>, vector<8x1xi32>
      %eq3A_1048 = arith.cmpf oeq, %broadcast_in_dim3A_649, %max3A_1011 : vector<8x1xf32>
      %jit3A_1049 = arith.constant 16384 : i32
      %broadcast_in_dim3A_1050 = vector.broadcast %jit3A_1049 : i32 to vector<8x1xi32>
      %select_n3A_1051 = arith.select %eq3A_1048, %broadcast_in_dim3A_657, %broadcast_in_dim3A_1050 : vector<8x1xi1>, vector<8x1xi32>
      %eq3A_1052 = arith.cmpf oeq, %broadcast_in_dim3A_703, %max3A_1011 : vector<8x1xf32>
      %jit3A_1053 = arith.constant 16384 : i32
      %broadcast_in_dim3A_1054 = vector.broadcast %jit3A_1053 : i32 to vector<8x1xi32>
      %select_n3A_1055 = arith.select %eq3A_1052, %broadcast_in_dim3A_711, %broadcast_in_dim3A_1054 : vector<8x1xi1>, vector<8x1xi32>
      %eq3A_1056 = arith.cmpf oeq, %broadcast_in_dim3A_757, %max3A_1011 : vector<8x1xf32>
      %jit3A_1057 = arith.constant 16384 : i32
      %broadcast_in_dim3A_1058 = vector.broadcast %jit3A_1057 : i32 to vector<8x1xi32>
      %select_n3A_1059 = arith.select %eq3A_1056, %broadcast_in_dim3A_765, %broadcast_in_dim3A_1058 : vector<8x1xi1>, vector<8x1xi32>
      %eq3A_1060 = arith.cmpf oeq, %broadcast_in_dim3A_811, %max3A_1011 : vector<8x1xf32>
      %jit3A_1061 = arith.constant 16384 : i32
      %broadcast_in_dim3A_1062 = vector.broadcast %jit3A_1061 : i32 to vector<8x1xi32>
      %select_n3A_1063 = arith.select %eq3A_1060, %broadcast_in_dim3A_819, %broadcast_in_dim3A_1062 : vector<8x1xi1>, vector<8x1xi32>
      %eq3A_1064 = arith.cmpf oeq, %broadcast_in_dim3A_865, %max3A_1011 : vector<8x1xf32>
      %jit3A_1065 = arith.constant 16384 : i32
      %broadcast_in_dim3A_1066 = vector.broadcast %jit3A_1065 : i32 to vector<8x1xi32>
      %select_n3A_1067 = arith.select %eq3A_1064, %broadcast_in_dim3A_873, %broadcast_in_dim3A_1066 : vector<8x1xi1>, vector<8x1xi32>
      %eq3A_1068 = arith.cmpf oeq, %broadcast_in_dim3A_919, %max3A_1011 : vector<8x1xf32>
      %jit3A_1069 = arith.constant 16384 : i32
      %broadcast_in_dim3A_1070 = vector.broadcast %jit3A_1069 : i32 to vector<8x1xi32>
      %select_n3A_1071 = arith.select %eq3A_1068, %broadcast_in_dim3A_927, %broadcast_in_dim3A_1070 : vector<8x1xi1>, vector<8x1xi32>
      %eq3A_1072 = arith.cmpf oeq, %broadcast_in_dim3A_973, %max3A_1011 : vector<8x1xf32>
      %jit3A_1073 = arith.constant 16384 : i32
      %broadcast_in_dim3A_1074 = vector.broadcast %jit3A_1073 : i32 to vector<8x1xi32>
      %select_n3A_1075 = arith.select %eq3A_1072, %broadcast_in_dim3A_981, %broadcast_in_dim3A_1074 : vector<8x1xi1>, vector<8x1xi32>
      %min3A_1076 = arith.minsi %select_n3A_1015, %select_n3A_1019 : vector<8x1xi32>
      %min3A_1077 = arith.minsi %select_n3A_1023, %select_n3A_1027 : vector<8x1xi32>
      %min3A_1078 = arith.minsi %select_n3A_1031, %select_n3A_1035 : vector<8x1xi32>
      %min3A_1079 = arith.minsi %select_n3A_1039, %select_n3A_1043 : vector<8x1xi32>
      %min3A_1080 = arith.minsi %select_n3A_1047, %select_n3A_1051 : vector<8x1xi32>
      %min3A_1081 = arith.minsi %select_n3A_1055, %select_n3A_1059 : vector<8x1xi32>
      %min3A_1082 = arith.minsi %select_n3A_1063, %select_n3A_1067 : vector<8x1xi32>
      %min3A_1083 = arith.minsi %select_n3A_1071, %select_n3A_1075 : vector<8x1xi32>
      %min3A_1084 = arith.minsi %min3A_1076, %min3A_1077 : vector<8x1xi32>
      %min3A_1085 = arith.minsi %min3A_1078, %min3A_1079 : vector<8x1xi32>
      %min3A_1086 = arith.minsi %min3A_1080, %min3A_1081 : vector<8x1xi32>
      %min3A_1087 = arith.minsi %min3A_1082, %min3A_1083 : vector<8x1xi32>
      %min3A_1088 = arith.minsi %min3A_1084, %min3A_1085 : vector<8x1xi32>
      %min3A_1089 = arith.minsi %min3A_1086, %min3A_1087 : vector<8x1xi32>
      %min3A_1090 = arith.minsi %min3A_1088, %min3A_1089 : vector<8x1xi32>
      %eq3A_1091 = arith.cmpi eq, %broadcast_in_dim3A_172, %min3A_1090 : vector<8x1xi32>
      %jit3A_1092 = arith.constant 0.000000e+00 : f32
      %broadcast_in_dim3A_1093 = vector.broadcast %jit3A_1092 : f32 to vector<8x1xf32>
      %select_n3A_1094 = arith.select %eq3A_1091, %broadcast_in_dim3A_179, %broadcast_in_dim3A_1093 : vector<8x1xi1>, vector<8x1xf32>
      %eq3A_1095 = arith.cmpi eq, %broadcast_in_dim3A_225, %min3A_1090 : vector<8x1xi32>
      %jit3A_1096 = arith.constant 0.000000e+00 : f32
      %broadcast_in_dim3A_1097 = vector.broadcast %jit3A_1096 : f32 to vector<8x1xf32>
      %select_n3A_1098 = arith.select %eq3A_1095, %broadcast_in_dim3A_233, %broadcast_in_dim3A_1097 : vector<8x1xi1>, vector<8x1xf32>
      %eq3A_1099 = arith.cmpi eq, %broadcast_in_dim3A_279, %min3A_1090 : vector<8x1xi32>
      %jit3A_1100 = arith.constant 0.000000e+00 : f32
      %broadcast_in_dim3A_1101 = vector.broadcast %jit3A_1100 : f32 to vector<8x1xf32>
      %select_n3A_1102 = arith.select %eq3A_1099, %broadcast_in_dim3A_287, %broadcast_in_dim3A_1101 : vector<8x1xi1>, vector<8x1xf32>
      %eq3A_1103 = arith.cmpi eq, %broadcast_in_dim3A_333, %min3A_1090 : vector<8x1xi32>
      %jit3A_1104 = arith.constant 0.000000e+00 : f32
      %broadcast_in_dim3A_1105 = vector.broadcast %jit3A_1104 : f32 to vector<8x1xf32>
      %select_n3A_1106 = arith.select %eq3A_1103, %broadcast_in_dim3A_341, %broadcast_in_dim3A_1105 : vector<8x1xi1>, vector<8x1xf32>
      %eq3A_1107 = arith.cmpi eq, %broadcast_in_dim3A_387, %min3A_1090 : vector<8x1xi32>
      %jit3A_1108 = arith.constant 0.000000e+00 : f32
      %broadcast_in_dim3A_1109 = vector.broadcast %jit3A_1108 : f32 to vector<8x1xf32>
      %select_n3A_1110 = arith.select %eq3A_1107, %broadcast_in_dim3A_395, %broadcast_in_dim3A_1109 : vector<8x1xi1>, vector<8x1xf32>
      %eq3A_1111 = arith.cmpi eq, %broadcast_in_dim3A_441, %min3A_1090 : vector<8x1xi32>
      %jit3A_1112 = arith.constant 0.000000e+00 : f32
      %broadcast_in_dim3A_1113 = vector.broadcast %jit3A_1112 : f32 to vector<8x1xf32>
      %select_n3A_1114 = arith.select %eq3A_1111, %broadcast_in_dim3A_449, %broadcast_in_dim3A_1113 : vector<8x1xi1>, vector<8x1xf32>
      %eq3A_1115 = arith.cmpi eq, %broadcast_in_dim3A_495, %min3A_1090 : vector<8x1xi32>
      %jit3A_1116 = arith.constant 0.000000e+00 : f32
      %broadcast_in_dim3A_1117 = vector.broadcast %jit3A_1116 : f32 to vector<8x1xf32>
      %select_n3A_1118 = arith.select %eq3A_1115, %broadcast_in_dim3A_503, %broadcast_in_dim3A_1117 : vector<8x1xi1>, vector<8x1xf32>
      %eq3A_1119 = arith.cmpi eq, %broadcast_in_dim3A_549, %min3A_1090 : vector<8x1xi32>
      %jit3A_1120 = arith.constant 0.000000e+00 : f32
      %broadcast_in_dim3A_1121 = vector.broadcast %jit3A_1120 : f32 to vector<8x1xf32>
      %select_n3A_1122 = arith.select %eq3A_1119, %broadcast_in_dim3A_557, %broadcast_in_dim3A_1121 : vector<8x1xi1>, vector<8x1xf32>
      %eq3A_1123 = arith.cmpi eq, %broadcast_in_dim3A_603, %min3A_1090 : vector<8x1xi32>
      %jit3A_1124 = arith.constant 0.000000e+00 : f32
      %broadcast_in_dim3A_1125 = vector.broadcast %jit3A_1124 : f32 to vector<8x1xf32>
      %select_n3A_1126 = arith.select %eq3A_1123, %broadcast_in_dim3A_611, %broadcast_in_dim3A_1125 : vector<8x1xi1>, vector<8x1xf32>
      %eq3A_1127 = arith.cmpi eq, %broadcast_in_dim3A_657, %min3A_1090 : vector<8x1xi32>
      %jit3A_1128 = arith.constant 0.000000e+00 : f32
      %broadcast_in_dim3A_1129 = vector.broadcast %jit3A_1128 : f32 to vector<8x1xf32>
      %select_n3A_1130 = arith.select %eq3A_1127, %broadcast_in_dim3A_665, %broadcast_in_dim3A_1129 : vector<8x1xi1>, vector<8x1xf32>
      %eq3A_1131 = arith.cmpi eq, %broadcast_in_dim3A_711, %min3A_1090 : vector<8x1xi32>
      %jit3A_1132 = arith.constant 0.000000e+00 : f32
      %broadcast_in_dim3A_1133 = vector.broadcast %jit3A_1132 : f32 to vector<8x1xf32>
      %select_n3A_1134 = arith.select %eq3A_1131, %broadcast_in_dim3A_719, %broadcast_in_dim3A_1133 : vector<8x1xi1>, vector<8x1xf32>
      %eq3A_1135 = arith.cmpi eq, %broadcast_in_dim3A_765, %min3A_1090 : vector<8x1xi32>
      %jit3A_1136 = arith.constant 0.000000e+00 : f32
      %broadcast_in_dim3A_1137 = vector.broadcast %jit3A_1136 : f32 to vector<8x1xf32>
      %select_n3A_1138 = arith.select %eq3A_1135, %broadcast_in_dim3A_773, %broadcast_in_dim3A_1137 : vector<8x1xi1>, vector<8x1xf32>
      %eq3A_1139 = arith.cmpi eq, %broadcast_in_dim3A_819, %min3A_1090 : vector<8x1xi32>
      %jit3A_1140 = arith.constant 0.000000e+00 : f32
      %broadcast_in_dim3A_1141 = vector.broadcast %jit3A_1140 : f32 to vector<8x1xf32>
      %select_n3A_1142 = arith.select %eq3A_1139, %broadcast_in_dim3A_827, %broadcast_in_dim3A_1141 : vector<8x1xi1>, vector<8x1xf32>
      %eq3A_1143 = arith.cmpi eq, %broadcast_in_dim3A_873, %min3A_1090 : vector<8x1xi32>
      %jit3A_1144 = arith.constant 0.000000e+00 : f32
      %broadcast_in_dim3A_1145 = vector.broadcast %jit3A_1144 : f32 to vector<8x1xf32>
      %select_n3A_1146 = arith.select %eq3A_1143, %broadcast_in_dim3A_881, %broadcast_in_dim3A_1145 : vector<8x1xi1>, vector<8x1xf32>
      %eq3A_1147 = arith.cmpi eq, %broadcast_in_dim3A_927, %min3A_1090 : vector<8x1xi32>
      %jit3A_1148 = arith.constant 0.000000e+00 : f32
      %broadcast_in_dim3A_1149 = vector.broadcast %jit3A_1148 : f32 to vector<8x1xf32>
      %select_n3A_1150 = arith.select %eq3A_1147, %broadcast_in_dim3A_935, %broadcast_in_dim3A_1149 : vector<8x1xi1>, vector<8x1xf32>
      %eq3A_1151 = arith.cmpi eq, %broadcast_in_dim3A_981, %min3A_1090 : vector<8x1xi32>
      %jit3A_1152 = arith.constant 0.000000e+00 : f32
      %broadcast_in_dim3A_1153 = vector.broadcast %jit3A_1152 : f32 to vector<8x1xf32>
      %select_n3A_1154 = arith.select %eq3A_1151, %broadcast_in_dim3A_989, %broadcast_in_dim3A_1153 : vector<8x1xi1>, vector<8x1xf32>
      %add3A_1155 = arith.addf %select_n3A_1094, %select_n3A_1098 : vector<8x1xf32>
      %add3A_1156 = arith.addf %select_n3A_1102, %select_n3A_1106 : vector<8x1xf32>
      %add3A_1157 = arith.addf %select_n3A_1110, %select_n3A_1114 : vector<8x1xf32>
      %add3A_1158 = arith.addf %select_n3A_1118, %select_n3A_1122 : vector<8x1xf32>
      %add3A_1159 = arith.addf %select_n3A_1126, %select_n3A_1130 : vector<8x1xf32>
      %add3A_1160 = arith.addf %select_n3A_1134, %select_n3A_1138 : vector<8x1xf32>
      %add3A_1161 = arith.addf %select_n3A_1142, %select_n3A_1146 : vector<8x1xf32>
      %add3A_1162 = arith.addf %select_n3A_1150, %select_n3A_1154 : vector<8x1xf32>
      %add3A_1163 = arith.addf %add3A_1155, %add3A_1156 : vector<8x1xf32>
      %add3A_1164 = arith.addf %add3A_1157, %add3A_1158 : vector<8x1xf32>
      %add3A_1165 = arith.addf %add3A_1159, %add3A_1160 : vector<8x1xf32>
      %add3A_1166 = arith.addf %add3A_1161, %add3A_1162 : vector<8x1xf32>
      %add3A_1167 = arith.addf %add3A_1163, %add3A_1164 : vector<8x1xf32>
      %add3A_1168 = arith.addf %add3A_1165, %add3A_1166 : vector<8x1xf32>
      %add3A_1169 = arith.addf %add3A_1167, %add3A_1168 : vector<8x1xf32>
      %eq3A_1170 = arith.cmpi eq, %broadcast_in_dim3A_172, %min3A_1090 : vector<8x1xi32>
      %jit3A_1171 = arith.constant 0.000000e+00 : f32
      %broadcast_in_dim3A_1172 = vector.broadcast %jit3A_1171 : f32 to vector<8x1xf32>
      %select_n3A_1173 = arith.select %eq3A_1170, %broadcast_in_dim3A_183, %broadcast_in_dim3A_1172 : vector<8x1xi1>, vector<8x1xf32>
      %eq3A_1174 = arith.cmpi eq, %broadcast_in_dim3A_225, %min3A_1090 : vector<8x1xi32>
      %jit3A_1175 = arith.constant 0.000000e+00 : f32
      %broadcast_in_dim3A_1176 = vector.broadcast %jit3A_1175 : f32 to vector<8x1xf32>
      %select_n3A_1177 = arith.select %eq3A_1174, %broadcast_in_dim3A_237, %broadcast_in_dim3A_1176 : vector<8x1xi1>, vector<8x1xf32>
      %eq3A_1178 = arith.cmpi eq, %broadcast_in_dim3A_279, %min3A_1090 : vector<8x1xi32>
      %jit3A_1179 = arith.constant 0.000000e+00 : f32
      %broadcast_in_dim3A_1180 = vector.broadcast %jit3A_1179 : f32 to vector<8x1xf32>
      %select_n3A_1181 = arith.select %eq3A_1178, %broadcast_in_dim3A_291, %broadcast_in_dim3A_1180 : vector<8x1xi1>, vector<8x1xf32>
      %eq3A_1182 = arith.cmpi eq, %broadcast_in_dim3A_333, %min3A_1090 : vector<8x1xi32>
      %jit3A_1183 = arith.constant 0.000000e+00 : f32
      %broadcast_in_dim3A_1184 = vector.broadcast %jit3A_1183 : f32 to vector<8x1xf32>
      %select_n3A_1185 = arith.select %eq3A_1182, %broadcast_in_dim3A_345, %broadcast_in_dim3A_1184 : vector<8x1xi1>, vector<8x1xf32>
      %eq3A_1186 = arith.cmpi eq, %broadcast_in_dim3A_387, %min3A_1090 : vector<8x1xi32>
      %jit3A_1187 = arith.constant 0.000000e+00 : f32
      %broadcast_in_dim3A_1188 = vector.broadcast %jit3A_1187 : f32 to vector<8x1xf32>
      %select_n3A_1189 = arith.select %eq3A_1186, %broadcast_in_dim3A_399, %broadcast_in_dim3A_1188 : vector<8x1xi1>, vector<8x1xf32>
      %eq3A_1190 = arith.cmpi eq, %broadcast_in_dim3A_441, %min3A_1090 : vector<8x1xi32>
      %jit3A_1191 = arith.constant 0.000000e+00 : f32
      %broadcast_in_dim3A_1192 = vector.broadcast %jit3A_1191 : f32 to vector<8x1xf32>
      %select_n3A_1193 = arith.select %eq3A_1190, %broadcast_in_dim3A_453, %broadcast_in_dim3A_1192 : vector<8x1xi1>, vector<8x1xf32>
      %eq3A_1194 = arith.cmpi eq, %broadcast_in_dim3A_495, %min3A_1090 : vector<8x1xi32>
      %jit3A_1195 = arith.constant 0.000000e+00 : f32
      %broadcast_in_dim3A_1196 = vector.broadcast %jit3A_1195 : f32 to vector<8x1xf32>
      %select_n3A_1197 = arith.select %eq3A_1194, %broadcast_in_dim3A_507, %broadcast_in_dim3A_1196 : vector<8x1xi1>, vector<8x1xf32>
      %eq3A_1198 = arith.cmpi eq, %broadcast_in_dim3A_549, %min3A_1090 : vector<8x1xi32>
      %jit3A_1199 = arith.constant 0.000000e+00 : f32
      %broadcast_in_dim3A_1200 = vector.broadcast %jit3A_1199 : f32 to vector<8x1xf32>
      %select_n3A_1201 = arith.select %eq3A_1198, %broadcast_in_dim3A_561, %broadcast_in_dim3A_1200 : vector<8x1xi1>, vector<8x1xf32>
      %eq3A_1202 = arith.cmpi eq, %broadcast_in_dim3A_603, %min3A_1090 : vector<8x1xi32>
      %jit3A_1203 = arith.constant 0.000000e+00 : f32
      %broadcast_in_dim3A_1204 = vector.broadcast %jit3A_1203 : f32 to vector<8x1xf32>
      %select_n3A_1205 = arith.select %eq3A_1202, %broadcast_in_dim3A_615, %broadcast_in_dim3A_1204 : vector<8x1xi1>, vector<8x1xf32>
      %eq3A_1206 = arith.cmpi eq, %broadcast_in_dim3A_657, %min3A_1090 : vector<8x1xi32>
      %jit3A_1207 = arith.constant 0.000000e+00 : f32
      %broadcast_in_dim3A_1208 = vector.broadcast %jit3A_1207 : f32 to vector<8x1xf32>
      %select_n3A_1209 = arith.select %eq3A_1206, %broadcast_in_dim3A_669, %broadcast_in_dim3A_1208 : vector<8x1xi1>, vector<8x1xf32>
      %eq3A_1210 = arith.cmpi eq, %broadcast_in_dim3A_711, %min3A_1090 : vector<8x1xi32>
      %jit3A_1211 = arith.constant 0.000000e+00 : f32
      %broadcast_in_dim3A_1212 = vector.broadcast %jit3A_1211 : f32 to vector<8x1xf32>
      %select_n3A_1213 = arith.select %eq3A_1210, %broadcast_in_dim3A_723, %broadcast_in_dim3A_1212 : vector<8x1xi1>, vector<8x1xf32>
      %eq3A_1214 = arith.cmpi eq, %broadcast_in_dim3A_765, %min3A_1090 : vector<8x1xi32>
      %jit3A_1215 = arith.constant 0.000000e+00 : f32
      %broadcast_in_dim3A_1216 = vector.broadcast %jit3A_1215 : f32 to vector<8x1xf32>
      %select_n3A_1217 = arith.select %eq3A_1214, %broadcast_in_dim3A_777, %broadcast_in_dim3A_1216 : vector<8x1xi1>, vector<8x1xf32>
      %eq3A_1218 = arith.cmpi eq, %broadcast_in_dim3A_819, %min3A_1090 : vector<8x1xi32>
      %jit3A_1219 = arith.constant 0.000000e+00 : f32
      %broadcast_in_dim3A_1220 = vector.broadcast %jit3A_1219 : f32 to vector<8x1xf32>
      %select_n3A_1221 = arith.select %eq3A_1218, %broadcast_in_dim3A_831, %broadcast_in_dim3A_1220 : vector<8x1xi1>, vector<8x1xf32>
      %eq3A_1222 = arith.cmpi eq, %broadcast_in_dim3A_873, %min3A_1090 : vector<8x1xi32>
      %jit3A_1223 = arith.constant 0.000000e+00 : f32
      %broadcast_in_dim3A_1224 = vector.broadcast %jit3A_1223 : f32 to vector<8x1xf32>
      %select_n3A_1225 = arith.select %eq3A_1222, %broadcast_in_dim3A_885, %broadcast_in_dim3A_1224 : vector<8x1xi1>, vector<8x1xf32>
      %eq3A_1226 = arith.cmpi eq, %broadcast_in_dim3A_927, %min3A_1090 : vector<8x1xi32>
      %jit3A_1227 = arith.constant 0.000000e+00 : f32
      %broadcast_in_dim3A_1228 = vector.broadcast %jit3A_1227 : f32 to vector<8x1xf32>
      %select_n3A_1229 = arith.select %eq3A_1226, %broadcast_in_dim3A_939, %broadcast_in_dim3A_1228 : vector<8x1xi1>, vector<8x1xf32>
      %eq3A_1230 = arith.cmpi eq, %broadcast_in_dim3A_981, %min3A_1090 : vector<8x1xi32>
      %jit3A_1231 = arith.constant 0.000000e+00 : f32
      %broadcast_in_dim3A_1232 = vector.broadcast %jit3A_1231 : f32 to vector<8x1xf32>
      %select_n3A_1233 = arith.select %eq3A_1230, %broadcast_in_dim3A_993, %broadcast_in_dim3A_1232 : vector<8x1xi1>, vector<8x1xf32>
      %add3A_1234 = arith.addf %select_n3A_1173, %select_n3A_1177 : vector<8x1xf32>
      %add3A_1235 = arith.addf %select_n3A_1181, %select_n3A_1185 : vector<8x1xf32>
      %add3A_1236 = arith.addf %select_n3A_1189, %select_n3A_1193 : vector<8x1xf32>
      %add3A_1237 = arith.addf %select_n3A_1197, %select_n3A_1201 : vector<8x1xf32>
      %add3A_1238 = arith.addf %select_n3A_1205, %select_n3A_1209 : vector<8x1xf32>
      %add3A_1239 = arith.addf %select_n3A_1213, %select_n3A_1217 : vector<8x1xf32>
      %add3A_1240 = arith.addf %select_n3A_1221, %select_n3A_1225 : vector<8x1xf32>
      %add3A_1241 = arith.addf %select_n3A_1229, %select_n3A_1233 : vector<8x1xf32>
      %add3A_1242 = arith.addf %add3A_1234, %add3A_1235 : vector<8x1xf32>
      %add3A_1243 = arith.addf %add3A_1236, %add3A_1237 : vector<8x1xf32>
      %add3A_1244 = arith.addf %add3A_1238, %add3A_1239 : vector<8x1xf32>
      %add3A_1245 = arith.addf %add3A_1240, %add3A_1241 : vector<8x1xf32>
      %add3A_1246 = arith.addf %add3A_1242, %add3A_1243 : vector<8x1xf32>
      %add3A_1247 = arith.addf %add3A_1244, %add3A_1245 : vector<8x1xf32>
      %add3A_1248 = arith.addf %add3A_1246, %add3A_1247 : vector<8x1xf32>
      %eq3A_1249 = arith.cmpi eq, %broadcast_in_dim3A_172, %min3A_1090 : vector<8x1xi32>
      %jit3A_1250 = arith.constant 0.000000e+00 : f32
      %broadcast_in_dim3A_1251 = vector.broadcast %jit3A_1250 : f32 to vector<8x1xf32>
      %select_n3A_1252 = arith.select %eq3A_1249, %broadcast_in_dim3A_187, %broadcast_in_dim3A_1251 : vector<8x1xi1>, vector<8x1xf32>
      %eq3A_1253 = arith.cmpi eq, %broadcast_in_dim3A_225, %min3A_1090 : vector<8x1xi32>
      %jit3A_1254 = arith.constant 0.000000e+00 : f32
      %broadcast_in_dim3A_1255 = vector.broadcast %jit3A_1254 : f32 to vector<8x1xf32>
      %select_n3A_1256 = arith.select %eq3A_1253, %broadcast_in_dim3A_241, %broadcast_in_dim3A_1255 : vector<8x1xi1>, vector<8x1xf32>
      %eq3A_1257 = arith.cmpi eq, %broadcast_in_dim3A_279, %min3A_1090 : vector<8x1xi32>
      %jit3A_1258 = arith.constant 0.000000e+00 : f32
      %broadcast_in_dim3A_1259 = vector.broadcast %jit3A_1258 : f32 to vector<8x1xf32>
      %select_n3A_1260 = arith.select %eq3A_1257, %broadcast_in_dim3A_295, %broadcast_in_dim3A_1259 : vector<8x1xi1>, vector<8x1xf32>
      %eq3A_1261 = arith.cmpi eq, %broadcast_in_dim3A_333, %min3A_1090 : vector<8x1xi32>
      %jit3A_1262 = arith.constant 0.000000e+00 : f32
      %broadcast_in_dim3A_1263 = vector.broadcast %jit3A_1262 : f32 to vector<8x1xf32>
      %select_n3A_1264 = arith.select %eq3A_1261, %broadcast_in_dim3A_349, %broadcast_in_dim3A_1263 : vector<8x1xi1>, vector<8x1xf32>
      %eq3A_1265 = arith.cmpi eq, %broadcast_in_dim3A_387, %min3A_1090 : vector<8x1xi32>
      %jit3A_1266 = arith.constant 0.000000e+00 : f32
      %broadcast_in_dim3A_1267 = vector.broadcast %jit3A_1266 : f32 to vector<8x1xf32>
      %select_n3A_1268 = arith.select %eq3A_1265, %broadcast_in_dim3A_403, %broadcast_in_dim3A_1267 : vector<8x1xi1>, vector<8x1xf32>
      %eq3A_1269 = arith.cmpi eq, %broadcast_in_dim3A_441, %min3A_1090 : vector<8x1xi32>
      %jit3A_1270 = arith.constant 0.000000e+00 : f32
      %broadcast_in_dim3A_1271 = vector.broadcast %jit3A_1270 : f32 to vector<8x1xf32>
      %select_n3A_1272 = arith.select %eq3A_1269, %broadcast_in_dim3A_457, %broadcast_in_dim3A_1271 : vector<8x1xi1>, vector<8x1xf32>
      %eq3A_1273 = arith.cmpi eq, %broadcast_in_dim3A_495, %min3A_1090 : vector<8x1xi32>
      %jit3A_1274 = arith.constant 0.000000e+00 : f32
      %broadcast_in_dim3A_1275 = vector.broadcast %jit3A_1274 : f32 to vector<8x1xf32>
      %select_n3A_1276 = arith.select %eq3A_1273, %broadcast_in_dim3A_511, %broadcast_in_dim3A_1275 : vector<8x1xi1>, vector<8x1xf32>
      %eq3A_1277 = arith.cmpi eq, %broadcast_in_dim3A_549, %min3A_1090 : vector<8x1xi32>
      %jit3A_1278 = arith.constant 0.000000e+00 : f32
      %broadcast_in_dim3A_1279 = vector.broadcast %jit3A_1278 : f32 to vector<8x1xf32>
      %select_n3A_1280 = arith.select %eq3A_1277, %broadcast_in_dim3A_565, %broadcast_in_dim3A_1279 : vector<8x1xi1>, vector<8x1xf32>
      %eq3A_1281 = arith.cmpi eq, %broadcast_in_dim3A_603, %min3A_1090 : vector<8x1xi32>
      %jit3A_1282 = arith.constant 0.000000e+00 : f32
      %broadcast_in_dim3A_1283 = vector.broadcast %jit3A_1282 : f32 to vector<8x1xf32>
      %select_n3A_1284 = arith.select %eq3A_1281, %broadcast_in_dim3A_619, %broadcast_in_dim3A_1283 : vector<8x1xi1>, vector<8x1xf32>
      %eq3A_1285 = arith.cmpi eq, %broadcast_in_dim3A_657, %min3A_1090 : vector<8x1xi32>
      %jit3A_1286 = arith.constant 0.000000e+00 : f32
      %broadcast_in_dim3A_1287 = vector.broadcast %jit3A_1286 : f32 to vector<8x1xf32>
      %select_n3A_1288 = arith.select %eq3A_1285, %broadcast_in_dim3A_673, %broadcast_in_dim3A_1287 : vector<8x1xi1>, vector<8x1xf32>
      %eq3A_1289 = arith.cmpi eq, %broadcast_in_dim3A_711, %min3A_1090 : vector<8x1xi32>
      %jit3A_1290 = arith.constant 0.000000e+00 : f32
      %broadcast_in_dim3A_1291 = vector.broadcast %jit3A_1290 : f32 to vector<8x1xf32>
      %select_n3A_1292 = arith.select %eq3A_1289, %broadcast_in_dim3A_727, %broadcast_in_dim3A_1291 : vector<8x1xi1>, vector<8x1xf32>
      %eq3A_1293 = arith.cmpi eq, %broadcast_in_dim3A_765, %min3A_1090 : vector<8x1xi32>
      %jit3A_1294 = arith.constant 0.000000e+00 : f32
      %broadcast_in_dim3A_1295 = vector.broadcast %jit3A_1294 : f32 to vector<8x1xf32>
      %select_n3A_1296 = arith.select %eq3A_1293, %broadcast_in_dim3A_781, %broadcast_in_dim3A_1295 : vector<8x1xi1>, vector<8x1xf32>
      %eq3A_1297 = arith.cmpi eq, %broadcast_in_dim3A_819, %min3A_1090 : vector<8x1xi32>
      %jit3A_1298 = arith.constant 0.000000e+00 : f32
      %broadcast_in_dim3A_1299 = vector.broadcast %jit3A_1298 : f32 to vector<8x1xf32>
      %select_n3A_1300 = arith.select %eq3A_1297, %broadcast_in_dim3A_835, %broadcast_in_dim3A_1299 : vector<8x1xi1>, vector<8x1xf32>
      %eq3A_1301 = arith.cmpi eq, %broadcast_in_dim3A_873, %min3A_1090 : vector<8x1xi32>
      %jit3A_1302 = arith.constant 0.000000e+00 : f32
      %broadcast_in_dim3A_1303 = vector.broadcast %jit3A_1302 : f32 to vector<8x1xf32>
      %select_n3A_1304 = arith.select %eq3A_1301, %broadcast_in_dim3A_889, %broadcast_in_dim3A_1303 : vector<8x1xi1>, vector<8x1xf32>
      %eq3A_1305 = arith.cmpi eq, %broadcast_in_dim3A_927, %min3A_1090 : vector<8x1xi32>
      %jit3A_1306 = arith.constant 0.000000e+00 : f32
      %broadcast_in_dim3A_1307 = vector.broadcast %jit3A_1306 : f32 to vector<8x1xf32>
      %select_n3A_1308 = arith.select %eq3A_1305, %broadcast_in_dim3A_943, %broadcast_in_dim3A_1307 : vector<8x1xi1>, vector<8x1xf32>
      %eq3A_1309 = arith.cmpi eq, %broadcast_in_dim3A_981, %min3A_1090 : vector<8x1xi32>
      %jit3A_1310 = arith.constant 0.000000e+00 : f32
      %broadcast_in_dim3A_1311 = vector.broadcast %jit3A_1310 : f32 to vector<8x1xf32>
      %select_n3A_1312 = arith.select %eq3A_1309, %broadcast_in_dim3A_997, %broadcast_in_dim3A_1311 : vector<8x1xi1>, vector<8x1xf32>
      %add3A_1313 = arith.addf %select_n3A_1252, %select_n3A_1256 : vector<8x1xf32>
      %add3A_1314 = arith.addf %select_n3A_1260, %select_n3A_1264 : vector<8x1xf32>
      %add3A_1315 = arith.addf %select_n3A_1268, %select_n3A_1272 : vector<8x1xf32>
      %add3A_1316 = arith.addf %select_n3A_1276, %select_n3A_1280 : vector<8x1xf32>
      %add3A_1317 = arith.addf %select_n3A_1284, %select_n3A_1288 : vector<8x1xf32>
      %add3A_1318 = arith.addf %select_n3A_1292, %select_n3A_1296 : vector<8x1xf32>
      %add3A_1319 = arith.addf %select_n3A_1300, %select_n3A_1304 : vector<8x1xf32>
      %add3A_1320 = arith.addf %select_n3A_1308, %select_n3A_1312 : vector<8x1xf32>
      %add3A_1321 = arith.addf %add3A_1313, %add3A_1314 : vector<8x1xf32>
      %add3A_1322 = arith.addf %add3A_1315, %add3A_1316 : vector<8x1xf32>
      %add3A_1323 = arith.addf %add3A_1317, %add3A_1318 : vector<8x1xf32>
      %add3A_1324 = arith.addf %add3A_1319, %add3A_1320 : vector<8x1xf32>
      %add3A_1325 = arith.addf %add3A_1321, %add3A_1322 : vector<8x1xf32>
      %add3A_1326 = arith.addf %add3A_1323, %add3A_1324 : vector<8x1xf32>
      %add3A_1327 = arith.addf %add3A_1325, %add3A_1326 : vector<8x1xf32>
      %eq3A_1328 = vector.broadcast %scan3A_133 : i32 to vector<8x512xi32>
      %eq3A_1329 = arith.cmpi eq, %iota3A_93, %eq3A_1328 : vector<8x512xi32>
      %broadcast_in_dim3A_1330 = vector.shape_cast %add3A_1169 : vector<8x1xf32> to vector<8x1xf32>
      %broadcast_in_dim3A_1331 = vector.broadcast %broadcast_in_dim3A_1330 : vector<8x1xf32> to vector<8x512xf32>
      %select_n3A_1332 = arith.select %eq3A_1329, %broadcast_in_dim3A_1331, %scan3A_137 : vector<8x512xi1>, vector<8x512xf32>
      %broadcast_in_dim3A_1333 = vector.shape_cast %add3A_1248 : vector<8x1xf32> to vector<8x1xf32>
      %broadcast_in_dim3A_1334 = vector.broadcast %broadcast_in_dim3A_1333 : vector<8x1xf32> to vector<8x512xf32>
      %select_n3A_1335 = arith.select %eq3A_1329, %broadcast_in_dim3A_1334, %scan3A_138 : vector<8x512xi1>, vector<8x512xf32>
      %broadcast_in_dim3A_1336 = vector.shape_cast %add3A_1327 : vector<8x1xf32> to vector<8x1xf32>
      %broadcast_in_dim3A_1337 = vector.broadcast %broadcast_in_dim3A_1336 : vector<8x1xf32> to vector<8x512xf32>
      %select_n3A_1338 = arith.select %eq3A_1329, %broadcast_in_dim3A_1337, %scan3A_139 : vector<8x512xi1>, vector<8x512xf32>
      scf.yield %add3A_1169, %add3A_1248, %add3A_1327, %select_n3A_1332, %select_n3A_1335, %select_n3A_1338 : vector<8x1xf32>, vector<8x1xf32>, vector<8x1xf32>, vector<8x512xf32>, vector<8x512xf32>, vector<8x512xf32>
    }
    %scan3A_123 = arith.constant 511 : i32
    %swap3A_124 = arith.constant 0 : index
    %swap3A_125 = arith.constant 0 : index
    %swap3A_126 = vector.load %arg4[%swap3A_124, %swap3A_125] : memref<8x512xf32, #tpu.memory_space<vmem>>, vector<8x512xf32>
    tpu.vector_store %arg4[%swap3A_124, %swap3A_125], %scan3A_122#3 {strides = array<i32>} : memref<8x512xf32, #tpu.memory_space<vmem>>, vector<8x512xf32>,
    %swap3A_127 = arith.constant 0 : index
    %swap3A_128 = arith.constant 0 : index
    %swap3A_129 = vector.load %arg5[%swap3A_127, %swap3A_128] : memref<8x512xf32, #tpu.memory_space<vmem>>, vector<8x512xf32>
    tpu.vector_store %arg5[%swap3A_127, %swap3A_128], %scan3A_122#4 {strides = array<i32>} : memref<8x512xf32, #tpu.memory_space<vmem>>, vector<8x512xf32>,
    %swap3A_130 = arith.constant 0 : index
    %swap3A_131 = arith.constant 0 : index
    %swap3A_132 = vector.load %arg6[%swap3A_130, %swap3A_131] : memref<8x512xf32, #tpu.memory_space<vmem>>, vector<8x512xf32>
    tpu.vector_store %arg6[%swap3A_130, %swap3A_131], %scan3A_122#5 {strides = array<i32>} : memref<8x512xf32, #tpu.memory_space<vmem>>, vector<8x512xf32>,
    return
  }
}

</mosaic_0001>

<sc_bundles>
// kernel: kernel.4.cloned.1.call-start
scs
__scs_entry_jumppad:
0x0: {  	(pc) =	sbr.rel $0x88, $3  }
0x1: {  	(tag) =	ssettag $0x0;
	lr =	simm.s32 $0x1  }
0x2: {  	[smem:$0x3F9F] =	sst lr;
	_ =	strace $0xD0000000  }
0x3: {  	_ = 	snop  }
0x4: {  	_ = 	snop  }
0x5: {  	_ = 	snop  }
0x6: {  	_ = 	snop  }
0x7: {  	_ = 	snop  }
__scs_overlays_trampoline_lowered:
0x8: {  	[smem:$0x3FAE] =	sst s0  }
0x9: {  	[smem:$0x3FAF] =	sst s1  }
0xa: {  	[smem:$0x3FB0] =	sst s2  }
0xb: {  	[smem:$0x3FB1] =	sst s3  }
0xc: {  	[smem:$0x3FB2] =	sst s4  }
0xd: {  	[smem:$0x3FB3] =	sst s5  }
0xe: {  	[smem:$0x3FB4] =	sst s6  }
0xf: {  	[smem:$0x3FB5] =	sst s7  }
0x10: {  	[smem:$0x3FB6] =	sst s8  }
0x11: {  	[smem:$0x3FB7] =	sst s9;
	s0 =	simm.s32 @!p0 $0x0  }
0x12: {  	s1 =	sld [smem:$0x3F9D];
	s0 =	simm.s32 @p0 $0x1  }
0x13: {  	[smem:$0x3FB8] =	sst s0;
	s0 =	simm.s32 @!p1 $0x0  }
0x14: {  	s2 =	sld [smem:$0x3F9C];
	s0 =	simm.s32 @p1 $0x1  }
0x15: {  	[smem:$0x3FB9] =	sst s0;
	s0 =	simm.s32 @!p2 $0x0  }
0x16: {  	s3 =	sld [smem:$0x3FDB];
	s0 =	simm.s32 @p2 $0x1  }
0x17: {  	s4 =	simm.s32 $0x1BF5;
	[smem:$0x3FBB] =	sst s0  }
0x18: {  	s0 =	sld [smem:$0x3F9E];
	_ =	swait.ge [sflag:s4], $0x0  }
0x19: {  	s7 =	sld [smem:$0x3F9F]  }
0x1a: {  	s8 =	sadd.s32 $0xFFFFE003, lr  }
0x1b: {  	s9 =	sadd.s32 $0xFFFFFEF7, lr;
	s5 =	simm.s32 $0xFFFFFFFF;
	p2 =	slt.u32 s8, $0xFFFFF086  }
0x1c: {  	p1 =	slt.u32 s9, $0xF7A;
	s5 =	simm.s32 @!p2 $0x0  }
0x1d: {  	s5 =	simm.s32 @p1 $0x1;
	p0 =	seq.s32 s7, s2  }
0x1e: {  	s7 =	smul.u32 @!p0 $0xF7A, s2;
	p2 =	seq.s32 @!p0 s5, $0x0  }
0x1f: {  	s9 =	smul.u32 $0xF7A, s1;
	s8 =	simm.s32 @!p0 $0x1BF5;
	p2 =	por !p2, p0  }
0x20: {  	[sflag:s8] =	ssyncset.s32 @!p0 $0xFFFFF086;
	s6 =	sadd.s32 @!p0 s3, s7;
	s7 =	simm.s32 @!p0 $0x108  }
0x21: {  	s3 =	sadd.s32 s3, s9;
	s6 =	sadd.s32 @!p0 $0x88, s6;
	s7 =	simm.s32 @p2 $0x1082  }
0x22: {  	[simem:s7], [sflag:s8] =	dma.local @!p0 [hbm:s6], $0xF7A  }
0x23: {  	s9 =	sor.u32 $0xD0000000, s2;
	s6 =	simm.s32 $0x108;
	_ =	swait.ge @!p0 [sflag:s8], $0x0  }
0x24: {  	s3 =	sadd.s32 $0x88, s3;
	s6 =	simm.s32 @!p1 $0x1082;
	[sflag:s4] =	ssyncset.s32 $0xFFFFF086  }
0x25: {  	[simem:s6], [sflag:s4] =	dma.local [hbm:s3], $0xF7A  }
0x26: {  	[smem:$0x3F9F] =	sst s1;
	(tag) =	ssettag s2;
	_ =	strace s9  }
0x27: {  	s1 =	sld [smem:$0x3FAF]  }
0x28: {  	s2 =	sld [smem:$0x3FB0]  }
0x29: {  	s4 =	sld [smem:$0x3FB2]  }
0x2a: {  	p0 =	seq.s32 s5, $0x0;
	s5 =	sld [smem:$0x3FB3]  }
0x2b: {  	s6 =	sld [smem:$0x3FB4]  }
0x2c: {  	s7 =	sld [smem:$0x3FB5]  }
0x2d: {  	s3 =	simm.s32 $0x108;
	s8 =	sld [smem:$0x3FB6]  }
0x2e: {  	s3 =	simm.s32 @!p0 $0x1082;
	s9 =	sld [smem:$0x3FB7]  }
0x2f: {  	lr =	sadd.s32 s0, s3;
	s0 =	sld [smem:$0x3FAE]  }
0x30: {  	s3 =	sld [smem:$0x3FB1]  }
0x31: {  	[smem:$0x3FBA] =	sst s10  }
0x32: {  	s10 =	sld [smem:$0x3FB8];
	_ =	sdelay $0x3  }
0x33: {  	p0 =	seq.s32 s10, $0x1;
	s10 =	sld [smem:$0x3FBA];
	_ =	sdelay $0x3  }
0x34: {  	[smem:$0x3FBA] =	sst s10  }
0x35: {  	s10 =	sld [smem:$0x3FB9];
	_ =	sdelay $0x3  }
0x36: {  	p1 =	seq.s32 s10, $0x1;
	s10 =	sld [smem:$0x3FBA];
	_ =	sdelay $0x3  }
0x37: {  	[smem:$0x3FBA] =	sst s10  }
0x38: {  	s10 =	sld [smem:$0x3FBB]  }
0x39: {  	_ = 	snop;
	(pc) =	sbr.ind lr, $3  }
0x3a: {  	_ = 	snop  }
0x3b: {  	_ = 	snop  }
0x3c: {  	p2 =	seq.s32 s10, $0x1;
	s10 =	sld [smem:$0x3FBA]  }
0x3d: {  	_ =	shalt  }
0x3e: {  	_ =	shalt  }
0x3f: {  	_ =	shalt  }
0x40: {  	_ =	shalt  }
0x41: {  	_ =	shalt  }
0x42: {  	_ =	shalt  }
0x43: {  	_ =	shalt  }
0x44: {  	_ =	shalt  }
0x45: {  	_ =	shalt  }
0x46: {  	_ =	shalt  }
0x47: {  	_ =	shalt  }
0x48: {  	_ =	shalt  }
0x49: {  	_ =	shalt  }
0x4a: {  	_ =	shalt  }
0x4b: {  	_ =	shalt  }
0x4c: {  	_ =	shalt  }
0x4d: {  	_ =	shalt  }
0x4e: {  	_ =	shalt  }
0x4f: {  	_ =	shalt  }
0x50: {  	_ =	shalt  }
0x51: {  	_ =	shalt  }
0x52: {  	_ =	shalt  }
0x53: {  	_ =	shalt  }
0x54: {  	_ =	shalt  }
0x55: {  	_ =	shalt  }
0x56: {  	_ =	shalt  }
0x57: {  	_ =	shalt  }
0x58: {  	_ =	shalt  }
0x59: {  	_ =	shalt  }
0x5a: {  	_ =	shalt  }
0x5b: {  	_ =	shalt  }
0x5c: {  	_ =	shalt  }
0x5d: {  	_ =	shalt  }
0x5e: {  	_ =	shalt  }
0x5f: {  	_ =	shalt  }
0x60: {  	_ =	shalt  }
0x61: {  	_ =	shalt  }
0x62: {  	_ =	shalt  }
0x63: {  	_ =	shalt  }
0x64: {  	_ =	shalt  }
0x65: {  	_ =	shalt  }
0x66: {  	_ =	shalt  }
0x67: {  	_ =	shalt  }
0x68: {  	_ =	shalt  }
0x69: {  	_ =	shalt  }
0x6a: {  	_ =	shalt  }
0x6b: {  	_ =	shalt  }
0x6c: {  	_ =	shalt  }
0x6d: {  	_ =	shalt  }
0x6e: {  	_ =	shalt  }
0x6f: {  	_ =	shalt  }
0x70: {  	_ =	shalt  }
0x71: {  	_ =	shalt  }
0x72: {  	_ =	shalt  }
0x73: {  	_ =	shalt  }
0x74: {  	_ =	shalt  }
0x75: {  	_ =	shalt  }
0x76: {  	_ =	shalt  }
0x77: {  	_ =	shalt  }
0x78: {  	_ =	shalt  }
0x79: {  	_ =	shalt  }
0x7a: {  	_ =	shalt  }
0x7b: {  	_ =	shalt  }
0x7c: {  	_ =	shalt  }
0x7d: {  	_ =	shalt  }
0x7e: {  	_ =	shalt  }
0x7f: {  	_ =	shalt  }
0x80: {  	_ =	shalt  }
0x81: {  	_ =	shalt  }
0x82: {  	_ =	shalt  }
0x83: {  	_ =	shalt  }
0x84: {  	_ =	shalt  }
0x85: {  	_ =	shalt  }
0x86: {  	_ =	shalt  }
0x87: {  	_ =	shalt  }
.Lfunc_end0:
.L_simem_size_0:
called_computation.1_lowered:
.L_overlay_start_0:
0x88: {  	s2 =	sld [smem:$0x3FD9]  }
0x89: {  	s3 =	sld [smem:$0x3FFE];
	_ =	sdelay $0x1  }
0x8a: {  	s1 =	srdreg.scid  }
0x8b: {  	s0 =	sand.u32 $0x1, s1  }
0x8c: {  	s14 =	sshll.u32 s0, $0xA;
	s2 =	sadd.s32 s3, s2  }
0x8d: {  	s2 =	sadd.s32 s2, s14  }
0x8e: {  	[smem:$0x3FC6] =	sst s2  }
0x8f: {  	_ = 	snop  }
0x90: {  	s2 =	sld [smem:$0x3FD0];
	_ =	sdelay $0x2  }
0x91: {  	s15 =	simm.s32 $0xA;
	s4 =	simm.s32 $0x10  }
0x92: {  	[smem:s4], [sflag:s15] =	dma.local [hbm:s2], $0x1  }
0x93: {  	_ =	swait.eq [sflag:s15], $0x1  }
0x94: {  	[sflag:s15] =	ssyncset.done $0x0  }
0x95: {  	[sflag:s15] =	ssyncadd.s32 $0xFFFFFFFF  }
0x96: {  	s16 =	sld [smem:$0x11];
	(tm) =	ssettm $0x1  }
0x97: {  	s17 =	sld [smem:$0x3FFB];
	_ =	sdelay $0x3  }
0x98: {  	_ =	strace s17  }
0x99: {  	s3 =	sld [smem:$0x3FFC];
	_ =	sdelay $0x3  }
0x9a: {  	_ =	strace s3  }
0x9b: {  	s3 =	sld [smem:$0x3FFD];
	_ =	sdelay $0x3  }
0x9c: {  	_ =	strace s3  }
0x9d: {  	_ =	strace $0x8FFFFFFF  }
0x9e: {  	s18 =	sld [smem:$0x3FDB];
	_ =	sdelay $0x1  }
0x9f: {  	s19 =	simm.s32 $_scs_section_size  }
0xa0: {  	s5 =	simm.s32 $_size__tile_overlayer_lowered;
	s6 =	simm.s32 $_tile_overlayer_lowered  }
0xa1: {  	s22 =	simm.s32 $0x1BFF;
	s21 =	sshll.u32 s6, $0x1;
	s3 =	sadd.s32 s19, s18  }
0xa2: {  	s7 =	simm.s32 $0x0;
	s20 =	sshll.u32 s5, $0x1;
	s5 =	sadd.s32 s21, s3  }
0xa3: {  	[timem:s7], [sflag:s22] =	dma.local [hbm:s5], s20  }
0xa4: {  	_ =	swait.ge [sflag:s22], s20  }
0xa5: {  	s4 =	ssub.s32 $0x0, s20;
	[sflag:s22] =	ssyncset.done $0x0  }
0xa6: {  	[sflag:s22] =	ssyncadd.s32 s4;
	_ =	sdelay $0x1  }
0xa7: {  	s23 =	simm.s32 $0x1B8B  }
0xa8: {  	_ =	swait.ge [sflag:s23], $0x1  }
0xa9: {  	[sflag:s23] =	ssyncset.done $0x0  }
0xaa: {  	s25 =	simm.s32 $0x1B8E;
	s24 =	sld [smem:$0x3FFE];
	[sflag:s23] =	ssyncadd.s32 $0xFFFFFFFF  }
0xab: {  	s26 =	simm.s32 $execute0_lowered;
	[smem:$0x3FD2] =	sst s25  }
0xac: {  	s5 =	sshll.u32 s26, $0x1;
	_ =	strace $0x80000046;
	[dreg:$0x1] =	wrdreg $0xFFFFFFFF  }
0xad: {  	s28 =	simm.s32 $_size_execute0_lowered;
	s3 =	sadd.s32 s3, s5;
	[dreg:$0x0] =	wrdreg $0x0  }
0xae: {  	s5 =	sshll.u32 s28, $0x1;
	[dreg:$0x2] =	wrdreg s3  }
0xaf: {  	[dreg:$0x3] =	wrdreg s5  }
0xb0: {  	[dreg:$0x4] =	wrdreg $0xC0  }
0xb1: {  	_ =	task [dreg:s7], $0x5FFFF  }
0xb2: {  	[dreg:$0x1] =	wrdreg $0xFFFFFFFF  }
0xb3: {  	[dreg:$0x0] =	wrdreg $0x60  }
0xb4: {  	[dreg:$0x2] =	wrdreg s24  }
0xb5: {  	[dreg:$0x3] =	wrdreg s16  }
0xb6: {  	[dreg:$0x4] =	wrdreg $0x9  }
0xb7: {  	_ =	task.clear_ibuf [dreg:s7], $0x5FFFF;
	_ =	strace $0x90000046  }
0xb8: {  	s29 =	simm.s32 $0x9;
	_ =	strace $0x80000048  }
0xb9: {  	_ =	swait.ge [sflag:s29], $0x1  }
0xba: {  	[sflag:s29] =	ssyncadd.s32 $0xFFFFFFFF  }
0xbb: {  	_ =	strace $0x90000048  }
0xbc: {  	_ =	sfence  }
0xbd: {  	s30 =	sld [smem:$0x0];
	_ =	sdelay $0x2  }
0xbe: {  	s31 =	sshll.u32 s1, $0xD;
	s1 =	sshrl.u32 s1, $0x2  }
0xbf: {  	s3 =	sand.u32 $0x4000, s31;
	s1 =	sadd.s32 s1, s30  }
0xc0: {  	s0 =	sor.u32 s3, s0;
	s1 =	sshll.u32 s1, $0x11  }
0xc1: {  	s0 =	sor.u32 s1, s0  }
0xc2: {  	s0 =	sadd.s32 $0x8F2B, s0  }
0xc3: {  	[sflag:s0] =	ssyncadd.remote.s32 $0x1  }
0xc4: {  	_ =	sfence.sel $0xFFFF  }
0xc5: {  	[dreg:$0x0] =	wrdreg $0xFFFFFFFF;
	(pc) =	sbr.abs _section_cstart, $3  }
0xc6: {  	[dreg:$0x1] =	wrdreg $0xFFFFFFFF  }
0xc7: {  	_ =	task.clear_ibuf [dreg:s7], $0x2FFFF;
	_ =	strace $0x9FFFFFFF  }
0xc8: {  	(tm) =	ssettm $0x7FFFFFFF  }
0xc9: {  	_ =	shalt  }
tec
execute0_lowered:
.L_overlay_start_1:
0x0: {  	(tag) =	ssettag $0x1  }
0x1: {  	s3 =	stileid.u32  }
0x2: {  	s0 =	rddreg [dreg:$0x0];
	s1 =	srdreg.scid  }
0x3: {  	s6 =	rddreg [dreg:$0x1];
	s28 =	simm.s32 $0xC3C0;
	s29 =	simm.s32 $0x1  }
0x4: {  	s30 =	simm.s32 $0xC1A0;
	s31 =	simm.s32 $0xC2C0;
	s2 =	sshll.u32 s3, $0x1  }
0x5: {  	s1 =	sand.u32 $0x1, s1;
	s7 =	sshrl.u32 s3, $0x1;
	s2 =	sand.u32 $0x2, s2  }
0x6: {  	s4 =	sshll.u32 s7, $0x9;
	s5 =	sshll.u32 s7, $0xB;
	s10 =	sshll.u32 s7, $0x11  }
0x7: {  	s13 =	sshll.u32 s7, $0x14;
	s8 =	sor.u32 s1, s2;
	s2 =	simm.s32 $0x0  }
0x8: {  	s9 =	sadd.s32 s5, s0;
	s1 =	ssub.s32 $0x2, s1;
	s5 =	sadd.s32 $0xE800, s0  }
0x9: {  	s14 =	sadd.s32 s6, s10;
	s6 =	simm.s32 $0x0;
	s3 =	sshll.u32 s8, $0x7  }
0xa: {  	[smem:$0x7FF] =	sst s2;
	s18 =	sshrl.u32 s1, $0x1;
	s19 =	sadd.s32 $0x2200, s9  }
0xb: {  	s20 =	sadd.s32 $0x6200, s9;
	s21 =	sadd.s32 $0xA800, s9;
	s24 =	sshll.u32 s8, $0xF  }
0xc: {  	s4 =	sor.u32 s4, s3;
	_ =	strace $0x80000047;
	[dreg:$0x3] =	wrdreg s19  }
0xd: {  	s25 =	sadd.s32 s10, s5;
	[dreg:$0x4] =	wrdreg s20;
	s4 =	sshrl.u32 s4, $0x3  }
0xe: {  	[dreg:$0x5] =	wrdreg s21;
	s15 =	sadd.s32 $0xFFFFFFFF, s3;
	s11 =	sadd.s32 s4, s0  }
0xf: {  	s19 =	simm.s32 $0x4000;
	s4 =	sadd.s32 $0x10E800, s0;
	s22 =	sadd.s32 $0xA600, s11  }
0x10: {  	s0 =	ssub.s32 s1, s18;
	s23 =	sadd.s32 $0xA400, s11;
	[dreg:$0x6] =	wrdreg s22  }
0x11: {  	s1 =	sadd.s32 s24, s25;
	s26 =	sadd.s32 $0xA200, s11;
	[dreg:$0x7] =	wrdreg s23  }
0x12: {  	s20 =	simm.s32 $0x8000;
	s1 =	sadd.s32 $0x7F00, s1;
	[dreg:$0x8] =	wrdreg s26  }
0x13: {  	s21 =	simm.s32 $0xC000;
	s0 =	smax.u32 s0, $0x1;
	[dreg:$0x9] =	wrdreg s1  }
0x14: {  	s24 =	simm.s32 $0xC180;
	s25 =	simm.s32 $0xC1C0;
	[dreg:$0xa] =	wrdreg s0  }
0x15: {  	v0 =	vimm.s32 $0x0;
	v1 =	vlaneseq.u32;
	s22 =	simm.s32 $0xC080;
	s23 =	simm.s32 $0xC100;
	s26 =	simm.s32 $0x20  }
.LBB2_1:
0x16: {  	[dreg:$0xb] =	wrdreg s6  }
0x17: {  	s0 =	rddreg [dreg:$0x3];
	s1 =	simm.s32 $0x7  }
0x18: {  	[tilespmem:s2], [sflag:$0x7] =	stream.linear.gather [hbm4b:s0+s2], $0x4000, $0x38;
	[tilespmem:$0xD3C0] =	vst v63  }
0x19: {  	_ =	swait.ge [sflag:s1], $0x4000  }
0x1a: {  	[sflag:s1] =	ssyncset.done $0x0  }
0x1b: {  	s11 =	rddreg [dreg:$0x4];
	[sflag:s1] =	ssyncadd.s32 $0xFFFFC000  }
0x1c: {  	[tilespmem:s19], [sflag:$0x7] =	stream.linear.gather [hbm4b:s11+s2], $0x4000, $0x38;
	[tilespmem:$0xD3C0] =	vst v63  }
0x1d: {  	_ =	swait.ge [sflag:s1], $0x4000  }
0x1e: {  	[sflag:s1] =	ssyncset.done $0x0  }
0x1f: {  	s12 =	rddreg [dreg:$0x5];
	[sflag:s1] =	ssyncadd.s32 $0xFFFFC000  }
0x20: {  	[tilespmem:s20], [sflag:$0x7] =	stream.linear.gather [hbm4b:s12+s2], $0x4000, $0x38;
	[tilespmem:$0xD3C0] =	vst v63  }
0x21: {  	_ =	swait.ge [sflag:s1], $0x4000  }
0x22: {  	[sflag:s1] =	ssyncset.done $0x0  }
0x23: {  	s16 =	rddreg [dreg:$0x6];
	[sflag:s1] =	ssyncadd.s32 $0xFFFFC000  }
0x24: {  	[tilespmem:s21], [sflag:$0x7] =	stream.linear.gather [hbm4b:s16+s2], $0x80, $0x38;
	[tilespmem:$0xD3C0] =	vst v63  }
0x25: {  	_ =	swait.ge [sflag:s1], $0x80  }
0x26: {  	[sflag:s1] =	ssyncset.done $0x0  }
0x27: {  	s17 =	rddreg [dreg:$0x7];
	[sflag:s1] =	ssyncadd.s32 $0xFFFFFF80  }
0x28: {  	[tilespmem:s22], [sflag:$0x7] =	stream.linear.gather [hbm4b:s17+s2], $0x80, $0x38;
	[tilespmem:$0xD3C0] =	vst v63  }
0x29: {  	_ =	swait.ge [sflag:s1], $0x80  }
0x2a: {  	[sflag:s1] =	ssyncset.done $0x0  }
0x2b: {  	s18 =	rddreg [dreg:$0x8];
	[sflag:s1] =	ssyncadd.s32 $0xFFFFFF80  }
0x2c: {  	[tilespmem:s23], [sflag:$0x7] =	stream.linear.gather [hbm4b:s18+s2], $0x80, $0x38;
	[tilespmem:$0xD3C0] =	vst v63  }
0x2d: {  	_ =	swait.ge [sflag:s1], $0x80  }
0x2e: {  	[sflag:s1] =	ssyncset.done $0x0  }
0x2f: {  	s12 =	simm.s32 $0x0;
	[sflag:s1] =	ssyncadd.s32 $0xFFFFFF80  }
.LBB2_2:
0x30: {  	s16 =	sshll.u32 s12, $0x1  }
0x31: {  	p0 =	seq.s32 s12, $0x0;
	v2 =	vmov s16  }
0x32: {  	s0 =	simm.s32 @!p0 $0x5;
	v2 =	vand.u32 $0xFFFFFFFE, v2  }
0x33: {  	_ =	swait.ge @!p0 [sflag:s0], $0x100;
	v2 =	vbroadcast v2, $0x0  }
0x34: {  	[sflag:s0] =	ssyncset.done @!p0 $0x0  }
0x35: {  	[sflag:s0] =	ssyncadd.s32 @!p0 $0xFFFFFF00;
	s0 =	simm.s32 @!p0 $0x3  }
0x36: {  	_ =	swait.ge @!p0 [sflag:s0], $0x800  }
0x37: {  	[sflag:s0] =	ssyncset.done @!p0 $0x0  }
0x38: {  	[sflag:s0] =	ssyncadd.s32 @!p0 $0xFFFFF800  }
0x39: {  	v9 =	vld.idx.msk [tilespmem:v2+s21+$0x0], $0xffff  }
0x3a: {  	s8 =	simm.s32 $0x0;
	s17 =	simm.s32 $0xF0;
	s6 =	simm.s32 $0x4080;
	v10 =	vld.idx.msk [tilespmem:v2+s22+$0x0], $0xffff  }
0x3b: {  	s7 =	simm.s32 $0x80;
	s9 =	simm.s32 $0x0;
	s0 =	simm.s32 $0x8080;
	v11 =	vld.idx.msk [tilespmem:v2+s23+$0x0], $0xffff  }
.LBB2_3:
0x3c: {  	v2 =	vld [tilespmem:s7+$0xFFFFFF80]  }
0x3d: {  	v3 =	vld [tilespmem:s6+$0xFFFFFF80]  }
0x3e: {  	v4 =	vld [tilespmem:s0+$0xFFFFFF80]  }
0x3f: {  	v5 =	vld [tilespmem:s7+$0xFFFFFF90]  }
0x40: {  	v6 =	vld [tilespmem:s6+$0xFFFFFF90]  }
0x41: {  	v8 =	vld [tilespmem:s7+$0xFFFFFFA0]  }
0x42: {  	v12 =	vld [tilespmem:s6+$0xFFFFFFA0]  }
0x43: {  	v13 =	vld [tilespmem:s0+$0xFFFFFFA0]  }
0x44: {  	v14 =	vld [tilespmem:s7+$0xFFFFFFB0]  }
0x45: {  	v15 =	vld [tilespmem:s6+$0xFFFFFFB0]  }
0x46: {  	v16 =	vld [tilespmem:s7+$0xFFFFFFC0]  }
0x47: {  	v35 =	vld [tilespmem:s0+$0xFFFFFFC0]  }
0x48: {  	v18 =	vld [tilespmem:s7+$0xFFFFFFE0]  }
0x49: {  	v41 =	vld [tilespmem:s7+$0xFFFFFFF0]  }
0x4a: {  	v42 =	vld [tilespmem:s6+$0xFFFFFFF0];
	v2 =	vsub.f32 v2, v9;
	v3 =	vsub.f32 v3, v10  }
0x4b: {  	v44 =	vld [tilespmem:s0+$0xFFFFFFF0];
	v4 =	vsub.f32 v4, v11;
	v5 =	vsub.f32 v5, v9  }
0x4c: {  	v20 =	vld [tilespmem:s6+$0x0];
	v6 =	vsub.f32 v6, v10;
	v8 =	vsub.f32 v8, v9  }
0x4d: {  	v50 =	vld [tilespmem:s6+$0x10];
	v12 =	vsub.f32 v12, v10;
	v33 =	vsub.f32 v14, v9  }
0x4e: {  	v55 =	vld [tilespmem:s6+$0x20];
	v34 =	vsub.f32 v15, v10;
	v13 =	vsub.f32 v13, v11  }
0x4f: {  	v61 =	vld [tilespmem:s0+$0x30];
	v16 =	vsub.f32 v16, v9;
	v40 =	vsub.f32 v35, v11  }
0x50: {  	v30 =	vld [tilespmem:s0+$0xFFFFFFB0];
	v43 =	vsub.f32 v18, v9;
	v48 =	vsub.f32 v41, v9  }
0x51: {  	v38 =	vld [tilespmem:s0+$0xFFFFFFD0];
	v49 =	vsub.f32 v42, v10;
	v52 =	vsub.f32 v44, v11  }
0x52: {  	v25 =	vld [tilespmem:s6+$0x50];
	v54 =	vsub.f32 v20, v10;
	v59 =	vsub.f32 v50, v10;
	v2 =	vmul.f32 v2, v2  }
0x53: {  	v26 =	vld [tilespmem:s7+$0x60];
	v62 =	vsub.f32 v55, v10;
	v3 =	vmul.f32 v3, v3;
	v29 =	vmul.f32 v5, v5  }
0x54: {  	v15 =	vsub.f32 v61, v11;
	v6 =	vmul.f32 v6, v6;
	v32 =	vmul.f32 v8, v8  }
0x55: {  	v36 =	vld [tilespmem:s6+$0xFFFFFFE0];
	v44 =	vimm.s32 $0x0;
	v8 =	vmul.f32 v12, v12;
	v12 =	vmul.f32 v33, v33  }
0x56: {  	v7 =	vld [tilespmem:s0+$0xFFFFFF90];
	v5 =	vsub.f32 v30, v11;
	v14 =	vmul.f32 v34, v34;
	v13 =	vmul.f32 v13, v13  }
0x57: {  	v31 =	vld [tilespmem:s6+$0xFFFFFFC0];
	v37 =	vmul.f32 v16, v16;
	v16 =	vsub.f32 v38, v11;
	v33 =	vsub.f32 v25, v10  }
0x58: {  	v39 =	vld [tilespmem:s0+$0xFFFFFFE0];
	v56 =	vmul.f32 v52, v52;
	v34 =	vsub.f32 v26, v9;
	v2 =	vadd.f32 v3, v2  }
0x59: {  	v30 =	vld [tilespmem:s0+$0x50];
	v3 =	vmul.f32 v4, v4;
	v4 =	vadd.f32 v6, v29;
	v6 =	vadd.f32 v8, v32  }
0x5a: {  	v17 =	vld [tilespmem:s6+$0xFFFFFFD0];
	v22 =	vmul.f32 v62, v62;
	v12 =	vadd.f32 v14, v12;
	v14 =	vsub.f32 v36, v10  }
0x5b: {  	v21 =	vld [tilespmem:s6+$0x40];
	v5 =	vmul.f32 v5, v5;
	v2 =	vadd.f32 v3, v2;
	v3 =	vsub.f32 v7, v11  }
0x5c: {  	v27 =	vmul.f32 v15, v15;
	v8 =	vld [tilespmem:s7+$0xFFFFFFD0];
	v7 =	vsub.f32 v31, v10;
	v6 =	vadd.f32 v13, v6  }
0x5d: {  	v32 =	vld [tilespmem:s0+$0x60];
	v5 =	vadd.f32 v5, v12;
	v13 =	vmul.f32 v40, v40;
	v12 =	vsub.f32 v39, v11  }
0x5e: {  	v14 =	vmul.f32 v14, v14;
	v36 =	vsub.f32 v30, v11;
	v3 =	vmul.f32 v3, v3  }
0x5f: {  	v47 =	vld [tilespmem:s7+$0x10];
	v7 =	vmul.f32 v7, v7;
	vm7 =	vlt.f32 v2, $4.000000280e-02;
	v12 =	vmul.f32 v12, v12  }
0x60: {  	v63 =	vld [tilespmem:s7+$0x40];
	vm9 =	vlt.f32 v6, $4.000000280e-02;
	vm8 =	vlt.f32 v5, $4.000000280e-02;
	v5 =	vsub.f32 v21, v10  }
0x61: {  	v45 =	vld [tilespmem:s0+$0x0];
	v6 =	vmul.f32 v48, v48;
	v2 =	vsub.f32 v8, v9;
	v8 =	vsub.f32 v17, v10  }
0x62: {  	v53 =	vld [tilespmem:s7+$0x20];
	v17 =	vmul.f32 v43, v43;
	v38 =	vsub.f32 v32, v11;
	v40 =	vmul.f32 v36, v36  }
0x63: {  	v60 =	vld [tilespmem:s6+$0x30];
	v52 =	vmpcnt.ones.xlane vm8;
	v3 =	vadd.f32 v3, v4;
	v4 =	vadd.f32 v7, v37  }
0x64: {  	v41 =	vld [tilespmem:s0+$0x70];
	v7 =	vmul.f32 v49, v49;
	v2 =	vmul.f32 v2, v2;
	v46 =	vadd.f32 v14, v17  }
0x65: {  	v8 =	vmul.f32 v8, v8;
	v14 =	vsub.f32 v47, v9;
	v17 =	vsub.f32 v63, v9  }
0x66: {  	v57 =	vld [tilespmem:s0+$0x20];
	vm12 =	vlt.f32 v3, $4.000000280e-02;
	v3 =	vadd.f32 v13, v4;
	v6 =	vadd.f32 v7, v6  }
0x67: {  	v5 =	vmul.f32 v5, v5;
	v4 =	vsub.f32 v45, v11;
	v13 =	vsub.f32 v53, v9  }
0x68: {  	v19 =	vld [tilespmem:s7+$0x0];
	v7 =	vsub.f32 v60, v10;
	v2 =	vadd.f32 v8, v2;
	v8 =	vmul.f32 v16, v16  }
0x69: {  	v58 =	vld [tilespmem:s7+$0x30];
	v37 =	vsel vm7, $0x1, v0;
	v45 =	vsub.f32 v41, v11;
	v51 =	vadd.f32 v12, v46  }
0x6a: {  	v16 =	vmul.f32 v54, v54;
	v14 =	vmul.f32 v14, v14;
	v2 =	vadd.f32 v8, v2  }
0x6b: {  	v12 =	vsub.f32 v57, v11;
	v29 =	vmul.f32 v17, v17;
	v39 =	vsel vm12, $0x1, v0  }
0x6c: {  	v54 =	vimm.s32 $0x0;
	vm13 =	vlt.f32 v2, $4.000000280e-02;
	v2 =	vadd.f32 v56, v6  }
0x6d: {  	vm10 =	vlt.f32 v3, $4.000000280e-02;
	v3 =	vsub.f32 v19, v9;
	v4 =	vmul.f32 v4, v4;
	v8 =	vld [tilespmem:s0+$0x10]  }
0x6e: {  	v7 =	vmul.f32 v7, v7;
	vm3 =	vlt.f32 v2, $4.000000280e-02;
	v2 =	vsub.f32 v58, v9  }
0x6f: {  	vm14 =	vlt.f32 v51, $4.000000280e-02;
	v12 =	vmul.f32 v12, v12;
	v3 =	vmul.f32 v3, v3  }
0x70: {  	v23 =	vld [tilespmem:s0+$0x40];
	v31 =	vadd.f32 v5, v29;
	v48 =	vsel vm10, $0x1, v0;
	v2 =	vmul.f32 v2, v2  }
0x71: {  	v24 =	vld [tilespmem:s7+$0x50];
	v51 =	vimm.s32 $0x0;
	v6 =	vmul.f32 v59, v59;
	v3 =	vadd.f32 v16, v3  }
0x72: {  	v20 =	vsub.f32 v8, v11;
	v8 =	vmul.f32 v13, v13;
	v2 =	vadd.f32 v7, v2  }
0x73: {  	v53 =	vsel vm14, $0x1, v0;
	v6 =	vadd.f32 v6, v14;
	v3 =	vadd.f32 v4, v3  }
0x74: {  	v28 =	vld [tilespmem:s6+$0x60];
	v62 =	vmpcnt.ones.xlane vm14;
	v8 =	vadd.f32 v22, v8;
	v2 =	vadd.f32 v27, v2  }
0x75: {  	v4 =	vmul.f32 v20, v20;
	vm11 =	vlt.f32 v3, $4.000000280e-02;
	v3 =	vsub.f32 v23, v11  }
0x76: {  	v8 =	vadd.f32 v12, v8;
	vm4 =	vlt.f32 v2, $4.000000280e-02;
	v2 =	vsub.f32 v24, v9  }
0x77: {  	v35 =	vld [tilespmem:s6+$0x70];
	v56 =	vmpcnt.ones.xlane vm10;
	v4 =	vadd.f32 v4, v6;
	v3 =	vmul.f32 v3, v3  }
0x78: {  	v6 =	vmul.f32 v33, v33;
	vm5 =	vlt.f32 v8, $4.000000280e-02;
	v8 =	vld [tilespmem:s7+$0x70];
	v2 =	vmul.f32 v2, v2  }
0x79: {  	(xrf0) =	vadd.scan.msk.s32 $0xffff, v37;
	v50 =	vsel vm13, $0x1, v0;
	v59 =	vmpcnt.ones.xlane vm13;
	v7 =	vsub.f32 v28, v10  }
0x7a: {  	(xrf0) =	vadd.scan.msk.s32 $0xffff, v39;
	v57 =	vsel vm3, $0x1, v0;
	v3 =	vadd.f32 v3, v31;
	v2 =	vadd.f32 v6, v2  }
0x7b: {  	v60 =	vsel vm11, $0x1, v0;
	v36 =	vmpcnt.ones.xlane vm11;
	v12 =	vmul.f32 v34, v34  }
0x7c: {  	v7 =	vmul.f32 v7, v7;
	vm15 =	vlt.f32 v3, $4.000000280e-02;
	v2 =	vadd.f32 v40, v2  }
0x7d: {  	v3 =	vsel vm9, $0x1, v0;
	v42 =	vsub.f32 v8, v9;
	v8 =	vsub.f32 v35, v10  }
0x7e: {  	(xrf0) =	vadd.scan.msk.s32 $0xffff, v3;
	v3 =	vsel vm8, $0x1, v0;
	vm6 =	vlt.f32 v2, $4.000000280e-02;
	v2 =	vmpcnt.ones.xlane vm7  }
0x7f: {  	v46, _, _ =	vpop (xrf0);
	vm2 =	vlt.f32 v4, $4.000000280e-02;
	(xrf0) =	vadd.scan.msk.s32 $0xffff, v3;
	v43 =	vmul.f32 v8, v8;
	v8 =	vmpcnt.ones.xlane vm12  }
0x80: {  	v47, _, _ =	vpop (xrf0);
	v4 =	vmul.f32 v38, v38;
	v7 =	vadd.f32 v7, v12;
	(xrf0) =	vadd.scan.msk.s32 $0xffff, v48;
	v2 =	vadd.s32 s9, v2  }
0x81: {  	(xrf0) =	vadd.scan.msk.s32 $0xffff, v50;
	v6 =	vadd.s32 v2, v47;
	v2 =	vadd.s32 v2, v8;
	v8 =	vmpcnt.ones.xlane vm9  }
0x82: {  	v33 =	vmpcnt.ones.xlane vm3;
	v37 =	vsel vm2, $0x1, v0;
	v4 =	vadd.f32 v4, v7  }
0x83: {  	v38 =	vmpcnt.ones.xlane vm2;
	v39 =	vmpcnt.ones.xlane vm5;
	v3 =	vadd.s32 s9, v46  }
0x84: {  	v41 =	vmpcnt.ones.xlane vm15;
	vm0 =	vlt.f32 v4, $4.000000280e-02;
	v3 =	vadd.s32 $0xFFFFFFFF, v3;
	v49, _, _ =	vpop (xrf0)  }
0x85: {  	v4 =	vsel vm0, $0xFFFFFFFF, v44;
	v7 =	vadd.s32 v2, v49;
	v2 =	vadd.s32 v2, v8;
	v8, _, _ =	vpop (xrf0);
	(xrf0) =	vadd.scan.msk.s32 $0xffff, v53  }
0x86: {  	vm0 =	vlt.s32 v3, $0x20;
	v5 =	vmul.f32 v42, v42;
	[tilespmem:$0x1FFD0] =	vst v4;
	v55, _, _ =	vpop (xrf0);
	(xrf0) =	vadd.scan.msk.s32 $0xffff, v57  }
0x87: {  	v4 =	vmul.f32 v45, v45;
	vm0 =	vmand vm7, vm0;
	v40 =	vmpcnt.ones.xlane vm4;
	v58, _, _ =	vpop (xrf0);
	(xrf0) =	vadd.scan.msk.s32 $0xffff, v60  }
0x88: {  	v13 =	vsel vm0, $0xFFFFFFFF, v51;
	v5 =	vadd.f32 v43, v5;
	v6 =	vadd.s32 $0xFFFFFFFF, v6  }
0x89: {  	vm7 =	vlt.s32 v6, $0x20;
	v8 =	vadd.s32 v2, v8;
	v2 =	vadd.s32 v2, v52  }
0x8a: {  	vm0 =	vmand vm12, vm7;
	v12 =	vadd.s32 v2, v55;
	v2 =	vadd.s32 v2, v56  }
0x8b: {  	[tilespmem:$0x1FFE0] =	vst v13;
	v14 =	vsel vm0, $0xFFFFFFFF, v54;
	v13 =	vadd.s32 v2, v58;
	v2 =	vadd.s32 v2, v59;
	v61, _, _ =	vpop (xrf0)  }
0x8c: {  	v7 =	vadd.s32 $0xFFFFFFFF, v7;
	[tilespmem:$0x1FFF0] =	vst v14;
	v14 =	vadd.s32 v2, v61;
	v2 =	vadd.s32 v2, v62;
	v32, _, _ =	vpop (xrf0)  }
0x8d: {  	v63 =	vadd.s32 $0xFFFFFFFF, v14;
	v34 =	vadd.s32 v2, v32;
	v2 =	vadd.s32 v2, v33;
	v35, _, _ =	vpop (xrf0)  }
0x8e: {  	(xrf0) =	vadd.scan.msk.s32 $0xffff, v37;
	v14 =	vadd.s32 v2, v35;
	v15 =	vadd.s32 v2, v36;
	v2 =	vsel vm5, $0x1, v0  }
0x8f: {  	v42 =	vmpcnt.ones.xlane vm6;
	vm12 =	vlt.s32 v7, $0x20;
	(xrf0) =	vadd.scan.msk.s32 $0xffff, v2;
	v2 =	vsel vm4, $0x1, v0  }
0x90: {  	v4 =	vadd.f32 v4, v5;
	vm12 =	vmand vm9, vm12;
	(xrf0) =	vadd.scan.msk.s32 $0xffff, v2;
	v2 =	vsel vm15, $0x1, v0  }
0x91: {  	v8 =	vadd.s32 $0xFFFFFFFF, v8;
	v12 =	vadd.s32 $0xFFFFFFFF, v12;
	(xrf0) =	vadd.scan.msk.s32 $0xffff, v2;
	v2 =	vsel vm6, $0x1, v0  }
0x92: {  	vm7 =	vlt.s32 v8, $0x20;
	vm9 =	vlt.s32 v12, $0x20;
	v13 =	vadd.s32 $0xFFFFFFFF, v13;
	(xrf0) =	vadd.scan.msk.s32 $0xffff, v2;
	v2 =	vld [tilespmem:$0x1FFD0]  }
0x93: {  	vm7 =	vmand vm8, vm7;
	vm9 =	vmand vm10, vm9;
	vm8 =	vlt.s32 v13, $0x20  }
0x94: {  	v30 =	vld [tilespmem:$0x1FFE0];
	vm13 =	vmand vm13, vm8;
	vm8 =	vlt.f32 v4, $4.000000280e-02;
	vm10 =	vlt.s32 v63, $0x20  }
0x95: {  	v4 =	vadd.s32 $0xFFFFFFFF, v34;
	vm14 =	vmand vm14, vm10;
	v17 =	vadd.s32 v15, v38  }
0x96: {  	v14 =	vadd.s32 $0xFFFFFFFF, v14;
	vm0 =	vlt.s32 v4, $0x20;
	v16 =	vadd.s32 v17, v39  }
0x97: {  	vm1 =	vlt.s32 v14, $0x20;
	vm0 =	vmand vm3, vm0;
	vm10 =	vnez.u8 v2  }
0x98: {  	v18 =	vadd.s32 v16, v40;
	vm3 =	vmand vm11, vm1;
	v2 =	vsel vm10, $0x1, v0  }
0x99: {  	vm11 =	vnez.u8 v30;
	v19 =	vadd.s32 v18, v41;
	(xrf0) =	vadd.scan.msk.s32 $0xffff, v2;
	v2 =	vmpcnt.ones.xlane vm10  }
0x9a: {  	v51 =	vld [tilespmem:$0x1FFF0];
	v43 =	vmpcnt.ones.xlane vm8;
	v20 =	vadd.s32 v19, v42  }
0x9b: {  	v24 =	vadd.s32 v20, v2  }
0x9c: {  	v2 =	vadd.s32 v24, v43  }
0x9d: {  	s1 =	sadd.s32 $0xFFFFFF10, s17;
	(v2sf) =	vpush v2, $0x0  }
0x9e: {  	v26 =	vor.u32 s1, v1  }
0x9f: {  	s1 =	sadd.s32 $0xFFFFFF40, s17;
	[tilespmem:v3+s24+$0x0] =	vst.idx.msk vm11, v26;
	vm11 =	vnez.u8 v51  }
0xa0: {  	s11 =	sadd.s32 $0xFFFFFF20, s17;
	s18 =	sadd.s32 $0xFFFFFF30, s17;
	v29 =	vor.u32 s1, v1;
	v22, _, _ =	vpop (xrf0)  }
0xa1: {  	s1 =	sadd.s32 $0xFFFFFF70, s17;
	v28 =	vor.u32 s18, v1;
	s18 =	sadd.s32 $0xFFFFFF60, s17;
	v27 =	vor.u32 s11, v1;
	s11 =	sadd.s32 $0xFFFFFF50, s17;
	v21 =	vsel vm8, $0x1, v0;
	v23, _, _ =	vpop (xrf0)  }
0xa2: {  	v48 =	vor.u32 s18, v1;
	s18 =	sadd.s32 $0xFFFFFF80, s17;
	v47 =	vor.u32 s11, v1;
	v49 =	vor.u32 s1, v1;
	s1 =	sadd.s32 $0xFFFFFF90, s17;
	v25, _, _ =	vpop (xrf0);
	(xrf0) =	vadd.scan.msk.s32 $0xffff, v21  }
0xa3: {  	v53 =	vor.u32 s18, v1;
	v54 =	vor.u32 s1, v1;
	v15 =	vadd.s32 v15, v22;
	v44, _, _ =	vpop (xrf0)  }
0xa4: {  	v15 =	vadd.s32 $0xFFFFFFFF, v15;
	v17 =	vadd.s32 v17, v23;
	v16 =	vadd.s32 v16, v25;
	v45, _, _ =	vpop (xrf0)  }
0xa5: {  	v17 =	vadd.s32 $0xFFFFFFFF, v17;
	v18 =	vadd.s32 v18, v44;
	v3 =	vadd.s32 v19, v45;
	[tilespmem:v6+s24+$0x0] =	vst.idx.msk vm11, v27  }
0xa6: {  	v55 =	vadd.s32 $0xFFFFFFFF, v18;
	v3 =	vadd.s32 $0xFFFFFFFF, v3;
	[tilespmem:v7+s24+$0x0] =	vst.idx.msk vm12, v28;
	vm12 =	vlt.s32 v15, $0x20  }
0xa7: {  	vm11 =	vlt.s32 v17, $0x20;
	v46, _, _ =	vpop (xrf0);
	[tilespmem:v8+s24+$0x0] =	vst.idx.msk vm7, v29;
	vm1 =	vmand vm2, vm12;
	v8 =	vadd.s32 $0xFFFFFFFF, v16  }
0xa8: {  	vm2 =	vmand vm5, vm11;
	v20 =	vadd.s32 v20, v46;
	v50, _, _ =	vpop (xrf0);
	[tilespmem:v12+s24+$0x0] =	vst.idx.msk vm9, v47;
	vm12 =	vlt.s32 v8, $0x20  }
0xa9: {  	v52 =	vadd.s32 v24, v50;
	[tilespmem:v13+s24+$0x0] =	vst.idx.msk vm13, v48;
	vm7 =	vmand vm4, vm12;
	vm13 =	vlt.s32 v55, $0x20  }
0xaa: {  	vm4 =	vlt.s32 v3, $0x20;
	v56 =	vadd.s32 $0xFFFFFFFF, v20;
	[tilespmem:v63+s24+$0x0] =	vst.idx.msk vm14, v49;
	vm5 =	vmand vm15, vm13  }
0xab: {  	s11 =	sadd.s32 $0xFFFFFFA0, s17;
	vm11 =	vmand vm6, vm4;
	vm12 =	vlt.s32 v56, $0x20;
	v57 =	vadd.s32 $0xFFFFFFFF, v52;
	[tilespmem:v4+s24+$0x0] =	vst.idx.msk vm0, v53  }
0xac: {  	p1 =	sgt.u32 s8, $0x3E;
	s18 =	sadd.s32 $0xFFFFFFB0, s17;
	v58 =	vor.u32 s11, v1;
	vm13 =	vmand vm10, vm12;
	vm14 =	vlt.s32 v57, $0x20;
	[tilespmem:v14+s24+$0x0] =	vst.idx.msk vm3, v54;
	s9 =	spop (v2sf)  }
0xad: {  	s1 =	sadd.s32 $0xFFFFFFC0, s17;
	v59 =	vor.u32 s18, v1;
	vm15 =	vmand vm8, vm14;
	[tilespmem:v15+s24+$0x0] =	vst.idx.msk vm1, v58;
	p2 =	slt.s32 @!p1 s9, $0x20  }
0xae: {  	v60 =	vor.u32 s1, v1;
	s18 =	sadd.s32 $0xFFFFFFD0, s17;
	[tilespmem:v17+s24+$0x0] =	vst.idx.msk vm2, v59;
	p1 =	por p1, !p2  }
.Ltmp0:
0xaf: {  	s1 =	sadd.s32 $0xFFFFFFE0, s17;
	v61 =	vor.u32 s18, v1;
	[tilespmem:v8+s24+$0x0] =	vst.idx.msk vm7, v60;
	(pc) =	sbr.rel @!p1 .LBB2_3-.Ltmp0, $4  }
0xb0: {  	s18 =	sadd.s32 $0xFFFFFFF0, s17;
	v62 =	vor.u32 s1, v1;
	[tilespmem:v55+s24+$0x0] =	vst.idx.msk vm5, v61  }
0xb1: {  	[tilespmem:v3+s24+$0x0] =	vst.idx.msk vm11, v62;
	v3 =	vor.u32 s18, v1  }
0xb2: {  	s8 =	sadd.s32 $0x1, s8;
	s6 =	sadd.s32 $0x100, s6;
	v63 =	vor.u32 s17, v1;
	[tilespmem:v56+s24+$0x0] =	vst.idx.msk vm13, v3  }
0xb3: {  	s0 =	sadd.s32 $0x100, s0;
	s7 =	sadd.s32 $0x100, s7;
	s17 =	sadd.s32 $0x100, s17;
	[tilespmem:v57+s24+$0x0] =	vst.idx.msk vm15, v63  }
0xb4: {  	v3 =	vld.msk [tilespmem:s24+$0x0], $0xffff  }
0xb5: {  	v4 =	vld [tilespmem:$0xC180]  }
0xb6: {  	v2 =	vbroadcast v2, $0x0;
	_ =	sdelay $0x1  }
0xb7: {  	v6 =	vld [tilespmem:$0xC190];
	vm0 =	vgt.s32 v2, $0x0  }
0xb8: {  	vm14 =	vgt.s32 v2, v1;
	v3 =	vnsel vm0, $0x0, v3  }
0xb9: {  	v4 =	vsel vm14, v4, v3  }
0xba: {  	v5 =	vor.u32 $0x10, v1  }
0xbb: {  	vm15 =	vgt.s32 v2, v5  }
0xbc: {  	v2 =	vsel vm15, v6, v3;
	[tilespmem:$0xC180] =	vst v4  }
0xbd: {  	[tilespmem:$0xC190] =	vst v2  }
0xbe: {  	v6 =	vld.idx.msk [tilespmem:v4+s2+$0x0], $0xffff  }
0xbf: {  	v2 =	vmul.u32 $0x8, v1;
	v7 =	vld.idx.msk [tilespmem:v4+s19+$0x0], $0xffff  }
0xc0: {  	v8 =	vld.idx.msk [tilespmem:v4+s20+$0x0], $0xffff  }
0xc1: {  	v3 =	vor.u32 $0x1, v2  }
0xc2: {  	v4 =	vor.u32 $0x2, v2  }
0xc3: {  	v6 =	vsub.f32 v6, v9  }
0xc4: {  	v7 =	vsub.f32 v7, v10  }
0xc5: {  	v8 =	vsub.f32 v8, v11;
	[tilespmem:v2+s25+$0x0] =	vst.idx.msk $0xffff, v6  }
0xc6: {  	[tilespmem:v3+s25+$0x0] =	vst.idx.msk $0xffff, v7  }
0xc7: {  	[tilespmem:v4+s25+$0x0] =	vst.idx.msk $0xffff, v8  }
0xc8: {  	v6 =	vld [tilespmem:$0xC190];
	_ =	sdelay $0x7  }
0xc9: {  	v12 =	vld.idx.msk [tilespmem:v6+s2+$0x0], $0xffff  }
0xca: {  	v13 =	vld.idx.msk [tilespmem:v6+s19+$0x0], $0xffff  }
0xcb: {  	v14 =	vld.idx.msk [tilespmem:v6+s20+$0x0], $0xffff;
	v6 =	vor.u32 $0x80, v2  }
0xcc: {  	v7 =	vor.u32 $0x81, v2  }
0xcd: {  	v8 =	vor.u32 $0x82, v2  }
0xce: {  	v9 =	vsub.f32 v12, v9  }
0xcf: {  	s17 =	sor.u32 s3, s16;
	v10 =	vsub.f32 v13, v10  }
0xd0: {  	s0 =	sshll.u32 s17, $0x8;
	v11 =	vsub.f32 v14, v11;
	[tilespmem:v6+s25+$0x0] =	vst.idx.msk $0xffff, v9  }
0xd1: {  	s0 =	sadd.s32 s10, s0;
	[tilespmem:v7+s25+$0x0] =	vst.idx.msk $0xffff, v10  }
0xd2: {  	s0 =	sshrl.u32 s0, $0x3;
	[tilespmem:v8+s25+$0x0] =	vst.idx.msk $0xffff, v11  }
0xd3: {  	[tilespmem:s28], [sflag:$0x1] =	stream.indirect.gather [hbm4b:s14+s26], $0x40, s24, s26, $0xb8;
	[tilespmem:$0xD3C0] =	vst v63  }
0xd4: {  	s0 =	sadd.s32 s4, s0  }
0xd5: {  	[hbm4b:s0+s2] =	stream.linear.scatter [tilespmem:s25], [sflag:$0x5], $0x100, $0x38;
	[tilespmem:$0xD3C0] =	vst v63  }
0xd6: {  	s6 =	sadd.s32 @!p0 s16, s15;
	s0 =	simm.s32 @!p0 $0x2  }
0xd7: {  	s6 =	sshll.u32 @!p0 s6, $0xB;
	_ =	swait.ge @!p0 [sflag:s0], $0x800  }
0xd8: {  	s6 =	sadd.s32 @!p0 s13, s6;
	[sflag:s0] =	ssyncset.done @!p0 $0x0  }
0xd9: {  	[sflag:s0] =	ssyncadd.s32 @!p0 $0xFFFFF800;
	s0 =	sshrl.u32 @!p0 s6, $0x3  }
0xda: {  	s7 =	simm.s32 @!p0 $0xCBC0;
	s6 =	simm.s32 @!p0 $0x0;
	s0 =	sadd.s32 @!p0 s5, s0  }
0xdb: {  	[hbm4b:s0+s6] =	stream.linear.scatter @!p0 [tilespmem:s7], [sflag:$0x4], $0x800, $0x38;
	[tilespmem:$0xD3C0] =	vst v63  }
0xdc: {  	s16 =	sor.u32 @!p0 $0x1, s16;
	s0 =	simm.s32 @!p0 $0x6  }
0xdd: {  	s16 =	simm.s32 @p0 $0x1;
	_ =	swait.ge @!p0 [sflag:s0], $0x100  }
0xde: {  	v11 =	vmov s16;
	[sflag:s0] =	ssyncset.done @!p0 $0x0  }
0xdf: {  	[sflag:s0] =	ssyncadd.s32 @!p0 $0xFFFFFF00;
	s0 =	simm.s32 @!p0 $0x4  }
0xe0: {  	_ =	swait.ge @!p0 [sflag:s0], $0x800  }
0xe1: {  	[sflag:s0] =	ssyncset.done @!p0 $0x0  }
0xe2: {  	[sflag:s0] =	ssyncadd.s32 @!p0 $0xFFFFF800  }
0xe3: {  	v9 =	vld.idx.msk [tilespmem:v11+s21+$0x0], $0xffff  }
0xe4: {  	s9 =	simm.s32 $0x0;
	s8 =	simm.s32 $0x80;
	s11 =	simm.s32 $0x0;
	v10 =	vld.idx.msk [tilespmem:v11+s22+$0x0], $0xffff  }
0xe5: {  	s6 =	simm.s32 $0x8080;
	s7 =	simm.s32 $0x4080;
	s0 =	simm.s32 $0xF0;
	v11 =	vld.idx.msk [tilespmem:v11+s23+$0x0], $0xffff  }
.LBB2_5:
0xe6: {  	v12 =	vld [tilespmem:s8+$0xFFFFFF80]  }
0xe7: {  	v13 =	vld [tilespmem:s7+$0xFFFFFF80]  }
0xe8: {  	v14 =	vld [tilespmem:s6+$0xFFFFFF80]  }
0xe9: {  	v15 =	vld [tilespmem:s8+$0xFFFFFF90]  }
0xea: {  	v16 =	vld [tilespmem:s7+$0xFFFFFF90]  }
0xeb: {  	v18 =	vld [tilespmem:s8+$0xFFFFFFA0]  }
0xec: {  	v19 =	vld [tilespmem:s7+$0xFFFFFFA0]  }
0xed: {  	v20 =	vld [tilespmem:s6+$0xFFFFFFA0]  }
0xee: {  	v21 =	vld [tilespmem:s8+$0xFFFFFFB0]  }
0xef: {  	v22 =	vld [tilespmem:s7+$0xFFFFFFB0]  }
0xf0: {  	v23 =	vld [tilespmem:s8+$0xFFFFFFC0]  }
0xf1: {  	v40 =	vld [tilespmem:s6+$0xFFFFFFC0]  }
0xf2: {  	v24 =	vld [tilespmem:s7+$0xFFFFFFD0]  }
0xf3: {  	v25 =	vld [tilespmem:s8+$0xFFFFFFE0]  }
0xf4: {  	v46 =	vld [tilespmem:s8+$0xFFFFFFF0]  }
0xf5: {  	v48 =	vld [tilespmem:s7+$0xFFFFFFF0];
	v12 =	vsub.f32 v12, v9;
	v13 =	vsub.f32 v13, v10  }
0xf6: {  	v50 =	vld [tilespmem:s6+$0xFFFFFFF0];
	v14 =	vsub.f32 v14, v11;
	v15 =	vsub.f32 v15, v9  }
0xf7: {  	v27 =	vld [tilespmem:s7+$0x0];
	v16 =	vsub.f32 v16, v10;
	v18 =	vsub.f32 v18, v9  }
0xf8: {  	v56 =	vld [tilespmem:s7+$0x10];
	v19 =	vsub.f32 v19, v10;
	v38 =	vsub.f32 v21, v9  }
0xf9: {  	v61 =	vld [tilespmem:s7+$0x20];
	v39 =	vsub.f32 v22, v10;
	v20 =	vsub.f32 v20, v11  }
0xfa: {  	v31 =	vld [tilespmem:s6+$0x30];
	v23 =	vsub.f32 v23, v9;
	v45 =	vsub.f32 v40, v11  }
0xfb: {  	v47 =	vsub.f32 v24, v10;
	v49 =	vsub.f32 v25, v9  }
0xfc: {  	v54 =	vsub.f32 v46, v9;
	v55 =	vsub.f32 v48, v10  }
0xfd: {  	v58 =	vsub.f32 v50, v11;
	v60 =	vsub.f32 v27, v10  }
0xfe: {  	v29 =	vsub.f32 v56, v10;
	v32 =	vsub.f32 v61, v10;
	v12 =	vmul.f32 v12, v12  }
0xff: {  	v42 =	vld [tilespmem:s7+$0xFFFFFFE0];
	v22 =	vsub.f32 v31, v11;
	v13 =	vmul.f32 v13, v13;
	v16 =	vmul.f32 v16, v16  }
0x100: {  	v17 =	vld [tilespmem:s6+$0xFFFFFF90];
	v61 =	vimm.s32 $0x0;
	v36 =	vmul.f32 v18, v18;
	v37 =	vmul.f32 v19, v19  }
0x101: {  	v35 =	vld [tilespmem:s7+$0xFFFFFFC0];
	v25 =	vimm.s32 $0x0;
	v19 =	vmul.f32 v38, v38;
	v21 =	vmul.f32 v39, v39  }
0x102: {  	v20 =	vmul.f32 v20, v20;
	v39 =	vld [tilespmem:s8+$0x60];
	v12 =	vadd.f32 v13, v12;
	v13 =	vmul.f32 v14, v14  }
0x103: {  	v41 =	vld [tilespmem:s8+$0xFFFFFFD0];
	v18 =	vmul.f32 v47, v47;
	v14 =	vmul.f32 v15, v15;
	v19 =	vadd.f32 v21, v19  }
0x104: {  	v53 =	vld [tilespmem:s8+$0x10];
	v24 =	vmul.f32 v49, v49;
	v21 =	vsub.f32 v42, v10;
	v12 =	vadd.f32 v13, v12  }
0x105: {  	v33 =	vld [tilespmem:s8+$0x40];
	v62 =	vmul.f32 v58, v58;
	v13 =	vsub.f32 v17, v11;
	v14 =	vadd.f32 v16, v14  }
0x106: {  	v40 =	vmul.f32 v22, v22;
	v15 =	vld [tilespmem:s6+$0xFFFFFFB0];
	v16 =	vadd.f32 v37, v36;
	v17 =	vsub.f32 v35, v10  }
0x107: {  	v43 =	vld [tilespmem:s6+$0xFFFFFFD0];
	v21 =	vmul.f32 v21, v21;
	v35 =	vmul.f32 v32, v32;
	v46 =	vsub.f32 v39, v9  }
0x108: {  	v13 =	vmul.f32 v13, v13;
	v17 =	vmul.f32 v17, v17;
	v16 =	vadd.f32 v20, v16  }
0x109: {  	vm7 =	vlt.f32 v12, $4.000000280e-02;
	v12 =	vsub.f32 v41, v9;
	v52 =	vadd.f32 v21, v24  }
0x10a: {  	v44 =	vld [tilespmem:s6+$0xFFFFFFE0];
	v20 =	vmul.f32 v45, v45;
	v21 =	vsub.f32 v53, v9;
	v24 =	vsub.f32 v33, v9  }
0x10b: {  	v38 =	vld [tilespmem:s7+$0x50];
	v15 =	vsub.f32 v15, v11;
	v49 =	vsel vm7, $0x1, v0;
	v13 =	vadd.f32 v13, v14  }
0x10c: {  	v14 =	vmul.f32 v23, v23;
	v23 =	vsub.f32 v43, v11;
	v12 =	vmul.f32 v12, v12  }
0x10d: {  	v59 =	vld [tilespmem:s8+$0x20];
	vm9 =	vlt.f32 v16, $4.000000280e-02;
	v16 =	vmul.f32 v54, v54;
	v15 =	vmul.f32 v15, v15  }
0x10e: {  	v30 =	vld [tilespmem:s7+$0x30];
	v21 =	vmul.f32 v21, v21;
	v42 =	vmul.f32 v24, v24;
	v14 =	vadd.f32 v17, v14  }
0x10f: {  	v43 =	vld [tilespmem:s6+$0x50];
	v12 =	vadd.f32 v18, v12;
	v51 =	vmul.f32 v23, v23;
	v15 =	vadd.f32 v15, v19  }
0x110: {  	v26 =	vld [tilespmem:s8+$0x0];
	v17 =	vmul.f32 v55, v55;
	v19 =	vsub.f32 v44, v11;
	v44 =	vsub.f32 v38, v10  }
0x111: {  	v63 =	vld [tilespmem:s6+$0x20];
	vm12 =	vlt.f32 v13, $4.000000280e-02;
	v13 =	vadd.f32 v20, v14;
	v12 =	vadd.f32 v51, v12  }
0x112: {  	v47 =	vld [tilespmem:s7+$0x70];
	v23 =	vmul.f32 v60, v60;
	v16 =	vadd.f32 v17, v16;
	v20 =	vsub.f32 v59, v9  }
0x113: {  	v14 =	vld [tilespmem:s6+$0x0];
	v17 =	vsub.f32 v30, v10;
	v59 =	vmpcnt.ones.xlane vm9;
	v19 =	vmul.f32 v19, v19  }
0x114: {  	vm8 =	vlt.f32 v15, $4.000000280e-02;
	v48 =	vsub.f32 v43, v11;
	vm10 =	vlt.f32 v13, $4.000000280e-02  }
0x115: {  	vm13 =	vlt.f32 v12, $4.000000280e-02;
	v12 =	vadd.f32 v62, v16;
	v16 =	vmul.f32 v29, v29  }
0x116: {  	v28 =	vld [tilespmem:s8+$0x30];
	v13 =	vsub.f32 v26, v9;
	v34 =	vmul.f32 v20, v20;
	v17 =	vmul.f32 v17, v17  }
0x117: {  	v57 =	vld [tilespmem:s6+$0x10];
	v15 =	vadd.f32 v19, v52;
	v19 =	vsub.f32 v63, v11;
	v50 =	vmul.f32 v48, v48  }
0x118: {  	v52 =	vsub.f32 v47, v10;
	v13 =	vmul.f32 v13, v13;
	v14 =	vsub.f32 v14, v11  }
0x119: {  	v56 =	vsel vm10, $0x1, v0;
	v60 =	vsel vm13, $0x1, v0;
	vm14 =	vlt.f32 v15, $4.000000280e-02;
	v15 =	vld [tilespmem:s7+$0x40]  }
0x11a: {  	v63 =	vmpcnt.ones.xlane vm8;
	v13 =	vadd.f32 v23, v13;
	v14 =	vmul.f32 v14, v14  }
0x11b: {  	v27 =	vmpcnt.ones.xlane vm10;
	vm3 =	vlt.f32 v12, $4.000000280e-02;
	v12 =	vsub.f32 v28, v9  }
0x11c: {  	v41 =	vld [tilespmem:s7+$0x60];
	v30 =	vmpcnt.ones.xlane vm13;
	v13 =	vadd.f32 v14, v13;
	v14 =	vsub.f32 v57, v11  }
0x11d: {  	v16 =	vadd.f32 v16, v21;
	v18 =	vadd.f32 v35, v34;
	v19 =	vmul.f32 v19, v19  }
0x11e: {  	v36 =	vld [tilespmem:s6+$0x40];
	v12 =	vmul.f32 v12, v12;
	v15 =	vsub.f32 v15, v10;
	v14 =	vmul.f32 v14, v14  }
0x11f: {  	v37 =	vld [tilespmem:s8+$0x50];
	v53 =	vmul.f32 v52, v52;
	v28 =	vsel vm3, $0x1, v0;
	v35 =	vmpcnt.ones.xlane vm3  }
0x120: {  	v12 =	vadd.f32 v17, v12;
	v15 =	vmul.f32 v15, v15;
	v14 =	vadd.f32 v14, v16  }
0x121: {  	v24 =	vsel vm14, $0x1, v0;
	v18 =	vadd.f32 v19, v18;
	v17 =	vsub.f32 v41, v10  }
0x122: {  	v12 =	vadd.f32 v40, v12;
	vm2 =	vlt.f32 v14, $4.000000280e-02;
	v14 =	vadd.f32 v15, v42;
	v15 =	vld [tilespmem:s6+$0x60]  }
0x123: {  	v19 =	vmul.f32 v46, v46;
	vm11 =	vlt.f32 v13, $4.000000280e-02;
	v13 =	vsub.f32 v36, v11  }
0x124: {  	v17 =	vmul.f32 v17, v17;
	vm4 =	vlt.f32 v12, $4.000000280e-02;
	v12 =	vsub.f32 v37, v9  }
0x125: {  	v45 =	vld [tilespmem:s8+$0x70];
	v33 =	vmpcnt.ones.xlane vm14;
	vm5 =	vlt.f32 v18, $4.000000280e-02;
	v13 =	vmul.f32 v13, v13  }
0x126: {  	(xrf0) =	vadd.scan.msk.s32 $0xffff, v49;
	v17 =	vadd.f32 v17, v19;
	v16 =	vmul.f32 v44, v44;
	v12 =	vmul.f32 v12, v12  }
0x127: {  	v57 =	vmpcnt.ones.xlane vm12;
	v13 =	vadd.f32 v13, v14;
	v14 =	vsub.f32 v15, v11  }
0x128: {  	v31 =	vsel vm11, $0x1, v0;
	v12 =	vadd.f32 v16, v12;
	v15 =	vsel vm12, $0x1, v0  }
0x129: {  	vm15 =	vlt.f32 v13, $4.000000280e-02;
	v13 =	vsel vm9, $0x1, v0;
	(xrf0) =	vadd.scan.msk.s32 $0xffff, v15;
	v14 =	vmul.f32 v14, v14  }
0x12a: {  	v51 =	vld [tilespmem:s6+$0x70];
	v12 =	vadd.f32 v50, v12;
	v15 =	vsub.f32 v45, v9;
	(xrf0) =	vadd.scan.msk.s32 $0xffff, v13;
	v13 =	vsel vm8, $0x1, v0  }
0x12b: {  	v37 =	vmpcnt.ones.xlane vm11;
	v38 =	vsel vm2, $0x1, v0;
	(xrf0) =	vadd.scan.msk.s32 $0xffff, v13;
	v14 =	vadd.f32 v14, v17  }
0x12c: {  	v54, _, _ =	vpop (xrf0);
	vm6 =	vlt.f32 v12, $4.000000280e-02;
	v12 =	vmpcnt.ones.xlane vm7;
	v15 =	vmul.f32 v15, v15;
	(xrf0) =	vadd.scan.msk.s32 $0xffff, v56  }
0x12d: {  	v13 =	vadd.s32 s11, v54;
	(xrf0) =	vadd.scan.msk.s32 $0xffff, v60;
	vm0 =	vlt.f32 v14, $4.000000280e-02;
	v14 =	vimm.s32 $0x0  }
0x12e: {  	v12 =	vadd.s32 s11, v12;
	v13 =	vadd.s32 $0xFFFFFFFF, v13;
	v14 =	vsel vm0, $0xFFFFFFFF, v14  }
0x12f: {  	v15 =	vadd.f32 v53, v15;
	v55, _, _ =	vpop (xrf0);
	vm0 =	vlt.s32 v13, $0x20;
	[tilespmem:$0x1FFA0] =	vst v14;
	v14 =	vsub.f32 v51, v11  }
0x130: {  	v16 =	vadd.s32 v12, v55;
	v12 =	vadd.s32 v12, v57;
	v58, _, _ =	vpop (xrf0);
	vm0 =	vmand vm7, vm0  }
0x131: {  	v16 =	vadd.s32 $0xFFFFFFFF, v16;
	v17 =	vadd.s32 v12, v58;
	v12 =	vadd.s32 v12, v59;
	v62, _, _ =	vpop (xrf0);
	(xrf0) =	vadd.scan.msk.s32 $0xffff, v24  }
0x132: {  	v20 =	vsel vm0, $0xFFFFFFFF, v61;
	v18 =	vadd.s32 v12, v62;
	v12 =	vadd.s32 v12, v63;
	v26, _, _ =	vpop (xrf0);
	(xrf0) =	vadd.scan.msk.s32 $0xffff, v28  }
0x133: {  	v14 =	vmul.f32 v14, v14;
	v19 =	vadd.s32 v12, v26;
	v12 =	vadd.s32 v12, v27;
	v29, _, _ =	vpop (xrf0);
	(xrf0) =	vadd.scan.msk.s32 $0xffff, v31  }
0x134: {  	[tilespmem:$0x1FFB0] =	vst v20;
	vm7 =	vlt.s32 v16, $0x20;
	v18 =	vadd.s32 $0xFFFFFFFF, v18;
	v20 =	vadd.s32 v12, v29  }
0x135: {  	vm0 =	vmand vm12, vm7;
	vm7 =	vlt.s32 v18, $0x20;
	v20 =	vadd.s32 $0xFFFFFFFF, v20  }
0x136: {  	v14 =	vadd.f32 v14, v15;
	vm7 =	vmand vm8, vm7;
	vm8 =	vlt.s32 v20, $0x20  }
0x137: {  	v21 =	vsel vm0, $0xFFFFFFFF, v25;
	v12 =	vadd.s32 v12, v30;
	v32, _, _ =	vpop (xrf0);
	vm13 =	vmand vm13, vm8  }
0x138: {  	[tilespmem:$0x1FFC0] =	vst v21;
	vm8 =	vlt.f32 v14, $4.000000280e-02;
	v21 =	vadd.s32 v12, v32;
	v12 =	vadd.s32 v12, v33;
	v34, _, _ =	vpop (xrf0)  }
0x139: {  	v15 =	vadd.s32 $0xFFFFFFFF, v21;
	v14 =	vadd.s32 v12, v34;
	v12 =	vadd.s32 v12, v35;
	v36, _, _ =	vpop (xrf0)  }
0x13a: {  	(xrf0) =	vadd.scan.msk.s32 $0xffff, v38;
	v21 =	vadd.s32 v12, v36;
	v22 =	vadd.s32 v12, v37;
	v12 =	vsel vm5, $0x1, v0  }
0x13b: {  	(xrf0) =	vadd.scan.msk.s32 $0xffff, v12;
	v12 =	vsel vm4, $0x1, v0  }
0x13c: {  	v40 =	vmpcnt.ones.xlane vm5;
	(xrf0) =	vadd.scan.msk.s32 $0xffff, v12;
	v12 =	vsel vm15, $0x1, v0  }
0x13d: {  	v41 =	vmpcnt.ones.xlane vm4;
	v17 =	vadd.s32 $0xFFFFFFFF, v17;
	(xrf0) =	vadd.scan.msk.s32 $0xffff, v12;
	v12 =	vsel vm6, $0x1, v0  }
0x13e: {  	v39 =	vmpcnt.ones.xlane vm2;
	vm12 =	vlt.s32 v17, $0x20;
	v19 =	vadd.s32 $0xFFFFFFFF, v19;
	(xrf0) =	vadd.scan.msk.s32 $0xffff, v12;
	v12 =	vld [tilespmem:$0x1FFA0]  }
0x13f: {  	v42 =	vmpcnt.ones.xlane vm15;
	vm12 =	vmand vm9, vm12;
	vm9 =	vlt.s32 v19, $0x20  }
0x140: {  	v43 =	vmpcnt.ones.xlane vm6;
	vm9 =	vmand vm10, vm9;
	vm10 =	vlt.s32 v15, $0x20;
	v37 =	vld [tilespmem:$0x1FFB0]  }
0x141: {  	v14 =	vadd.s32 $0xFFFFFFFF, v14;
	vm14 =	vmand vm14, vm10;
	v24 =	vadd.s32 v22, v39  }
0x142: {  	v21 =	vadd.s32 $0xFFFFFFFF, v21;
	vm0 =	vlt.s32 v14, $0x20;
	v23 =	vadd.s32 v24, v40  }
0x143: {  	vm1 =	vlt.s32 v21, $0x20;
	vm0 =	vmand vm3, vm0;
	vm10 =	vnez.u8 v12  }
0x144: {  	v25 =	vadd.s32 v23, v41;
	vm3 =	vmand vm11, vm1;
	v12 =	vsel vm10, $0x1, v0  }
0x145: {  	v26 =	vadd.s32 v25, v42;
	vm11 =	vnez.u8 v37;
	(xrf0) =	vadd.scan.msk.s32 $0xffff, v12;
	v12 =	vmpcnt.ones.xlane vm10  }
0x146: {  	v52 =	vld [tilespmem:$0x1FFC0];
	v44 =	vmpcnt.ones.xlane vm8;
	v27 =	vadd.s32 v26, v43  }
0x147: {  	v31 =	vadd.s32 v27, v12  }
0x148: {  	v12 =	vadd.s32 v31, v44  }
0x149: {  	s11 =	sadd.s32 $0xFFFFFF10, s0;
	(v2sf) =	vpush v12, $0x0  }
0x14a: {  	v33 =	vor.u32 s11, v1  }
0x14b: {  	[tilespmem:v13+s30+$0x0] =	vst.idx.msk vm11, v33;
	vm11 =	vnez.u8 v52  }
0x14c: {  	s18 =	sadd.s32 $0xFFFFFF20, s0;
	s1 =	sadd.s32 $0xFFFFFF30, s0;
	v28 =	vsel vm8, $0x1, v0;
	s11 =	sadd.s32 $0xFFFFFF40, s0  }
0x14d: {  	v34 =	vor.u32 s18, v1;
	v35 =	vor.u32 s1, v1;
	s1 =	sadd.s32 $0xFFFFFF50, s0;
	s18 =	sadd.s32 $0xFFFFFF60, s0;
	v29, _, _ =	vpop (xrf0);
	v36 =	vor.u32 s11, v1  }
0x14e: {  	s11 =	sadd.s32 $0xFFFFFF70, s0;
	v48 =	vor.u32 s1, v1;
	v49 =	vor.u32 s18, v1;
	s1 =	sadd.s32 $0xFFFFFF80, s0;
	s18 =	sadd.s32 $0xFFFFFF90, s0;
	v22 =	vadd.s32 v22, v29;
	v30, _, _ =	vpop (xrf0);
	(xrf0) =	vadd.scan.msk.s32 $0xffff, v28  }
0x14f: {  	v50 =	vor.u32 s11, v1;
	v54 =	vor.u32 s1, v1;
	v55 =	vor.u32 s18, v1;
	v32, _, _ =	vpop (xrf0)  }
0x150: {  	v22 =	vadd.s32 $0xFFFFFFFF, v22;
	v24 =	vadd.s32 v24, v30;
	v45, _, _ =	vpop (xrf0);
	v23 =	vadd.s32 v23, v32  }
0x151: {  	v24 =	vadd.s32 $0xFFFFFFFF, v24;
	v46, _, _ =	vpop (xrf0);
	v25 =	vadd.s32 v25, v45;
	v56 =	vadd.s32 $0xFFFFFFFF, v23;
	[tilespmem:v16+s30+$0x0] =	vst.idx.msk vm11, v34  }
0x152: {  	v13 =	vadd.s32 v26, v46;
	v57 =	vadd.s32 $0xFFFFFFFF, v25;
	[tilespmem:v17+s30+$0x0] =	vst.idx.msk vm12, v35;
	vm12 =	vlt.s32 v22, $0x20  }
0x153: {  	v13 =	vadd.s32 $0xFFFFFFFF, v13;
	v47, _, _ =	vpop (xrf0);
	vm11 =	vlt.s32 v24, $0x20;
	[tilespmem:v18+s30+$0x0] =	vst.idx.msk vm7, v36;
	vm1 =	vmand vm2, vm12  }
0x154: {  	v27 =	vadd.s32 v27, v47;
	v51, _, _ =	vpop (xrf0);
	vm2 =	vmand vm5, vm11;
	vm12 =	vlt.s32 v56, $0x20;
	[tilespmem:v19+s30+$0x0] =	vst.idx.msk vm9, v48  }
0x155: {  	v53 =	vadd.s32 v31, v51;
	vm7 =	vmand vm4, vm12;
	[tilespmem:v20+s30+$0x0] =	vst.idx.msk vm13, v49;
	vm13 =	vlt.s32 v57, $0x20  }
0x156: {  	vm4 =	vlt.s32 v13, $0x20;
	[tilespmem:v15+s30+$0x0] =	vst.idx.msk vm14, v50;
	vm5 =	vmand vm15, vm13;
	v15 =	vadd.s32 $0xFFFFFFFF, v27  }
0x157: {  	s11 =	sadd.s32 $0xFFFFFFA0, s0;
	vm11 =	vmand vm6, vm4;
	[tilespmem:v14+s30+$0x0] =	vst.idx.msk vm0, v54;
	vm12 =	vlt.s32 v15, $0x20;
	v14 =	vadd.s32 $0xFFFFFFFF, v53  }
0x158: {  	p0 =	sgt.u32 s9, $0x3E;
	s18 =	sadd.s32 $0xFFFFFFB0, s0;
	v58 =	vor.u32 s11, v1;
	[tilespmem:v21+s30+$0x0] =	vst.idx.msk vm3, v55;
	vm13 =	vmand vm10, vm12;
	vm14 =	vlt.s32 v14, $0x20;
	s11 =	spop (v2sf)  }
0x159: {  	s1 =	sadd.s32 $0xFFFFFFC0, s0;
	v59 =	vor.u32 s18, v1;
	[tilespmem:v22+s30+$0x0] =	vst.idx.msk vm1, v58;
	vm15 =	vmand vm8, vm14;
	p1 =	slt.s32 @!p0 s11, $0x20  }
0x15a: {  	s18 =	sadd.s32 $0xFFFFFFD0, s0;
	v60 =	vor.u32 s1, v1;
	[tilespmem:v24+s30+$0x0] =	vst.idx.msk vm2, v59;
	p0 =	por p0, !p1  }
.Ltmp1:
0x15b: {  	s1 =	sadd.s32 $0xFFFFFFE0, s0;
	v61 =	vor.u32 s18, v1;
	[tilespmem:v56+s30+$0x0] =	vst.idx.msk vm7, v60;
	(pc) =	sbr.rel @!p0 .LBB2_5-.Ltmp1, $4  }
0x15c: {  	s18 =	sadd.s32 $0xFFFFFFF0, s0;
	v62 =	vor.u32 s1, v1;
	[tilespmem:v57+s30+$0x0] =	vst.idx.msk vm5, v61  }
0x15d: {  	[tilespmem:v13+s30+$0x0] =	vst.idx.msk vm11, v62;
	v13 =	vor.u32 s18, v1  }
0x15e: {  	s9 =	sadd.s32 $0x1, s9;
	s8 =	sadd.s32 $0x100, s8;
	v63 =	vor.u32 s0, v1;
	[tilespmem:v15+s30+$0x0] =	vst.idx.msk vm13, v13  }
0x15f: {  	s7 =	sadd.s32 $0x100, s7;
	s6 =	sadd.s32 $0x100, s6;
	s0 =	sadd.s32 $0x100, s0;
	[tilespmem:v14+s30+$0x0] =	vst.idx.msk vm15, v63  }
0x160: {  	v13 =	vld.msk [tilespmem:s30+$0x0], $0xffff  }
0x161: {  	v14 =	vld [tilespmem:$0xC1A0]  }
0x162: {  	v12 =	vbroadcast v12, $0x0;
	_ =	sdelay $0x1  }
0x163: {  	v15 =	vld [tilespmem:$0xC1B0];
	vm0 =	vgt.s32 v12, $0x0  }
0x164: {  	vm14 =	vgt.s32 v12, v1;
	v13 =	vnsel vm0, $0x0, v13  }
0x165: {  	v14 =	vsel vm14, v14, v13;
	_ =	sdelay $0x1  }
0x166: {  	vm15 =	vgt.s32 v12, v5  }
0x167: {  	v5 =	vsel vm15, v15, v13;
	[tilespmem:$0xC1A0] =	vst v14  }
0x168: {  	[tilespmem:$0xC1B0] =	vst v5  }
0x169: {  	v5 =	vld.idx.msk [tilespmem:v14+s2+$0x0], $0xffff  }
0x16a: {  	v62 =	vld.idx.msk [tilespmem:v14+s19+$0x0], $0xffff  }
0x16b: {  	v63 =	vld.idx.msk [tilespmem:v14+s20+$0x0], $0xffff;
	_ =	sdelay $0x2  }
0x16c: {  	v5 =	vsub.f32 v5, v9  }
0x16d: {  	v12 =	vsub.f32 v62, v10  }
0x16e: {  	v13 =	vsub.f32 v63, v11;
	[tilespmem:v2+s31+$0x0] =	vst.idx.msk $0xffff, v5  }
0x16f: {  	[tilespmem:v3+s31+$0x0] =	vst.idx.msk $0xffff, v12  }
0x170: {  	[tilespmem:v4+s31+$0x0] =	vst.idx.msk $0xffff, v13  }
0x171: {  	v2 =	vld [tilespmem:$0xC1B0];
	_ =	sdelay $0x7  }
0x172: {  	v3 =	vld.idx.msk [tilespmem:v2+s2+$0x0], $0xffff  }
0x173: {  	v4 =	vld.idx.msk [tilespmem:v2+s19+$0x0], $0xffff  }
0x174: {  	v2 =	vld.idx.msk [tilespmem:v2+s20+$0x0], $0xffff;
	_ =	sdelay $0x2  }
0x175: {  	v3 =	vsub.f32 v3, v9  }
0x176: {  	v4 =	vsub.f32 v4, v10  }
0x177: {  	v2 =	vsub.f32 v2, v11;
	[tilespmem:v6+s31+$0x0] =	vst.idx.msk $0xffff, v3  }
0x178: {  	[tilespmem:v7+s31+$0x0] =	vst.idx.msk $0xffff, v4  }
0x179: {  	s0 =	simm.s32 $0xCBC0;
	s16 =	sadd.s32 s3, s16;
	[tilespmem:v8+s31+$0x0] =	vst.idx.msk $0xffff, v2  }
0x17a: {  	[tilespmem:s0], [sflag:$0x2] =	stream.indirect.gather [hbm4b:s14+s26], $0x40, s30, s26, $0xb8;
	[tilespmem:$0xD3C0] =	vst v63  }
0x17b: {  	s0 =	sshll.u32 s16, $0x8  }
0x17c: {  	s0 =	sadd.s32 s10, s0  }
0x17d: {  	s12 =	sadd.s32 $0x1, s12;
	s0 =	sshrl.u32 s0, $0x3  }
0x17e: {  	p0 =	sne.s32 s12, $0x40;
	s0 =	sadd.s32 s4, s0  }
0x17f: {  	[hbm4b:s0+s2] =	stream.linear.scatter [tilespmem:s31], [sflag:$0x6], $0x100, $0x38;
	[tilespmem:$0xD3C0] =	vst v63  }
.Ltmp2:
0x180: {  	s18 =	sshll.u32 s17, $0xB;
	(pc) =	sbr.rel @p0 .LBB2_2-.Ltmp2, $4  }
0x181: {  	s0 =	sadd.s32 s13, s18;
	_ =	swait.ge [sflag:s29], $0x800  }
0x182: {  	s0 =	sshrl.u32 s0, $0x3;
	[sflag:s29] =	ssyncset.done $0x0  }
0x183: {  	s0 =	sadd.s32 s5, s0;
	[sflag:s29] =	ssyncadd.s32 $0xFFFFF800  }
0x184: {  	[hbm4b:s0+s2] =	stream.linear.scatter [tilespmem:s28], [sflag:$0x3], $0x800, $0x38;
	[tilespmem:$0xD3C0] =	vst v63  }
0x185: {  	s0 =	simm.s32 $0x2  }
0x186: {  	_ =	swait.ge [sflag:s0], $0x800  }
0x187: {  	s1 =	simm.s32 $0xCBC0;
	[sflag:s0] =	ssyncset.done $0x0  }
0x188: {  	s11 =	simm.s32 $0x5;
	s9 =	rddreg [dreg:$0x9];
	[sflag:s0] =	ssyncadd.s32 $0xFFFFF800  }
0x189: {  	[hbm4b:s9+s2] =	stream.linear.scatter [tilespmem:s1], [sflag:$0x4], $0x800, $0x38;
	[tilespmem:$0xD3C0] =	vst v63  }
0x18a: {  	_ =	swait.ge [sflag:s11], $0x100  }
0x18b: {  	[sflag:s11] =	ssyncset.done $0x0  }
0x18c: {  	s12 =	simm.s32 $0x3;
	[sflag:s11] =	ssyncadd.s32 $0xFFFFFF00  }
0x18d: {  	_ =	swait.ge [sflag:s12], $0x800  }
0x18e: {  	[sflag:s12] =	ssyncset.done $0x0  }
0x18f: {  	s16 =	simm.s32 $0x6;
	[sflag:s12] =	ssyncadd.s32 $0xFFFFF800  }
0x190: {  	_ =	swait.ge [sflag:s16], $0x100  }
0x191: {  	[sflag:s16] =	ssyncset.done $0x0  }
0x192: {  	s17 =	simm.s32 $0x4;
	[sflag:s16] =	ssyncadd.s32 $0xFFFFFF00  }
0x193: {  	_ =	swait.ge [sflag:s17], $0x800  }
0x194: {  	s6 =	rddreg [dreg:$0xb]  }
0x195: {  	s18 =	rddreg [dreg:$0xa];
	s6 =	sadd.s32 $0x1, s6  }
0x196: {  	p0 =	sne.s32 s6, s18  }
.Ltmp3:
0x197: {  	_ = 	snop;
	(pc) =	sbr.rel @p0 .LBB2_1-.Ltmp3, $3  }
0x198: {  	_ =	sdelay $0x1  }
0x199: {  	[sflag:s17] =	ssyncset.done $0x0  }
0x19a: {  	[sflag:s17] =	ssyncadd.s32 $0xFFFFF800  }
0x19b: {  	_ =	sfence.sel $0x180000  }
0x19c: {  	[bflag:$0x0] =	sbarrier.arrive $0xFFFF  }
0x19d: {  	_ =	strace $0x90000047  }
0x19e: {  	s0 =	stileid.u32;
	[bflag:$0x2] =	sbarrier.arrive $0xFFFF  }
0x19f: {  	p0 =	sne.s32 s0, $0x0;
	s0 =	rddreg [dreg:$0x2]  }
0x1a0: {  	s0 =	sadd.s32 @!p0 $0x100000, s0  }
0x1a1: {  	[sflag:s0] =	ssyncadd.tile.s32 @!p0 $0x1;
	_ =	shalt  }
.Lfunc_end2:
_tile_overlayer_lowered:
.L_overlay_start_2:
0x1a2: {  	(tag) =	ssettag $0x2  }
0x1a3: {  	s0 =	rddreg [dreg:$0x0];
	s2 =	stileid.u32  }
0x1a4: {  	s1 =	rddreg [dreg:$0x1];
	p0 =	sne.s32 s2, $0x0  }
0x1a5: {  	s3 =	rddreg [dreg:$0x2];
	[bflag:$0x3] =	sbarrier.arrive $0xFFFF;
	s2 =	simm.s32 @!p0 $0x1C07  }
0x1a6: {  	[timem:s3], [sflag:s2] =	dma.local @!p0 [hbm:s0], s1  }
0x1a7: {  	s0 =	simm.s32 @!p0 $0x7  }
0x1a8: {  	_ =	swait.ge @!p0 [sflag:s0], s1  }
0x1a9: {  	s1 =	ssub.s32 @!p0 $0x0, s1;
	[sflag:s0] =	ssyncset.done @!p0 $0x0  }
0x1aa: {  	[sflag:s0] =	ssyncadd.s32 @!p0 s1  }
0x1ab: {  	[bflag:$0x3] =	sbarrier.arrive $0xFFFF  }
0x1ac: {  	_ =	shalt  }

// kernel: sparse-core-data-format-call.cloned.1.call-start
scs
called_computation_lowered:
.L_overlay_start_0:
0x0: {  	s2 =	sld [smem:$0x3FD9]  }
0x1: {  	s3 =	sld [smem:$0x3FFE];
	_ =	sdelay $0x1  }
0x2: {  	s1 =	srdreg.scid  }
0x3: {  	s0 =	sand.u32 $0x1, s1  }
0x4: {  	s15 =	sshll.u32 s0, $0xA;
	s2 =	sadd.s32 s3, s2  }
0x5: {  	s2 =	sadd.s32 s2, s15  }
0x6: {  	[smem:$0x3FC6] =	sst s2  }
0x7: {  	_ = 	snop  }
0x8: {  	s2 =	sld [smem:$0x3FD0];
	_ =	sdelay $0x2  }
0x9: {  	s16 =	simm.s32 $0xA;
	s4 =	simm.s32 $0x10  }
0xa: {  	[smem:s4], [sflag:s16] =	dma.local [hbm:s2], $0x1  }
0xb: {  	_ =	swait.eq [sflag:s16], $0x1  }
0xc: {  	[sflag:s16] =	ssyncset.done $0x0  }
0xd: {  	[sflag:s16] =	ssyncadd.s32 $0xFFFFFFFF  }
0xe: {  	s17 =	sld [smem:$0x11];
	(tm) =	ssettm $0x1  }
0xf: {  	s18 =	sld [smem:$0x3FFB];
	_ =	sdelay $0x3  }
0x10: {  	_ =	strace s18  }
0x11: {  	s3 =	sld [smem:$0x3FFC];
	_ =	sdelay $0x3  }
0x12: {  	_ =	strace s3  }
0x13: {  	s3 =	sld [smem:$0x3FFD];
	_ =	sdelay $0x3  }
0x14: {  	_ =	strace s3  }
0x15: {  	_ =	strace $0x8FFFFFFF  }
0x16: {  	s19 =	sld [smem:$0x3FDB];
	_ =	sdelay $0x1  }
0x17: {  	s20 =	simm.s32 $_scs_section_size  }
0x18: {  	s5 =	simm.s32 $_size__tile_overlayer_lowered;
	s6 =	simm.s32 $_tile_overlayer_lowered  }
0x19: {  	s23 =	simm.s32 $0x1BFF;
	s22 =	sshll.u32 s6, $0x1;
	s3 =	sadd.s32 s20, s19  }
0x1a: {  	s7 =	simm.s32 $0x0;
	s21 =	sshll.u32 s5, $0x1;
	s5 =	sadd.s32 s22, s3  }
0x1b: {  	[timem:s7], [sflag:s23] =	dma.local [hbm:s5], s21  }
0x1c: {  	_ =	swait.ge [sflag:s23], s21  }
0x1d: {  	s4 =	ssub.s32 $0x0, s21;
	[sflag:s23] =	ssyncset.done $0x0  }
0x1e: {  	[sflag:s23] =	ssyncadd.s32 s4;
	_ =	sdelay $0x1  }
0x1f: {  	s24 =	simm.s32 $0x1B8B  }
0x20: {  	_ =	swait.ge [sflag:s24], $0x1  }
0x21: {  	[sflag:s24] =	ssyncset.done $0x0  }
0x22: {  	s26 =	simm.s32 $0x1B8E;
	s25 =	sld [smem:$0x3FFE];
	[sflag:s24] =	ssyncadd.s32 $0xFFFFFFFF  }
0x23: {  	s27 =	simm.s32 $execute0_lowered;
	[smem:$0x3FD2] =	sst s26  }
0x24: {  	s5 =	sshll.u32 s27, $0x1;
	_ =	strace $0x80000049;
	[dreg:$0x1] =	wrdreg $0xFFFFFFFF  }
0x25: {  	s28 =	simm.s32 $_size_execute0_lowered;
	s3 =	sadd.s32 s3, s5;
	[dreg:$0x0] =	wrdreg $0x0  }
0x26: {  	s5 =	sshll.u32 s28, $0x1;
	[dreg:$0x2] =	wrdreg s3  }
0x27: {  	[dreg:$0x3] =	wrdreg s5  }
0x28: {  	[dreg:$0x4] =	wrdreg $0xC0  }
0x29: {  	_ =	task [dreg:s7], $0x5FFFF  }
0x2a: {  	[dreg:$0x1] =	wrdreg $0xFFFFFFFF  }
0x2b: {  	[dreg:$0x0] =	wrdreg $0x60  }
0x2c: {  	[dreg:$0x2] =	wrdreg s25  }
0x2d: {  	[dreg:$0x3] =	wrdreg s17  }
0x2e: {  	[dreg:$0x4] =	wrdreg $0x9  }
0x2f: {  	_ =	task.clear_ibuf [dreg:s7], $0x5FFFF;
	_ =	strace $0x90000049  }
0x30: {  	s29 =	simm.s32 $0x9;
	_ =	strace $0x8000004B  }
0x31: {  	_ =	swait.ge [sflag:s29], $0x1  }
0x32: {  	[sflag:s29] =	ssyncadd.s32 $0xFFFFFFFF  }
0x33: {  	_ =	strace $0x9000004B  }
0x34: {  	_ =	sfence  }
0x35: {  	s30 =	sld [smem:$0x0];
	_ =	sdelay $0x2  }
0x36: {  	s31 =	sshll.u32 s1, $0xD;
	s1 =	sshrl.u32 s1, $0x2  }
0x37: {  	s3 =	sand.u32 $0x4000, s31;
	s1 =	sadd.s32 s1, s30  }
0x38: {  	s0 =	sor.u32 s3, s0;
	s1 =	sshll.u32 s1, $0x11  }
0x39: {  	s0 =	sor.u32 s1, s0  }
0x3a: {  	s0 =	sadd.s32 $0x8F2B, s0  }
0x3b: {  	[sflag:s0] =	ssyncadd.remote.s32 $0x1  }
0x3c: {  	_ =	sfence.sel $0xFFFF  }
0x3d: {  	[dreg:$0x0] =	wrdreg $0xFFFFFFFF;
	(pc) =	sbr.abs _section_cstart, $3  }
0x3e: {  	[dreg:$0x1] =	wrdreg $0xFFFFFFFF  }
0x3f: {  	_ =	task.clear_ibuf [dreg:s7], $0x2FFFF;
	_ =	strace $0x9FFFFFFF  }
0x40: {  	(tm) =	ssettm $0x7FFFFFFF  }
0x41: {  	_ =	shalt  }
tec
execute0_lowered:
.L_overlay_start_1:
0x0: {  	(tag) =	ssettag $0x1  }
0x1: {  	s0 =	stileid.u32;
	s4 =	rddreg [dreg:$0x0]  }
0x2: {  	s1 =	srdreg.scid;
	s3 =	rddreg [dreg:$0x1];
	s7 =	simm.s32 $0x1  }
0x3: {  	s31 =	simm.s32 $0x2;
	s17 =	simm.s32 $0x0;
	s9 =	simm.s32 $0x4000  }
0x4: {  	s18 =	simm.s32 $0x0;
	s2 =	sshll.u32 s0, $0x4;
	s1 =	sshll.u32 s1, $0x8  }
0x5: {  	s19 =	simm.s32 $0x0;
	s10 =	simm.s32 $0x0;
	s1 =	sor.u32 s2, s1  }
0x6: {  	s11 =	simm.s32 $0x0;
	s12 =	simm.s32 $0x0;
	s2 =	sand.u32 $0x180, s1  }
0x7: {  	s13 =	simm.s32 $0x0;
	s16 =	simm.s32 $0x0;
	s5 =	ssub.s32 $0x200, s2  }
0x8: {  	s4 =	sadd.s32 $0x52E800, s4;
	s1 =	rddreg [dreg:$0x2];
	s6 =	sand.u32 $0x180, s5  }
.Ltmp0:
0x9: {  	_ =	strace $0x8000004A;
	p0 =	sne.s32 s6, $0x0;
	(pc) =	sbr.rel .LBB1_1-.Ltmp0, $4  }
0xa: {  	s14 =	smov.u32 s2;
	s8 =	sshrl.u32 s5, $0x9;
	s7 =	simm.s32 @!p0 $0x0  }
0xb: {  	s5 =	sand.u32 $0x7, s0;
	s6 =	simm.s32 $0x1;
	s7 =	sadd.s32 s7, s8  }
0xc: {  	s15 =	smov.u32 s5;
	[sflag:s6] =	ssyncpa.u1 $0x0;
	s7 =	sshll.u32 s7, $0x5  }
0xd: {  	p0 =	por $0x0, $0x0;
	[sflag:s31] =	ssyncpa.u1 $0x0;
	s8 =	sor.u32 $0x1, s7  }
.LBB1_4:
0xe: {  	s25 =	sshll.u32 s10, $0x9;
	s26 =	sshll.u32 s11, $0x3;
	s24 =	sshra.s32 s24, $0x2  }
0xf: {  	p1 =	sgt.s32 s12, $0x7;
	s27 =	smov.u32 s12;
	s28 =	sshra.s32 s12, $0x1F  }
0x10: {  	p2 =	sgt.s32 s11, $0x180;
	s30 =	sshra.s32 s11, $0x1F;
	s25 =	sand.u32 $0x3000, s25  }
0x11: {  	s26 =	sand.u32 $0x3C00, s26;
	s27 =	simm.s32 @!p1 $0x7;
	s28 =	sand.u32 s28, s12  }
0x12: {  	s23 =	sadd.s32 s24, s23;
	s25 =	sadd.s32 s26, s25;
	s26 =	sshll.u32 s10, $0x7  }
0x13: {  	s31 =	sand.u32 s30, s11;
	s30 =	sshra.s32 s10, $0x1F;
	s29 =	sand.u32 $0x200, s26  }
0x14: {  	v5 =	vld [tilespmem:s21+$0xFFFFFFD0];
	s26 =	sand.u32 $0x180, s26;
	s24 =	sor.u32 s29, s25;
	s25 =	ssub.s32 s27, s28  }
0x15: {  	[tilespmem:s22+$0x2040 ss:$0x81] =	vst.msk $0xffff, v4;
	v58 =	vld [tilespmem:s21+$0xFFFFFFE0];
	s28 =	smov.u32 s11;
	s29 =	smov.u32 s10;
	s27 =	sadd.s32 $0xFFFFFFF9, s25  }
0x16: {  	[tilespmem:s22+$0x2850 ss:$0x81] =	vst.msk $0xffff, v3;
	v59 =	vld [tilespmem:s21+$0xFFFFFFF0];
	s28 =	simm.s32 @!p2 $0x180;
	p2 =	sgt.s32 s10, $0x1F;
	s25 =	ssub.s32 $0x8, s25  }
0x17: {  	[tilespmem:s22+$0x3060 ss:$0x81] =	vst.msk $0xffff, v2;
	v60 =	vld [tilespmem:s21+$0x0];
	p1 =	sgt.s32 s27, $0x0;
	s27 =	ssub.s32 s28, s31;
	s29 =	simm.s32 @!p2 $0x1F  }
0x18: {  	[tilespmem:s22+$0x0 ss:$0x81] =	vst.msk $0xffff, v1;
	v61 =	vld [tilespmem:s21+$0x10];
	s28 =	sand.u32 s30, s10;
	s22 =	smul.u32 $0x43, s25;
	s30 =	sand.u32 $0x78, s11  }
0x19: {  	v62 =	vld [tilespmem:s21+$0x20];
	[tilespmem:s23+$0x3870 ss:$0x81] =	vst.msk $0xffff, v0;
	s25 =	ssub.s32 s29, s28;
	s31 =	sadd.s32 $0xFFFFFE80, s27;
	s27 =	ssub.s32 $0x200, s27  }
0x1a: {  	v63 =	vld [tilespmem:s21+$0xFFFFFFC0];
	[tilespmem:s23+$0x810 ss:$0x81] =	vst.msk $0xffff, v5;
	s21 =	sor.u32 s30, s26;
	p2 =	sgt.s32 s31, $0x7F;
	s29 =	sadd.s32 $0xFFFFFFE1, s25  }
0x1b: {  	[tilespmem:s23+$0x1020 ss:$0x81] =	vst.msk $0xffff, v58;
	s22 =	simm.s32 @p1 $0x0;
	s31 =	smul.u32 $0x21800, s12;
	s27 =	simm.s32 @p2 $0x0  }
0x1c: {  	[tilespmem:s23+$0x1830 ss:$0x81] =	vst.msk $0xffff, v59;
	s25 =	ssub.s32 $0x20, s25;
	p3 =	sgt.s32 s29, $0x0;
	s22 =	smul.u32 s22, s27  }
0x1d: {  	[tilespmem:s23+$0x2040 ss:$0x81] =	vst.msk $0xffff, v60;
	s24 =	sshrl.u32 s24, $0x3;
	s21 =	sshrl.u32 s21, $0x3;
	s25 =	simm.s32 @p3 $0x0  }
0x1e: {  	[tilespmem:s23+$0x2850 ss:$0x81] =	vst.msk $0xffff, v61;
	s29 =	sand.u32 $0x7, s11;
	s28 =	sadd.s32 s3, s31;
	s22 =	smul.u32 s25, s22  }
0x1f: {  	[tilespmem:s23+$0x3060 ss:$0x81] =	vst.msk $0xffff, v62;
	s24 =	sand.u32 $0x7C0, s24;
	s30 =	sshll.u32 s29, $0x12;
	s21 =	sadd.s32 s21, s28  }
0x20: {  	[tilespmem:s23+$0x0 ss:$0x81] =	vst.msk $0xffff, v63;
	s31 =	sor.u32 $0x80, s30;
	s21 =	sadd.s32 s24, s21;
	s22 =	sand.u32 $0x3FFFFFFF, s22  }
0x21: {  	[hbm4b:s21+s31] =	stream.strided.scatter [tilespmem:s20], [sflag:$0x2], s22, s9, s31, $0x20;
	[tilespmem:$0x10100] =	vst v63  }
.LBB1_5:
0x22: {  	p1 =	slt.u32 s16, $0x2  }
0x23: {  	p2 =	sgt.s32 @!p1 s19, $0x7  }
0x24: {  	s20 =	smov.u32 s19;
	s21 =	sshra.s32 @!p1 s19, $0x1F;
	p2 =	por !p2, p1  }
0x25: {  	p3 =	sgt.s32 @!p1 s18, $0x180;
	s19 =	sand.u32 @!p1 s21, s19;
	s20 =	simm.s32 @p2 $0x7  }
0x26: {  	p3 =	por !p3, p1;
	s19 =	ssub.s32 @!p1 s20, s19  }
0x27: {  	s21 =	sshra.s32 @!p1 s18, $0x1F;
	s20 =	sadd.s32 @!p1 $0xFFFFFFF9, s19;
	s19 =	ssub.s32 @!p1 $0x8, s19  }
0x28: {  	p2 =	sgt.s32 @!p1 s20, $0x0;
	s19 =	smul.u32 @!p1 $0x43, s19;
	s20 =	smov.u32 s18  }
0x29: {  	s18 =	sand.u32 @!p1 s21, s18;
	s20 =	simm.s32 @p3 $0x180;
	p3 =	sgt.s32 @!p1 s17, $0x1F  }
0x2a: {  	s21 =	smov.u32 s17;
	p2 =	por !p2, p1;
	p3 =	por !p3, p1  }
0x2b: {  	s18 =	ssub.s32 @!p1 s20, s18;
	s20 =	sshra.s32 @!p1 s17, $0x1F;
	s19 =	simm.s32 @!p2 $0x0  }
0x2c: {  	s21 =	simm.s32 @p3 $0x1F;
	s17 =	sand.u32 @!p1 s20, s17;
	s20 =	sadd.s32 @!p1 $0xFFFFFE80, s18  }
0x2d: {  	s18 =	ssub.s32 @!p1 $0x200, s18;
	s17 =	ssub.s32 @!p1 s21, s17;
	p2 =	sgt.s32 @!p1 s20, $0x7F  }
0x2e: {  	s21 =	smov.u32 s14;
	s20 =	sadd.s32 @!p1 $0xFFFFFFE1, s17;
	p2 =	por !p2, p1  }
0x2f: {  	s17 =	ssub.s32 @!p1 $0x20, s17;
	p3 =	sgt.s32 @!p1 s20, $0x0;
	s18 =	simm.s32 @!p2 $0x0  }
0x30: {  	s20 =	sadd.s32 $0x1, s13;
	p2 =	por !p3, p1;
	s18 =	smul.u32 @!p1 s19, s18  }
0x31: {  	s19 =	sadd.s32 $0x200, s14;
	s17 =	simm.s32 @!p2 $0x0;
	p2 =	sgt.s32 s20, $0x1F  }
0x32: {  	s22 =	smov.u32 s15;
	s21 =	smov.u32 @p2 s19  }
0x33: {  	s17 =	smul.u32 @!p1 s17, s18;
	s18 =	sadd.s32 $0x8, s15;
	p3 =	sgt.s32 s21, $0x1FF  }
0x34: {  	p0 =	por !p0, !p0;
	s23 =	simm.s32 @!p1 $0x2;
	s22 =	smov.u32 @p3 s18  }
0x35: {  	s20 =	simm.s32 @p2 $0x0;
	s19 =	smov.u32 s12;
	p2 =	sgt.s32 s22, $0x7  }
0x36: {  	s12 =	smov.u32 s15;
	s22 =	smov.u32 @p2 s5;
	p2 =	sne.s32 s16, s8  }
.Ltmp1:
0x37: {  	s17 =	sand.u32 @!p1 $0x3FFFFFFF, s17;
	s21 =	smov.u32 @p3 s2;
	(pc) =	sbr.rel @!p2 .LBB1_6-.Ltmp1, $4  }
0x38: {  	s18 =	smov.u32 s11;
	s11 =	smov.u32 s14;
	_ =	swait.ge @!p1 [sflag:s23], s17  }
0x39: {  	s24 =	ssub.s32 @!p1 $0x0, s17;
	s17 =	smov.u32 s10;
	s10 =	smov.u32 s13  }
0x3a: {  	s13 =	smov.u32 s20;
	s14 =	smov.u32 s21;
	[sflag:s23] =	ssyncset.done @!p1 $0x0  }
0x3b: {  	s16 =	sadd.s32 $0x1, s16;
	[sflag:s23] =	ssyncadd.s32 @!p1 s24;
	s15 =	smov.u32 s22  }
.LBB1_1:
0x3c: {  	p1 =	sge.u32 s16, s7;
	s31 =	sadd.s32 $0xFFFFFFFF, s16  }
0x3d: {  	s20 =	sxor.u32 @!p1 $0xFFFFFFFF, s16;
	s21 =	sshll.u32 @!p1 s15, $0x12;
	s22 =	sshll.u32 @!p1 s14, $0x9  }
0x3e: {  	s23 =	sshll.u32 @!p1 s13, $0x4;
	s20 =	sshll.u32 @!p1 s20, $0xE;
	s21 =	sadd.s32 @!p1 s4, s21  }
0x3f: {  	s23 =	sand.u32 @!p1 $0x1F0, s23;
	s20 =	sand.u32 @!p1 $0x4000, s20;
	s21 =	sadd.s32 @!p1 s22, s21  }
0x40: {  	s22 =	simm.s32 @!p1 $0x80;
	s21 =	sadd.s32 @!p1 s23, s21;
	s23 =	simm.s32 @!p1 $0x1000  }
0x41: {  	[tilespmem:s20], [sflag:$0x1] =	stream.strided.gather @!p1 [hbm4b:s21+s22], $0x4000, s23, s22, $0x38;
	[tilespmem:$0x10100] =	vst v63  }
0x42: {  	p1 =	sge.u32 s31, s7  }
.Ltmp2:
0x43: {  	_ = 	snop;
	(pc) =	sbr.rel @p1 .LBB1_5-.Ltmp2, $1  }
0x44: {  	_ =	sdelay $0x3  }
0x45: {  	s20 =	simm.s32 $0x1  }
0x46: {  	_ =	swait.ge [sflag:s6], $0x4000;
	s20 =	simm.s32 @!p0 $0x0  }
0x47: {  	[sflag:s6] =	ssyncset.done $0x0;
	s21 =	sshll.u32 s20, $0xE  }
0x48: {  	[sflag:s6] =	ssyncadd.s32 $0xFFFFC000;
	s21 =	sor.u32 $0x40, s21  }
0x49: {  	s20 =	smul.u32 $0x10200, s20;
	v0 =	vld [tilespmem:s21+$0x30]  }
0x4a: {  	v1 =	vld [tilespmem:s21+$0xFFFFFFD0]  }
0x4b: {  	s20 =	sshrl.u32 s20, $0x2;
	v5 =	vld [tilespmem:s21+$0xFFFFFFE0]  }
0x4c: {  	v6 =	vld [tilespmem:s21+$0xFFFFFFF0];
	s23 =	sor.u32 $0x8000, s20  }
0x4d: {  	s31 =	sand.u32 $0x1, s16;
	v4 =	vld [tilespmem:s21+$0x0];
	s22 =	sadd.s32 $0x0, s23  }
0x4e: {  	v3 =	vld [tilespmem:s21+$0x10];
	s20 =	smul.u32 $0x10200, s31;
	[tilespmem:s22+$0x3870 ss:$0x81] =	vst.msk $0xffff, v0  }
0x4f: {  	v2 =	vld [tilespmem:s21+$0x20];
	[tilespmem:s22+$0x810 ss:$0x81] =	vst.msk $0xffff, v1  }
0x50: {  	s20 =	sshrl.u32 s20, $0x2;
	v1 =	vld [tilespmem:s21+$0xFFFFFFC0];
	[tilespmem:s22+$0x1020 ss:$0x81] =	vst.msk $0xffff, v5;
	s21 =	sadd.s32 $0x80, s21  }
0x51: {  	s24 =	simm.s32 $0x4;
	s25 =	simm.s32 $0x8;
	s20 =	sor.u32 $0x8000, s20;
	[tilespmem:s22+$0x1830 ss:$0x81] =	vst.msk $0xffff, v6;
	v0 =	vld [tilespmem:s21+$0x30]  }
.LBB1_3:
0x52: {  	p1 =	sne.s32 s25, $0x1FC;
	v5 =	vld [tilespmem:s21+$0xFFFFFFD0];
	[tilespmem:s22+$0x2040 ss:$0x81] =	vst.msk $0xffff, v4  }
0x53: {  	v6 =	vld [tilespmem:s21+$0xFFFFFFE0];
	[tilespmem:s22+$0x2850 ss:$0x81] =	vst.msk $0xffff, v3  }
0x54: {  	s26 =	sshra.s32 s24, $0x2;
	s24 =	smov.u32 s25;
	v7 =	vld [tilespmem:s21+$0xFFFFFFF0];
	[tilespmem:s22+$0x3060 ss:$0x81] =	vst.msk $0xffff, v2  }
.Ltmp3:
0x55: {  	v4 =	vld [tilespmem:s21+$0x0];
	[tilespmem:s22+$0x0 ss:$0x81] =	vst.msk $0xffff, v1;
	s22 =	sadd.s32 s26, s23;
	(pc) =	sbr.rel @p1 .LBB1_3-.Ltmp3, $4  }
0x56: {  	v3 =	vld [tilespmem:s21+$0x10];
	[tilespmem:s22+$0x3870 ss:$0x81] =	vst.msk $0xffff, v0  }
0x57: {  	[tilespmem:s22+$0x810 ss:$0x81] =	vst.msk $0xffff, v5;
	v2 =	vld [tilespmem:s21+$0x20]  }
0x58: {  	v1 =	vld [tilespmem:s21+$0xFFFFFFC0];
	[tilespmem:s22+$0x1020 ss:$0x81] =	vst.msk $0xffff, v6;
	s21 =	sadd.s32 $0x80, s21  }
0x59: {  	s25 =	sadd.s32 $0x4, s25;
	v0 =	vld [tilespmem:s21+$0x30];
	[tilespmem:s22+$0x1830 ss:$0x81] =	vst.msk $0xffff, v7  }
.Ltmp4:
0x5a: {  	_ = 	snop;
	(pc) =	sbr.rel .LBB1_4-.Ltmp4, $1  }
0x5b: {  	_ =	sdelay $0x3  }
.LBB1_6:
0x5c: {  	_ =	sfence.sel $0x180000  }
0x5d: {  	s2 =	simm.s32 $0x1;
	[bflag:$0x0] =	sbarrier.arrive $0xFFFF  }
0x5e: {  	s31 =	simm.s32 $0x2;
	[sflag:s2] =	ssyncpa.u1 $0x1  }
0x5f: {  	[sflag:s31] =	ssyncpa.u1 $0x1  }
0x60: {  	p0 =	sne.s32 s0, $0x0;
	_ =	strace $0x9000004A  }
0x61: {  	s0 =	sadd.s32 @!p0 $0x100000, s1;
	[bflag:$0x2] =	sbarrier.arrive $0xFFFF  }
0x62: {  	[sflag:s0] =	ssyncadd.tile.s32 @!p0 $0x1;
	_ =	shalt  }
.Lfunc_end1:
_tile_overlayer_lowered:
.L_overlay_start_2:
0x63: {  	(tag) =	ssettag $0x2  }
0x64: {  	s0 =	rddreg [dreg:$0x0];
	s2 =	stileid.u32  }
0x65: {  	s1 =	rddreg [dreg:$0x1];
	p0 =	sne.s32 s2, $0x0  }
0x66: {  	s3 =	rddreg [dreg:$0x2];
	[bflag:$0x3] =	sbarrier.arrive $0xFFFF;
	s2 =	simm.s32 @!p0 $0x1C01  }
0x67: {  	[timem:s3], [sflag:s2] =	dma.local @!p0 [hbm:s0], s1  }
0x68: {  	s0 =	simm.s32 @!p0 $0x1  }
0x69: {  	_ =	swait.ge @!p0 [sflag:s0], s1  }
0x6a: {  	s1 =	ssub.s32 @!p0 $0x0, s1;
	[sflag:s0] =	ssyncset.done @!p0 $0x0  }
0x6b: {  	[sflag:s0] =	ssyncadd.s32 @!p0 s1  }
0x6c: {  	[bflag:$0x3] =	sbarrier.arrive $0xFFFF  }
0x6d: {  	_ =	shalt  }

</sc_bundles>
